<compile_context>
chip_gen: v7x
topology: tpu7x:2x2x1
jax: 0.10.2.dev20260603
libtpu: 0.0.44.dev20260713+nightly
codegen_flags: <defaults>
</compile_context>

<pallas_src>
import functools

import jax
import jax.numpy as jnp
from jax import lax
from jax.experimental import pallas as pl
from jax.experimental.pallas import tpu as pltpu
from jax.experimental.pallas import tpu_sc as plsc

N = 10000
E = 320000
D = 128
UNIT = 128
R = E // UNIT
NSC = 2
NSUB = 16
NW = NSC * NSUB
NPB = 400
EPB = 1600
K = 2
EC = E // K
RC = EC // UNIT

_relu = jax.nn.relu


def _pack(a):
    n = a.shape[1] // 2
    b = a.astype(jnp.bfloat16)
    u = lax.convert_element_type(
        lax.bitcast_convert_type(b, jnp.uint16), jnp.uint32)
    w = u[:, :n] | (u[:, n:] << 16)
    return lax.bitcast_convert_type(w, jnp.float32)


def _unpack(p):
    u = lax.bitcast_convert_type(p, jnp.uint32)
    lo = lax.bitcast_convert_type(u << 16, jnp.float32)
    hi = lax.bitcast_convert_type(u & jnp.uint32(0xFFFF0000), jnp.float32)
    return jnp.concatenate([lo, hi], axis=1)


def _prep_body(x_ref, posp_ref, WinT, b_in, WlinT, WsrcT, WdstT, P1pT, pb1,
               P2T, pb2, A1T, ab1, A2T, ab2,
               T1_ref, T2_ref, den0_ref, num0_ref):
    x = x_ref[...]
    h = _relu(jnp.dot(x, WinT[...], preferred_element_type=jnp.float32)
              + b_in[...])
    xl = jnp.dot(h, WlinT[...], preferred_element_type=jnp.float32)
    dd = jnp.dot(jnp.dot(h, WdstT[...], preferred_element_type=jnp.float32),
                 A1T[...], preferred_element_type=jnp.float32)
    ss = jnp.dot(jnp.dot(h, WsrcT[...], preferred_element_type=jnp.float32),
                 A1T[...], preferred_element_type=jnp.float32)
    q = jnp.dot(posp_ref[...], P1pT[...], preferred_element_type=jnp.float32)
    dl64 = _relu(pb1[...])
    dl128 = _relu(jnp.dot(dl64, P2T[...],
                          preferred_element_type=jnp.float32) + pb2[...])
    v0 = _relu(jnp.dot(dl128, A1T[...], preferred_element_type=jnp.float32)
               + dd - ss + ab1[...])
    alpha0 = _relu(jnp.dot(v0, A2T[...], preferred_element_type=jnp.float32)
                   + ab2[...])
    ex0 = jnp.exp(alpha0)
    den0_ref[...] = ex0
    num0_ref[...] = ex0 * (xl + dl128)
    T1_ref[...] = jnp.concatenate([q, dd], axis=1)
    T2_ref[...] = jnp.concatenate([_pack(xl), _pack(q), _pack(ss)], axis=1)


def _prep_call(x, posp, WinT, b_in, WlinT, WsrcT, WdstT, P1pT, pb1, P2T, pb2,
               A1T, ab1, A2T, ab2):
    nb = N // NPB
    full = lambda a: pl.BlockSpec(a.shape, lambda i: (0,) * a.ndim)
    row_spec = lambda w: pl.BlockSpec((NPB, w), lambda i: (i, 0))
    return pl.pallas_call(
        _prep_body,
        grid=(nb,),
        in_specs=[row_spec(D), row_spec(8)] + [
            full(a) for a in (WinT, b_in, WlinT, WsrcT, WdstT, P1pT, pb1,
                              P2T, pb2, A1T, ab1, A2T, ab2)],
        out_specs=[row_spec(D), row_spec(D), row_spec(D), row_spec(D)],
        out_shape=[jax.ShapeDtypeStruct((N, D), jnp.float32),
                   jax.ShapeDtypeStruct((N, D), jnp.float32),
                   jax.ShapeDtypeStruct((N, D), jnp.float32),
                   jax.ShapeDtypeStruct((N, D), jnp.float32)],
    )(x, posp, WinT, b_in, WlinT, WsrcT, WdstT, P1pT, pb1, P2T, pb2,
      A1T, ab1, A2T, ab2)


_sc_mesh = plsc.VectorSubcoreMesh(core_axis_name="c", subcore_axis_name="s")


_EPW = EC // NW
_GU = _EPW // UNIT
_GT = _EPW - _GU * UNIT


@functools.partial(
    pl.kernel,
    mesh=_sc_mesh,
    out_type=[jax.ShapeDtypeStruct((EC, D), jnp.float32),
              jax.ShapeDtypeStruct((EC, D), jnp.float32)],
    scratch_types=[pltpu.VMEM((UNIT,), jnp.int32),
                   pltpu.VMEM((UNIT,), jnp.int32),
                   pltpu.VMEM((UNIT,), jnp.int32),
                   pltpu.VMEM((UNIT,), jnp.int32),
                   pltpu.VMEM((UNIT, D), jnp.float32),
                   pltpu.VMEM((UNIT, D), jnp.float32),
                   pltpu.VMEM((UNIT, D), jnp.float32),
                   pltpu.VMEM((UNIT, D), jnp.float32),
                   pltpu.SemaphoreType.DMA,
                   pltpu.SemaphoreType.DMA,
                   pltpu.SemaphoreType.DMA,
                   pltpu.SemaphoreType.DMA],
)
def _sc_gather(src1, dst1, T1, T2, outD, outS, is0, id0, is1, id1,
               bD0, bS0, bD1, bS1, sem0, sem1, so0, so1):
    c = lax.axis_index("c")
    s = lax.axis_index("s")
    wid = s * NSC + c
    base = pl.multiple_of(wid * _EPW, 8)

    def start(off, isb, idb, bD, bS, sem):
        pltpu.sync_copy(src1.at[pl.ds(off, UNIT)], isb)
        pltpu.sync_copy(dst1.at[pl.ds(off, UNIT)], idb)
        pltpu.async_copy(T1.at[idb], bD, sem)
        pltpu.async_copy(T2.at[isb], bS, sem)

    def drain_stores(off, bD, bS, so):
        pltpu.make_async_copy(bD, outD.at[pl.ds(off, UNIT), :], so).wait()
        pltpu.make_async_copy(bS, outS.at[pl.ds(off, UNIT), :], so).wait()

    def start2(off, prev_off, isb, idb, bD, bS, sem, so):
        drain_stores(prev_off, bD, bS, so)
        start(off, isb, idb, bD, bS, sem)

    def finish(off, isb, idb, bD, bS, sem, so):
        pltpu.make_async_copy(T1.at[idb], bD, sem).wait()
        pltpu.make_async_copy(T2.at[isb], bS, sem).wait()
        pltpu.async_copy(bD, outD.at[pl.ds(off, UNIT), :], so)
        pltpu.async_copy(bS, outS.at[pl.ds(off, UNIT), :], so)

    off_u = lambda u: pl.multiple_of(base + u * UNIT, 8)
    start(off_u(0), is0, id0, bD0, bS0, sem0)
    start(off_u(1), is1, id1, bD1, bS1, sem1)

    def body(t, carry):
        u = 2 * t
        finish(off_u(u), is0, id0, bD0, bS0, sem0, so0)
        start2(off_u(u + 2), off_u(u), is0, id0, bD0, bS0, sem0, so0)
        finish(off_u(u + 1), is1, id1, bD1, bS1, sem1, so1)
        start2(off_u(u + 3), off_u(u + 1), is1, id1, bD1, bS1, sem1, so1)
        return carry

    lax.fori_loop(0, _GU // 2 - 1, body, 0)
    finish(off_u(_GU - 3), is0, id0, bD0, bS0, sem0, so0)
    start2(off_u(_GU - 1), off_u(_GU - 3), is0, id0, bD0, bS0, sem0, so0)
    finish(off_u(_GU - 2), is1, id1, bD1, bS1, sem1, so1)
    finish(off_u(_GU - 1), is0, id0, bD0, bS0, sem0, so0)
    drain_stores(off_u(_GU - 2), bD1, bS1, so1)
    drain_stores(off_u(_GU - 1), bD0, bS0, so0)
    toff = pl.multiple_of(base + _GU * UNIT, 8)
    pltpu.sync_copy(src1.at[pl.ds(toff, _GT)], is1.at[pl.ds(0, _GT)])
    pltpu.sync_copy(dst1.at[pl.ds(toff, _GT)], id1.at[pl.ds(0, _GT)])
    cp1 = pltpu.async_copy(T1.at[id1.at[pl.ds(0, _GT)]],
                           bD1.at[pl.ds(0, _GT), :], sem1)
    cp2 = pltpu.async_copy(T2.at[is1.at[pl.ds(0, _GT)]],
                           bS1.at[pl.ds(0, _GT), :], sem1)
    cp1.wait()
    cp2.wait()
    pltpu.sync_copy(bD1.at[pl.ds(0, _GT), :], outD.at[pl.ds(toff, _GT), :])
    pltpu.sync_copy(bS1.at[pl.ds(0, _GT), :], outS.at[pl.ds(toff, _GT), :])


def _emlp_body(eD_ref, eS_ref, pb1, P2T, pb2, A1T, ab1, A2T, ab2, out_ref):
    eD = eD_ref[...]
    eS = eS_ref[...]
    qd = eD[:, :64]
    dd = eD[:, 64:]
    xl = _unpack(eS[:, :64])
    qs = _unpack(eS[:, 64:96])
    ss = _unpack(eS[:, 96:128])
    e1 = _relu(qd - qs + pb1[...])
    delta = _relu(jnp.dot(e1, P2T[...], preferred_element_type=jnp.float32)
                  + pb2[...])
    v = _relu(jnp.dot(delta, A1T[...], preferred_element_type=jnp.float32)
              + (dd - ss) + ab1[...])
    alpha = _relu(jnp.dot(v, A2T[...], preferred_element_type=jnp.float32)
                  + ab2[...])
    ex = jnp.exp(alpha)
    msg = ex * (xl + delta)
    out_ref[0] = jnp.concatenate([ex[:, :64], msg[:, :64]], axis=1)
    out_ref[1] = jnp.concatenate([ex[:, 64:], msg[:, 64:]], axis=1)


def _emlp_call(eD, eS, pb1, P2T, pb2, A1T, ab1, A2T, ab2):
    nb = EC // EPB
    full = lambda a: pl.BlockSpec(a.shape, lambda i: (0,) * a.ndim)
    return pl.pallas_call(
        _emlp_body,
        grid=(nb,),
        in_specs=[pl.BlockSpec((EPB, D), lambda i: (i, 0)),
                  pl.BlockSpec((EPB, D), lambda i: (i, 0))] + [
            full(a) for a in (pb1, P2T, pb2, A1T, ab1, A2T, ab2)],
        out_specs=pl.BlockSpec((2, EPB, D), lambda i: (0, i, 0)),
        out_shape=jax.ShapeDtypeStruct((2, EC, D), jnp.float32),
    )(eD, eS, pb1, P2T, pb2, A1T, ab1, A2T, ab2)


_RSLICE = 624


_EPS = EC // NSUB
_SU = _EPS // UNIT
_ST = _EPS - _SU * UNIT


@functools.partial(
    pl.kernel,
    mesh=_sc_mesh,
    out_type=jax.ShapeDtypeStruct((2, N, D), jnp.float32),
    scratch_types=[pltpu.VMEM((UNIT,), jnp.int32),
                   pltpu.VMEM((UNIT,), jnp.int32),
                   pltpu.VMEM((_EPS - (_EPS // UNIT) * UNIT,), jnp.int32),
                   pltpu.VMEM((UNIT, D), jnp.float32),
                   pltpu.VMEM((UNIT, D), jnp.float32),
                   pltpu.VMEM_SHARED((N, D), jnp.float32),
                   pltpu.SemaphoreType.DMA,
                   pltpu.SemaphoreType.DMA,
                   pltpu.SemaphoreType.DMA,
                   pltpu.SemaphoreType.DMA],
)
def _sc_scatter(dst1, em3, zeros, accO, id0, id1, idt, bE0, bE1, acc_sh,
                sem0, sem1, sa0, sa1):
    c = lax.axis_index("c")
    s = lax.axis_index("s")
    r0 = s * _RSLICE
    pltpu.sync_copy(zeros, acc_sh.at[pl.ds(r0, _RSLICE), :])

    @pl.when(s == NSUB - 1)
    def _():
        pltpu.sync_copy(zeros.at[pl.ds(0, 16), :],
                        acc_sh.at[pl.ds(NSUB * _RSLICE, 16), :])

    plsc.subcore_barrier()
    base = pl.multiple_of(s * _EPS, 8)
    off_u = lambda u: pl.multiple_of(base + u * UNIT, 8)

    def start(off, idb, bE, sem):
        pltpu.sync_copy(dst1.at[pl.ds(off, UNIT)], idb)
        pltpu.async_copy(em3.at[c, pl.ds(off, UNIT), :], bE, sem)

    def drain_add(idb, bE, sa):
        pltpu.make_async_copy(bE, acc_sh.at[idb], sa).wait()

    def start2(off, idb, bE, sem, sa):
        drain_add(idb, bE, sa)
        start(off, idb, bE, sem)

    def finish(off, idb, bE, sem, sa):
        pltpu.make_async_copy(em3.at[c, pl.ds(off, UNIT), :], bE,
                              sem).wait()
        pltpu.async_copy(bE, acc_sh.at[idb], sa, add=True)

    start(off_u(0), id0, bE0, sem0)
    start(off_u(1), id1, bE1, sem1)

    def body(t, carry):
        u = 2 * t
        finish(off_u(u), id0, bE0, sem0, sa0)
        start2(off_u(u + 2), id0, bE0, sem0, sa0)
        finish(off_u(u + 1), id1, bE1, sem1, sa1)
        start2(off_u(u + 3), id1, bE1, sem1, sa1)
        return carry

    lax.fori_loop(0, _SU // 2 - 2, body, 0)
    finish(off_u(_SU - 4), id0, bE0, sem0, sa0)
    start2(off_u(_SU - 2), id0, bE0, sem0, sa0)
    finish(off_u(_SU - 3), id1, bE1, sem1, sa1)
    start2(off_u(_SU - 1), id1, bE1, sem1, sa1)
    finish(off_u(_SU - 2), id0, bE0, sem0, sa0)
    finish(off_u(_SU - 1), id1, bE1, sem1, sa1)
    drain_add(id0, bE0, sa0)
    drain_add(id1, bE1, sa1)
    toff = pl.multiple_of(base + _SU * UNIT, 8)
    pltpu.sync_copy(dst1.at[pl.ds(toff, _ST)], idt)
    pltpu.sync_copy(em3.at[c, pl.ds(toff, _ST), :], bE0.at[pl.ds(0, _ST), :])
    pltpu.sync_copy(bE0.at[pl.ds(0, _ST), :], acc_sh.at[idt], add=True)
    plsc.subcore_barrier()
    pltpu.sync_copy(acc_sh.at[pl.ds(r0, _RSLICE), :],
                    accO.at[c, pl.ds(r0, _RSLICE), :])

    @pl.when(s == NSUB - 1)
    def _():
        pltpu.sync_copy(acc_sh.at[pl.ds(NSUB * _RSLICE, 16), :],
                        accO.at[c, pl.ds(NSUB * _RSLICE, 16), :])


def _final_body(*refs):
    acc_refs = refs[:K]
    den0_ref, num0_ref, WoutT, b_out, o_ref = refs[K:]
    acc = acc_refs[0][...]
    for r in acc_refs[1:]:
        acc = acc + r[...]
    den = jnp.concatenate([acc[0, :, :64], acc[1, :, :64]], axis=1)
    num = jnp.concatenate([acc[0, :, 64:], acc[1, :, 64:]], axis=1)
    den = den + den0_ref[...] + 1e-16
    num = num + num0_ref[...]
    o_ref[...] = _relu(jnp.dot(num / den, WoutT[...],
                               preferred_element_type=jnp.float32)
                       + b_out[...])


def _final_call(accs, den0, num0, WoutT, b_out):
    nb = N // NPB
    full = lambda a: pl.BlockSpec(a.shape, lambda i: (0,) * a.ndim)
    row_spec = pl.BlockSpec((NPB, D), lambda i: (i, 0))
    acc_spec = pl.BlockSpec((2, NPB, D), lambda i: (0, i, 0))
    return pl.pallas_call(
        _final_body,
        grid=(nb,),
        in_specs=[acc_spec] * K + [row_spec, row_spec, full(WoutT),
                                   full(b_out)],
        out_specs=row_spec,
        out_shape=jax.ShapeDtypeStruct((N, D), jnp.float32),
    )(*accs, den0, num0, WoutT, b_out)


def kernel(x, pos, edge_index, Win, b_in, Wout, b_out, Wlin, Wsrc, Wdst,
           P1, pb1, P2, pb2, A1, ab1, A2, ab2):
    posp = jnp.pad(pos, ((0, 0), (0, 5)))
    P1pT = jnp.pad(P1, ((0, 0), (0, 5))).T
    row = lambda v: v.reshape(1, -1)
    T1, T2, den0, num0 = _prep_call(
        x, posp, Win.T, row(b_in), Wlin.T, Wsrc.T, Wdst.T, P1pT, row(pb1),
        P2.T, row(pb2), A1.T, row(ab1), A2.T, row(ab2))
    src1 = edge_index[0]
    dst1 = edge_index[1]
    zeros = jnp.zeros((_RSLICE, D), jnp.float32)
    accs = []
    for k in range(K):
        sl = slice(k * EC, (k + 1) * EC)
        eD, eS = _sc_gather(src1[sl], dst1[sl], T1, T2)
        em3 = _emlp_call(eD, eS, row(pb1), P2.T, row(pb2), A1.T, row(ab1),
                         A2.T, row(ab2))
        accs.append(_sc_scatter(dst1[sl], em3, zeros))
    return _final_call(accs, den0, num0, Wout.T, row(b_out))

# --- scband reference (transcript-rebuilt; emitter-appended) ---
"""Pipeline reference for scband-transformer-block-24584392802334 (READ-ONLY COPY).

The authoritative reference and input builder live on the scoring server;
editing this copy changes nothing except your own understanding.
"""

import jax, jax.numpy as jnp
import numpy as np

N = 10000
E = 320000
D = 128


def _mlp(h, params):
    # MLP([...], batch_norm=False): Linear + ReLU after every layer
    for W, b in params:
        h = jax.nn.relu(h @ W.T + b)
    return h


def setup_inputs(seed: int = 0) -> dict:
    key = jax.random.key(seed)
    ks = jax.random.split(key, 20)
    s = 0.05
    inp = {}
    inp["x"] = jax.random.normal(ks[0], (N, D), jnp.float32)
    inp["pos"] = jax.random.normal(ks[1], (N, 3), jnp.float32)
    inp["edge_index"] = jax.random.randint(ks[2], (2, E), 0, N, jnp.int32)
    # lin_in / lin_out (with bias)
    inp["Win"] = jax.random.normal(ks[3], (D, D), jnp.float32) * s
    inp["b_in"] = jax.random.normal(ks[4], (D,), jnp.float32) * s
    inp["Wout"] = jax.random.normal(ks[5], (D, D), jnp.float32) * s
    inp["b_out"] = jax.random.normal(ks[6], (D,), jnp.float32) * s
    # PointTransformerConv internal linears (bias=False in PyG)
    inp["Wlin"] = jax.random.normal(ks[7], (D, D), jnp.float32) * s
    inp["Wsrc"] = jax.random.normal(ks[8], (D, D), jnp.float32) * s
    inp["Wdst"] = jax.random.normal(ks[9], (D, D), jnp.float32) * s
    # pos_nn: MLP([3, 64, 128])
    inp["P1"] = jax.random.normal(ks[10], (64, 3), jnp.float32) * s
    inp["pb1"] = jax.random.normal(ks[11], (64,), jnp.float32) * s
    inp["P2"] = jax.random.normal(ks[12], (D, 64), jnp.float32) * s
    inp["pb2"] = jax.random.normal(ks[13], (D,), jnp.float32) * s
    # attn_nn: MLP([128, 64, 128])
    inp["A1"] = jax.random.normal(ks[14], (64, D), jnp.float32) * s
    inp["ab1"] = jax.random.normal(ks[15], (64,), jnp.float32) * s
    inp["A2"] = jax.random.normal(ks[16], (D, 64), jnp.float32) * s
    inp["ab2"] = jax.random.normal(ks[17], (D,), jnp.float32) * s
    return inp


def reference(x, pos, edge_index, Win, b_in, Wout, b_out, Wlin, Wsrc, Wdst,
              P1, pb1, P2, pb2, A1, ab1, A2, ab2):
    n = x.shape[0]
    # lin_in + relu
    h = jax.nn.relu(x @ Win.T + b_in)
    # PointTransformerConv
    a_src = h @ Wsrc.T
    a_dst = h @ Wdst.T
    xl = h @ Wlin.T
    # add self loops (PyG default add_self_loops=True)
    loop = jnp.arange(n, dtype=edge_index.dtype)
    src = jnp.concatenate([edge_index[0], loop])  # j (source/neighbor)
    dst = jnp.concatenate([edge_index[1], loop])  # i (target)
    # positional encoding delta = pos_nn(pos_i - pos_j)
    delta = _mlp(pos[dst] - pos[src], [(P1, pb1), (P2, pb2)])
    # attention logits
    alpha = a_dst[dst] - a_src[src] + delta
    alpha = _mlp(alpha, [(A1, ab1), (A2, ab2)])
    # per-destination (per-channel) softmax over incoming edges
    amax = jax.ops.segment_max(alpha, dst, num_segments=n)
    ex = jnp.exp(alpha - amax[dst])
    denom = jax.ops.segment_sum(ex, dst, num_segments=n)
    attn = ex / (denom[dst] + 1e-16)
    # message = attn * (lin(x_j) + delta), aggregate by sum at dst
    out = jax.ops.segment_sum(attn * (xl[src] + delta), dst, num_segments=n)
    # lin_out + relu
    return jax.nn.relu(out @ Wout.T + b_out)

if __name__ == "__main__":
    import jax
    _d = setup_inputs()
    print(jax.jit(kernel)(*tuple(_d.values())))

</pallas_src>

<mosaic_0001>
#map = affine_map<(d0, d1) -> (0)>
#map1 = affine_map<(d0, d1) -> (0, 0)>
module attributes {stable_mosaic.version = 14 : i64} {
  func.func @_sc_gather(%arg0: i32, %arg1: i32, %arg2: memref<160000xi32, #tpu.memory_space<hbm>>, %arg3: memref<160000xi32, #tpu.memory_space<hbm>>, %arg4: memref<10000x128xf32, #tpu.memory_space<hbm>>, %arg5: memref<10000x128xf32, #tpu.memory_space<hbm>>, %arg6: memref<160000x128xf32, #tpu.memory_space<hbm>>, %arg7: memref<160000x128xf32, #tpu.memory_space<hbm>>, %arg8: memref<128xi32, #tpu.memory_space<vmem>>, %arg9: memref<128xi32, #tpu.memory_space<vmem>>, %arg10: memref<128xi32, #tpu.memory_space<vmem>>, %arg11: memref<128xi32, #tpu.memory_space<vmem>>, %arg12: memref<128x128xf32, #tpu.memory_space<vmem>>, %arg13: memref<128x128xf32, #tpu.memory_space<vmem>>, %arg14: memref<128x128xf32, #tpu.memory_space<vmem>>, %arg15: memref<128x128xf32, #tpu.memory_space<vmem>>, %arg16: memref<!tpu.dma_semaphore, #tpu.memory_space<semaphore_mem>>, %arg17: memref<!tpu.dma_semaphore, #tpu.memory_space<semaphore_mem>>, %arg18: memref<!tpu.dma_semaphore, #tpu.memory_space<semaphore_mem>>, %arg19: memref<!tpu.dma_semaphore, #tpu.memory_space<semaphore_mem>>) attributes {dimension_semantics = [#tpu.dimension_semantics<core_parallel>, #tpu.dimension_semantics<subcore_parallel>], iteration_bounds = array<i64: 2, 16>, scalar_prefetch = 0 : i64, scratch_operands = 12 : i64, tpu.core_type = #tpu.core_type<sc_vector_subcore>, window_params = [{transform_indices = #map}, {transform_indices = #map}, {transform_indices = #map1}, {transform_indices = #map1}, {transform_indices = #map1}, {transform_indices = #map1}]} {
    %mul3A = arith.constant 2 : i32
    %mul3A_0 = arith.muli %arg1, %mul3A : i32
    %add3A = arith.addi %mul3A_0, %arg0 : i32
    %mul3A_1 = arith.constant 5000 : i32
    %mul3A_2 = arith.muli %add3A, %mul3A_1 : i32
    %multiple_of3A = tpu.assume_multiple %mul3A_2, 8 : i32
    %add3A_3 = arith.constant 0 : i32
    %add3A_4 = arith.addi %multiple_of3A, %add3A_3 : i32
    %multiple_of3A_5 = tpu.assume_multiple %add3A_4, 8 : i32
    "tpu.region"() ({
      %run_scoped3A = tpu.sem_alloc : memref<!tpu.dma_semaphore, #tpu.memory_space<semaphore_mem>>
      %dma_start3A_152 = tpu.memref_slice %arg2[%multiple_of3A_5] : memref<160000xi32, #tpu.memory_space<hbm>> -> memref<128xi32, #tpu.memory_space<hbm>>
      %dma_start3A_153 = tpu.memref_slice %arg2[%multiple_of3A_5] : memref<160000xi32, #tpu.memory_space<hbm>> -> memref<128xi32, #tpu.memory_space<hbm>>
      tpu.enqueue_dma source(%dma_start3A_153 : memref<128xi32, #tpu.memory_space<hbm>>) target(%arg8 : memref<128xi32, #tpu.memory_space<vmem>>) target_semaphore(%run_scoped3A : memref<!tpu.dma_semaphore, #tpu.memory_space<semaphore_mem>>)
      %dma_wait3A_154 = tpu.memref_slice %arg2[%multiple_of3A_5] : memref<160000xi32, #tpu.memory_space<hbm>> -> memref<128xi32, #tpu.memory_space<hbm>>
      %dma_wait3A_155 = tpu.memref_slice %arg2[%multiple_of3A_5] : memref<160000xi32, #tpu.memory_space<hbm>> -> memref<128xi32, #tpu.memory_space<hbm>>
      tpu.wait_dma2 semaphore(%run_scoped3A : memref<!tpu.dma_semaphore, #tpu.memory_space<semaphore_mem>>) src(%dma_wait3A_155 : memref<128xi32, #tpu.memory_space<hbm>>) dst(%arg8 : memref<128xi32, #tpu.memory_space<vmem>>)
      tpu.yield
    }) : () -> ()
    "tpu.region"() ({
      %run_scoped3A = tpu.sem_alloc : memref<!tpu.dma_semaphore, #tpu.memory_space<semaphore_mem>>
      %dma_start3A_152 = tpu.memref_slice %arg3[%multiple_of3A_5] : memref<160000xi32, #tpu.memory_space<hbm>> -> memref<128xi32, #tpu.memory_space<hbm>>
      %dma_start3A_153 = tpu.memref_slice %arg3[%multiple_of3A_5] : memref<160000xi32, #tpu.memory_space<hbm>> -> memref<128xi32, #tpu.memory_space<hbm>>
      tpu.enqueue_dma source(%dma_start3A_153 : memref<128xi32, #tpu.memory_space<hbm>>) target(%arg9 : memref<128xi32, #tpu.memory_space<vmem>>) target_semaphore(%run_scoped3A : memref<!tpu.dma_semaphore, #tpu.memory_space<semaphore_mem>>)
      %dma_wait3A_154 = tpu.memref_slice %arg3[%multiple_of3A_5] : memref<160000xi32, #tpu.memory_space<hbm>> -> memref<128xi32, #tpu.memory_space<hbm>>
      %dma_wait3A_155 = tpu.memref_slice %arg3[%multiple_of3A_5] : memref<160000xi32, #tpu.memory_space<hbm>> -> memref<128xi32, #tpu.memory_space<hbm>>
      tpu.wait_dma2 semaphore(%run_scoped3A : memref<!tpu.dma_semaphore, #tpu.memory_space<semaphore_mem>>) src(%dma_wait3A_155 : memref<128xi32, #tpu.memory_space<hbm>>) dst(%arg9 : memref<128xi32, #tpu.memory_space<vmem>>)
      tpu.yield
    }) : () -> ()
    %dma_start3A = arith.constant 0 : i32
    %dma_start3A_6 = arith.constant 0 : i32
    %dma_start3A_7 = tpu.memref_slice %arg4[%dma_start3A, %dma_start3A_6] : memref<10000x128xf32, #tpu.memory_space<hbm>> -> memref<10000x128xf32, #tpu.memory_space<hbm>>
    tpu.enqueue_indirect_dma source(%dma_start3A_7 : memref<10000x128xf32, #tpu.memory_space<hbm>>) target(%arg12 : memref<128x128xf32, #tpu.memory_space<vmem>>) offsets(%arg9 : memref<128xi32, #tpu.memory_space<vmem>>) semaphore(%arg16 : memref<!tpu.dma_semaphore, #tpu.memory_space<semaphore_mem>>)
    %dma_start3A_8 = arith.constant 0 : i32
    %dma_start3A_9 = arith.constant 0 : i32
    %dma_start3A_10 = tpu.memref_slice %arg5[%dma_start3A_8, %dma_start3A_9] : memref<10000x128xf32, #tpu.memory_space<hbm>> -> memref<10000x128xf32, #tpu.memory_space<hbm>>
    tpu.enqueue_indirect_dma source(%dma_start3A_10 : memref<10000x128xf32, #tpu.memory_space<hbm>>) target(%arg13 : memref<128x128xf32, #tpu.memory_space<vmem>>) offsets(%arg8 : memref<128xi32, #tpu.memory_space<vmem>>) semaphore(%arg16 : memref<!tpu.dma_semaphore, #tpu.memory_space<semaphore_mem>>)
    %add3A_11 = arith.constant 128 : i32
    %add3A_12 = arith.addi %multiple_of3A, %add3A_11 : i32
    %multiple_of3A_13 = tpu.assume_multiple %add3A_12, 8 : i32
    "tpu.region"() ({
      %run_scoped3A = tpu.sem_alloc : memref<!tpu.dma_semaphore, #tpu.memory_space<semaphore_mem>>
      %dma_start3A_152 = tpu.memref_slice %arg2[%multiple_of3A_13] : memref<160000xi32, #tpu.memory_space<hbm>> -> memref<128xi32, #tpu.memory_space<hbm>>
      %dma_start3A_153 = tpu.memref_slice %arg2[%multiple_of3A_13] : memref<160000xi32, #tpu.memory_space<hbm>> -> memref<128xi32, #tpu.memory_space<hbm>>
      tpu.enqueue_dma source(%dma_start3A_153 : memref<128xi32, #tpu.memory_space<hbm>>) target(%arg10 : memref<128xi32, #tpu.memory_space<vmem>>) target_semaphore(%run_scoped3A : memref<!tpu.dma_semaphore, #tpu.memory_space<semaphore_mem>>)
      %dma_wait3A_154 = tpu.memref_slice %arg2[%multiple_of3A_13] : memref<160000xi32, #tpu.memory_space<hbm>> -> memref<128xi32, #tpu.memory_space<hbm>>
      %dma_wait3A_155 = tpu.memref_slice %arg2[%multiple_of3A_13] : memref<160000xi32, #tpu.memory_space<hbm>> -> memref<128xi32, #tpu.memory_space<hbm>>
      tpu.wait_dma2 semaphore(%run_scoped3A : memref<!tpu.dma_semaphore, #tpu.memory_space<semaphore_mem>>) src(%dma_wait3A_155 : memref<128xi32, #tpu.memory_space<hbm>>) dst(%arg10 : memref<128xi32, #tpu.memory_space<vmem>>)
      tpu.yield
    }) : () -> ()
    "tpu.region"() ({
      %run_scoped3A = tpu.sem_alloc : memref<!tpu.dma_semaphore, #tpu.memory_space<semaphore_mem>>
      %dma_start3A_152 = tpu.memref_slice %arg3[%multiple_of3A_13] : memref<160000xi32, #tpu.memory_space<hbm>> -> memref<128xi32, #tpu.memory_space<hbm>>
      %dma_start3A_153 = tpu.memref_slice %arg3[%multiple_of3A_13] : memref<160000xi32, #tpu.memory_space<hbm>> -> memref<128xi32, #tpu.memory_space<hbm>>
      tpu.enqueue_dma source(%dma_start3A_153 : memref<128xi32, #tpu.memory_space<hbm>>) target(%arg11 : memref<128xi32, #tpu.memory_space<vmem>>) target_semaphore(%run_scoped3A : memref<!tpu.dma_semaphore, #tpu.memory_space<semaphore_mem>>)
      %dma_wait3A_154 = tpu.memref_slice %arg3[%multiple_of3A_13] : memref<160000xi32, #tpu.memory_space<hbm>> -> memref<128xi32, #tpu.memory_space<hbm>>
      %dma_wait3A_155 = tpu.memref_slice %arg3[%multiple_of3A_13] : memref<160000xi32, #tpu.memory_space<hbm>> -> memref<128xi32, #tpu.memory_space<hbm>>
      tpu.wait_dma2 semaphore(%run_scoped3A : memref<!tpu.dma_semaphore, #tpu.memory_space<semaphore_mem>>) src(%dma_wait3A_155 : memref<128xi32, #tpu.memory_space<hbm>>) dst(%arg11 : memref<128xi32, #tpu.memory_space<vmem>>)
      tpu.yield
    }) : () -> ()
    %dma_start3A_14 = arith.constant 0 : i32
    %dma_start3A_15 = arith.constant 0 : i32
    %dma_start3A_16 = tpu.memref_slice %arg4[%dma_start3A_14, %dma_start3A_15] : memref<10000x128xf32, #tpu.memory_space<hbm>> -> memref<10000x128xf32, #tpu.memory_space<hbm>>
    tpu.enqueue_indirect_dma source(%dma_start3A_16 : memref<10000x128xf32, #tpu.memory_space<hbm>>) target(%arg14 : memref<128x128xf32, #tpu.memory_space<vmem>>) offsets(%arg11 : memref<128xi32, #tpu.memory_space<vmem>>) semaphore(%arg17 : memref<!tpu.dma_semaphore, #tpu.memory_space<semaphore_mem>>)
    %dma_start3A_17 = arith.constant 0 : i32
    %dma_start3A_18 = arith.constant 0 : i32
    %dma_start3A_19 = tpu.memref_slice %arg5[%dma_start3A_17, %dma_start3A_18] : memref<10000x128xf32, #tpu.memory_space<hbm>> -> memref<10000x128xf32, #tpu.memory_space<hbm>>
    tpu.enqueue_indirect_dma source(%dma_start3A_19 : memref<10000x128xf32, #tpu.memory_space<hbm>>) target(%arg15 : memref<128x128xf32, #tpu.memory_space<vmem>>) offsets(%arg10 : memref<128xi32, #tpu.memory_space<vmem>>) semaphore(%arg17 : memref<!tpu.dma_semaphore, #tpu.memory_space<semaphore_mem>>)
    %scan3A = arith.constant 0 : i32
    %scan3A_20 = arith.constant 0 : i32
    %scan3A_21 = arith.constant 18 : i32
    %scan3A_22 = arith.addi %scan3A_20, %scan3A_21 : i32
    %scan3A_23 = arith.constant 1 : i32
    scf.for %scan3A_152 = %scan3A_20 to %scan3A_22 step %scan3A_23  : i32 {
      %mul3A_153 = arith.constant 2 : i32
      %mul3A_154 = arith.muli %mul3A_153, %scan3A_152 : i32
      %mul3A_155 = arith.constant 128 : i32
      %mul3A_156 = arith.muli %mul3A_154, %mul3A_155 : i32
      %add3A_157 = arith.addi %multiple_of3A, %mul3A_156 : i32
      %multiple_of3A_158 = tpu.assume_multiple %add3A_157, 8 : i32
      %dma_wait3A_159 = arith.constant 0 : i32
      %dma_wait3A_160 = arith.constant 0 : i32
      %dma_wait3A_161 = tpu.memref_slice %arg4[%dma_wait3A_159, %dma_wait3A_160] : memref<10000x128xf32, #tpu.memory_space<hbm>> -> memref<10000x128xf32, #tpu.memory_space<hbm>>
      tpu.wait_indirect_dma semaphore(%arg16 : memref<!tpu.dma_semaphore, #tpu.memory_space<semaphore_mem>>) src(%dma_wait3A_161 : memref<10000x128xf32, #tpu.memory_space<hbm>>) dst(%arg12 : memref<128x128xf32, #tpu.memory_space<vmem>>)
      %dma_wait3A_162 = arith.constant 0 : i32
      %dma_wait3A_163 = arith.constant 0 : i32
      %dma_wait3A_164 = tpu.memref_slice %arg5[%dma_wait3A_162, %dma_wait3A_163] : memref<10000x128xf32, #tpu.memory_space<hbm>> -> memref<10000x128xf32, #tpu.memory_space<hbm>>
      tpu.wait_indirect_dma semaphore(%arg16 : memref<!tpu.dma_semaphore, #tpu.memory_space<semaphore_mem>>) src(%dma_wait3A_164 : memref<10000x128xf32, #tpu.memory_space<hbm>>) dst(%arg13 : memref<128x128xf32, #tpu.memory_space<vmem>>)
      %dma_start3A_165 = arith.constant 0 : i32
      %dma_start3A_166 = tpu.memref_slice %arg6[%multiple_of3A_158, %dma_start3A_165] : memref<160000x128xf32, #tpu.memory_space<hbm>> -> memref<128x128xf32, #tpu.memory_space<hbm>>
      %dma_start3A_167 = arith.constant 0 : i32
      %dma_start3A_168 = tpu.memref_slice %arg6[%multiple_of3A_158, %dma_start3A_167] : memref<160000x128xf32, #tpu.memory_space<hbm>> -> memref<128x128xf32, #tpu.memory_space<hbm>>
      tpu.enqueue_dma source(%arg12 : memref<128x128xf32, #tpu.memory_space<vmem>>) target(%dma_start3A_168 : memref<128x128xf32, #tpu.memory_space<hbm>>) target_semaphore(%arg18 : memref<!tpu.dma_semaphore, #tpu.memory_space<semaphore_mem>>)
      %dma_start3A_169 = arith.constant 0 : i32
      %dma_start3A_170 = tpu.memref_slice %arg7[%multiple_of3A_158, %dma_start3A_169] : memref<160000x128xf32, #tpu.memory_space<hbm>> -> memref<128x128xf32, #tpu.memory_space<hbm>>
      %dma_start3A_171 = arith.constant 0 : i32
      %dma_start3A_172 = tpu.memref_slice %arg7[%multiple_of3A_158, %dma_start3A_171] : memref<160000x128xf32, #tpu.memory_space<hbm>> -> memref<128x128xf32, #tpu.memory_space<hbm>>
      tpu.enqueue_dma source(%arg13 : memref<128x128xf32, #tpu.memory_space<vmem>>) target(%dma_start3A_172 : memref<128x128xf32, #tpu.memory_space<hbm>>) target_semaphore(%arg18 : memref<!tpu.dma_semaphore, #tpu.memory_space<semaphore_mem>>)
      %add3A_173 = arith.constant 2 : i32
      %add3A_174 = arith.addi %mul3A_154, %add3A_173 : i32
      %mul3A_175 = arith.constant 128 : i32
      %mul3A_176 = arith.muli %add3A_174, %mul3A_175 : i32
      %add3A_177 = arith.addi %multiple_of3A, %mul3A_176 : i32
      %multiple_of3A_178 = tpu.assume_multiple %add3A_177, 8 : i32
      %mul3A_179 = arith.constant 128 : i32
      %mul3A_180 = arith.muli %mul3A_154, %mul3A_179 : i32
      %add3A_181 = arith.addi %multiple_of3A, %mul3A_180 : i32
      %multiple_of3A_182 = tpu.assume_multiple %add3A_181, 8 : i32
      %dma_wait3A_183 = arith.constant 0 : i32
      %dma_wait3A_184 = tpu.memref_slice %arg6[%multiple_of3A_182, %dma_wait3A_183] : memref<160000x128xf32, #tpu.memory_space<hbm>> -> memref<128x128xf32, #tpu.memory_space<hbm>>
      %dma_wait3A_185 = arith.constant 0 : i32
      %dma_wait3A_186 = tpu.memref_slice %arg6[%multiple_of3A_182, %dma_wait3A_185] : memref<160000x128xf32, #tpu.memory_space<hbm>> -> memref<128x128xf32, #tpu.memory_space<hbm>>
      tpu.wait_dma2 semaphore(%arg18 : memref<!tpu.dma_semaphore, #tpu.memory_space<semaphore_mem>>) src(%arg12 : memref<128x128xf32, #tpu.memory_space<vmem>>) dst(%dma_wait3A_186 : memref<128x128xf32, #tpu.memory_space<hbm>>)
      %dma_wait3A_187 = arith.constant 0 : i32
      %dma_wait3A_188 = tpu.memref_slice %arg7[%multiple_of3A_182, %dma_wait3A_187] : memref<160000x128xf32, #tpu.memory_space<hbm>> -> memref<128x128xf32, #tpu.memory_space<hbm>>
      %dma_wait3A_189 = arith.constant 0 : i32
      %dma_wait3A_190 = tpu.memref_slice %arg7[%multiple_of3A_182, %dma_wait3A_189] : memref<160000x128xf32, #tpu.memory_space<hbm>> -> memref<128x128xf32, #tpu.memory_space<hbm>>
      tpu.wait_dma2 semaphore(%arg18 : memref<!tpu.dma_semaphore, #tpu.memory_space<semaphore_mem>>) src(%arg13 : memref<128x128xf32, #tpu.memory_space<vmem>>) dst(%dma_wait3A_190 : memref<128x128xf32, #tpu.memory_space<hbm>>)
      "tpu.region"() ({
        %run_scoped3A = tpu.sem_alloc : memref<!tpu.dma_semaphore, #tpu.memory_space<semaphore_mem>>
        %dma_start3A_243 = tpu.memref_slice %arg2[%multiple_of3A_178] : memref<160000xi32, #tpu.memory_space<hbm>> -> memref<128xi32, #tpu.memory_space<hbm>>
        %dma_start3A_244 = tpu.memref_slice %arg2[%multiple_of3A_178] : memref<160000xi32, #tpu.memory_space<hbm>> -> memref<128xi32, #tpu.memory_space<hbm>>
        tpu.enqueue_dma source(%dma_start3A_244 : memref<128xi32, #tpu.memory_space<hbm>>) target(%arg8 : memref<128xi32, #tpu.memory_space<vmem>>) target_semaphore(%run_scoped3A : memref<!tpu.dma_semaphore, #tpu.memory_space<semaphore_mem>>)
        %dma_wait3A_245 = tpu.memref_slice %arg2[%multiple_of3A_178] : memref<160000xi32, #tpu.memory_space<hbm>> -> memref<128xi32, #tpu.memory_space<hbm>>
        %dma_wait3A_246 = tpu.memref_slice %arg2[%multiple_of3A_178] : memref<160000xi32, #tpu.memory_space<hbm>> -> memref<128xi32, #tpu.memory_space<hbm>>
        tpu.wait_dma2 semaphore(%run_scoped3A : memref<!tpu.dma_semaphore, #tpu.memory_space<semaphore_mem>>) src(%dma_wait3A_246 : memref<128xi32, #tpu.memory_space<hbm>>) dst(%arg8 : memref<128xi32, #tpu.memory_space<vmem>>)
        tpu.yield
      }) : () -> ()
      "tpu.region"() ({
        %run_scoped3A = tpu.sem_alloc : memref<!tpu.dma_semaphore, #tpu.memory_space<semaphore_mem>>
        %dma_start3A_243 = tpu.memref_slice %arg3[%multiple_of3A_178] : memref<160000xi32, #tpu.memory_space<hbm>> -> memref<128xi32, #tpu.memory_space<hbm>>
        %dma_start3A_244 = tpu.memref_slice %arg3[%multiple_of3A_178] : memref<160000xi32, #tpu.memory_space<hbm>> -> memref<128xi32, #tpu.memory_space<hbm>>
        tpu.enqueue_dma source(%dma_start3A_244 : memref<128xi32, #tpu.memory_space<hbm>>) target(%arg9 : memref<128xi32, #tpu.memory_space<vmem>>) target_semaphore(%run_scoped3A : memref<!tpu.dma_semaphore, #tpu.memory_space<semaphore_mem>>)
        %dma_wait3A_245 = tpu.memref_slice %arg3[%multiple_of3A_178] : memref<160000xi32, #tpu.memory_space<hbm>> -> memref<128xi32, #tpu.memory_space<hbm>>
        %dma_wait3A_246 = tpu.memref_slice %arg3[%multiple_of3A_178] : memref<160000xi32, #tpu.memory_space<hbm>> -> memref<128xi32, #tpu.memory_space<hbm>>
        tpu.wait_dma2 semaphore(%run_scoped3A : memref<!tpu.dma_semaphore, #tpu.memory_space<semaphore_mem>>) src(%dma_wait3A_246 : memref<128xi32, #tpu.memory_space<hbm>>) dst(%arg9 : memref<128xi32, #tpu.memory_space<vmem>>)
        tpu.yield
      }) : () -> ()
      %dma_start3A_191 = arith.constant 0 : i32
      %dma_start3A_192 = arith.constant 0 : i32
      %dma_start3A_193 = tpu.memref_slice %arg4[%dma_start3A_191, %dma_start3A_192] : memref<10000x128xf32, #tpu.memory_space<hbm>> -> memref<10000x128xf32, #tpu.memory_space<hbm>>
      tpu.enqueue_indirect_dma source(%dma_start3A_193 : memref<10000x128xf32, #tpu.memory_space<hbm>>) target(%arg12 : memref<128x128xf32, #tpu.memory_space<vmem>>) offsets(%arg9 : memref<128xi32, #tpu.memory_space<vmem>>) semaphore(%arg16 : memref<!tpu.dma_semaphore, #tpu.memory_space<semaphore_mem>>)
      %dma_start3A_194 = arith.constant 0 : i32
      %dma_start3A_195 = arith.constant 0 : i32
      %dma_start3A_196 = tpu.memref_slice %arg5[%dma_start3A_194, %dma_start3A_195] : memref<10000x128xf32, #tpu.memory_space<hbm>> -> memref<10000x128xf32, #tpu.memory_space<hbm>>
      tpu.enqueue_indirect_dma source(%dma_start3A_196 : memref<10000x128xf32, #tpu.memory_space<hbm>>) target(%arg13 : memref<128x128xf32, #tpu.memory_space<vmem>>) offsets(%arg8 : memref<128xi32, #tpu.memory_space<vmem>>) semaphore(%arg16 : memref<!tpu.dma_semaphore, #tpu.memory_space<semaphore_mem>>)
      %add3A_197 = arith.constant 1 : i32
      %add3A_198 = arith.addi %mul3A_154, %add3A_197 : i32
      %mul3A_199 = arith.constant 128 : i32
      %mul3A_200 = arith.muli %add3A_198, %mul3A_199 : i32
      %add3A_201 = arith.addi %multiple_of3A, %mul3A_200 : i32
      %multiple_of3A_202 = tpu.assume_multiple %add3A_201, 8 : i32
      %dma_wait3A_203 = arith.constant 0 : i32
      %dma_wait3A_204 = arith.constant 0 : i32
      %dma_wait3A_205 = tpu.memref_slice %arg4[%dma_wait3A_203, %dma_wait3A_204] : memref<10000x128xf32, #tpu.memory_space<hbm>> -> memref<10000x128xf32, #tpu.memory_space<hbm>>
      tpu.wait_indirect_dma semaphore(%arg17 : memref<!tpu.dma_semaphore, #tpu.memory_space<semaphore_mem>>) src(%dma_wait3A_205 : memref<10000x128xf32, #tpu.memory_space<hbm>>) dst(%arg14 : memref<128x128xf32, #tpu.memory_space<vmem>>)
      %dma_wait3A_206 = arith.constant 0 : i32
      %dma_wait3A_207 = arith.constant 0 : i32
      %dma_wait3A_208 = tpu.memref_slice %arg5[%dma_wait3A_206, %dma_wait3A_207] : memref<10000x128xf32, #tpu.memory_space<hbm>> -> memref<10000x128xf32, #tpu.memory_space<hbm>>
      tpu.wait_indirect_dma semaphore(%arg17 : memref<!tpu.dma_semaphore, #tpu.memory_space<semaphore_mem>>) src(%dma_wait3A_208 : memref<10000x128xf32, #tpu.memory_space<hbm>>) dst(%arg15 : memref<128x128xf32, #tpu.memory_space<vmem>>)
      %dma_start3A_209 = arith.constant 0 : i32
      %dma_start3A_210 = tpu.memref_slice %arg6[%multiple_of3A_202, %dma_start3A_209] : memref<160000x128xf32, #tpu.memory_space<hbm>> -> memref<128x128xf32, #tpu.memory_space<hbm>>
      %dma_start3A_211 = arith.constant 0 : i32
      %dma_start3A_212 = tpu.memref_slice %arg6[%multiple_of3A_202, %dma_start3A_211] : memref<160000x128xf32, #tpu.memory_space<hbm>> -> memref<128x128xf32, #tpu.memory_space<hbm>>
      tpu.enqueue_dma source(%arg14 : memref<128x128xf32, #tpu.memory_space<vmem>>) target(%dma_start3A_212 : memref<128x128xf32, #tpu.memory_space<hbm>>) target_semaphore(%arg19 : memref<!tpu.dma_semaphore, #tpu.memory_space<semaphore_mem>>)
      %dma_start3A_213 = arith.constant 0 : i32
      %dma_start3A_214 = tpu.memref_slice %arg7[%multiple_of3A_202, %dma_start3A_213] : memref<160000x128xf32, #tpu.memory_space<hbm>> -> memref<128x128xf32, #tpu.memory_space<hbm>>
      %dma_start3A_215 = arith.constant 0 : i32
      %dma_start3A_216 = tpu.memref_slice %arg7[%multiple_of3A_202, %dma_start3A_215] : memref<160000x128xf32, #tpu.memory_space<hbm>> -> memref<128x128xf32, #tpu.memory_space<hbm>>
      tpu.enqueue_dma source(%arg15 : memref<128x128xf32, #tpu.memory_space<vmem>>) target(%dma_start3A_216 : memref<128x128xf32, #tpu.memory_space<hbm>>) target_semaphore(%arg19 : memref<!tpu.dma_semaphore, #tpu.memory_space<semaphore_mem>>)
      %add3A_217 = arith.constant 3 : i32
      %add3A_218 = arith.addi %mul3A_154, %add3A_217 : i32
      %mul3A_219 = arith.constant 128 : i32
      %mul3A_220 = arith.muli %add3A_218, %mul3A_219 : i32
      %add3A_221 = arith.addi %multiple_of3A, %mul3A_220 : i32
      %multiple_of3A_222 = tpu.assume_multiple %add3A_221, 8 : i32
      %add3A_223 = arith.constant 1 : i32
      %add3A_224 = arith.addi %mul3A_154, %add3A_223 : i32
      %mul3A_225 = arith.constant 128 : i32
      %mul3A_226 = arith.muli %add3A_224, %mul3A_225 : i32
      %add3A_227 = arith.addi %multiple_of3A, %mul3A_226 : i32
      %multiple_of3A_228 = tpu.assume_multiple %add3A_227, 8 : i32
      %dma_wait3A_229 = arith.constant 0 : i32
      %dma_wait3A_230 = tpu.memref_slice %arg6[%multiple_of3A_228, %dma_wait3A_229] : memref<160000x128xf32, #tpu.memory_space<hbm>> -> memref<128x128xf32, #tpu.memory_space<hbm>>
      %dma_wait3A_231 = arith.constant 0 : i32
      %dma_wait3A_232 = tpu.memref_slice %arg6[%multiple_of3A_228, %dma_wait3A_231] : memref<160000x128xf32, #tpu.memory_space<hbm>> -> memref<128x128xf32, #tpu.memory_space<hbm>>
      tpu.wait_dma2 semaphore(%arg19 : memref<!tpu.dma_semaphore, #tpu.memory_space<semaphore_mem>>) src(%arg14 : memref<128x128xf32, #tpu.memory_space<vmem>>) dst(%dma_wait3A_232 : memref<128x128xf32, #tpu.memory_space<hbm>>)
      %dma_wait3A_233 = arith.constant 0 : i32
      %dma_wait3A_234 = tpu.memref_slice %arg7[%multiple_of3A_228, %dma_wait3A_233] : memref<160000x128xf32, #tpu.memory_space<hbm>> -> memref<128x128xf32, #tpu.memory_space<hbm>>
      %dma_wait3A_235 = arith.constant 0 : i32
      %dma_wait3A_236 = tpu.memref_slice %arg7[%multiple_of3A_228, %dma_wait3A_235] : memref<160000x128xf32, #tpu.memory_space<hbm>> -> memref<128x128xf32, #tpu.memory_space<hbm>>
      tpu.wait_dma2 semaphore(%arg19 : memref<!tpu.dma_semaphore, #tpu.memory_space<semaphore_mem>>) src(%arg15 : memref<128x128xf32, #tpu.memory_space<vmem>>) dst(%dma_wait3A_236 : memref<128x128xf32, #tpu.memory_space<hbm>>)
      "tpu.region"() ({
        %run_scoped3A = tpu.sem_alloc : memref<!tpu.dma_semaphore, #tpu.memory_space<semaphore_mem>>
        %dma_start3A_243 = tpu.memref_slice %arg2[%multiple_of3A_222] : memref<160000xi32, #tpu.memory_space<hbm>> -> memref<128xi32, #tpu.memory_space<hbm>>
        %dma_start3A_244 = tpu.memref_slice %arg2[%multiple_of3A_222] : memref<160000xi32, #tpu.memory_space<hbm>> -> memref<128xi32, #tpu.memory_space<hbm>>
        tpu.enqueue_dma source(%dma_start3A_244 : memref<128xi32, #tpu.memory_space<hbm>>) target(%arg10 : memref<128xi32, #tpu.memory_space<vmem>>) target_semaphore(%run_scoped3A : memref<!tpu.dma_semaphore, #tpu.memory_space<semaphore_mem>>)
        %dma_wait3A_245 = tpu.memref_slice %arg2[%multiple_of3A_222] : memref<160000xi32, #tpu.memory_space<hbm>> -> memref<128xi32, #tpu.memory_space<hbm>>
        %dma_wait3A_246 = tpu.memref_slice %arg2[%multiple_of3A_222] : memref<160000xi32, #tpu.memory_space<hbm>> -> memref<128xi32, #tpu.memory_space<hbm>>
        tpu.wait_dma2 semaphore(%run_scoped3A : memref<!tpu.dma_semaphore, #tpu.memory_space<semaphore_mem>>) src(%dma_wait3A_246 : memref<128xi32, #tpu.memory_space<hbm>>) dst(%arg10 : memref<128xi32, #tpu.memory_space<vmem>>)
        tpu.yield
      }) : () -> ()
      "tpu.region"() ({
        %run_scoped3A = tpu.sem_alloc : memref<!tpu.dma_semaphore, #tpu.memory_space<semaphore_mem>>
        %dma_start3A_243 = tpu.memref_slice %arg3[%multiple_of3A_222] : memref<160000xi32, #tpu.memory_space<hbm>> -> memref<128xi32, #tpu.memory_space<hbm>>
        %dma_start3A_244 = tpu.memref_slice %arg3[%multiple_of3A_222] : memref<160000xi32, #tpu.memory_space<hbm>> -> memref<128xi32, #tpu.memory_space<hbm>>
        tpu.enqueue_dma source(%dma_start3A_244 : memref<128xi32, #tpu.memory_space<hbm>>) target(%arg11 : memref<128xi32, #tpu.memory_space<vmem>>) target_semaphore(%run_scoped3A : memref<!tpu.dma_semaphore, #tpu.memory_space<semaphore_mem>>)
        %dma_wait3A_245 = tpu.memref_slice %arg3[%multiple_of3A_222] : memref<160000xi32, #tpu.memory_space<hbm>> -> memref<128xi32, #tpu.memory_space<hbm>>
        %dma_wait3A_246 = tpu.memref_slice %arg3[%multiple_of3A_222] : memref<160000xi32, #tpu.memory_space<hbm>> -> memref<128xi32, #tpu.memory_space<hbm>>
        tpu.wait_dma2 semaphore(%run_scoped3A : memref<!tpu.dma_semaphore, #tpu.memory_space<semaphore_mem>>) src(%dma_wait3A_246 : memref<128xi32, #tpu.memory_space<hbm>>) dst(%arg11 : memref<128xi32, #tpu.memory_space<vmem>>)
        tpu.yield
      }) : () -> ()
      %dma_start3A_237 = arith.constant 0 : i32
      %dma_start3A_238 = arith.constant 0 : i32
      %dma_start3A_239 = tpu.memref_slice %arg4[%dma_start3A_237, %dma_start3A_238] : memref<10000x128xf32, #tpu.memory_space<hbm>> -> memref<10000x128xf32, #tpu.memory_space<hbm>>
      tpu.enqueue_indirect_dma source(%dma_start3A_239 : memref<10000x128xf32, #tpu.memory_space<hbm>>) target(%arg14 : memref<128x128xf32, #tpu.memory_space<vmem>>) offsets(%arg11 : memref<128xi32, #tpu.memory_space<vmem>>) semaphore(%arg17 : memref<!tpu.dma_semaphore, #tpu.memory_space<semaphore_mem>>)
      %dma_start3A_240 = arith.constant 0 : i32
      %dma_start3A_241 = arith.constant 0 : i32
      %dma_start3A_242 = tpu.memref_slice %arg5[%dma_start3A_240, %dma_start3A_241] : memref<10000x128xf32, #tpu.memory_space<hbm>> -> memref<10000x128xf32, #tpu.memory_space<hbm>>
      tpu.enqueue_indirect_dma source(%dma_start3A_242 : memref<10000x128xf32, #tpu.memory_space<hbm>>) target(%arg15 : memref<128x128xf32, #tpu.memory_space<vmem>>) offsets(%arg10 : memref<128xi32, #tpu.memory_space<vmem>>) semaphore(%arg17 : memref<!tpu.dma_semaphore, #tpu.memory_space<semaphore_mem>>)
    }
    %scan3A_24 = arith.constant 18 : i32
    %add3A_25 = arith.constant 4608 : i32
    %add3A_26 = arith.addi %multiple_of3A, %add3A_25 : i32
    %multiple_of3A_27 = tpu.assume_multiple %add3A_26, 8 : i32
    %dma_wait3A = arith.constant 0 : i32
    %dma_wait3A_28 = arith.constant 0 : i32
    %dma_wait3A_29 = tpu.memref_slice %arg4[%dma_wait3A, %dma_wait3A_28] : memref<10000x128xf32, #tpu.memory_space<hbm>> -> memref<10000x128xf32, #tpu.memory_space<hbm>>
    tpu.wait_indirect_dma semaphore(%arg16 : memref<!tpu.dma_semaphore, #tpu.memory_space<semaphore_mem>>) src(%dma_wait3A_29 : memref<10000x128xf32, #tpu.memory_space<hbm>>) dst(%arg12 : memref<128x128xf32, #tpu.memory_space<vmem>>)
    %dma_wait3A_30 = arith.constant 0 : i32
    %dma_wait3A_31 = arith.constant 0 : i32
    %dma_wait3A_32 = tpu.memref_slice %arg5[%dma_wait3A_30, %dma_wait3A_31] : memref<10000x128xf32, #tpu.memory_space<hbm>> -> memref<10000x128xf32, #tpu.memory_space<hbm>>
    tpu.wait_indirect_dma semaphore(%arg16 : memref<!tpu.dma_semaphore, #tpu.memory_space<semaphore_mem>>) src(%dma_wait3A_32 : memref<10000x128xf32, #tpu.memory_space<hbm>>) dst(%arg13 : memref<128x128xf32, #tpu.memory_space<vmem>>)
    %dma_start3A_33 = arith.constant 0 : i32
    %dma_start3A_34 = tpu.memref_slice %arg6[%multiple_of3A_27, %dma_start3A_33] : memref<160000x128xf32, #tpu.memory_space<hbm>> -> memref<128x128xf32, #tpu.memory_space<hbm>>
    %dma_start3A_35 = arith.constant 0 : i32
    %dma_start3A_36 = tpu.memref_slice %arg6[%multiple_of3A_27, %dma_start3A_35] : memref<160000x128xf32, #tpu.memory_space<hbm>> -> memref<128x128xf32, #tpu.memory_space<hbm>>
    tpu.enqueue_dma source(%arg12 : memref<128x128xf32, #tpu.memory_space<vmem>>) target(%dma_start3A_36 : memref<128x128xf32, #tpu.memory_space<hbm>>) target_semaphore(%arg18 : memref<!tpu.dma_semaphore, #tpu.memory_space<semaphore_mem>>)
    %dma_start3A_37 = arith.constant 0 : i32
    %dma_start3A_38 = tpu.memref_slice %arg7[%multiple_of3A_27, %dma_start3A_37] : memref<160000x128xf32, #tpu.memory_space<hbm>> -> memref<128x128xf32, #tpu.memory_space<hbm>>
    %dma_start3A_39 = arith.constant 0 : i32
    %dma_start3A_40 = tpu.memref_slice %arg7[%multiple_of3A_27, %dma_start3A_39] : memref<160000x128xf32, #tpu.memory_space<hbm>> -> memref<128x128xf32, #tpu.memory_space<hbm>>
    tpu.enqueue_dma source(%arg13 : memref<128x128xf32, #tpu.memory_space<vmem>>) target(%dma_start3A_40 : memref<128x128xf32, #tpu.memory_space<hbm>>) target_semaphore(%arg18 : memref<!tpu.dma_semaphore, #tpu.memory_space<semaphore_mem>>)
    %add3A_41 = arith.constant 4864 : i32
    %add3A_42 = arith.addi %multiple_of3A, %add3A_41 : i32
    %multiple_of3A_43 = tpu.assume_multiple %add3A_42, 8 : i32
    %add3A_44 = arith.constant 4608 : i32
    %add3A_45 = arith.addi %multiple_of3A, %add3A_44 : i32
    %multiple_of3A_46 = tpu.assume_multiple %add3A_45, 8 : i32
    %dma_wait3A_47 = arith.constant 0 : i32
    %dma_wait3A_48 = tpu.memref_slice %arg6[%multiple_of3A_46, %dma_wait3A_47] : memref<160000x128xf32, #tpu.memory_space<hbm>> -> memref<128x128xf32, #tpu.memory_space<hbm>>
    %dma_wait3A_49 = arith.constant 0 : i32
    %dma_wait3A_50 = tpu.memref_slice %arg6[%multiple_of3A_46, %dma_wait3A_49] : memref<160000x128xf32, #tpu.memory_space<hbm>> -> memref<128x128xf32, #tpu.memory_space<hbm>>
    tpu.wait_dma2 semaphore(%arg18 : memref<!tpu.dma_semaphore, #tpu.memory_space<semaphore_mem>>) src(%arg12 : memref<128x128xf32, #tpu.memory_space<vmem>>) dst(%dma_wait3A_50 : memref<128x128xf32, #tpu.memory_space<hbm>>)
    %dma_wait3A_51 = arith.constant 0 : i32
    %dma_wait3A_52 = tpu.memref_slice %arg7[%multiple_of3A_46, %dma_wait3A_51] : memref<160000x128xf32, #tpu.memory_space<hbm>> -> memref<128x128xf32, #tpu.memory_space<hbm>>
    %dma_wait3A_53 = arith.constant 0 : i32
    %dma_wait3A_54 = tpu.memref_slice %arg7[%multiple_of3A_46, %dma_wait3A_53] : memref<160000x128xf32, #tpu.memory_space<hbm>> -> memref<128x128xf32, #tpu.memory_space<hbm>>
    tpu.wait_dma2 semaphore(%arg18 : memref<!tpu.dma_semaphore, #tpu.memory_space<semaphore_mem>>) src(%arg13 : memref<128x128xf32, #tpu.memory_space<vmem>>) dst(%dma_wait3A_54 : memref<128x128xf32, #tpu.memory_space<hbm>>)
    "tpu.region"() ({
      %run_scoped3A = tpu.sem_alloc : memref<!tpu.dma_semaphore, #tpu.memory_space<semaphore_mem>>
      %dma_start3A_152 = tpu.memref_slice %arg2[%multiple_of3A_43] : memref<160000xi32, #tpu.memory_space<hbm>> -> memref<128xi32, #tpu.memory_space<hbm>>
      %dma_start3A_153 = tpu.memref_slice %arg2[%multiple_of3A_43] : memref<160000xi32, #tpu.memory_space<hbm>> -> memref<128xi32, #tpu.memory_space<hbm>>
      tpu.enqueue_dma source(%dma_start3A_153 : memref<128xi32, #tpu.memory_space<hbm>>) target(%arg8 : memref<128xi32, #tpu.memory_space<vmem>>) target_semaphore(%run_scoped3A : memref<!tpu.dma_semaphore, #tpu.memory_space<semaphore_mem>>)
      %dma_wait3A_154 = tpu.memref_slice %arg2[%multiple_of3A_43] : memref<160000xi32, #tpu.memory_space<hbm>> -> memref<128xi32, #tpu.memory_space<hbm>>
      %dma_wait3A_155 = tpu.memref_slice %arg2[%multiple_of3A_43] : memref<160000xi32, #tpu.memory_space<hbm>> -> memref<128xi32, #tpu.memory_space<hbm>>
      tpu.wait_dma2 semaphore(%run_scoped3A : memref<!tpu.dma_semaphore, #tpu.memory_space<semaphore_mem>>) src(%dma_wait3A_155 : memref<128xi32, #tpu.memory_space<hbm>>) dst(%arg8 : memref<128xi32, #tpu.memory_space<vmem>>)
      tpu.yield
    }) : () -> ()
    "tpu.region"() ({
      %run_scoped3A = tpu.sem_alloc : memref<!tpu.dma_semaphore, #tpu.memory_space<semaphore_mem>>
      %dma_start3A_152 = tpu.memref_slice %arg3[%multiple_of3A_43] : memref<160000xi32, #tpu.memory_space<hbm>> -> memref<128xi32, #tpu.memory_space<hbm>>
      %dma_start3A_153 = tpu.memref_slice %arg3[%multiple_of3A_43] : memref<160000xi32, #tpu.memory_space<hbm>> -> memref<128xi32, #tpu.memory_space<hbm>>
      tpu.enqueue_dma source(%dma_start3A_153 : memref<128xi32, #tpu.memory_space<hbm>>) target(%arg9 : memref<128xi32, #tpu.memory_space<vmem>>) target_semaphore(%run_scoped3A : memref<!tpu.dma_semaphore, #tpu.memory_space<semaphore_mem>>)
      %dma_wait3A_154 = tpu.memref_slice %arg3[%multiple_of3A_43] : memref<160000xi32, #tpu.memory_space<hbm>> -> memref<128xi32, #tpu.memory_space<hbm>>
      %dma_wait3A_155 = tpu.memref_slice %arg3[%multiple_of3A_43] : memref<160000xi32, #tpu.memory_space<hbm>> -> memref<128xi32, #tpu.memory_space<hbm>>
      tpu.wait_dma2 semaphore(%run_scoped3A : memref<!tpu.dma_semaphore, #tpu.memory_space<semaphore_mem>>) src(%dma_wait3A_155 : memref<128xi32, #tpu.memory_space<hbm>>) dst(%arg9 : memref<128xi32, #tpu.memory_space<vmem>>)
      tpu.yield
    }) : () -> ()
    %dma_start3A_55 = arith.constant 0 : i32
    %dma_start3A_56 = arith.constant 0 : i32
    %dma_start3A_57 = tpu.memref_slice %arg4[%dma_start3A_55, %dma_start3A_56] : memref<10000x128xf32, #tpu.memory_space<hbm>> -> memref<10000x128xf32, #tpu.memory_space<hbm>>
    tpu.enqueue_indirect_dma source(%dma_start3A_57 : memref<10000x128xf32, #tpu.memory_space<hbm>>) target(%arg12 : memref<128x128xf32, #tpu.memory_space<vmem>>) offsets(%arg9 : memref<128xi32, #tpu.memory_space<vmem>>) semaphore(%arg16 : memref<!tpu.dma_semaphore, #tpu.memory_space<semaphore_mem>>)
    %dma_start3A_58 = arith.constant 0 : i32
    %dma_start3A_59 = arith.constant 0 : i32
    %dma_start3A_60 = tpu.memref_slice %arg5[%dma_start3A_58, %dma_start3A_59] : memref<10000x128xf32, #tpu.memory_space<hbm>> -> memref<10000x128xf32, #tpu.memory_space<hbm>>
    tpu.enqueue_indirect_dma source(%dma_start3A_60 : memref<10000x128xf32, #tpu.memory_space<hbm>>) target(%arg13 : memref<128x128xf32, #tpu.memory_space<vmem>>) offsets(%arg8 : memref<128xi32, #tpu.memory_space<vmem>>) semaphore(%arg16 : memref<!tpu.dma_semaphore, #tpu.memory_space<semaphore_mem>>)
    %add3A_61 = arith.constant 4736 : i32
    %add3A_62 = arith.addi %multiple_of3A, %add3A_61 : i32
    %multiple_of3A_63 = tpu.assume_multiple %add3A_62, 8 : i32
    %dma_wait3A_64 = arith.constant 0 : i32
    %dma_wait3A_65 = arith.constant 0 : i32
    %dma_wait3A_66 = tpu.memref_slice %arg4[%dma_wait3A_64, %dma_wait3A_65] : memref<10000x128xf32, #tpu.memory_space<hbm>> -> memref<10000x128xf32, #tpu.memory_space<hbm>>
    tpu.wait_indirect_dma semaphore(%arg17 : memref<!tpu.dma_semaphore, #tpu.memory_space<semaphore_mem>>) src(%dma_wait3A_66 : memref<10000x128xf32, #tpu.memory_space<hbm>>) dst(%arg14 : memref<128x128xf32, #tpu.memory_space<vmem>>)
    %dma_wait3A_67 = arith.constant 0 : i32
    %dma_wait3A_68 = arith.constant 0 : i32
    %dma_wait3A_69 = tpu.memref_slice %arg5[%dma_wait3A_67, %dma_wait3A_68] : memref<10000x128xf32, #tpu.memory_space<hbm>> -> memref<10000x128xf32, #tpu.memory_space<hbm>>
    tpu.wait_indirect_dma semaphore(%arg17 : memref<!tpu.dma_semaphore, #tpu.memory_space<semaphore_mem>>) src(%dma_wait3A_69 : memref<10000x128xf32, #tpu.memory_space<hbm>>) dst(%arg15 : memref<128x128xf32, #tpu.memory_space<vmem>>)
    %dma_start3A_70 = arith.constant 0 : i32
    %dma_start3A_71 = tpu.memref_slice %arg6[%multiple_of3A_63, %dma_start3A_70] : memref<160000x128xf32, #tpu.memory_space<hbm>> -> memref<128x128xf32, #tpu.memory_space<hbm>>
    %dma_start3A_72 = arith.constant 0 : i32
    %dma_start3A_73 = tpu.memref_slice %arg6[%multiple_of3A_63, %dma_start3A_72] : memref<160000x128xf32, #tpu.memory_space<hbm>> -> memref<128x128xf32, #tpu.memory_space<hbm>>
    tpu.enqueue_dma source(%arg14 : memref<128x128xf32, #tpu.memory_space<vmem>>) target(%dma_start3A_73 : memref<128x128xf32, #tpu.memory_space<hbm>>) target_semaphore(%arg19 : memref<!tpu.dma_semaphore, #tpu.memory_space<semaphore_mem>>)
    %dma_start3A_74 = arith.constant 0 : i32
    %dma_start3A_75 = tpu.memref_slice %arg7[%multiple_of3A_63, %dma_start3A_74] : memref<160000x128xf32, #tpu.memory_space<hbm>> -> memref<128x128xf32, #tpu.memory_space<hbm>>
    %dma_start3A_76 = arith.constant 0 : i32
    %dma_start3A_77 = tpu.memref_slice %arg7[%multiple_of3A_63, %dma_start3A_76] : memref<160000x128xf32, #tpu.memory_space<hbm>> -> memref<128x128xf32, #tpu.memory_space<hbm>>
    tpu.enqueue_dma source(%arg15 : memref<128x128xf32, #tpu.memory_space<vmem>>) target(%dma_start3A_77 : memref<128x128xf32, #tpu.memory_space<hbm>>) target_semaphore(%arg19 : memref<!tpu.dma_semaphore, #tpu.memory_space<semaphore_mem>>)
    %add3A_78 = arith.constant 4864 : i32
    %add3A_79 = arith.addi %multiple_of3A, %add3A_78 : i32
    %multiple_of3A_80 = tpu.assume_multiple %add3A_79, 8 : i32
    %dma_wait3A_81 = arith.constant 0 : i32
    %dma_wait3A_82 = arith.constant 0 : i32
    %dma_wait3A_83 = tpu.memref_slice %arg4[%dma_wait3A_81, %dma_wait3A_82] : memref<10000x128xf32, #tpu.memory_space<hbm>> -> memref<10000x128xf32, #tpu.memory_space<hbm>>
    tpu.wait_indirect_dma semaphore(%arg16 : memref<!tpu.dma_semaphore, #tpu.memory_space<semaphore_mem>>) src(%dma_wait3A_83 : memref<10000x128xf32, #tpu.memory_space<hbm>>) dst(%arg12 : memref<128x128xf32, #tpu.memory_space<vmem>>)
    %dma_wait3A_84 = arith.constant 0 : i32
    %dma_wait3A_85 = arith.constant 0 : i32
    %dma_wait3A_86 = tpu.memref_slice %arg5[%dma_wait3A_84, %dma_wait3A_85] : memref<10000x128xf32, #tpu.memory_space<hbm>> -> memref<10000x128xf32, #tpu.memory_space<hbm>>
    tpu.wait_indirect_dma semaphore(%arg16 : memref<!tpu.dma_semaphore, #tpu.memory_space<semaphore_mem>>) src(%dma_wait3A_86 : memref<10000x128xf32, #tpu.memory_space<hbm>>) dst(%arg13 : memref<128x128xf32, #tpu.memory_space<vmem>>)
    %dma_start3A_87 = arith.constant 0 : i32
    %dma_start3A_88 = tpu.memref_slice %arg6[%multiple_of3A_80, %dma_start3A_87] : memref<160000x128xf32, #tpu.memory_space<hbm>> -> memref<128x128xf32, #tpu.memory_space<hbm>>
    %dma_start3A_89 = arith.constant 0 : i32
    %dma_start3A_90 = tpu.memref_slice %arg6[%multiple_of3A_80, %dma_start3A_89] : memref<160000x128xf32, #tpu.memory_space<hbm>> -> memref<128x128xf32, #tpu.memory_space<hbm>>
    tpu.enqueue_dma source(%arg12 : memref<128x128xf32, #tpu.memory_space<vmem>>) target(%dma_start3A_90 : memref<128x128xf32, #tpu.memory_space<hbm>>) target_semaphore(%arg18 : memref<!tpu.dma_semaphore, #tpu.memory_space<semaphore_mem>>)
    %dma_start3A_91 = arith.constant 0 : i32
    %dma_start3A_92 = tpu.memref_slice %arg7[%multiple_of3A_80, %dma_start3A_91] : memref<160000x128xf32, #tpu.memory_space<hbm>> -> memref<128x128xf32, #tpu.memory_space<hbm>>
    %dma_start3A_93 = arith.constant 0 : i32
    %dma_start3A_94 = tpu.memref_slice %arg7[%multiple_of3A_80, %dma_start3A_93] : memref<160000x128xf32, #tpu.memory_space<hbm>> -> memref<128x128xf32, #tpu.memory_space<hbm>>
    tpu.enqueue_dma source(%arg13 : memref<128x128xf32, #tpu.memory_space<vmem>>) target(%dma_start3A_94 : memref<128x128xf32, #tpu.memory_space<hbm>>) target_semaphore(%arg18 : memref<!tpu.dma_semaphore, #tpu.memory_space<semaphore_mem>>)
    %add3A_95 = arith.constant 4736 : i32
    %add3A_96 = arith.addi %multiple_of3A, %add3A_95 : i32
    %multiple_of3A_97 = tpu.assume_multiple %add3A_96, 8 : i32
    %dma_wait3A_98 = arith.constant 0 : i32
    %dma_wait3A_99 = tpu.memref_slice %arg6[%multiple_of3A_97, %dma_wait3A_98] : memref<160000x128xf32, #tpu.memory_space<hbm>> -> memref<128x128xf32, #tpu.memory_space<hbm>>
    %dma_wait3A_100 = arith.constant 0 : i32
    %dma_wait3A_101 = tpu.memref_slice %arg6[%multiple_of3A_97, %dma_wait3A_100] : memref<160000x128xf32, #tpu.memory_space<hbm>> -> memref<128x128xf32, #tpu.memory_space<hbm>>
    tpu.wait_dma2 semaphore(%arg19 : memref<!tpu.dma_semaphore, #tpu.memory_space<semaphore_mem>>) src(%arg14 : memref<128x128xf32, #tpu.memory_space<vmem>>) dst(%dma_wait3A_101 : memref<128x128xf32, #tpu.memory_space<hbm>>)
    %dma_wait3A_102 = arith.constant 0 : i32
    %dma_wait3A_103 = tpu.memref_slice %arg7[%multiple_of3A_97, %dma_wait3A_102] : memref<160000x128xf32, #tpu.memory_space<hbm>> -> memref<128x128xf32, #tpu.memory_space<hbm>>
    %dma_wait3A_104 = arith.constant 0 : i32
    %dma_wait3A_105 = tpu.memref_slice %arg7[%multiple_of3A_97, %dma_wait3A_104] : memref<160000x128xf32, #tpu.memory_space<hbm>> -> memref<128x128xf32, #tpu.memory_space<hbm>>
    tpu.wait_dma2 semaphore(%arg19 : memref<!tpu.dma_semaphore, #tpu.memory_space<semaphore_mem>>) src(%arg15 : memref<128x128xf32, #tpu.memory_space<vmem>>) dst(%dma_wait3A_105 : memref<128x128xf32, #tpu.memory_space<hbm>>)
    %add3A_106 = arith.constant 4864 : i32
    %add3A_107 = arith.addi %multiple_of3A, %add3A_106 : i32
    %multiple_of3A_108 = tpu.assume_multiple %add3A_107, 8 : i32
    %dma_wait3A_109 = arith.constant 0 : i32
    %dma_wait3A_110 = tpu.memref_slice %arg6[%multiple_of3A_108, %dma_wait3A_109] : memref<160000x128xf32, #tpu.memory_space<hbm>> -> memref<128x128xf32, #tpu.memory_space<hbm>>
    %dma_wait3A_111 = arith.constant 0 : i32
    %dma_wait3A_112 = tpu.memref_slice %arg6[%multiple_of3A_108, %dma_wait3A_111] : memref<160000x128xf32, #tpu.memory_space<hbm>> -> memref<128x128xf32, #tpu.memory_space<hbm>>
    tpu.wait_dma2 semaphore(%arg18 : memref<!tpu.dma_semaphore, #tpu.memory_space<semaphore_mem>>) src(%arg12 : memref<128x128xf32, #tpu.memory_space<vmem>>) dst(%dma_wait3A_112 : memref<128x128xf32, #tpu.memory_space<hbm>>)
    %dma_wait3A_113 = arith.constant 0 : i32
    %dma_wait3A_114 = tpu.memref_slice %arg7[%multiple_of3A_108, %dma_wait3A_113] : memref<160000x128xf32, #tpu.memory_space<hbm>> -> memref<128x128xf32, #tpu.memory_space<hbm>>
    %dma_wait3A_115 = arith.constant 0 : i32
    %dma_wait3A_116 = tpu.memref_slice %arg7[%multiple_of3A_108, %dma_wait3A_115] : memref<160000x128xf32, #tpu.memory_space<hbm>> -> memref<128x128xf32, #tpu.memory_space<hbm>>
    tpu.wait_dma2 semaphore(%arg18 : memref<!tpu.dma_semaphore, #tpu.memory_space<semaphore_mem>>) src(%arg13 : memref<128x128xf32, #tpu.memory_space<vmem>>) dst(%dma_wait3A_116 : memref<128x128xf32, #tpu.memory_space<hbm>>)
    %add3A_117 = arith.constant 4992 : i32
    %add3A_118 = arith.addi %multiple_of3A, %add3A_117 : i32
    %multiple_of3A_119 = tpu.assume_multiple %add3A_118, 8 : i32
    "tpu.region"() ({
      %run_scoped3A = tpu.sem_alloc : memref<!tpu.dma_semaphore, #tpu.memory_space<semaphore_mem>>
      %dma_start3A_152 = arith.constant 0 : i32
      %dma_start3A_153 = tpu.memref_slice %arg10[%dma_start3A_152] : memref<128xi32, #tpu.memory_space<vmem>> -> memref<8xi32, #tpu.memory_space<vmem>>
      %dma_start3A_154 = tpu.memref_slice %arg2[%multiple_of3A_119] : memref<160000xi32, #tpu.memory_space<hbm>> -> memref<8xi32, #tpu.memory_space<hbm>>
      %dma_start3A_155 = arith.constant 0 : i32
      %dma_start3A_156 = tpu.memref_slice %arg10[%dma_start3A_155] : memref<128xi32, #tpu.memory_space<vmem>> -> memref<8xi32, #tpu.memory_space<vmem>>
      %dma_start3A_157 = tpu.memref_slice %arg2[%multiple_of3A_119] : memref<160000xi32, #tpu.memory_space<hbm>> -> memref<8xi32, #tpu.memory_space<hbm>>
      tpu.enqueue_dma source(%dma_start3A_157 : memref<8xi32, #tpu.memory_space<hbm>>) target(%dma_start3A_156 : memref<8xi32, #tpu.memory_space<vmem>>) target_semaphore(%run_scoped3A : memref<!tpu.dma_semaphore, #tpu.memory_space<semaphore_mem>>)
      %dma_wait3A_158 = arith.constant 0 : i32
      %dma_wait3A_159 = tpu.memref_slice %arg10[%dma_wait3A_158] : memref<128xi32, #tpu.memory_space<vmem>> -> memref<8xi32, #tpu.memory_space<vmem>>
      %dma_wait3A_160 = tpu.memref_slice %arg2[%multiple_of3A_119] : memref<160000xi32, #tpu.memory_space<hbm>> -> memref<8xi32, #tpu.memory_space<hbm>>
      %dma_wait3A_161 = arith.constant 0 : i32
      %dma_wait3A_162 = tpu.memref_slice %arg10[%dma_wait3A_161] : memref<128xi32, #tpu.memory_space<vmem>> -> memref<8xi32, #tpu.memory_space<vmem>>
      %dma_wait3A_163 = tpu.memref_slice %arg2[%multiple_of3A_119] : memref<160000xi32, #tpu.memory_space<hbm>> -> memref<8xi32, #tpu.memory_space<hbm>>
      tpu.wait_dma2 semaphore(%run_scoped3A : memref<!tpu.dma_semaphore, #tpu.memory_space<semaphore_mem>>) src(%dma_wait3A_163 : memref<8xi32, #tpu.memory_space<hbm>>) dst(%dma_wait3A_162 : memref<8xi32, #tpu.memory_space<vmem>>)
      tpu.yield
    }) : () -> ()
    "tpu.region"() ({
      %run_scoped3A = tpu.sem_alloc : memref<!tpu.dma_semaphore, #tpu.memory_space<semaphore_mem>>
      %dma_start3A_152 = arith.constant 0 : i32
      %dma_start3A_153 = tpu.memref_slice %arg11[%dma_start3A_152] : memref<128xi32, #tpu.memory_space<vmem>> -> memref<8xi32, #tpu.memory_space<vmem>>
      %dma_start3A_154 = tpu.memref_slice %arg3[%multiple_of3A_119] : memref<160000xi32, #tpu.memory_space<hbm>> -> memref<8xi32, #tpu.memory_space<hbm>>
      %dma_start3A_155 = arith.constant 0 : i32
      %dma_start3A_156 = tpu.memref_slice %arg11[%dma_start3A_155] : memref<128xi32, #tpu.memory_space<vmem>> -> memref<8xi32, #tpu.memory_space<vmem>>
      %dma_start3A_157 = tpu.memref_slice %arg3[%multiple_of3A_119] : memref<160000xi32, #tpu.memory_space<hbm>> -> memref<8xi32, #tpu.memory_space<hbm>>
      tpu.enqueue_dma source(%dma_start3A_157 : memref<8xi32, #tpu.memory_space<hbm>>) target(%dma_start3A_156 : memref<8xi32, #tpu.memory_space<vmem>>) target_semaphore(%run_scoped3A : memref<!tpu.dma_semaphore, #tpu.memory_space<semaphore_mem>>)
      %dma_wait3A_158 = arith.constant 0 : i32
      %dma_wait3A_159 = tpu.memref_slice %arg11[%dma_wait3A_158] : memref<128xi32, #tpu.memory_space<vmem>> -> memref<8xi32, #tpu.memory_space<vmem>>
      %dma_wait3A_160 = tpu.memref_slice %arg3[%multiple_of3A_119] : memref<160000xi32, #tpu.memory_space<hbm>> -> memref<8xi32, #tpu.memory_space<hbm>>
      %dma_wait3A_161 = arith.constant 0 : i32
      %dma_wait3A_162 = tpu.memref_slice %arg11[%dma_wait3A_161] : memref<128xi32, #tpu.memory_space<vmem>> -> memref<8xi32, #tpu.memory_space<vmem>>
      %dma_wait3A_163 = tpu.memref_slice %arg3[%multiple_of3A_119] : memref<160000xi32, #tpu.memory_space<hbm>> -> memref<8xi32, #tpu.memory_space<hbm>>
      tpu.wait_dma2 semaphore(%run_scoped3A : memref<!tpu.dma_semaphore, #tpu.memory_space<semaphore_mem>>) src(%dma_wait3A_163 : memref<8xi32, #tpu.memory_space<hbm>>) dst(%dma_wait3A_162 : memref<8xi32, #tpu.memory_space<vmem>>)
      tpu.yield
    }) : () -> ()
    %dma_start3A_120 = arith.constant 0 : i32
    %dma_start3A_121 = arith.constant 0 : i32
    %dma_start3A_122 = tpu.memref_slice %arg14[%dma_start3A_120, %dma_start3A_121] : memref<128x128xf32, #tpu.memory_space<vmem>> -> memref<8x128xf32, #tpu.memory_space<vmem>>
    %dma_start3A_123 = arith.constant 0 : i32
    %dma_start3A_124 = tpu.memref_slice %arg11[%dma_start3A_123] : memref<128xi32, #tpu.memory_space<vmem>> -> memref<8xi32, #tpu.memory_space<vmem>>
    %dma_start3A_125 = arith.constant 0 : i32
    %dma_start3A_126 = arith.constant 0 : i32
    %dma_start3A_127 = tpu.memref_slice %arg4[%dma_start3A_125, %dma_start3A_126] : memref<10000x128xf32, #tpu.memory_space<hbm>> -> memref<10000x128xf32, #tpu.memory_space<hbm>>
    tpu.enqueue_indirect_dma source(%dma_start3A_127 : memref<10000x128xf32, #tpu.memory_space<hbm>>) target(%dma_start3A_122 : memref<8x128xf32, #tpu.memory_space<vmem>>) offsets(%dma_start3A_124 : memref<8xi32, #tpu.memory_space<vmem>>) semaphore(%arg17 : memref<!tpu.dma_semaphore, #tpu.memory_space<semaphore_mem>>)
    %dma_start3A_128 = arith.constant 0 : i32
    %dma_start3A_129 = arith.constant 0 : i32
    %dma_start3A_130 = tpu.memref_slice %arg15[%dma_start3A_128, %dma_start3A_129] : memref<128x128xf32, #tpu.memory_space<vmem>> -> memref<8x128xf32, #tpu.memory_space<vmem>>
    %dma_start3A_131 = arith.constant 0 : i32
    %dma_start3A_132 = tpu.memref_slice %arg10[%dma_start3A_131] : memref<128xi32, #tpu.memory_space<vmem>> -> memref<8xi32, #tpu.memory_space<vmem>>
    %dma_start3A_133 = arith.constant 0 : i32
    %dma_start3A_134 = arith.constant 0 : i32
    %dma_start3A_135 = tpu.memref_slice %arg5[%dma_start3A_133, %dma_start3A_134] : memref<10000x128xf32, #tpu.memory_space<hbm>> -> memref<10000x128xf32, #tpu.memory_space<hbm>>
    tpu.enqueue_indirect_dma source(%dma_start3A_135 : memref<10000x128xf32, #tpu.memory_space<hbm>>) target(%dma_start3A_130 : memref<8x128xf32, #tpu.memory_space<vmem>>) offsets(%dma_start3A_132 : memref<8xi32, #tpu.memory_space<vmem>>) semaphore(%arg17 : memref<!tpu.dma_semaphore, #tpu.memory_space<semaphore_mem>>)
    %dma_wait3A_136 = arith.constant 0 : i32
    %dma_wait3A_137 = arith.constant 0 : i32
    %dma_wait3A_138 = tpu.memref_slice %arg14[%dma_wait3A_136, %dma_wait3A_137] : memref<128x128xf32, #tpu.memory_space<vmem>> -> memref<8x128xf32, #tpu.memory_space<vmem>>
    %dma_wait3A_139 = arith.constant 0 : i32
    %dma_wait3A_140 = tpu.memref_slice %arg11[%dma_wait3A_139] : memref<128xi32, #tpu.memory_space<vmem>> -> memref<8xi32, #tpu.memory_space<vmem>>
    %dma_wait3A_141 = arith.constant 0 : i32
    %dma_wait3A_142 = arith.constant 0 : i32
    %dma_wait3A_143 = tpu.memref_slice %arg4[%dma_wait3A_141, %dma_wait3A_142] : memref<10000x128xf32, #tpu.memory_space<hbm>> -> memref<10000x128xf32, #tpu.memory_space<hbm>>
    tpu.wait_indirect_dma semaphore(%arg17 : memref<!tpu.dma_semaphore, #tpu.memory_space<semaphore_mem>>) src(%dma_wait3A_143 : memref<10000x128xf32, #tpu.memory_space<hbm>>) dst(%dma_wait3A_138 : memref<8x128xf32, #tpu.memory_space<vmem>>)
    %dma_wait3A_144 = arith.constant 0 : i32
    %dma_wait3A_145 = arith.constant 0 : i32
    %dma_wait3A_146 = tpu.memref_slice %arg15[%dma_wait3A_144, %dma_wait3A_145] : memref<128x128xf32, #tpu.memory_space<vmem>> -> memref<8x128xf32, #tpu.memory_space<vmem>>
    %dma_wait3A_147 = arith.constant 0 : i32
    %dma_wait3A_148 = tpu.memref_slice %arg10[%dma_wait3A_147] : memref<128xi32, #tpu.memory_space<vmem>> -> memref<8xi32, #tpu.memory_space<vmem>>
    %dma_wait3A_149 = arith.constant 0 : i32
    %dma_wait3A_150 = arith.constant 0 : i32
    %dma_wait3A_151 = tpu.memref_slice %arg5[%dma_wait3A_149, %dma_wait3A_150] : memref<10000x128xf32, #tpu.memory_space<hbm>> -> memref<10000x128xf32, #tpu.memory_space<hbm>>
    tpu.wait_indirect_dma semaphore(%arg17 : memref<!tpu.dma_semaphore, #tpu.memory_space<semaphore_mem>>) src(%dma_wait3A_151 : memref<10000x128xf32, #tpu.memory_space<hbm>>) dst(%dma_wait3A_146 : memref<8x128xf32, #tpu.memory_space<vmem>>)
    "tpu.region"() ({
      %run_scoped3A = tpu.sem_alloc : memref<!tpu.dma_semaphore, #tpu.memory_space<semaphore_mem>>
      %dma_start3A_152 = arith.constant 0 : i32
      %dma_start3A_153 = arith.constant 0 : i32
      %dma_start3A_154 = tpu.memref_slice %arg14[%dma_start3A_152, %dma_start3A_153] : memref<128x128xf32, #tpu.memory_space<vmem>> -> memref<8x128xf32, #tpu.memory_space<vmem>>
      %dma_start3A_155 = arith.constant 0 : i32
      %dma_start3A_156 = tpu.memref_slice %arg6[%multiple_of3A_119, %dma_start3A_155] : memref<160000x128xf32, #tpu.memory_space<hbm>> -> memref<8x128xf32, #tpu.memory_space<hbm>>
      %dma_start3A_157 = arith.constant 0 : i32
      %dma_start3A_158 = tpu.memref_slice %arg6[%multiple_of3A_119, %dma_start3A_157] : memref<160000x128xf32, #tpu.memory_space<hbm>> -> memref<8x128xf32, #tpu.memory_space<hbm>>
      %dma_start3A_159 = arith.constant 0 : i32
      %dma_start3A_160 = arith.constant 0 : i32
      %dma_start3A_161 = tpu.memref_slice %arg14[%dma_start3A_159, %dma_start3A_160] : memref<128x128xf32, #tpu.memory_space<vmem>> -> memref<8x128xf32, #tpu.memory_space<vmem>>
      tpu.enqueue_dma source(%dma_start3A_161 : memref<8x128xf32, #tpu.memory_space<vmem>>) target(%dma_start3A_158 : memref<8x128xf32, #tpu.memory_space<hbm>>) target_semaphore(%run_scoped3A : memref<!tpu.dma_semaphore, #tpu.memory_space<semaphore_mem>>)
      %dma_wait3A_162 = arith.constant 0 : i32
      %dma_wait3A_163 = arith.constant 0 : i32
      %dma_wait3A_164 = tpu.memref_slice %arg14[%dma_wait3A_162, %dma_wait3A_163] : memref<128x128xf32, #tpu.memory_space<vmem>> -> memref<8x128xf32, #tpu.memory_space<vmem>>
      %dma_wait3A_165 = arith.constant 0 : i32
      %dma_wait3A_166 = tpu.memref_slice %arg6[%multiple_of3A_119, %dma_wait3A_165] : memref<160000x128xf32, #tpu.memory_space<hbm>> -> memref<8x128xf32, #tpu.memory_space<hbm>>
      %dma_wait3A_167 = arith.constant 0 : i32
      %dma_wait3A_168 = tpu.memref_slice %arg6[%multiple_of3A_119, %dma_wait3A_167] : memref<160000x128xf32, #tpu.memory_space<hbm>> -> memref<8x128xf32, #tpu.memory_space<hbm>>
      %dma_wait3A_169 = arith.constant 0 : i32
      %dma_wait3A_170 = arith.constant 0 : i32
      %dma_wait3A_171 = tpu.memref_slice %arg14[%dma_wait3A_169, %dma_wait3A_170] : memref<128x128xf32, #tpu.memory_space<vmem>> -> memref<8x128xf32, #tpu.memory_space<vmem>>
      tpu.wait_dma2 semaphore(%run_scoped3A : memref<!tpu.dma_semaphore, #tpu.memory_space<semaphore_mem>>) src(%dma_wait3A_171 : memref<8x128xf32, #tpu.memory_space<vmem>>) dst(%dma_wait3A_168 : memref<8x128xf32, #tpu.memory_space<hbm>>)
      tpu.yield
    }) : () -> ()
    "tpu.region"() ({
      %run_scoped3A = tpu.sem_alloc : memref<!tpu.dma_semaphore, #tpu.memory_space<semaphore_mem>>
      %dma_start3A_152 = arith.constant 0 : i32
      %dma_start3A_153 = arith.constant 0 : i32
      %dma_start3A_154 = tpu.memref_slice %arg15[%dma_start3A_152, %dma_start3A_153] : memref<128x128xf32, #tpu.memory_space<vmem>> -> memref<8x128xf32, #tpu.memory_space<vmem>>
      %dma_start3A_155 = arith.constant 0 : i32
      %dma_start3A_156 = tpu.memref_slice %arg7[%multiple_of3A_119, %dma_start3A_155] : memref<160000x128xf32, #tpu.memory_space<hbm>> -> memref<8x128xf32, #tpu.memory_space<hbm>>
      %dma_start3A_157 = arith.constant 0 : i32
      %dma_start3A_158 = tpu.memref_slice %arg7[%multiple_of3A_119, %dma_start3A_157] : memref<160000x128xf32, #tpu.memory_space<hbm>> -> memref<8x128xf32, #tpu.memory_space<hbm>>
      %dma_start3A_159 = arith.constant 0 : i32
      %dma_start3A_160 = arith.constant 0 : i32
      %dma_start3A_161 = tpu.memref_slice %arg15[%dma_start3A_159, %dma_start3A_160] : memref<128x128xf32, #tpu.memory_space<vmem>> -> memref<8x128xf32, #tpu.memory_space<vmem>>
      tpu.enqueue_dma source(%dma_start3A_161 : memref<8x128xf32, #tpu.memory_space<vmem>>) target(%dma_start3A_158 : memref<8x128xf32, #tpu.memory_space<hbm>>) target_semaphore(%run_scoped3A : memref<!tpu.dma_semaphore, #tpu.memory_space<semaphore_mem>>)
      %dma_wait3A_162 = arith.constant 0 : i32
      %dma_wait3A_163 = arith.constant 0 : i32
      %dma_wait3A_164 = tpu.memref_slice %arg15[%dma_wait3A_162, %dma_wait3A_163] : memref<128x128xf32, #tpu.memory_space<vmem>> -> memref<8x128xf32, #tpu.memory_space<vmem>>
      %dma_wait3A_165 = arith.constant 0 : i32
      %dma_wait3A_166 = tpu.memref_slice %arg7[%multiple_of3A_119, %dma_wait3A_165] : memref<160000x128xf32, #tpu.memory_space<hbm>> -> memref<8x128xf32, #tpu.memory_space<hbm>>
      %dma_wait3A_167 = arith.constant 0 : i32
      %dma_wait3A_168 = tpu.memref_slice %arg7[%multiple_of3A_119, %dma_wait3A_167] : memref<160000x128xf32, #tpu.memory_space<hbm>> -> memref<8x128xf32, #tpu.memory_space<hbm>>
      %dma_wait3A_169 = arith.constant 0 : i32
      %dma_wait3A_170 = arith.constant 0 : i32
      %dma_wait3A_171 = tpu.memref_slice %arg15[%dma_wait3A_169, %dma_wait3A_170] : memref<128x128xf32, #tpu.memory_space<vmem>> -> memref<8x128xf32, #tpu.memory_space<vmem>>
      tpu.wait_dma2 semaphore(%run_scoped3A : memref<!tpu.dma_semaphore, #tpu.memory_space<semaphore_mem>>) src(%dma_wait3A_171 : memref<8x128xf32, #tpu.memory_space<vmem>>) dst(%dma_wait3A_168 : memref<8x128xf32, #tpu.memory_space<hbm>>)
      tpu.yield
    }) : () -> ()
    return
  }
}

#map = affine_map<(d0, d1) -> (0)>
#map1 = affine_map<(d0, d1) -> (0, 0)>
module attributes {stable_mosaic.version = 14 : i64} {
  func.func @_sc_gather(%arg0: i32, %arg1: i32, %arg2: memref<160000xi32, #tpu.memory_space<hbm>>, %arg3: memref<160000xi32, #tpu.memory_space<hbm>>, %arg4: memref<10000x128xf32, #tpu.memory_space<hbm>>, %arg5: memref<10000x128xf32, #tpu.memory_space<hbm>>, %arg6: memref<160000x128xf32, #tpu.memory_space<hbm>>, %arg7: memref<160000x128xf32, #tpu.memory_space<hbm>>, %arg8: memref<128xi32, #tpu.memory_space<vmem>>, %arg9: memref<128xi32, #tpu.memory_space<vmem>>, %arg10: memref<128xi32, #tpu.memory_space<vmem>>, %arg11: memref<128xi32, #tpu.memory_space<vmem>>, %arg12: memref<128x128xf32, #tpu.memory_space<vmem>>, %arg13: memref<128x128xf32, #tpu.memory_space<vmem>>, %arg14: memref<128x128xf32, #tpu.memory_space<vmem>>, %arg15: memref<128x128xf32, #tpu.memory_space<vmem>>, %arg16: memref<!tpu.dma_semaphore, #tpu.memory_space<semaphore_mem>>, %arg17: memref<!tpu.dma_semaphore, #tpu.memory_space<semaphore_mem>>, %arg18: memref<!tpu.dma_semaphore, #tpu.memory_space<semaphore_mem>>, %arg19: memref<!tpu.dma_semaphore, #tpu.memory_space<semaphore_mem>>) attributes {dimension_semantics = [#tpu.dimension_semantics<core_parallel>, #tpu.dimension_semantics<subcore_parallel>], iteration_bounds = array<i64: 2, 16>, scalar_prefetch = 0 : i64, scratch_operands = 12 : i64, tpu.core_type = #tpu.core_type<sc_vector_subcore>, window_params = [{transform_indices = #map}, {transform_indices = #map}, {transform_indices = #map1}, {transform_indices = #map1}, {transform_indices = #map1}, {transform_indices = #map1}]} {
    %mul3A = arith.constant 2 : i32
    %mul3A_0 = arith.muli %arg1, %mul3A : i32
    %add3A = arith.addi %mul3A_0, %arg0 : i32
    %mul3A_1 = arith.constant 5000 : i32
    %mul3A_2 = arith.muli %add3A, %mul3A_1 : i32
    %multiple_of3A = tpu.assume_multiple %mul3A_2, 8 : i32
    %add3A_3 = arith.constant 0 : i32
    %add3A_4 = arith.addi %multiple_of3A, %add3A_3 : i32
    %multiple_of3A_5 = tpu.assume_multiple %add3A_4, 8 : i32
    "tpu.region"() ({
      %run_scoped3A = tpu.sem_alloc : memref<!tpu.dma_semaphore, #tpu.memory_space<semaphore_mem>>
      %dma_start3A_152 = tpu.memref_slice %arg2[%multiple_of3A_5] : memref<160000xi32, #tpu.memory_space<hbm>> -> memref<128xi32, #tpu.memory_space<hbm>>
      %dma_start3A_153 = tpu.memref_slice %arg2[%multiple_of3A_5] : memref<160000xi32, #tpu.memory_space<hbm>> -> memref<128xi32, #tpu.memory_space<hbm>>
      tpu.enqueue_dma source(%dma_start3A_153 : memref<128xi32, #tpu.memory_space<hbm>>) target(%arg8 : memref<128xi32, #tpu.memory_space<vmem>>) target_semaphore(%run_scoped3A : memref<!tpu.dma_semaphore, #tpu.memory_space<semaphore_mem>>)
      %dma_wait3A_154 = tpu.memref_slice %arg2[%multiple_of3A_5] : memref<160000xi32, #tpu.memory_space<hbm>> -> memref<128xi32, #tpu.memory_space<hbm>>
      %dma_wait3A_155 = tpu.memref_slice %arg2[%multiple_of3A_5] : memref<160000xi32, #tpu.memory_space<hbm>> -> memref<128xi32, #tpu.memory_space<hbm>>
      tpu.wait_dma2 semaphore(%run_scoped3A : memref<!tpu.dma_semaphore, #tpu.memory_space<semaphore_mem>>) src(%dma_wait3A_155 : memref<128xi32, #tpu.memory_space<hbm>>) dst(%arg8 : memref<128xi32, #tpu.memory_space<vmem>>)
      tpu.yield
    }) : () -> ()
    "tpu.region"() ({
      %run_scoped3A = tpu.sem_alloc : memref<!tpu.dma_semaphore, #tpu.memory_space<semaphore_mem>>
      %dma_start3A_152 = tpu.memref_slice %arg3[%multiple_of3A_5] : memref<160000xi32, #tpu.memory_space<hbm>> -> memref<128xi32, #tpu.memory_space<hbm>>
      %dma_start3A_153 = tpu.memref_slice %arg3[%multiple_of3A_5] : memref<160000xi32, #tpu.memory_space<hbm>> -> memref<128xi32, #tpu.memory_space<hbm>>
      tpu.enqueue_dma source(%dma_start3A_153 : memref<128xi32, #tpu.memory_space<hbm>>) target(%arg9 : memref<128xi32, #tpu.memory_space<vmem>>) target_semaphore(%run_scoped3A : memref<!tpu.dma_semaphore, #tpu.memory_space<semaphore_mem>>)
      %dma_wait3A_154 = tpu.memref_slice %arg3[%multiple_of3A_5] : memref<160000xi32, #tpu.memory_space<hbm>> -> memref<128xi32, #tpu.memory_space<hbm>>
      %dma_wait3A_155 = tpu.memref_slice %arg3[%multiple_of3A_5] : memref<160000xi32, #tpu.memory_space<hbm>> -> memref<128xi32, #tpu.memory_space<hbm>>
      tpu.wait_dma2 semaphore(%run_scoped3A : memref<!tpu.dma_semaphore, #tpu.memory_space<semaphore_mem>>) src(%dma_wait3A_155 : memref<128xi32, #tpu.memory_space<hbm>>) dst(%arg9 : memref<128xi32, #tpu.memory_space<vmem>>)
      tpu.yield
    }) : () -> ()
    %dma_start3A = arith.constant 0 : i32
    %dma_start3A_6 = arith.constant 0 : i32
    %dma_start3A_7 = tpu.memref_slice %arg4[%dma_start3A, %dma_start3A_6] : memref<10000x128xf32, #tpu.memory_space<hbm>> -> memref<10000x128xf32, #tpu.memory_space<hbm>>
    tpu.enqueue_indirect_dma source(%dma_start3A_7 : memref<10000x128xf32, #tpu.memory_space<hbm>>) target(%arg12 : memref<128x128xf32, #tpu.memory_space<vmem>>) offsets(%arg9 : memref<128xi32, #tpu.memory_space<vmem>>) semaphore(%arg16 : memref<!tpu.dma_semaphore, #tpu.memory_space<semaphore_mem>>)
    %dma_start3A_8 = arith.constant 0 : i32
    %dma_start3A_9 = arith.constant 0 : i32
    %dma_start3A_10 = tpu.memref_slice %arg5[%dma_start3A_8, %dma_start3A_9] : memref<10000x128xf32, #tpu.memory_space<hbm>> -> memref<10000x128xf32, #tpu.memory_space<hbm>>
    tpu.enqueue_indirect_dma source(%dma_start3A_10 : memref<10000x128xf32, #tpu.memory_space<hbm>>) target(%arg13 : memref<128x128xf32, #tpu.memory_space<vmem>>) offsets(%arg8 : memref<128xi32, #tpu.memory_space<vmem>>) semaphore(%arg16 : memref<!tpu.dma_semaphore, #tpu.memory_space<semaphore_mem>>)
    %add3A_11 = arith.constant 128 : i32
    %add3A_12 = arith.addi %multiple_of3A, %add3A_11 : i32
    %multiple_of3A_13 = tpu.assume_multiple %add3A_12, 8 : i32
    "tpu.region"() ({
      %run_scoped3A = tpu.sem_alloc : memref<!tpu.dma_semaphore, #tpu.memory_space<semaphore_mem>>
      %dma_start3A_152 = tpu.memref_slice %arg2[%multiple_of3A_13] : memref<160000xi32, #tpu.memory_space<hbm>> -> memref<128xi32, #tpu.memory_space<hbm>>
      %dma_start3A_153 = tpu.memref_slice %arg2[%multiple_of3A_13] : memref<160000xi32, #tpu.memory_space<hbm>> -> memref<128xi32, #tpu.memory_space<hbm>>
      tpu.enqueue_dma source(%dma_start3A_153 : memref<128xi32, #tpu.memory_space<hbm>>) target(%arg10 : memref<128xi32, #tpu.memory_space<vmem>>) target_semaphore(%run_scoped3A : memref<!tpu.dma_semaphore, #tpu.memory_space<semaphore_mem>>)
      %dma_wait3A_154 = tpu.memref_slice %arg2[%multiple_of3A_13] : memref<160000xi32, #tpu.memory_space<hbm>> -> memref<128xi32, #tpu.memory_space<hbm>>
      %dma_wait3A_155 = tpu.memref_slice %arg2[%multiple_of3A_13] : memref<160000xi32, #tpu.memory_space<hbm>> -> memref<128xi32, #tpu.memory_space<hbm>>
      tpu.wait_dma2 semaphore(%run_scoped3A : memref<!tpu.dma_semaphore, #tpu.memory_space<semaphore_mem>>) src(%dma_wait3A_155 : memref<128xi32, #tpu.memory_space<hbm>>) dst(%arg10 : memref<128xi32, #tpu.memory_space<vmem>>)
      tpu.yield
    }) : () -> ()
    "tpu.region"() ({
      %run_scoped3A = tpu.sem_alloc : memref<!tpu.dma_semaphore, #tpu.memory_space<semaphore_mem>>
      %dma_start3A_152 = tpu.memref_slice %arg3[%multiple_of3A_13] : memref<160000xi32, #tpu.memory_space<hbm>> -> memref<128xi32, #tpu.memory_space<hbm>>
      %dma_start3A_153 = tpu.memref_slice %arg3[%multiple_of3A_13] : memref<160000xi32, #tpu.memory_space<hbm>> -> memref<128xi32, #tpu.memory_space<hbm>>
      tpu.enqueue_dma source(%dma_start3A_153 : memref<128xi32, #tpu.memory_space<hbm>>) target(%arg11 : memref<128xi32, #tpu.memory_space<vmem>>) target_semaphore(%run_scoped3A : memref<!tpu.dma_semaphore, #tpu.memory_space<semaphore_mem>>)
      %dma_wait3A_154 = tpu.memref_slice %arg3[%multiple_of3A_13] : memref<160000xi32, #tpu.memory_space<hbm>> -> memref<128xi32, #tpu.memory_space<hbm>>
      %dma_wait3A_155 = tpu.memref_slice %arg3[%multiple_of3A_13] : memref<160000xi32, #tpu.memory_space<hbm>> -> memref<128xi32, #tpu.memory_space<hbm>>
      tpu.wait_dma2 semaphore(%run_scoped3A : memref<!tpu.dma_semaphore, #tpu.memory_space<semaphore_mem>>) src(%dma_wait3A_155 : memref<128xi32, #tpu.memory_space<hbm>>) dst(%arg11 : memref<128xi32, #tpu.memory_space<vmem>>)
      tpu.yield
    }) : () -> ()
    %dma_start3A_14 = arith.constant 0 : i32
    %dma_start3A_15 = arith.constant 0 : i32
    %dma_start3A_16 = tpu.memref_slice %arg4[%dma_start3A_14, %dma_start3A_15] : memref<10000x128xf32, #tpu.memory_space<hbm>> -> memref<10000x128xf32, #tpu.memory_space<hbm>>
    tpu.enqueue_indirect_dma source(%dma_start3A_16 : memref<10000x128xf32, #tpu.memory_space<hbm>>) target(%arg14 : memref<128x128xf32, #tpu.memory_space<vmem>>) offsets(%arg11 : memref<128xi32, #tpu.memory_space<vmem>>) semaphore(%arg17 : memref<!tpu.dma_semaphore, #tpu.memory_space<semaphore_mem>>)
    %dma_start3A_17 = arith.constant 0 : i32
    %dma_start3A_18 = arith.constant 0 : i32
    %dma_start3A_19 = tpu.memref_slice %arg5[%dma_start3A_17, %dma_start3A_18] : memref<10000x128xf32, #tpu.memory_space<hbm>> -> memref<10000x128xf32, #tpu.memory_space<hbm>>
    tpu.enqueue_indirect_dma source(%dma_start3A_19 : memref<10000x128xf32, #tpu.memory_space<hbm>>) target(%arg15 : memref<128x128xf32, #tpu.memory_space<vmem>>) offsets(%arg10 : memref<128xi32, #tpu.memory_space<vmem>>) semaphore(%arg17 : memref<!tpu.dma_semaphore, #tpu.memory_space<semaphore_mem>>)
    %scan3A = arith.constant 0 : i32
    %scan3A_20 = arith.constant 0 : i32
    %scan3A_21 = arith.constant 18 : i32
    %scan3A_22 = arith.addi %scan3A_20, %scan3A_21 : i32
    %scan3A_23 = arith.constant 1 : i32
    scf.for %scan3A_152 = %scan3A_20 to %scan3A_22 step %scan3A_23  : i32 {
      %mul3A_153 = arith.constant 2 : i32
      %mul3A_154 = arith.muli %mul3A_153, %scan3A_152 : i32
      %mul3A_155 = arith.constant 128 : i32
      %mul3A_156 = arith.muli %mul3A_154, %mul3A_155 : i32
      %add3A_157 = arith.addi %multiple_of3A, %mul3A_156 : i32
      %multiple_of3A_158 = tpu.assume_multiple %add3A_157, 8 : i32
      %dma_wait3A_159 = arith.constant 0 : i32
      %dma_wait3A_160 = arith.constant 0 : i32
      %dma_wait3A_161 = tpu.memref_slice %arg4[%dma_wait3A_159, %dma_wait3A_160] : memref<10000x128xf32, #tpu.memory_space<hbm>> -> memref<10000x128xf32, #tpu.memory_space<hbm>>
      tpu.wait_indirect_dma semaphore(%arg16 : memref<!tpu.dma_semaphore, #tpu.memory_space<semaphore_mem>>) src(%dma_wait3A_161 : memref<10000x128xf32, #tpu.memory_space<hbm>>) dst(%arg12 : memref<128x128xf32, #tpu.memory_space<vmem>>)
      %dma_wait3A_162 = arith.constant 0 : i32
      %dma_wait3A_163 = arith.constant 0 : i32
      %dma_wait3A_164 = tpu.memref_slice %arg5[%dma_wait3A_162, %dma_wait3A_163] : memref<10000x128xf32, #tpu.memory_space<hbm>> -> memref<10000x128xf32, #tpu.memory_space<hbm>>
      tpu.wait_indirect_dma semaphore(%arg16 : memref<!tpu.dma_semaphore, #tpu.memory_space<semaphore_mem>>) src(%dma_wait3A_164 : memref<10000x128xf32, #tpu.memory_space<hbm>>) dst(%arg13 : memref<128x128xf32, #tpu.memory_space<vmem>>)
      %dma_start3A_165 = arith.constant 0 : i32
      %dma_start3A_166 = tpu.memref_slice %arg6[%multiple_of3A_158, %dma_start3A_165] : memref<160000x128xf32, #tpu.memory_space<hbm>> -> memref<128x128xf32, #tpu.memory_space<hbm>>
      %dma_start3A_167 = arith.constant 0 : i32
      %dma_start3A_168 = tpu.memref_slice %arg6[%multiple_of3A_158, %dma_start3A_167] : memref<160000x128xf32, #tpu.memory_space<hbm>> -> memref<128x128xf32, #tpu.memory_space<hbm>>
      tpu.enqueue_dma source(%arg12 : memref<128x128xf32, #tpu.memory_space<vmem>>) target(%dma_start3A_168 : memref<128x128xf32, #tpu.memory_space<hbm>>) target_semaphore(%arg18 : memref<!tpu.dma_semaphore, #tpu.memory_space<semaphore_mem>>)
      %dma_start3A_169 = arith.constant 0 : i32
      %dma_start3A_170 = tpu.memref_slice %arg7[%multiple_of3A_158, %dma_start3A_169] : memref<160000x128xf32, #tpu.memory_space<hbm>> -> memref<128x128xf32, #tpu.memory_space<hbm>>
      %dma_start3A_171 = arith.constant 0 : i32
      %dma_start3A_172 = tpu.memref_slice %arg7[%multiple_of3A_158, %dma_start3A_171] : memref<160000x128xf32, #tpu.memory_space<hbm>> -> memref<128x128xf32, #tpu.memory_space<hbm>>
      tpu.enqueue_dma source(%arg13 : memref<128x128xf32, #tpu.memory_space<vmem>>) target(%dma_start3A_172 : memref<128x128xf32, #tpu.memory_space<hbm>>) target_semaphore(%arg18 : memref<!tpu.dma_semaphore, #tpu.memory_space<semaphore_mem>>)
      %add3A_173 = arith.constant 2 : i32
      %add3A_174 = arith.addi %mul3A_154, %add3A_173 : i32
      %mul3A_175 = arith.constant 128 : i32
      %mul3A_176 = arith.muli %add3A_174, %mul3A_175 : i32
      %add3A_177 = arith.addi %multiple_of3A, %mul3A_176 : i32
      %multiple_of3A_178 = tpu.assume_multiple %add3A_177, 8 : i32
      %mul3A_179 = arith.constant 128 : i32
      %mul3A_180 = arith.muli %mul3A_154, %mul3A_179 : i32
      %add3A_181 = arith.addi %multiple_of3A, %mul3A_180 : i32
      %multiple_of3A_182 = tpu.assume_multiple %add3A_181, 8 : i32
      %dma_wait3A_183 = arith.constant 0 : i32
      %dma_wait3A_184 = tpu.memref_slice %arg6[%multiple_of3A_182, %dma_wait3A_183] : memref<160000x128xf32, #tpu.memory_space<hbm>> -> memref<128x128xf32, #tpu.memory_space<hbm>>
      %dma_wait3A_185 = arith.constant 0 : i32
      %dma_wait3A_186 = tpu.memref_slice %arg6[%multiple_of3A_182, %dma_wait3A_185] : memref<160000x128xf32, #tpu.memory_space<hbm>> -> memref<128x128xf32, #tpu.memory_space<hbm>>
      tpu.wait_dma2 semaphore(%arg18 : memref<!tpu.dma_semaphore, #tpu.memory_space<semaphore_mem>>) src(%arg12 : memref<128x128xf32, #tpu.memory_space<vmem>>) dst(%dma_wait3A_186 : memref<128x128xf32, #tpu.memory_space<hbm>>)
      %dma_wait3A_187 = arith.constant 0 : i32
      %dma_wait3A_188 = tpu.memref_slice %arg7[%multiple_of3A_182, %dma_wait3A_187] : memref<160000x128xf32, #tpu.memory_space<hbm>> -> memref<128x128xf32, #tpu.memory_space<hbm>>
      %dma_wait3A_189 = arith.constant 0 : i32
      %dma_wait3A_190 = tpu.memref_slice %arg7[%multiple_of3A_182, %dma_wait3A_189] : memref<160000x128xf32, #tpu.memory_space<hbm>> -> memref<128x128xf32, #tpu.memory_space<hbm>>
      tpu.wait_dma2 semaphore(%arg18 : memref<!tpu.dma_semaphore, #tpu.memory_space<semaphore_mem>>) src(%arg13 : memref<128x128xf32, #tpu.memory_space<vmem>>) dst(%dma_wait3A_190 : memref<128x128xf32, #tpu.memory_space<hbm>>)
      "tpu.region"() ({
        %run_scoped3A = tpu.sem_alloc : memref<!tpu.dma_semaphore, #tpu.memory_space<semaphore_mem>>
        %dma_start3A_243 = tpu.memref_slice %arg2[%multiple_of3A_178] : memref<160000xi32, #tpu.memory_space<hbm>> -> memref<128xi32, #tpu.memory_space<hbm>>
        %dma_start3A_244 = tpu.memref_slice %arg2[%multiple_of3A_178] : memref<160000xi32, #tpu.memory_space<hbm>> -> memref<128xi32, #tpu.memory_space<hbm>>
        tpu.enqueue_dma source(%dma_start3A_244 : memref<128xi32, #tpu.memory_space<hbm>>) target(%arg8 : memref<128xi32, #tpu.memory_space<vmem>>) target_semaphore(%run_scoped3A : memref<!tpu.dma_semaphore, #tpu.memory_space<semaphore_mem>>)
        %dma_wait3A_245 = tpu.memref_slice %arg2[%multiple_of3A_178] : memref<160000xi32, #tpu.memory_space<hbm>> -> memref<128xi32, #tpu.memory_space<hbm>>
        %dma_wait3A_246 = tpu.memref_slice %arg2[%multiple_of3A_178] : memref<160000xi32, #tpu.memory_space<hbm>> -> memref<128xi32, #tpu.memory_space<hbm>>
        tpu.wait_dma2 semaphore(%run_scoped3A : memref<!tpu.dma_semaphore, #tpu.memory_space<semaphore_mem>>) src(%dma_wait3A_246 : memref<128xi32, #tpu.memory_space<hbm>>) dst(%arg8 : memref<128xi32, #tpu.memory_space<vmem>>)
        tpu.yield
      }) : () -> ()
      "tpu.region"() ({
        %run_scoped3A = tpu.sem_alloc : memref<!tpu.dma_semaphore, #tpu.memory_space<semaphore_mem>>
        %dma_start3A_243 = tpu.memref_slice %arg3[%multiple_of3A_178] : memref<160000xi32, #tpu.memory_space<hbm>> -> memref<128xi32, #tpu.memory_space<hbm>>
        %dma_start3A_244 = tpu.memref_slice %arg3[%multiple_of3A_178] : memref<160000xi32, #tpu.memory_space<hbm>> -> memref<128xi32, #tpu.memory_space<hbm>>
        tpu.enqueue_dma source(%dma_start3A_244 : memref<128xi32, #tpu.memory_space<hbm>>) target(%arg9 : memref<128xi32, #tpu.memory_space<vmem>>) target_semaphore(%run_scoped3A : memref<!tpu.dma_semaphore, #tpu.memory_space<semaphore_mem>>)
        %dma_wait3A_245 = tpu.memref_slice %arg3[%multiple_of3A_178] : memref<160000xi32, #tpu.memory_space<hbm>> -> memref<128xi32, #tpu.memory_space<hbm>>
        %dma_wait3A_246 = tpu.memref_slice %arg3[%multiple_of3A_178] : memref<160000xi32, #tpu.memory_space<hbm>> -> memref<128xi32, #tpu.memory_space<hbm>>
        tpu.wait_dma2 semaphore(%run_scoped3A : memref<!tpu.dma_semaphore, #tpu.memory_space<semaphore_mem>>) src(%dma_wait3A_246 : memref<128xi32, #tpu.memory_space<hbm>>) dst(%arg9 : memref<128xi32, #tpu.memory_space<vmem>>)
        tpu.yield
      }) : () -> ()
      %dma_start3A_191 = arith.constant 0 : i32
      %dma_start3A_192 = arith.constant 0 : i32
      %dma_start3A_193 = tpu.memref_slice %arg4[%dma_start3A_191, %dma_start3A_192] : memref<10000x128xf32, #tpu.memory_space<hbm>> -> memref<10000x128xf32, #tpu.memory_space<hbm>>
      tpu.enqueue_indirect_dma source(%dma_start3A_193 : memref<10000x128xf32, #tpu.memory_space<hbm>>) target(%arg12 : memref<128x128xf32, #tpu.memory_space<vmem>>) offsets(%arg9 : memref<128xi32, #tpu.memory_space<vmem>>) semaphore(%arg16 : memref<!tpu.dma_semaphore, #tpu.memory_space<semaphore_mem>>)
      %dma_start3A_194 = arith.constant 0 : i32
      %dma_start3A_195 = arith.constant 0 : i32
      %dma_start3A_196 = tpu.memref_slice %arg5[%dma_start3A_194, %dma_start3A_195] : memref<10000x128xf32, #tpu.memory_space<hbm>> -> memref<10000x128xf32, #tpu.memory_space<hbm>>
      tpu.enqueue_indirect_dma source(%dma_start3A_196 : memref<10000x128xf32, #tpu.memory_space<hbm>>) target(%arg13 : memref<128x128xf32, #tpu.memory_space<vmem>>) offsets(%arg8 : memref<128xi32, #tpu.memory_space<vmem>>) semaphore(%arg16 : memref<!tpu.dma_semaphore, #tpu.memory_space<semaphore_mem>>)
      %add3A_197 = arith.constant 1 : i32
      %add3A_198 = arith.addi %mul3A_154, %add3A_197 : i32
      %mul3A_199 = arith.constant 128 : i32
      %mul3A_200 = arith.muli %add3A_198, %mul3A_199 : i32
      %add3A_201 = arith.addi %multiple_of3A, %mul3A_200 : i32
      %multiple_of3A_202 = tpu.assume_multiple %add3A_201, 8 : i32
      %dma_wait3A_203 = arith.constant 0 : i32
      %dma_wait3A_204 = arith.constant 0 : i32
      %dma_wait3A_205 = tpu.memref_slice %arg4[%dma_wait3A_203, %dma_wait3A_204] : memref<10000x128xf32, #tpu.memory_space<hbm>> -> memref<10000x128xf32, #tpu.memory_space<hbm>>
      tpu.wait_indirect_dma semaphore(%arg17 : memref<!tpu.dma_semaphore, #tpu.memory_space<semaphore_mem>>) src(%dma_wait3A_205 : memref<10000x128xf32, #tpu.memory_space<hbm>>) dst(%arg14 : memref<128x128xf32, #tpu.memory_space<vmem>>)
      %dma_wait3A_206 = arith.constant 0 : i32
      %dma_wait3A_207 = arith.constant 0 : i32
      %dma_wait3A_208 = tpu.memref_slice %arg5[%dma_wait3A_206, %dma_wait3A_207] : memref<10000x128xf32, #tpu.memory_space<hbm>> -> memref<10000x128xf32, #tpu.memory_space<hbm>>
      tpu.wait_indirect_dma semaphore(%arg17 : memref<!tpu.dma_semaphore, #tpu.memory_space<semaphore_mem>>) src(%dma_wait3A_208 : memref<10000x128xf32, #tpu.memory_space<hbm>>) dst(%arg15 : memref<128x128xf32, #tpu.memory_space<vmem>>)
      %dma_start3A_209 = arith.constant 0 : i32
      %dma_start3A_210 = tpu.memref_slice %arg6[%multiple_of3A_202, %dma_start3A_209] : memref<160000x128xf32, #tpu.memory_space<hbm>> -> memref<128x128xf32, #tpu.memory_space<hbm>>
      %dma_start3A_211 = arith.constant 0 : i32
      %dma_start3A_212 = tpu.memref_slice %arg6[%multiple_of3A_202, %dma_start3A_211] : memref<160000x128xf32, #tpu.memory_space<hbm>> -> memref<128x128xf32, #tpu.memory_space<hbm>>
      tpu.enqueue_dma source(%arg14 : memref<128x128xf32, #tpu.memory_space<vmem>>) target(%dma_start3A_212 : memref<128x128xf32, #tpu.memory_space<hbm>>) target_semaphore(%arg19 : memref<!tpu.dma_semaphore, #tpu.memory_space<semaphore_mem>>)
      %dma_start3A_213 = arith.constant 0 : i32
      %dma_start3A_214 = tpu.memref_slice %arg7[%multiple_of3A_202, %dma_start3A_213] : memref<160000x128xf32, #tpu.memory_space<hbm>> -> memref<128x128xf32, #tpu.memory_space<hbm>>
      %dma_start3A_215 = arith.constant 0 : i32
      %dma_start3A_216 = tpu.memref_slice %arg7[%multiple_of3A_202, %dma_start3A_215] : memref<160000x128xf32, #tpu.memory_space<hbm>> -> memref<128x128xf32, #tpu.memory_space<hbm>>
      tpu.enqueue_dma source(%arg15 : memref<128x128xf32, #tpu.memory_space<vmem>>) target(%dma_start3A_216 : memref<128x128xf32, #tpu.memory_space<hbm>>) target_semaphore(%arg19 : memref<!tpu.dma_semaphore, #tpu.memory_space<semaphore_mem>>)
      %add3A_217 = arith.constant 3 : i32
      %add3A_218 = arith.addi %mul3A_154, %add3A_217 : i32
      %mul3A_219 = arith.constant 128 : i32
      %mul3A_220 = arith.muli %add3A_218, %mul3A_219 : i32
      %add3A_221 = arith.addi %multiple_of3A, %mul3A_220 : i32
      %multiple_of3A_222 = tpu.assume_multiple %add3A_221, 8 : i32
      %add3A_223 = arith.constant 1 : i32
      %add3A_224 = arith.addi %mul3A_154, %add3A_223 : i32
      %mul3A_225 = arith.constant 128 : i32
      %mul3A_226 = arith.muli %add3A_224, %mul3A_225 : i32
      %add3A_227 = arith.addi %multiple_of3A, %mul3A_226 : i32
      %multiple_of3A_228 = tpu.assume_multiple %add3A_227, 8 : i32
      %dma_wait3A_229 = arith.constant 0 : i32
      %dma_wait3A_230 = tpu.memref_slice %arg6[%multiple_of3A_228, %dma_wait3A_229] : memref<160000x128xf32, #tpu.memory_space<hbm>> -> memref<128x128xf32, #tpu.memory_space<hbm>>
      %dma_wait3A_231 = arith.constant 0 : i32
      %dma_wait3A_232 = tpu.memref_slice %arg6[%multiple_of3A_228, %dma_wait3A_231] : memref<160000x128xf32, #tpu.memory_space<hbm>> -> memref<128x128xf32, #tpu.memory_space<hbm>>
      tpu.wait_dma2 semaphore(%arg19 : memref<!tpu.dma_semaphore, #tpu.memory_space<semaphore_mem>>) src(%arg14 : memref<128x128xf32, #tpu.memory_space<vmem>>) dst(%dma_wait3A_232 : memref<128x128xf32, #tpu.memory_space<hbm>>)
      %dma_wait3A_233 = arith.constant 0 : i32
      %dma_wait3A_234 = tpu.memref_slice %arg7[%multiple_of3A_228, %dma_wait3A_233] : memref<160000x128xf32, #tpu.memory_space<hbm>> -> memref<128x128xf32, #tpu.memory_space<hbm>>
      %dma_wait3A_235 = arith.constant 0 : i32
      %dma_wait3A_236 = tpu.memref_slice %arg7[%multiple_of3A_228, %dma_wait3A_235] : memref<160000x128xf32, #tpu.memory_space<hbm>> -> memref<128x128xf32, #tpu.memory_space<hbm>>
      tpu.wait_dma2 semaphore(%arg19 : memref<!tpu.dma_semaphore, #tpu.memory_space<semaphore_mem>>) src(%arg15 : memref<128x128xf32, #tpu.memory_space<vmem>>) dst(%dma_wait3A_236 : memref<128x128xf32, #tpu.memory_space<hbm>>)
      "tpu.region"() ({
        %run_scoped3A = tpu.sem_alloc : memref<!tpu.dma_semaphore, #tpu.memory_space<semaphore_mem>>
        %dma_start3A_243 = tpu.memref_slice %arg2[%multiple_of3A_222] : memref<160000xi32, #tpu.memory_space<hbm>> -> memref<128xi32, #tpu.memory_space<hbm>>
        %dma_start3A_244 = tpu.memref_slice %arg2[%multiple_of3A_222] : memref<160000xi32, #tpu.memory_space<hbm>> -> memref<128xi32, #tpu.memory_space<hbm>>
        tpu.enqueue_dma source(%dma_start3A_244 : memref<128xi32, #tpu.memory_space<hbm>>) target(%arg10 : memref<128xi32, #tpu.memory_space<vmem>>) target_semaphore(%run_scoped3A : memref<!tpu.dma_semaphore, #tpu.memory_space<semaphore_mem>>)
        %dma_wait3A_245 = tpu.memref_slice %arg2[%multiple_of3A_222] : memref<160000xi32, #tpu.memory_space<hbm>> -> memref<128xi32, #tpu.memory_space<hbm>>
        %dma_wait3A_246 = tpu.memref_slice %arg2[%multiple_of3A_222] : memref<160000xi32, #tpu.memory_space<hbm>> -> memref<128xi32, #tpu.memory_space<hbm>>
        tpu.wait_dma2 semaphore(%run_scoped3A : memref<!tpu.dma_semaphore, #tpu.memory_space<semaphore_mem>>) src(%dma_wait3A_246 : memref<128xi32, #tpu.memory_space<hbm>>) dst(%arg10 : memref<128xi32, #tpu.memory_space<vmem>>)
        tpu.yield
      }) : () -> ()
      "tpu.region"() ({
        %run_scoped3A = tpu.sem_alloc : memref<!tpu.dma_semaphore, #tpu.memory_space<semaphore_mem>>
        %dma_start3A_243 = tpu.memref_slice %arg3[%multiple_of3A_222] : memref<160000xi32, #tpu.memory_space<hbm>> -> memref<128xi32, #tpu.memory_space<hbm>>
        %dma_start3A_244 = tpu.memref_slice %arg3[%multiple_of3A_222] : memref<160000xi32, #tpu.memory_space<hbm>> -> memref<128xi32, #tpu.memory_space<hbm>>
        tpu.enqueue_dma source(%dma_start3A_244 : memref<128xi32, #tpu.memory_space<hbm>>) target(%arg11 : memref<128xi32, #tpu.memory_space<vmem>>) target_semaphore(%run_scoped3A : memref<!tpu.dma_semaphore, #tpu.memory_space<semaphore_mem>>)
        %dma_wait3A_245 = tpu.memref_slice %arg3[%multiple_of3A_222] : memref<160000xi32, #tpu.memory_space<hbm>> -> memref<128xi32, #tpu.memory_space<hbm>>
        %dma_wait3A_246 = tpu.memref_slice %arg3[%multiple_of3A_222] : memref<160000xi32, #tpu.memory_space<hbm>> -> memref<128xi32, #tpu.memory_space<hbm>>
        tpu.wait_dma2 semaphore(%run_scoped3A : memref<!tpu.dma_semaphore, #tpu.memory_space<semaphore_mem>>) src(%dma_wait3A_246 : memref<128xi32, #tpu.memory_space<hbm>>) dst(%arg11 : memref<128xi32, #tpu.memory_space<vmem>>)
        tpu.yield
      }) : () -> ()
      %dma_start3A_237 = arith.constant 0 : i32
      %dma_start3A_238 = arith.constant 0 : i32
      %dma_start3A_239 = tpu.memref_slice %arg4[%dma_start3A_237, %dma_start3A_238] : memref<10000x128xf32, #tpu.memory_space<hbm>> -> memref<10000x128xf32, #tpu.memory_space<hbm>>
      tpu.enqueue_indirect_dma source(%dma_start3A_239 : memref<10000x128xf32, #tpu.memory_space<hbm>>) target(%arg14 : memref<128x128xf32, #tpu.memory_space<vmem>>) offsets(%arg11 : memref<128xi32, #tpu.memory_space<vmem>>) semaphore(%arg17 : memref<!tpu.dma_semaphore, #tpu.memory_space<semaphore_mem>>)
      %dma_start3A_240 = arith.constant 0 : i32
      %dma_start3A_241 = arith.constant 0 : i32
      %dma_start3A_242 = tpu.memref_slice %arg5[%dma_start3A_240, %dma_start3A_241] : memref<10000x128xf32, #tpu.memory_space<hbm>> -> memref<10000x128xf32, #tpu.memory_space<hbm>>
      tpu.enqueue_indirect_dma source(%dma_start3A_242 : memref<10000x128xf32, #tpu.memory_space<hbm>>) target(%arg15 : memref<128x128xf32, #tpu.memory_space<vmem>>) offsets(%arg10 : memref<128xi32, #tpu.memory_space<vmem>>) semaphore(%arg17 : memref<!tpu.dma_semaphore, #tpu.memory_space<semaphore_mem>>)
    }
    %scan3A_24 = arith.constant 18 : i32
    %add3A_25 = arith.constant 4608 : i32
    %add3A_26 = arith.addi %multiple_of3A, %add3A_25 : i32
    %multiple_of3A_27 = tpu.assume_multiple %add3A_26, 8 : i32
    %dma_wait3A = arith.constant 0 : i32
    %dma_wait3A_28 = arith.constant 0 : i32
    %dma_wait3A_29 = tpu.memref_slice %arg4[%dma_wait3A, %dma_wait3A_28] : memref<10000x128xf32, #tpu.memory_space<hbm>> -> memref<10000x128xf32, #tpu.memory_space<hbm>>
    tpu.wait_indirect_dma semaphore(%arg16 : memref<!tpu.dma_semaphore, #tpu.memory_space<semaphore_mem>>) src(%dma_wait3A_29 : memref<10000x128xf32, #tpu.memory_space<hbm>>) dst(%arg12 : memref<128x128xf32, #tpu.memory_space<vmem>>)
    %dma_wait3A_30 = arith.constant 0 : i32
    %dma_wait3A_31 = arith.constant 0 : i32
    %dma_wait3A_32 = tpu.memref_slice %arg5[%dma_wait3A_30, %dma_wait3A_31] : memref<10000x128xf32, #tpu.memory_space<hbm>> -> memref<10000x128xf32, #tpu.memory_space<hbm>>
    tpu.wait_indirect_dma semaphore(%arg16 : memref<!tpu.dma_semaphore, #tpu.memory_space<semaphore_mem>>) src(%dma_wait3A_32 : memref<10000x128xf32, #tpu.memory_space<hbm>>) dst(%arg13 : memref<128x128xf32, #tpu.memory_space<vmem>>)
    %dma_start3A_33 = arith.constant 0 : i32
    %dma_start3A_34 = tpu.memref_slice %arg6[%multiple_of3A_27, %dma_start3A_33] : memref<160000x128xf32, #tpu.memory_space<hbm>> -> memref<128x128xf32, #tpu.memory_space<hbm>>
    %dma_start3A_35 = arith.constant 0 : i32
    %dma_start3A_36 = tpu.memref_slice %arg6[%multiple_of3A_27, %dma_start3A_35] : memref<160000x128xf32, #tpu.memory_space<hbm>> -> memref<128x128xf32, #tpu.memory_space<hbm>>
    tpu.enqueue_dma source(%arg12 : memref<128x128xf32, #tpu.memory_space<vmem>>) target(%dma_start3A_36 : memref<128x128xf32, #tpu.memory_space<hbm>>) target_semaphore(%arg18 : memref<!tpu.dma_semaphore, #tpu.memory_space<semaphore_mem>>)
    %dma_start3A_37 = arith.constant 0 : i32
    %dma_start3A_38 = tpu.memref_slice %arg7[%multiple_of3A_27, %dma_start3A_37] : memref<160000x128xf32, #tpu.memory_space<hbm>> -> memref<128x128xf32, #tpu.memory_space<hbm>>
    %dma_start3A_39 = arith.constant 0 : i32
    %dma_start3A_40 = tpu.memref_slice %arg7[%multiple_of3A_27, %dma_start3A_39] : memref<160000x128xf32, #tpu.memory_space<hbm>> -> memref<128x128xf32, #tpu.memory_space<hbm>>
    tpu.enqueue_dma source(%arg13 : memref<128x128xf32, #tpu.memory_space<vmem>>) target(%dma_start3A_40 : memref<128x128xf32, #tpu.memory_space<hbm>>) target_semaphore(%arg18 : memref<!tpu.dma_semaphore, #tpu.memory_space<semaphore_mem>>)
    %add3A_41 = arith.constant 4864 : i32
    %add3A_42 = arith.addi %multiple_of3A, %add3A_41 : i32
    %multiple_of3A_43 = tpu.assume_multiple %add3A_42, 8 : i32
    %add3A_44 = arith.constant 4608 : i32
    %add3A_45 = arith.addi %multiple_of3A, %add3A_44 : i32
    %multiple_of3A_46 = tpu.assume_multiple %add3A_45, 8 : i32
    %dma_wait3A_47 = arith.constant 0 : i32
    %dma_wait3A_48 = tpu.memref_slice %arg6[%multiple_of3A_46, %dma_wait3A_47] : memref<160000x128xf32, #tpu.memory_space<hbm>> -> memref<128x128xf32, #tpu.memory_space<hbm>>
    %dma_wait3A_49 = arith.constant 0 : i32
    %dma_wait3A_50 = tpu.memref_slice %arg6[%multiple_of3A_46, %dma_wait3A_49] : memref<160000x128xf32, #tpu.memory_space<hbm>> -> memref<128x128xf32, #tpu.memory_space<hbm>>
    tpu.wait_dma2 semaphore(%arg18 : memref<!tpu.dma_semaphore, #tpu.memory_space<semaphore_mem>>) src(%arg12 : memref<128x128xf32, #tpu.memory_space<vmem>>) dst(%dma_wait3A_50 : memref<128x128xf32, #tpu.memory_space<hbm>>)
    %dma_wait3A_51 = arith.constant 0 : i32
    %dma_wait3A_52 = tpu.memref_slice %arg7[%multiple_of3A_46, %dma_wait3A_51] : memref<160000x128xf32, #tpu.memory_space<hbm>> -> memref<128x128xf32, #tpu.memory_space<hbm>>
    %dma_wait3A_53 = arith.constant 0 : i32
    %dma_wait3A_54 = tpu.memref_slice %arg7[%multiple_of3A_46, %dma_wait3A_53] : memref<160000x128xf32, #tpu.memory_space<hbm>> -> memref<128x128xf32, #tpu.memory_space<hbm>>
    tpu.wait_dma2 semaphore(%arg18 : memref<!tpu.dma_semaphore, #tpu.memory_space<semaphore_mem>>) src(%arg13 : memref<128x128xf32, #tpu.memory_space<vmem>>) dst(%dma_wait3A_54 : memref<128x128xf32, #tpu.memory_space<hbm>>)
    "tpu.region"() ({
      %run_scoped3A = tpu.sem_alloc : memref<!tpu.dma_semaphore, #tpu.memory_space<semaphore_mem>>
      %dma_start3A_152 = tpu.memref_slice %arg2[%multiple_of3A_43] : memref<160000xi32, #tpu.memory_space<hbm>> -> memref<128xi32, #tpu.memory_space<hbm>>
      %dma_start3A_153 = tpu.memref_slice %arg2[%multiple_of3A_43] : memref<160000xi32, #tpu.memory_space<hbm>> -> memref<128xi32, #tpu.memory_space<hbm>>
      tpu.enqueue_dma source(%dma_start3A_153 : memref<128xi32, #tpu.memory_space<hbm>>) target(%arg8 : memref<128xi32, #tpu.memory_space<vmem>>) target_semaphore(%run_scoped3A : memref<!tpu.dma_semaphore, #tpu.memory_space<semaphore_mem>>)
      %dma_wait3A_154 = tpu.memref_slice %arg2[%multiple_of3A_43] : memref<160000xi32, #tpu.memory_space<hbm>> -> memref<128xi32, #tpu.memory_space<hbm>>
      %dma_wait3A_155 = tpu.memref_slice %arg2[%multiple_of3A_43] : memref<160000xi32, #tpu.memory_space<hbm>> -> memref<128xi32, #tpu.memory_space<hbm>>
      tpu.wait_dma2 semaphore(%run_scoped3A : memref<!tpu.dma_semaphore, #tpu.memory_space<semaphore_mem>>) src(%dma_wait3A_155 : memref<128xi32, #tpu.memory_space<hbm>>) dst(%arg8 : memref<128xi32, #tpu.memory_space<vmem>>)
      tpu.yield
    }) : () -> ()
    "tpu.region"() ({
      %run_scoped3A = tpu.sem_alloc : memref<!tpu.dma_semaphore, #tpu.memory_space<semaphore_mem>>
      %dma_start3A_152 = tpu.memref_slice %arg3[%multiple_of3A_43] : memref<160000xi32, #tpu.memory_space<hbm>> -> memref<128xi32, #tpu.memory_space<hbm>>
      %dma_start3A_153 = tpu.memref_slice %arg3[%multiple_of3A_43] : memref<160000xi32, #tpu.memory_space<hbm>> -> memref<128xi32, #tpu.memory_space<hbm>>
      tpu.enqueue_dma source(%dma_start3A_153 : memref<128xi32, #tpu.memory_space<hbm>>) target(%arg9 : memref<128xi32, #tpu.memory_space<vmem>>) target_semaphore(%run_scoped3A : memref<!tpu.dma_semaphore, #tpu.memory_space<semaphore_mem>>)
      %dma_wait3A_154 = tpu.memref_slice %arg3[%multiple_of3A_43] : memref<160000xi32, #tpu.memory_space<hbm>> -> memref<128xi32, #tpu.memory_space<hbm>>
      %dma_wait3A_155 = tpu.memref_slice %arg3[%multiple_of3A_43] : memref<160000xi32, #tpu.memory_space<hbm>> -> memref<128xi32, #tpu.memory_space<hbm>>
      tpu.wait_dma2 semaphore(%run_scoped3A : memref<!tpu.dma_semaphore, #tpu.memory_space<semaphore_mem>>) src(%dma_wait3A_155 : memref<128xi32, #tpu.memory_space<hbm>>) dst(%arg9 : memref<128xi32, #tpu.memory_space<vmem>>)
      tpu.yield
    }) : () -> ()
    %dma_start3A_55 = arith.constant 0 : i32
    %dma_start3A_56 = arith.constant 0 : i32
    %dma_start3A_57 = tpu.memref_slice %arg4[%dma_start3A_55, %dma_start3A_56] : memref<10000x128xf32, #tpu.memory_space<hbm>> -> memref<10000x128xf32, #tpu.memory_space<hbm>>
    tpu.enqueue_indirect_dma source(%dma_start3A_57 : memref<10000x128xf32, #tpu.memory_space<hbm>>) target(%arg12 : memref<128x128xf32, #tpu.memory_space<vmem>>) offsets(%arg9 : memref<128xi32, #tpu.memory_space<vmem>>) semaphore(%arg16 : memref<!tpu.dma_semaphore, #tpu.memory_space<semaphore_mem>>)
    %dma_start3A_58 = arith.constant 0 : i32
    %dma_start3A_59 = arith.constant 0 : i32
    %dma_start3A_60 = tpu.memref_slice %arg5[%dma_start3A_58, %dma_start3A_59] : memref<10000x128xf32, #tpu.memory_space<hbm>> -> memref<10000x128xf32, #tpu.memory_space<hbm>>
    tpu.enqueue_indirect_dma source(%dma_start3A_60 : memref<10000x128xf32, #tpu.memory_space<hbm>>) target(%arg13 : memref<128x128xf32, #tpu.memory_space<vmem>>) offsets(%arg8 : memref<128xi32, #tpu.memory_space<vmem>>) semaphore(%arg16 : memref<!tpu.dma_semaphore, #tpu.memory_space<semaphore_mem>>)
    %add3A_61 = arith.constant 4736 : i32
    %add3A_62 = arith.addi %multiple_of3A, %add3A_61 : i32
    %multiple_of3A_63 = tpu.assume_multiple %add3A_62, 8 : i32
    %dma_wait3A_64 = arith.constant 0 : i32
    %dma_wait3A_65 = arith.constant 0 : i32
    %dma_wait3A_66 = tpu.memref_slice %arg4[%dma_wait3A_64, %dma_wait3A_65] : memref<10000x128xf32, #tpu.memory_space<hbm>> -> memref<10000x128xf32, #tpu.memory_space<hbm>>
    tpu.wait_indirect_dma semaphore(%arg17 : memref<!tpu.dma_semaphore, #tpu.memory_space<semaphore_mem>>) src(%dma_wait3A_66 : memref<10000x128xf32, #tpu.memory_space<hbm>>) dst(%arg14 : memref<128x128xf32, #tpu.memory_space<vmem>>)
    %dma_wait3A_67 = arith.constant 0 : i32
    %dma_wait3A_68 = arith.constant 0 : i32
    %dma_wait3A_69 = tpu.memref_slice %arg5[%dma_wait3A_67, %dma_wait3A_68] : memref<10000x128xf32, #tpu.memory_space<hbm>> -> memref<10000x128xf32, #tpu.memory_space<hbm>>
    tpu.wait_indirect_dma semaphore(%arg17 : memref<!tpu.dma_semaphore, #tpu.memory_space<semaphore_mem>>) src(%dma_wait3A_69 : memref<10000x128xf32, #tpu.memory_space<hbm>>) dst(%arg15 : memref<128x128xf32, #tpu.memory_space<vmem>>)
    %dma_start3A_70 = arith.constant 0 : i32
    %dma_start3A_71 = tpu.memref_slice %arg6[%multiple_of3A_63, %dma_start3A_70] : memref<160000x128xf32, #tpu.memory_space<hbm>> -> memref<128x128xf32, #tpu.memory_space<hbm>>
    %dma_start3A_72 = arith.constant 0 : i32
    %dma_start3A_73 = tpu.memref_slice %arg6[%multiple_of3A_63, %dma_start3A_72] : memref<160000x128xf32, #tpu.memory_space<hbm>> -> memref<128x128xf32, #tpu.memory_space<hbm>>
    tpu.enqueue_dma source(%arg14 : memref<128x128xf32, #tpu.memory_space<vmem>>) target(%dma_start3A_73 : memref<128x128xf32, #tpu.memory_space<hbm>>) target_semaphore(%arg19 : memref<!tpu.dma_semaphore, #tpu.memory_space<semaphore_mem>>)
    %dma_start3A_74 = arith.constant 0 : i32
    %dma_start3A_75 = tpu.memref_slice %arg7[%multiple_of3A_63, %dma_start3A_74] : memref<160000x128xf32, #tpu.memory_space<hbm>> -> memref<128x128xf32, #tpu.memory_space<hbm>>
    %dma_start3A_76 = arith.constant 0 : i32
    %dma_start3A_77 = tpu.memref_slice %arg7[%multiple_of3A_63, %dma_start3A_76] : memref<160000x128xf32, #tpu.memory_space<hbm>> -> memref<128x128xf32, #tpu.memory_space<hbm>>
    tpu.enqueue_dma source(%arg15 : memref<128x128xf32, #tpu.memory_space<vmem>>) target(%dma_start3A_77 : memref<128x128xf32, #tpu.memory_space<hbm>>) target_semaphore(%arg19 : memref<!tpu.dma_semaphore, #tpu.memory_space<semaphore_mem>>)
    %add3A_78 = arith.constant 4864 : i32
    %add3A_79 = arith.addi %multiple_of3A, %add3A_78 : i32
    %multiple_of3A_80 = tpu.assume_multiple %add3A_79, 8 : i32
    %dma_wait3A_81 = arith.constant 0 : i32
    %dma_wait3A_82 = arith.constant 0 : i32
    %dma_wait3A_83 = tpu.memref_slice %arg4[%dma_wait3A_81, %dma_wait3A_82] : memref<10000x128xf32, #tpu.memory_space<hbm>> -> memref<10000x128xf32, #tpu.memory_space<hbm>>
    tpu.wait_indirect_dma semaphore(%arg16 : memref<!tpu.dma_semaphore, #tpu.memory_space<semaphore_mem>>) src(%dma_wait3A_83 : memref<10000x128xf32, #tpu.memory_space<hbm>>) dst(%arg12 : memref<128x128xf32, #tpu.memory_space<vmem>>)
    %dma_wait3A_84 = arith.constant 0 : i32
    %dma_wait3A_85 = arith.constant 0 : i32
    %dma_wait3A_86 = tpu.memref_slice %arg5[%dma_wait3A_84, %dma_wait3A_85] : memref<10000x128xf32, #tpu.memory_space<hbm>> -> memref<10000x128xf32, #tpu.memory_space<hbm>>
    tpu.wait_indirect_dma semaphore(%arg16 : memref<!tpu.dma_semaphore, #tpu.memory_space<semaphore_mem>>) src(%dma_wait3A_86 : memref<10000x128xf32, #tpu.memory_space<hbm>>) dst(%arg13 : memref<128x128xf32, #tpu.memory_space<vmem>>)
    %dma_start3A_87 = arith.constant 0 : i32
    %dma_start3A_88 = tpu.memref_slice %arg6[%multiple_of3A_80, %dma_start3A_87] : memref<160000x128xf32, #tpu.memory_space<hbm>> -> memref<128x128xf32, #tpu.memory_space<hbm>>
    %dma_start3A_89 = arith.constant 0 : i32
    %dma_start3A_90 = tpu.memref_slice %arg6[%multiple_of3A_80, %dma_start3A_89] : memref<160000x128xf32, #tpu.memory_space<hbm>> -> memref<128x128xf32, #tpu.memory_space<hbm>>
    tpu.enqueue_dma source(%arg12 : memref<128x128xf32, #tpu.memory_space<vmem>>) target(%dma_start3A_90 : memref<128x128xf32, #tpu.memory_space<hbm>>) target_semaphore(%arg18 : memref<!tpu.dma_semaphore, #tpu.memory_space<semaphore_mem>>)
    %dma_start3A_91 = arith.constant 0 : i32
    %dma_start3A_92 = tpu.memref_slice %arg7[%multiple_of3A_80, %dma_start3A_91] : memref<160000x128xf32, #tpu.memory_space<hbm>> -> memref<128x128xf32, #tpu.memory_space<hbm>>
    %dma_start3A_93 = arith.constant 0 : i32
    %dma_start3A_94 = tpu.memref_slice %arg7[%multiple_of3A_80, %dma_start3A_93] : memref<160000x128xf32, #tpu.memory_space<hbm>> -> memref<128x128xf32, #tpu.memory_space<hbm>>
    tpu.enqueue_dma source(%arg13 : memref<128x128xf32, #tpu.memory_space<vmem>>) target(%dma_start3A_94 : memref<128x128xf32, #tpu.memory_space<hbm>>) target_semaphore(%arg18 : memref<!tpu.dma_semaphore, #tpu.memory_space<semaphore_mem>>)
    %add3A_95 = arith.constant 4736 : i32
    %add3A_96 = arith.addi %multiple_of3A, %add3A_95 : i32
    %multiple_of3A_97 = tpu.assume_multiple %add3A_96, 8 : i32
    %dma_wait3A_98 = arith.constant 0 : i32
    %dma_wait3A_99 = tpu.memref_slice %arg6[%multiple_of3A_97, %dma_wait3A_98] : memref<160000x128xf32, #tpu.memory_space<hbm>> -> memref<128x128xf32, #tpu.memory_space<hbm>>
    %dma_wait3A_100 = arith.constant 0 : i32
    %dma_wait3A_101 = tpu.memref_slice %arg6[%multiple_of3A_97, %dma_wait3A_100] : memref<160000x128xf32, #tpu.memory_space<hbm>> -> memref<128x128xf32, #tpu.memory_space<hbm>>
    tpu.wait_dma2 semaphore(%arg19 : memref<!tpu.dma_semaphore, #tpu.memory_space<semaphore_mem>>) src(%arg14 : memref<128x128xf32, #tpu.memory_space<vmem>>) dst(%dma_wait3A_101 : memref<128x128xf32, #tpu.memory_space<hbm>>)
    %dma_wait3A_102 = arith.constant 0 : i32
    %dma_wait3A_103 = tpu.memref_slice %arg7[%multiple_of3A_97, %dma_wait3A_102] : memref<160000x128xf32, #tpu.memory_space<hbm>> -> memref<128x128xf32, #tpu.memory_space<hbm>>
    %dma_wait3A_104 = arith.constant 0 : i32
    %dma_wait3A_105 = tpu.memref_slice %arg7[%multiple_of3A_97, %dma_wait3A_104] : memref<160000x128xf32, #tpu.memory_space<hbm>> -> memref<128x128xf32, #tpu.memory_space<hbm>>
    tpu.wait_dma2 semaphore(%arg19 : memref<!tpu.dma_semaphore, #tpu.memory_space<semaphore_mem>>) src(%arg15 : memref<128x128xf32, #tpu.memory_space<vmem>>) dst(%dma_wait3A_105 : memref<128x128xf32, #tpu.memory_space<hbm>>)
    %add3A_106 = arith.constant 4864 : i32
    %add3A_107 = arith.addi %multiple_of3A, %add3A_106 : i32
    %multiple_of3A_108 = tpu.assume_multiple %add3A_107, 8 : i32
    %dma_wait3A_109 = arith.constant 0 : i32
    %dma_wait3A_110 = tpu.memref_slice %arg6[%multiple_of3A_108, %dma_wait3A_109] : memref<160000x128xf32, #tpu.memory_space<hbm>> -> memref<128x128xf32, #tpu.memory_space<hbm>>
    %dma_wait3A_111 = arith.constant 0 : i32
    %dma_wait3A_112 = tpu.memref_slice %arg6[%multiple_of3A_108, %dma_wait3A_111] : memref<160000x128xf32, #tpu.memory_space<hbm>> -> memref<128x128xf32, #tpu.memory_space<hbm>>
    tpu.wait_dma2 semaphore(%arg18 : memref<!tpu.dma_semaphore, #tpu.memory_space<semaphore_mem>>) src(%arg12 : memref<128x128xf32, #tpu.memory_space<vmem>>) dst(%dma_wait3A_112 : memref<128x128xf32, #tpu.memory_space<hbm>>)
    %dma_wait3A_113 = arith.constant 0 : i32
    %dma_wait3A_114 = tpu.memref_slice %arg7[%multiple_of3A_108, %dma_wait3A_113] : memref<160000x128xf32, #tpu.memory_space<hbm>> -> memref<128x128xf32, #tpu.memory_space<hbm>>
    %dma_wait3A_115 = arith.constant 0 : i32
    %dma_wait3A_116 = tpu.memref_slice %arg7[%multiple_of3A_108, %dma_wait3A_115] : memref<160000x128xf32, #tpu.memory_space<hbm>> -> memref<128x128xf32, #tpu.memory_space<hbm>>
    tpu.wait_dma2 semaphore(%arg18 : memref<!tpu.dma_semaphore, #tpu.memory_space<semaphore_mem>>) src(%arg13 : memref<128x128xf32, #tpu.memory_space<vmem>>) dst(%dma_wait3A_116 : memref<128x128xf32, #tpu.memory_space<hbm>>)
    %add3A_117 = arith.constant 4992 : i32
    %add3A_118 = arith.addi %multiple_of3A, %add3A_117 : i32
    %multiple_of3A_119 = tpu.assume_multiple %add3A_118, 8 : i32
    "tpu.region"() ({
      %run_scoped3A = tpu.sem_alloc : memref<!tpu.dma_semaphore, #tpu.memory_space<semaphore_mem>>
      %dma_start3A_152 = arith.constant 0 : i32
      %dma_start3A_153 = tpu.memref_slice %arg10[%dma_start3A_152] : memref<128xi32, #tpu.memory_space<vmem>> -> memref<8xi32, #tpu.memory_space<vmem>>
      %dma_start3A_154 = tpu.memref_slice %arg2[%multiple_of3A_119] : memref<160000xi32, #tpu.memory_space<hbm>> -> memref<8xi32, #tpu.memory_space<hbm>>
      %dma_start3A_155 = arith.constant 0 : i32
      %dma_start3A_156 = tpu.memref_slice %arg10[%dma_start3A_155] : memref<128xi32, #tpu.memory_space<vmem>> -> memref<8xi32, #tpu.memory_space<vmem>>
      %dma_start3A_157 = tpu.memref_slice %arg2[%multiple_of3A_119] : memref<160000xi32, #tpu.memory_space<hbm>> -> memref<8xi32, #tpu.memory_space<hbm>>
      tpu.enqueue_dma source(%dma_start3A_157 : memref<8xi32, #tpu.memory_space<hbm>>) target(%dma_start3A_156 : memref<8xi32, #tpu.memory_space<vmem>>) target_semaphore(%run_scoped3A : memref<!tpu.dma_semaphore, #tpu.memory_space<semaphore_mem>>)
      %dma_wait3A_158 = arith.constant 0 : i32
      %dma_wait3A_159 = tpu.memref_slice %arg10[%dma_wait3A_158] : memref<128xi32, #tpu.memory_space<vmem>> -> memref<8xi32, #tpu.memory_space<vmem>>
      %dma_wait3A_160 = tpu.memref_slice %arg2[%multiple_of3A_119] : memref<160000xi32, #tpu.memory_space<hbm>> -> memref<8xi32, #tpu.memory_space<hbm>>
      %dma_wait3A_161 = arith.constant 0 : i32
      %dma_wait3A_162 = tpu.memref_slice %arg10[%dma_wait3A_161] : memref<128xi32, #tpu.memory_space<vmem>> -> memref<8xi32, #tpu.memory_space<vmem>>
      %dma_wait3A_163 = tpu.memref_slice %arg2[%multiple_of3A_119] : memref<160000xi32, #tpu.memory_space<hbm>> -> memref<8xi32, #tpu.memory_space<hbm>>
      tpu.wait_dma2 semaphore(%run_scoped3A : memref<!tpu.dma_semaphore, #tpu.memory_space<semaphore_mem>>) src(%dma_wait3A_163 : memref<8xi32, #tpu.memory_space<hbm>>) dst(%dma_wait3A_162 : memref<8xi32, #tpu.memory_space<vmem>>)
      tpu.yield
    }) : () -> ()
    "tpu.region"() ({
      %run_scoped3A = tpu.sem_alloc : memref<!tpu.dma_semaphore, #tpu.memory_space<semaphore_mem>>
      %dma_start3A_152 = arith.constant 0 : i32
      %dma_start3A_153 = tpu.memref_slice %arg11[%dma_start3A_152] : memref<128xi32, #tpu.memory_space<vmem>> -> memref<8xi32, #tpu.memory_space<vmem>>
      %dma_start3A_154 = tpu.memref_slice %arg3[%multiple_of3A_119] : memref<160000xi32, #tpu.memory_space<hbm>> -> memref<8xi32, #tpu.memory_space<hbm>>
      %dma_start3A_155 = arith.constant 0 : i32
      %dma_start3A_156 = tpu.memref_slice %arg11[%dma_start3A_155] : memref<128xi32, #tpu.memory_space<vmem>> -> memref<8xi32, #tpu.memory_space<vmem>>
      %dma_start3A_157 = tpu.memref_slice %arg3[%multiple_of3A_119] : memref<160000xi32, #tpu.memory_space<hbm>> -> memref<8xi32, #tpu.memory_space<hbm>>
      tpu.enqueue_dma source(%dma_start3A_157 : memref<8xi32, #tpu.memory_space<hbm>>) target(%dma_start3A_156 : memref<8xi32, #tpu.memory_space<vmem>>) target_semaphore(%run_scoped3A : memref<!tpu.dma_semaphore, #tpu.memory_space<semaphore_mem>>)
      %dma_wait3A_158 = arith.constant 0 : i32
      %dma_wait3A_159 = tpu.memref_slice %arg11[%dma_wait3A_158] : memref<128xi32, #tpu.memory_space<vmem>> -> memref<8xi32, #tpu.memory_space<vmem>>
      %dma_wait3A_160 = tpu.memref_slice %arg3[%multiple_of3A_119] : memref<160000xi32, #tpu.memory_space<hbm>> -> memref<8xi32, #tpu.memory_space<hbm>>
      %dma_wait3A_161 = arith.constant 0 : i32
      %dma_wait3A_162 = tpu.memref_slice %arg11[%dma_wait3A_161] : memref<128xi32, #tpu.memory_space<vmem>> -> memref<8xi32, #tpu.memory_space<vmem>>
      %dma_wait3A_163 = tpu.memref_slice %arg3[%multiple_of3A_119] : memref<160000xi32, #tpu.memory_space<hbm>> -> memref<8xi32, #tpu.memory_space<hbm>>
      tpu.wait_dma2 semaphore(%run_scoped3A : memref<!tpu.dma_semaphore, #tpu.memory_space<semaphore_mem>>) src(%dma_wait3A_163 : memref<8xi32, #tpu.memory_space<hbm>>) dst(%dma_wait3A_162 : memref<8xi32, #tpu.memory_space<vmem>>)
      tpu.yield
    }) : () -> ()
    %dma_start3A_120 = arith.constant 0 : i32
    %dma_start3A_121 = arith.constant 0 : i32
    %dma_start3A_122 = tpu.memref_slice %arg14[%dma_start3A_120, %dma_start3A_121] : memref<128x128xf32, #tpu.memory_space<vmem>> -> memref<8x128xf32, #tpu.memory_space<vmem>>
    %dma_start3A_123 = arith.constant 0 : i32
    %dma_start3A_124 = tpu.memref_slice %arg11[%dma_start3A_123] : memref<128xi32, #tpu.memory_space<vmem>> -> memref<8xi32, #tpu.memory_space<vmem>>
    %dma_start3A_125 = arith.constant 0 : i32
    %dma_start3A_126 = arith.constant 0 : i32
    %dma_start3A_127 = tpu.memref_slice %arg4[%dma_start3A_125, %dma_start3A_126] : memref<10000x128xf32, #tpu.memory_space<hbm>> -> memref<10000x128xf32, #tpu.memory_space<hbm>>
    tpu.enqueue_indirect_dma source(%dma_start3A_127 : memref<10000x128xf32, #tpu.memory_space<hbm>>) target(%dma_start3A_122 : memref<8x128xf32, #tpu.memory_space<vmem>>) offsets(%dma_start3A_124 : memref<8xi32, #tpu.memory_space<vmem>>) semaphore(%arg17 : memref<!tpu.dma_semaphore, #tpu.memory_space<semaphore_mem>>)
    %dma_start3A_128 = arith.constant 0 : i32
    %dma_start3A_129 = arith.constant 0 : i32
    %dma_start3A_130 = tpu.memref_slice %arg15[%dma_start3A_128, %dma_start3A_129] : memref<128x128xf32, #tpu.memory_space<vmem>> -> memref<8x128xf32, #tpu.memory_space<vmem>>
    %dma_start3A_131 = arith.constant 0 : i32
    %dma_start3A_132 = tpu.memref_slice %arg10[%dma_start3A_131] : memref<128xi32, #tpu.memory_space<vmem>> -> memref<8xi32, #tpu.memory_space<vmem>>
    %dma_start3A_133 = arith.constant 0 : i32
    %dma_start3A_134 = arith.constant 0 : i32
    %dma_start3A_135 = tpu.memref_slice %arg5[%dma_start3A_133, %dma_start3A_134] : memref<10000x128xf32, #tpu.memory_space<hbm>> -> memref<10000x128xf32, #tpu.memory_space<hbm>>
    tpu.enqueue_indirect_dma source(%dma_start3A_135 : memref<10000x128xf32, #tpu.memory_space<hbm>>) target(%dma_start3A_130 : memref<8x128xf32, #tpu.memory_space<vmem>>) offsets(%dma_start3A_132 : memref<8xi32, #tpu.memory_space<vmem>>) semaphore(%arg17 : memref<!tpu.dma_semaphore, #tpu.memory_space<semaphore_mem>>)
    %dma_wait3A_136 = arith.constant 0 : i32
    %dma_wait3A_137 = arith.constant 0 : i32
    %dma_wait3A_138 = tpu.memref_slice %arg14[%dma_wait3A_136, %dma_wait3A_137] : memref<128x128xf32, #tpu.memory_space<vmem>> -> memref<8x128xf32, #tpu.memory_space<vmem>>
    %dma_wait3A_139 = arith.constant 0 : i32
    %dma_wait3A_140 = tpu.memref_slice %arg11[%dma_wait3A_139] : memref<128xi32, #tpu.memory_space<vmem>> -> memref<8xi32, #tpu.memory_space<vmem>>
    %dma_wait3A_141 = arith.constant 0 : i32
    %dma_wait3A_142 = arith.constant 0 : i32
    %dma_wait3A_143 = tpu.memref_slice %arg4[%dma_wait3A_141, %dma_wait3A_142] : memref<10000x128xf32, #tpu.memory_space<hbm>> -> memref<10000x128xf32, #tpu.memory_space<hbm>>
    tpu.wait_indirect_dma semaphore(%arg17 : memref<!tpu.dma_semaphore, #tpu.memory_space<semaphore_mem>>) src(%dma_wait3A_143 : memref<10000x128xf32, #tpu.memory_space<hbm>>) dst(%dma_wait3A_138 : memref<8x128xf32, #tpu.memory_space<vmem>>)
    %dma_wait3A_144 = arith.constant 0 : i32
    %dma_wait3A_145 = arith.constant 0 : i32
    %dma_wait3A_146 = tpu.memref_slice %arg15[%dma_wait3A_144, %dma_wait3A_145] : memref<128x128xf32, #tpu.memory_space<vmem>> -> memref<8x128xf32, #tpu.memory_space<vmem>>
    %dma_wait3A_147 = arith.constant 0 : i32
    %dma_wait3A_148 = tpu.memref_slice %arg10[%dma_wait3A_147] : memref<128xi32, #tpu.memory_space<vmem>> -> memref<8xi32, #tpu.memory_space<vmem>>
    %dma_wait3A_149 = arith.constant 0 : i32
    %dma_wait3A_150 = arith.constant 0 : i32
    %dma_wait3A_151 = tpu.memref_slice %arg5[%dma_wait3A_149, %dma_wait3A_150] : memref<10000x128xf32, #tpu.memory_space<hbm>> -> memref<10000x128xf32, #tpu.memory_space<hbm>>
    tpu.wait_indirect_dma semaphore(%arg17 : memref<!tpu.dma_semaphore, #tpu.memory_space<semaphore_mem>>) src(%dma_wait3A_151 : memref<10000x128xf32, #tpu.memory_space<hbm>>) dst(%dma_wait3A_146 : memref<8x128xf32, #tpu.memory_space<vmem>>)
    "tpu.region"() ({
      %run_scoped3A = tpu.sem_alloc : memref<!tpu.dma_semaphore, #tpu.memory_space<semaphore_mem>>
      %dma_start3A_152 = arith.constant 0 : i32
      %dma_start3A_153 = arith.constant 0 : i32
      %dma_start3A_154 = tpu.memref_slice %arg14[%dma_start3A_152, %dma_start3A_153] : memref<128x128xf32, #tpu.memory_space<vmem>> -> memref<8x128xf32, #tpu.memory_space<vmem>>
      %dma_start3A_155 = arith.constant 0 : i32
      %dma_start3A_156 = tpu.memref_slice %arg6[%multiple_of3A_119, %dma_start3A_155] : memref<160000x128xf32, #tpu.memory_space<hbm>> -> memref<8x128xf32, #tpu.memory_space<hbm>>
      %dma_start3A_157 = arith.constant 0 : i32
      %dma_start3A_158 = tpu.memref_slice %arg6[%multiple_of3A_119, %dma_start3A_157] : memref<160000x128xf32, #tpu.memory_space<hbm>> -> memref<8x128xf32, #tpu.memory_space<hbm>>
      %dma_start3A_159 = arith.constant 0 : i32
      %dma_start3A_160 = arith.constant 0 : i32
      %dma_start3A_161 = tpu.memref_slice %arg14[%dma_start3A_159, %dma_start3A_160] : memref<128x128xf32, #tpu.memory_space<vmem>> -> memref<8x128xf32, #tpu.memory_space<vmem>>
      tpu.enqueue_dma source(%dma_start3A_161 : memref<8x128xf32, #tpu.memory_space<vmem>>) target(%dma_start3A_158 : memref<8x128xf32, #tpu.memory_space<hbm>>) target_semaphore(%run_scoped3A : memref<!tpu.dma_semaphore, #tpu.memory_space<semaphore_mem>>)
      %dma_wait3A_162 = arith.constant 0 : i32
      %dma_wait3A_163 = arith.constant 0 : i32
      %dma_wait3A_164 = tpu.memref_slice %arg14[%dma_wait3A_162, %dma_wait3A_163] : memref<128x128xf32, #tpu.memory_space<vmem>> -> memref<8x128xf32, #tpu.memory_space<vmem>>
      %dma_wait3A_165 = arith.constant 0 : i32
      %dma_wait3A_166 = tpu.memref_slice %arg6[%multiple_of3A_119, %dma_wait3A_165] : memref<160000x128xf32, #tpu.memory_space<hbm>> -> memref<8x128xf32, #tpu.memory_space<hbm>>
      %dma_wait3A_167 = arith.constant 0 : i32
      %dma_wait3A_168 = tpu.memref_slice %arg6[%multiple_of3A_119, %dma_wait3A_167] : memref<160000x128xf32, #tpu.memory_space<hbm>> -> memref<8x128xf32, #tpu.memory_space<hbm>>
      %dma_wait3A_169 = arith.constant 0 : i32
      %dma_wait3A_170 = arith.constant 0 : i32
      %dma_wait3A_171 = tpu.memref_slice %arg14[%dma_wait3A_169, %dma_wait3A_170] : memref<128x128xf32, #tpu.memory_space<vmem>> -> memref<8x128xf32, #tpu.memory_space<vmem>>
      tpu.wait_dma2 semaphore(%run_scoped3A : memref<!tpu.dma_semaphore, #tpu.memory_space<semaphore_mem>>) src(%dma_wait3A_171 : memref<8x128xf32, #tpu.memory_space<vmem>>) dst(%dma_wait3A_168 : memref<8x128xf32, #tpu.memory_space<hbm>>)
      tpu.yield
    }) : () -> ()
    "tpu.region"() ({
      %run_scoped3A = tpu.sem_alloc : memref<!tpu.dma_semaphore, #tpu.memory_space<semaphore_mem>>
      %dma_start3A_152 = arith.constant 0 : i32
      %dma_start3A_153 = arith.constant 0 : i32
      %dma_start3A_154 = tpu.memref_slice %arg15[%dma_start3A_152, %dma_start3A_153] : memref<128x128xf32, #tpu.memory_space<vmem>> -> memref<8x128xf32, #tpu.memory_space<vmem>>
      %dma_start3A_155 = arith.constant 0 : i32
      %dma_start3A_156 = tpu.memref_slice %arg7[%multiple_of3A_119, %dma_start3A_155] : memref<160000x128xf32, #tpu.memory_space<hbm>> -> memref<8x128xf32, #tpu.memory_space<hbm>>
      %dma_start3A_157 = arith.constant 0 : i32
      %dma_start3A_158 = tpu.memref_slice %arg7[%multiple_of3A_119, %dma_start3A_157] : memref<160000x128xf32, #tpu.memory_space<hbm>> -> memref<8x128xf32, #tpu.memory_space<hbm>>
      %dma_start3A_159 = arith.constant 0 : i32
      %dma_start3A_160 = arith.constant 0 : i32
      %dma_start3A_161 = tpu.memref_slice %arg15[%dma_start3A_159, %dma_start3A_160] : memref<128x128xf32, #tpu.memory_space<vmem>> -> memref<8x128xf32, #tpu.memory_space<vmem>>
      tpu.enqueue_dma source(%dma_start3A_161 : memref<8x128xf32, #tpu.memory_space<vmem>>) target(%dma_start3A_158 : memref<8x128xf32, #tpu.memory_space<hbm>>) target_semaphore(%run_scoped3A : memref<!tpu.dma_semaphore, #tpu.memory_space<semaphore_mem>>)
      %dma_wait3A_162 = arith.constant 0 : i32
      %dma_wait3A_163 = arith.constant 0 : i32
      %dma_wait3A_164 = tpu.memref_slice %arg15[%dma_wait3A_162, %dma_wait3A_163] : memref<128x128xf32, #tpu.memory_space<vmem>> -> memref<8x128xf32, #tpu.memory_space<vmem>>
      %dma_wait3A_165 = arith.constant 0 : i32
      %dma_wait3A_166 = tpu.memref_slice %arg7[%multiple_of3A_119, %dma_wait3A_165] : memref<160000x128xf32, #tpu.memory_space<hbm>> -> memref<8x128xf32, #tpu.memory_space<hbm>>
      %dma_wait3A_167 = arith.constant 0 : i32
      %dma_wait3A_168 = tpu.memref_slice %arg7[%multiple_of3A_119, %dma_wait3A_167] : memref<160000x128xf32, #tpu.memory_space<hbm>> -> memref<8x128xf32, #tpu.memory_space<hbm>>
      %dma_wait3A_169 = arith.constant 0 : i32
      %dma_wait3A_170 = arith.constant 0 : i32
      %dma_wait3A_171 = tpu.memref_slice %arg15[%dma_wait3A_169, %dma_wait3A_170] : memref<128x128xf32, #tpu.memory_space<vmem>> -> memref<8x128xf32, #tpu.memory_space<vmem>>
      tpu.wait_dma2 semaphore(%run_scoped3A : memref<!tpu.dma_semaphore, #tpu.memory_space<semaphore_mem>>) src(%dma_wait3A_171 : memref<8x128xf32, #tpu.memory_space<vmem>>) dst(%dma_wait3A_168 : memref<8x128xf32, #tpu.memory_space<hbm>>)
      tpu.yield
    }) : () -> ()
    return
  }
}

#map = affine_map<(d0, d1) -> (0)>
#map1 = affine_map<(d0, d1) -> (0, 0, 0)>
#map2 = affine_map<(d0, d1) -> (0, 0)>
module attributes {stable_mosaic.version = 14 : i64} {
  func.func @_sc_scatter(%arg0: i32, %arg1: i32, %arg2: memref<160000xi32, #tpu.memory_space<hbm>>, %arg3: memref<2x160000x128xf32, #tpu.memory_space<hbm>>, %arg4: memref<624x128xf32, #tpu.memory_space<hbm>>, %arg5: memref<2x10000x128xf32, #tpu.memory_space<hbm>>, %arg6: memref<128xi32, #tpu.memory_space<vmem>>, %arg7: memref<128xi32, #tpu.memory_space<vmem>>, %arg8: memref<16xi32, #tpu.memory_space<vmem>>, %arg9: memref<128x128xf32, #tpu.memory_space<vmem>>, %arg10: memref<128x128xf32, #tpu.memory_space<vmem>>, %arg11: memref<10000x128xf32, #tpu.memory_space<vmem_shared>>, %arg12: memref<!tpu.dma_semaphore, #tpu.memory_space<semaphore_mem>>, %arg13: memref<!tpu.dma_semaphore, #tpu.memory_space<semaphore_mem>>, %arg14: memref<!tpu.dma_semaphore, #tpu.memory_space<semaphore_mem>>, %arg15: memref<!tpu.dma_semaphore, #tpu.memory_space<semaphore_mem>>) attributes {dimension_semantics = [#tpu.dimension_semantics<core_parallel>, #tpu.dimension_semantics<subcore_parallel>], iteration_bounds = array<i64: 2, 16>, scalar_prefetch = 0 : i64, scratch_operands = 10 : i64, tpu.core_type = #tpu.core_type<sc_vector_subcore>, window_params = [{transform_indices = #map}, {transform_indices = #map1}, {transform_indices = #map2}, {transform_indices = #map1}]} {
    %mul3A = arith.constant 624 : i32
    %mul3A_0 = arith.muli %arg1, %mul3A : i32
    "tpu.region"() ({
      %run_scoped3A = tpu.sem_alloc : memref<!tpu.dma_semaphore, #tpu.memory_space<semaphore_mem>>
      %dma_start3A_112 = arith.constant 0 : i32
      %dma_start3A_113 = tpu.memref_slice %arg11[%mul3A_0, %dma_start3A_112] : memref<10000x128xf32, #tpu.memory_space<vmem_shared>> -> memref<624x128xf32, #tpu.memory_space<vmem_shared>>
      tpu.enqueue_dma source(%arg4 : memref<624x128xf32, #tpu.memory_space<hbm>>) target(%dma_start3A_113 : memref<624x128xf32, #tpu.memory_space<vmem_shared>>) target_semaphore(%run_scoped3A : memref<!tpu.dma_semaphore, #tpu.memory_space<semaphore_mem>>)
      %dma_wait3A_114 = arith.constant 0 : i32
      %dma_wait3A_115 = tpu.memref_slice %arg11[%mul3A_0, %dma_wait3A_114] : memref<10000x128xf32, #tpu.memory_space<vmem_shared>> -> memref<624x128xf32, #tpu.memory_space<vmem_shared>>
      tpu.wait_dma2 semaphore(%run_scoped3A : memref<!tpu.dma_semaphore, #tpu.memory_space<semaphore_mem>>) src(%arg4 : memref<624x128xf32, #tpu.memory_space<hbm>>) dst(%dma_wait3A_115 : memref<624x128xf32, #tpu.memory_space<vmem_shared>>)
      tpu.yield
    }) : () -> ()
    %eq3A = arith.constant 15 : i32
    %eq3A_1 = arith.cmpi eq, %arg1, %eq3A : i32
    %convert_element_type3A = arith.extui %eq3A_1 : i1 to i32
    %cond3A = arith.constant 0 : i32
    %cond3A_2 = arith.cmpi ne, %convert_element_type3A, %cond3A : i32
    scf.if %cond3A_2 {
      "tpu.region"() ({
        %run_scoped3A = tpu.sem_alloc : memref<!tpu.dma_semaphore, #tpu.memory_space<semaphore_mem>>
        %dma_start3A_112 = arith.constant 9984 : i32
        %dma_start3A_113 = arith.constant 0 : i32
        %dma_start3A_114 = tpu.memref_slice %arg11[%dma_start3A_112, %dma_start3A_113] : memref<10000x128xf32, #tpu.memory_space<vmem_shared>> -> memref<16x128xf32, #tpu.memory_space<vmem_shared>>
        %dma_start3A_115 = arith.constant 0 : i32
        %dma_start3A_116 = arith.constant 0 : i32
        %dma_start3A_117 = tpu.memref_slice %arg4[%dma_start3A_115, %dma_start3A_116] : memref<624x128xf32, #tpu.memory_space<hbm>> -> memref<16x128xf32, #tpu.memory_space<hbm>>
        tpu.enqueue_dma source(%dma_start3A_117 : memref<16x128xf32, #tpu.memory_space<hbm>>) target(%dma_start3A_114 : memref<16x128xf32, #tpu.memory_space<vmem_shared>>) target_semaphore(%run_scoped3A : memref<!tpu.dma_semaphore, #tpu.memory_space<semaphore_mem>>)
        %dma_wait3A_118 = arith.constant 9984 : i32
        %dma_wait3A_119 = arith.constant 0 : i32
        %dma_wait3A_120 = tpu.memref_slice %arg11[%dma_wait3A_118, %dma_wait3A_119] : memref<10000x128xf32, #tpu.memory_space<vmem_shared>> -> memref<16x128xf32, #tpu.memory_space<vmem_shared>>
        %dma_wait3A_121 = arith.constant 0 : i32
        %dma_wait3A_122 = arith.constant 0 : i32
        %dma_wait3A_123 = tpu.memref_slice %arg4[%dma_wait3A_121, %dma_wait3A_122] : memref<624x128xf32, #tpu.memory_space<hbm>> -> memref<16x128xf32, #tpu.memory_space<hbm>>
        tpu.wait_dma2 semaphore(%run_scoped3A : memref<!tpu.dma_semaphore, #tpu.memory_space<semaphore_mem>>) src(%dma_wait3A_123 : memref<16x128xf32, #tpu.memory_space<hbm>>) dst(%dma_wait3A_120 : memref<16x128xf32, #tpu.memory_space<vmem_shared>>)
        tpu.yield
      }) : () -> ()
    } else {
    }
    %barrier3A = arith.constant 0 : index
    tpu.barrier barrier_id(%barrier3A)
    %mul3A_3 = arith.constant 10000 : i32
    %mul3A_4 = arith.muli %arg1, %mul3A_3 : i32
    %multiple_of3A = tpu.assume_multiple %mul3A_4, 8 : i32
    %add3A = arith.constant 0 : i32
    %add3A_5 = arith.addi %multiple_of3A, %add3A : i32
    %multiple_of3A_6 = tpu.assume_multiple %add3A_5, 8 : i32
    "tpu.region"() ({
      %run_scoped3A = tpu.sem_alloc : memref<!tpu.dma_semaphore, #tpu.memory_space<semaphore_mem>>
      %dma_start3A_112 = tpu.memref_slice %arg2[%multiple_of3A_6] : memref<160000xi32, #tpu.memory_space<hbm>> -> memref<128xi32, #tpu.memory_space<hbm>>
      %dma_start3A_113 = tpu.memref_slice %arg2[%multiple_of3A_6] : memref<160000xi32, #tpu.memory_space<hbm>> -> memref<128xi32, #tpu.memory_space<hbm>>
      tpu.enqueue_dma source(%dma_start3A_113 : memref<128xi32, #tpu.memory_space<hbm>>) target(%arg6 : memref<128xi32, #tpu.memory_space<vmem>>) target_semaphore(%run_scoped3A : memref<!tpu.dma_semaphore, #tpu.memory_space<semaphore_mem>>)
      %dma_wait3A_114 = tpu.memref_slice %arg2[%multiple_of3A_6] : memref<160000xi32, #tpu.memory_space<hbm>> -> memref<128xi32, #tpu.memory_space<hbm>>
      %dma_wait3A_115 = tpu.memref_slice %arg2[%multiple_of3A_6] : memref<160000xi32, #tpu.memory_space<hbm>> -> memref<128xi32, #tpu.memory_space<hbm>>
      tpu.wait_dma2 semaphore(%run_scoped3A : memref<!tpu.dma_semaphore, #tpu.memory_space<semaphore_mem>>) src(%dma_wait3A_115 : memref<128xi32, #tpu.memory_space<hbm>>) dst(%arg6 : memref<128xi32, #tpu.memory_space<vmem>>)
      tpu.yield
    }) : () -> ()
    %dma_start3A = arith.constant 0 : i32
    %dma_start3A_7 = tpu.memref_slice %arg3[%arg0, %multiple_of3A_6, %dma_start3A] : memref<2x160000x128xf32, #tpu.memory_space<hbm>> -> memref<1x128x128xf32, #tpu.memory_space<hbm>>
    %dma_start3A_8 = tpu.memref_squeeze %dma_start3A_7 : memref<1x128x128xf32, #tpu.memory_space<hbm>> -> memref<128x128xf32, #tpu.memory_space<hbm>>
    %dma_start3A_9 = arith.constant 0 : i32
    %dma_start3A_10 = tpu.memref_slice %arg3[%arg0, %multiple_of3A_6, %dma_start3A_9] : memref<2x160000x128xf32, #tpu.memory_space<hbm>> -> memref<1x128x128xf32, #tpu.memory_space<hbm>>
    %dma_start3A_11 = tpu.memref_squeeze %dma_start3A_10 : memref<1x128x128xf32, #tpu.memory_space<hbm>> -> memref<128x128xf32, #tpu.memory_space<hbm>>
    tpu.enqueue_dma source(%dma_start3A_11 : memref<128x128xf32, #tpu.memory_space<hbm>>) target(%arg9 : memref<128x128xf32, #tpu.memory_space<vmem>>) target_semaphore(%arg12 : memref<!tpu.dma_semaphore, #tpu.memory_space<semaphore_mem>>)
    %add3A_12 = arith.constant 128 : i32
    %add3A_13 = arith.addi %multiple_of3A, %add3A_12 : i32
    %multiple_of3A_14 = tpu.assume_multiple %add3A_13, 8 : i32
    "tpu.region"() ({
      %run_scoped3A = tpu.sem_alloc : memref<!tpu.dma_semaphore, #tpu.memory_space<semaphore_mem>>
      %dma_start3A_112 = tpu.memref_slice %arg2[%multiple_of3A_14] : memref<160000xi32, #tpu.memory_space<hbm>> -> memref<128xi32, #tpu.memory_space<hbm>>
      %dma_start3A_113 = tpu.memref_slice %arg2[%multiple_of3A_14] : memref<160000xi32, #tpu.memory_space<hbm>> -> memref<128xi32, #tpu.memory_space<hbm>>
      tpu.enqueue_dma source(%dma_start3A_113 : memref<128xi32, #tpu.memory_space<hbm>>) target(%arg7 : memref<128xi32, #tpu.memory_space<vmem>>) target_semaphore(%run_scoped3A : memref<!tpu.dma_semaphore, #tpu.memory_space<semaphore_mem>>)
      %dma_wait3A_114 = tpu.memref_slice %arg2[%multiple_of3A_14] : memref<160000xi32, #tpu.memory_space<hbm>> -> memref<128xi32, #tpu.memory_space<hbm>>
      %dma_wait3A_115 = tpu.memref_slice %arg2[%multiple_of3A_14] : memref<160000xi32, #tpu.memory_space<hbm>> -> memref<128xi32, #tpu.memory_space<hbm>>
      tpu.wait_dma2 semaphore(%run_scoped3A : memref<!tpu.dma_semaphore, #tpu.memory_space<semaphore_mem>>) src(%dma_wait3A_115 : memref<128xi32, #tpu.memory_space<hbm>>) dst(%arg7 : memref<128xi32, #tpu.memory_space<vmem>>)
      tpu.yield
    }) : () -> ()
    %dma_start3A_15 = arith.constant 0 : i32
    %dma_start3A_16 = tpu.memref_slice %arg3[%arg0, %multiple_of3A_14, %dma_start3A_15] : memref<2x160000x128xf32, #tpu.memory_space<hbm>> -> memref<1x128x128xf32, #tpu.memory_space<hbm>>
    %dma_start3A_17 = tpu.memref_squeeze %dma_start3A_16 : memref<1x128x128xf32, #tpu.memory_space<hbm>> -> memref<128x128xf32, #tpu.memory_space<hbm>>
    %dma_start3A_18 = arith.constant 0 : i32
    %dma_start3A_19 = tpu.memref_slice %arg3[%arg0, %multiple_of3A_14, %dma_start3A_18] : memref<2x160000x128xf32, #tpu.memory_space<hbm>> -> memref<1x128x128xf32, #tpu.memory_space<hbm>>
    %dma_start3A_20 = tpu.memref_squeeze %dma_start3A_19 : memref<1x128x128xf32, #tpu.memory_space<hbm>> -> memref<128x128xf32, #tpu.memory_space<hbm>>
    tpu.enqueue_dma source(%dma_start3A_20 : memref<128x128xf32, #tpu.memory_space<hbm>>) target(%arg10 : memref<128x128xf32, #tpu.memory_space<vmem>>) target_semaphore(%arg13 : memref<!tpu.dma_semaphore, #tpu.memory_space<semaphore_mem>>)
    %scan3A = arith.constant 0 : i32
    %scan3A_21 = arith.constant 0 : i32
    %scan3A_22 = arith.constant 37 : i32
    %scan3A_23 = arith.addi %scan3A_21, %scan3A_22 : i32
    %scan3A_24 = arith.constant 1 : i32
    scf.for %scan3A_112 = %scan3A_21 to %scan3A_23 step %scan3A_24  : i32 {
      %mul3A_113 = arith.constant 2 : i32
      %mul3A_114 = arith.muli %mul3A_113, %scan3A_112 : i32
      %mul3A_115 = arith.constant 128 : i32
      %mul3A_116 = arith.muli %mul3A_114, %mul3A_115 : i32
      %add3A_117 = arith.addi %multiple_of3A, %mul3A_116 : i32
      %multiple_of3A_118 = tpu.assume_multiple %add3A_117, 8 : i32
      %dma_wait3A_119 = arith.constant 0 : i32
      %dma_wait3A_120 = tpu.memref_slice %arg3[%arg0, %multiple_of3A_118, %dma_wait3A_119] : memref<2x160000x128xf32, #tpu.memory_space<hbm>> -> memref<1x128x128xf32, #tpu.memory_space<hbm>>
      %dma_wait3A_121 = tpu.memref_squeeze %dma_wait3A_120 : memref<1x128x128xf32, #tpu.memory_space<hbm>> -> memref<128x128xf32, #tpu.memory_space<hbm>>
      %dma_wait3A_122 = arith.constant 0 : i32
      %dma_wait3A_123 = tpu.memref_slice %arg3[%arg0, %multiple_of3A_118, %dma_wait3A_122] : memref<2x160000x128xf32, #tpu.memory_space<hbm>> -> memref<1x128x128xf32, #tpu.memory_space<hbm>>
      %dma_wait3A_124 = tpu.memref_squeeze %dma_wait3A_123 : memref<1x128x128xf32, #tpu.memory_space<hbm>> -> memref<128x128xf32, #tpu.memory_space<hbm>>
      tpu.wait_dma2 semaphore(%arg12 : memref<!tpu.dma_semaphore, #tpu.memory_space<semaphore_mem>>) src(%dma_wait3A_124 : memref<128x128xf32, #tpu.memory_space<hbm>>) dst(%arg9 : memref<128x128xf32, #tpu.memory_space<vmem>>)
      %dma_start3A_125 = arith.constant 0 : i32
      %dma_start3A_126 = arith.constant 0 : i32
      %dma_start3A_127 = tpu.memref_slice %arg11[%dma_start3A_125, %dma_start3A_126] : memref<10000x128xf32, #tpu.memory_space<vmem_shared>> -> memref<10000x128xf32, #tpu.memory_space<vmem_shared>>
      tpu.enqueue_indirect_dma source(%arg9 : memref<128x128xf32, #tpu.memory_space<vmem>>) target(%dma_start3A_127 : memref<10000x128xf32, #tpu.memory_space<vmem_shared>>) offsets(%arg6 : memref<128xi32, #tpu.memory_space<vmem>>) semaphore(%arg14 : memref<!tpu.dma_semaphore, #tpu.memory_space<semaphore_mem>>) {add = true}
      %add3A_128 = arith.constant 2 : i32
      %add3A_129 = arith.addi %mul3A_114, %add3A_128 : i32
      %mul3A_130 = arith.constant 128 : i32
      %mul3A_131 = arith.muli %add3A_129, %mul3A_130 : i32
      %add3A_132 = arith.addi %multiple_of3A, %mul3A_131 : i32
      %multiple_of3A_133 = tpu.assume_multiple %add3A_132, 8 : i32
      %dma_wait3A_134 = arith.constant 0 : i32
      %dma_wait3A_135 = arith.constant 0 : i32
      %dma_wait3A_136 = tpu.memref_slice %arg11[%dma_wait3A_134, %dma_wait3A_135] : memref<10000x128xf32, #tpu.memory_space<vmem_shared>> -> memref<10000x128xf32, #tpu.memory_space<vmem_shared>>
      tpu.wait_indirect_dma semaphore(%arg14 : memref<!tpu.dma_semaphore, #tpu.memory_space<semaphore_mem>>) src(%arg9 : memref<128x128xf32, #tpu.memory_space<vmem>>) dst(%dma_wait3A_136 : memref<10000x128xf32, #tpu.memory_space<vmem_shared>>)
      "tpu.region"() ({
        %run_scoped3A = tpu.sem_alloc : memref<!tpu.dma_semaphore, #tpu.memory_space<semaphore_mem>>
        %dma_start3A_173 = tpu.memref_slice %arg2[%multiple_of3A_133] : memref<160000xi32, #tpu.memory_space<hbm>> -> memref<128xi32, #tpu.memory_space<hbm>>
        %dma_start3A_174 = tpu.memref_slice %arg2[%multiple_of3A_133] : memref<160000xi32, #tpu.memory_space<hbm>> -> memref<128xi32, #tpu.memory_space<hbm>>
        tpu.enqueue_dma source(%dma_start3A_174 : memref<128xi32, #tpu.memory_space<hbm>>) target(%arg6 : memref<128xi32, #tpu.memory_space<vmem>>) target_semaphore(%run_scoped3A : memref<!tpu.dma_semaphore, #tpu.memory_space<semaphore_mem>>)
        %dma_wait3A_175 = tpu.memref_slice %arg2[%multiple_of3A_133] : memref<160000xi32, #tpu.memory_space<hbm>> -> memref<128xi32, #tpu.memory_space<hbm>>
        %dma_wait3A_176 = tpu.memref_slice %arg2[%multiple_of3A_133] : memref<160000xi32, #tpu.memory_space<hbm>> -> memref<128xi32, #tpu.memory_space<hbm>>
        tpu.wait_dma2 semaphore(%run_scoped3A : memref<!tpu.dma_semaphore, #tpu.memory_space<semaphore_mem>>) src(%dma_wait3A_176 : memref<128xi32, #tpu.memory_space<hbm>>) dst(%arg6 : memref<128xi32, #tpu.memory_space<vmem>>)
        tpu.yield
      }) : () -> ()
      %dma_start3A_137 = arith.constant 0 : i32
      %dma_start3A_138 = tpu.memref_slice %arg3[%arg0, %multiple_of3A_133, %dma_start3A_137] : memref<2x160000x128xf32, #tpu.memory_space<hbm>> -> memref<1x128x128xf32, #tpu.memory_space<hbm>>
      %dma_start3A_139 = tpu.memref_squeeze %dma_start3A_138 : memref<1x128x128xf32, #tpu.memory_space<hbm>> -> memref<128x128xf32, #tpu.memory_space<hbm>>
      %dma_start3A_140 = arith.constant 0 : i32
      %dma_start3A_141 = tpu.memref_slice %arg3[%arg0, %multiple_of3A_133, %dma_start3A_140] : memref<2x160000x128xf32, #tpu.memory_space<hbm>> -> memref<1x128x128xf32, #tpu.memory_space<hbm>>
      %dma_start3A_142 = tpu.memref_squeeze %dma_start3A_141 : memref<1x128x128xf32, #tpu.memory_space<hbm>> -> memref<128x128xf32, #tpu.memory_space<hbm>>
      tpu.enqueue_dma source(%dma_start3A_142 : memref<128x128xf32, #tpu.memory_space<hbm>>) target(%arg9 : memref<128x128xf32, #tpu.memory_space<vmem>>) target_semaphore(%arg12 : memref<!tpu.dma_semaphore, #tpu.memory_space<semaphore_mem>>)
      %add3A_143 = arith.constant 1 : i32
      %add3A_144 = arith.addi %mul3A_114, %add3A_143 : i32
      %mul3A_145 = arith.constant 128 : i32
      %mul3A_146 = arith.muli %add3A_144, %mul3A_145 : i32
      %add3A_147 = arith.addi %multiple_of3A, %mul3A_146 : i32
      %multiple_of3A_148 = tpu.assume_multiple %add3A_147, 8 : i32
      %dma_wait3A_149 = arith.constant 0 : i32
      %dma_wait3A_150 = tpu.memref_slice %arg3[%arg0, %multiple_of3A_148, %dma_wait3A_149] : memref<2x160000x128xf32, #tpu.memory_space<hbm>> -> memref<1x128x128xf32, #tpu.memory_space<hbm>>
      %dma_wait3A_151 = tpu.memref_squeeze %dma_wait3A_150 : memref<1x128x128xf32, #tpu.memory_space<hbm>> -> memref<128x128xf32, #tpu.memory_space<hbm>>
      %dma_wait3A_152 = arith.constant 0 : i32
      %dma_wait3A_153 = tpu.memref_slice %arg3[%arg0, %multiple_of3A_148, %dma_wait3A_152] : memref<2x160000x128xf32, #tpu.memory_space<hbm>> -> memref<1x128x128xf32, #tpu.memory_space<hbm>>
      %dma_wait3A_154 = tpu.memref_squeeze %dma_wait3A_153 : memref<1x128x128xf32, #tpu.memory_space<hbm>> -> memref<128x128xf32, #tpu.memory_space<hbm>>
      tpu.wait_dma2 semaphore(%arg13 : memref<!tpu.dma_semaphore, #tpu.memory_space<semaphore_mem>>) src(%dma_wait3A_154 : memref<128x128xf32, #tpu.memory_space<hbm>>) dst(%arg10 : memref<128x128xf32, #tpu.memory_space<vmem>>)
      %dma_start3A_155 = arith.constant 0 : i32
      %dma_start3A_156 = arith.constant 0 : i32
      %dma_start3A_157 = tpu.memref_slice %arg11[%dma_start3A_155, %dma_start3A_156] : memref<10000x128xf32, #tpu.memory_space<vmem_shared>> -> memref<10000x128xf32, #tpu.memory_space<vmem_shared>>
      tpu.enqueue_indirect_dma source(%arg10 : memref<128x128xf32, #tpu.memory_space<vmem>>) target(%dma_start3A_157 : memref<10000x128xf32, #tpu.memory_space<vmem_shared>>) offsets(%arg7 : memref<128xi32, #tpu.memory_space<vmem>>) semaphore(%arg15 : memref<!tpu.dma_semaphore, #tpu.memory_space<semaphore_mem>>) {add = true}
      %add3A_158 = arith.constant 3 : i32
      %add3A_159 = arith.addi %mul3A_114, %add3A_158 : i32
      %mul3A_160 = arith.constant 128 : i32
      %mul3A_161 = arith.muli %add3A_159, %mul3A_160 : i32
      %add3A_162 = arith.addi %multiple_of3A, %mul3A_161 : i32
      %multiple_of3A_163 = tpu.assume_multiple %add3A_162, 8 : i32
      %dma_wait3A_164 = arith.constant 0 : i32
      %dma_wait3A_165 = arith.constant 0 : i32
      %dma_wait3A_166 = tpu.memref_slice %arg11[%dma_wait3A_164, %dma_wait3A_165] : memref<10000x128xf32, #tpu.memory_space<vmem_shared>> -> memref<10000x128xf32, #tpu.memory_space<vmem_shared>>
      tpu.wait_indirect_dma semaphore(%arg15 : memref<!tpu.dma_semaphore, #tpu.memory_space<semaphore_mem>>) src(%arg10 : memref<128x128xf32, #tpu.memory_space<vmem>>) dst(%dma_wait3A_166 : memref<10000x128xf32, #tpu.memory_space<vmem_shared>>)
      "tpu.region"() ({
        %run_scoped3A = tpu.sem_alloc : memref<!tpu.dma_semaphore, #tpu.memory_space<semaphore_mem>>
        %dma_start3A_173 = tpu.memref_slice %arg2[%multiple_of3A_163] : memref<160000xi32, #tpu.memory_space<hbm>> -> memref<128xi32, #tpu.memory_space<hbm>>
        %dma_start3A_174 = tpu.memref_slice %arg2[%multiple_of3A_163] : memref<160000xi32, #tpu.memory_space<hbm>> -> memref<128xi32, #tpu.memory_space<hbm>>
        tpu.enqueue_dma source(%dma_start3A_174 : memref<128xi32, #tpu.memory_space<hbm>>) target(%arg7 : memref<128xi32, #tpu.memory_space<vmem>>) target_semaphore(%run_scoped3A : memref<!tpu.dma_semaphore, #tpu.memory_space<semaphore_mem>>)
        %dma_wait3A_175 = tpu.memref_slice %arg2[%multiple_of3A_163] : memref<160000xi32, #tpu.memory_space<hbm>> -> memref<128xi32, #tpu.memory_space<hbm>>
        %dma_wait3A_176 = tpu.memref_slice %arg2[%multiple_of3A_163] : memref<160000xi32, #tpu.memory_space<hbm>> -> memref<128xi32, #tpu.memory_space<hbm>>
        tpu.wait_dma2 semaphore(%run_scoped3A : memref<!tpu.dma_semaphore, #tpu.memory_space<semaphore_mem>>) src(%dma_wait3A_176 : memref<128xi32, #tpu.memory_space<hbm>>) dst(%arg7 : memref<128xi32, #tpu.memory_space<vmem>>)
        tpu.yield
      }) : () -> ()
      %dma_start3A_167 = arith.constant 0 : i32
      %dma_start3A_168 = tpu.memref_slice %arg3[%arg0, %multiple_of3A_163, %dma_start3A_167] : memref<2x160000x128xf32, #tpu.memory_space<hbm>> -> memref<1x128x128xf32, #tpu.memory_space<hbm>>
      %dma_start3A_169 = tpu.memref_squeeze %dma_start3A_168 : memref<1x128x128xf32, #tpu.memory_space<hbm>> -> memref<128x128xf32, #tpu.memory_space<hbm>>
      %dma_start3A_170 = arith.constant 0 : i32
      %dma_start3A_171 = tpu.memref_slice %arg3[%arg0, %multiple_of3A_163, %dma_start3A_170] : memref<2x160000x128xf32, #tpu.memory_space<hbm>> -> memref<1x128x128xf32, #tpu.memory_space<hbm>>
      %dma_start3A_172 = tpu.memref_squeeze %dma_start3A_171 : memref<1x128x128xf32, #tpu.memory_space<hbm>> -> memref<128x128xf32, #tpu.memory_space<hbm>>
      tpu.enqueue_dma source(%dma_start3A_172 : memref<128x128xf32, #tpu.memory_space<hbm>>) target(%arg10 : memref<128x128xf32, #tpu.memory_space<vmem>>) target_semaphore(%arg13 : memref<!tpu.dma_semaphore, #tpu.memory_space<semaphore_mem>>)
    }
    %scan3A_25 = arith.constant 37 : i32
    %add3A_26 = arith.constant 9472 : i32
    %add3A_27 = arith.addi %multiple_of3A, %add3A_26 : i32
    %multiple_of3A_28 = tpu.assume_multiple %add3A_27, 8 : i32
    %dma_wait3A = arith.constant 0 : i32
    %dma_wait3A_29 = tpu.memref_slice %arg3[%arg0, %multiple_of3A_28, %dma_wait3A] : memref<2x160000x128xf32, #tpu.memory_space<hbm>> -> memref<1x128x128xf32, #tpu.memory_space<hbm>>
    %dma_wait3A_30 = tpu.memref_squeeze %dma_wait3A_29 : memref<1x128x128xf32, #tpu.memory_space<hbm>> -> memref<128x128xf32, #tpu.memory_space<hbm>>
    %dma_wait3A_31 = arith.constant 0 : i32
    %dma_wait3A_32 = tpu.memref_slice %arg3[%arg0, %multiple_of3A_28, %dma_wait3A_31] : memref<2x160000x128xf32, #tpu.memory_space<hbm>> -> memref<1x128x128xf32, #tpu.memory_space<hbm>>
    %dma_wait3A_33 = tpu.memref_squeeze %dma_wait3A_32 : memref<1x128x128xf32, #tpu.memory_space<hbm>> -> memref<128x128xf32, #tpu.memory_space<hbm>>
    tpu.wait_dma2 semaphore(%arg12 : memref<!tpu.dma_semaphore, #tpu.memory_space<semaphore_mem>>) src(%dma_wait3A_33 : memref<128x128xf32, #tpu.memory_space<hbm>>) dst(%arg9 : memref<128x128xf32, #tpu.memory_space<vmem>>)
    %dma_start3A_34 = arith.constant 0 : i32
    %dma_start3A_35 = arith.constant 0 : i32
    %dma_start3A_36 = tpu.memref_slice %arg11[%dma_start3A_34, %dma_start3A_35] : memref<10000x128xf32, #tpu.memory_space<vmem_shared>> -> memref<10000x128xf32, #tpu.memory_space<vmem_shared>>
    tpu.enqueue_indirect_dma source(%arg9 : memref<128x128xf32, #tpu.memory_space<vmem>>) target(%dma_start3A_36 : memref<10000x128xf32, #tpu.memory_space<vmem_shared>>) offsets(%arg6 : memref<128xi32, #tpu.memory_space<vmem>>) semaphore(%arg14 : memref<!tpu.dma_semaphore, #tpu.memory_space<semaphore_mem>>) {add = true}
    %add3A_37 = arith.constant 9728 : i32
    %add3A_38 = arith.addi %multiple_of3A, %add3A_37 : i32
    %multiple_of3A_39 = tpu.assume_multiple %add3A_38, 8 : i32
    %dma_wait3A_40 = arith.constant 0 : i32
    %dma_wait3A_41 = arith.constant 0 : i32
    %dma_wait3A_42 = tpu.memref_slice %arg11[%dma_wait3A_40, %dma_wait3A_41] : memref<10000x128xf32, #tpu.memory_space<vmem_shared>> -> memref<10000x128xf32, #tpu.memory_space<vmem_shared>>
    tpu.wait_indirect_dma semaphore(%arg14 : memref<!tpu.dma_semaphore, #tpu.memory_space<semaphore_mem>>) src(%arg9 : memref<128x128xf32, #tpu.memory_space<vmem>>) dst(%dma_wait3A_42 : memref<10000x128xf32, #tpu.memory_space<vmem_shared>>)
    "tpu.region"() ({
      %run_scoped3A = tpu.sem_alloc : memref<!tpu.dma_semaphore, #tpu.memory_space<semaphore_mem>>
      %dma_start3A_112 = tpu.memref_slice %arg2[%multiple_of3A_39] : memref<160000xi32, #tpu.memory_space<hbm>> -> memref<128xi32, #tpu.memory_space<hbm>>
      %dma_start3A_113 = tpu.memref_slice %arg2[%multiple_of3A_39] : memref<160000xi32, #tpu.memory_space<hbm>> -> memref<128xi32, #tpu.memory_space<hbm>>
      tpu.enqueue_dma source(%dma_start3A_113 : memref<128xi32, #tpu.memory_space<hbm>>) target(%arg6 : memref<128xi32, #tpu.memory_space<vmem>>) target_semaphore(%run_scoped3A : memref<!tpu.dma_semaphore, #tpu.memory_space<semaphore_mem>>)
      %dma_wait3A_114 = tpu.memref_slice %arg2[%multiple_of3A_39] : memref<160000xi32, #tpu.memory_space<hbm>> -> memref<128xi32, #tpu.memory_space<hbm>>
      %dma_wait3A_115 = tpu.memref_slice %arg2[%multiple_of3A_39] : memref<160000xi32, #tpu.memory_space<hbm>> -> memref<128xi32, #tpu.memory_space<hbm>>
      tpu.wait_dma2 semaphore(%run_scoped3A : memref<!tpu.dma_semaphore, #tpu.memory_space<semaphore_mem>>) src(%dma_wait3A_115 : memref<128xi32, #tpu.memory_space<hbm>>) dst(%arg6 : memref<128xi32, #tpu.memory_space<vmem>>)
      tpu.yield
    }) : () -> ()
    %dma_start3A_43 = arith.constant 0 : i32
    %dma_start3A_44 = tpu.memref_slice %arg3[%arg0, %multiple_of3A_39, %dma_start3A_43] : memref<2x160000x128xf32, #tpu.memory_space<hbm>> -> memref<1x128x128xf32, #tpu.memory_space<hbm>>
    %dma_start3A_45 = tpu.memref_squeeze %dma_start3A_44 : memref<1x128x128xf32, #tpu.memory_space<hbm>> -> memref<128x128xf32, #tpu.memory_space<hbm>>
    %dma_start3A_46 = arith.constant 0 : i32
    %dma_start3A_47 = tpu.memref_slice %arg3[%arg0, %multiple_of3A_39, %dma_start3A_46] : memref<2x160000x128xf32, #tpu.memory_space<hbm>> -> memref<1x128x128xf32, #tpu.memory_space<hbm>>
    %dma_start3A_48 = tpu.memref_squeeze %dma_start3A_47 : memref<1x128x128xf32, #tpu.memory_space<hbm>> -> memref<128x128xf32, #tpu.memory_space<hbm>>
    tpu.enqueue_dma source(%dma_start3A_48 : memref<128x128xf32, #tpu.memory_space<hbm>>) target(%arg9 : memref<128x128xf32, #tpu.memory_space<vmem>>) target_semaphore(%arg12 : memref<!tpu.dma_semaphore, #tpu.memory_space<semaphore_mem>>)
    %add3A_49 = arith.constant 9600 : i32
    %add3A_50 = arith.addi %multiple_of3A, %add3A_49 : i32
    %multiple_of3A_51 = tpu.assume_multiple %add3A_50, 8 : i32
    %dma_wait3A_52 = arith.constant 0 : i32
    %dma_wait3A_53 = tpu.memref_slice %arg3[%arg0, %multiple_of3A_51, %dma_wait3A_52] : memref<2x160000x128xf32, #tpu.memory_space<hbm>> -> memref<1x128x128xf32, #tpu.memory_space<hbm>>
    %dma_wait3A_54 = tpu.memref_squeeze %dma_wait3A_53 : memref<1x128x128xf32, #tpu.memory_space<hbm>> -> memref<128x128xf32, #tpu.memory_space<hbm>>
    %dma_wait3A_55 = arith.constant 0 : i32
    %dma_wait3A_56 = tpu.memref_slice %arg3[%arg0, %multiple_of3A_51, %dma_wait3A_55] : memref<2x160000x128xf32, #tpu.memory_space<hbm>> -> memref<1x128x128xf32, #tpu.memory_space<hbm>>
    %dma_wait3A_57 = tpu.memref_squeeze %dma_wait3A_56 : memref<1x128x128xf32, #tpu.memory_space<hbm>> -> memref<128x128xf32, #tpu.memory_space<hbm>>
    tpu.wait_dma2 semaphore(%arg13 : memref<!tpu.dma_semaphore, #tpu.memory_space<semaphore_mem>>) src(%dma_wait3A_57 : memref<128x128xf32, #tpu.memory_space<hbm>>) dst(%arg10 : memref<128x128xf32, #tpu.memory_space<vmem>>)
    %dma_start3A_58 = arith.constant 0 : i32
    %dma_start3A_59 = arith.constant 0 : i32
    %dma_start3A_60 = tpu.memref_slice %arg11[%dma_start3A_58, %dma_start3A_59] : memref<10000x128xf32, #tpu.memory_space<vmem_shared>> -> memref<10000x128xf32, #tpu.memory_space<vmem_shared>>
    tpu.enqueue_indirect_dma source(%arg10 : memref<128x128xf32, #tpu.memory_space<vmem>>) target(%dma_start3A_60 : memref<10000x128xf32, #tpu.memory_space<vmem_shared>>) offsets(%arg7 : memref<128xi32, #tpu.memory_space<vmem>>) semaphore(%arg15 : memref<!tpu.dma_semaphore, #tpu.memory_space<semaphore_mem>>) {add = true}
    %add3A_61 = arith.constant 9856 : i32
    %add3A_62 = arith.addi %multiple_of3A, %add3A_61 : i32
    %multiple_of3A_63 = tpu.assume_multiple %add3A_62, 8 : i32
    %dma_wait3A_64 = arith.constant 0 : i32
    %dma_wait3A_65 = arith.constant 0 : i32
    %dma_wait3A_66 = tpu.memref_slice %arg11[%dma_wait3A_64, %dma_wait3A_65] : memref<10000x128xf32, #tpu.memory_space<vmem_shared>> -> memref<10000x128xf32, #tpu.memory_space<vmem_shared>>
    tpu.wait_indirect_dma semaphore(%arg15 : memref<!tpu.dma_semaphore, #tpu.memory_space<semaphore_mem>>) src(%arg10 : memref<128x128xf32, #tpu.memory_space<vmem>>) dst(%dma_wait3A_66 : memref<10000x128xf32, #tpu.memory_space<vmem_shared>>)
    "tpu.region"() ({
      %run_scoped3A = tpu.sem_alloc : memref<!tpu.dma_semaphore, #tpu.memory_space<semaphore_mem>>
      %dma_start3A_112 = tpu.memref_slice %arg2[%multiple_of3A_63] : memref<160000xi32, #tpu.memory_space<hbm>> -> memref<128xi32, #tpu.memory_space<hbm>>
      %dma_start3A_113 = tpu.memref_slice %arg2[%multiple_of3A_63] : memref<160000xi32, #tpu.memory_space<hbm>> -> memref<128xi32, #tpu.memory_space<hbm>>
      tpu.enqueue_dma source(%dma_start3A_113 : memref<128xi32, #tpu.memory_space<hbm>>) target(%arg7 : memref<128xi32, #tpu.memory_space<vmem>>) target_semaphore(%run_scoped3A : memref<!tpu.dma_semaphore, #tpu.memory_space<semaphore_mem>>)
      %dma_wait3A_114 = tpu.memref_slice %arg2[%multiple_of3A_63] : memref<160000xi32, #tpu.memory_space<hbm>> -> memref<128xi32, #tpu.memory_space<hbm>>
      %dma_wait3A_115 = tpu.memref_slice %arg2[%multiple_of3A_63] : memref<160000xi32, #tpu.memory_space<hbm>> -> memref<128xi32, #tpu.memory_space<hbm>>
      tpu.wait_dma2 semaphore(%run_scoped3A : memref<!tpu.dma_semaphore, #tpu.memory_space<semaphore_mem>>) src(%dma_wait3A_115 : memref<128xi32, #tpu.memory_space<hbm>>) dst(%arg7 : memref<128xi32, #tpu.memory_space<vmem>>)
      tpu.yield
    }) : () -> ()
    %dma_start3A_67 = arith.constant 0 : i32
    %dma_start3A_68 = tpu.memref_slice %arg3[%arg0, %multiple_of3A_63, %dma_start3A_67] : memref<2x160000x128xf32, #tpu.memory_space<hbm>> -> memref<1x128x128xf32, #tpu.memory_space<hbm>>
    %dma_start3A_69 = tpu.memref_squeeze %dma_start3A_68 : memref<1x128x128xf32, #tpu.memory_space<hbm>> -> memref<128x128xf32, #tpu.memory_space<hbm>>
    %dma_start3A_70 = arith.constant 0 : i32
    %dma_start3A_71 = tpu.memref_slice %arg3[%arg0, %multiple_of3A_63, %dma_start3A_70] : memref<2x160000x128xf32, #tpu.memory_space<hbm>> -> memref<1x128x128xf32, #tpu.memory_space<hbm>>
    %dma_start3A_72 = tpu.memref_squeeze %dma_start3A_71 : memref<1x128x128xf32, #tpu.memory_space<hbm>> -> memref<128x128xf32, #tpu.memory_space<hbm>>
    tpu.enqueue_dma source(%dma_start3A_72 : memref<128x128xf32, #tpu.memory_space<hbm>>) target(%arg10 : memref<128x128xf32, #tpu.memory_space<vmem>>) target_semaphore(%arg13 : memref<!tpu.dma_semaphore, #tpu.memory_space<semaphore_mem>>)
    %add3A_73 = arith.constant 9728 : i32
    %add3A_74 = arith.addi %multiple_of3A, %add3A_73 : i32
    %multiple_of3A_75 = tpu.assume_multiple %add3A_74, 8 : i32
    %dma_wait3A_76 = arith.constant 0 : i32
    %dma_wait3A_77 = tpu.memref_slice %arg3[%arg0, %multiple_of3A_75, %dma_wait3A_76] : memref<2x160000x128xf32, #tpu.memory_space<hbm>> -> memref<1x128x128xf32, #tpu.memory_space<hbm>>
    %dma_wait3A_78 = tpu.memref_squeeze %dma_wait3A_77 : memref<1x128x128xf32, #tpu.memory_space<hbm>> -> memref<128x128xf32, #tpu.memory_space<hbm>>
    %dma_wait3A_79 = arith.constant 0 : i32
    %dma_wait3A_80 = tpu.memref_slice %arg3[%arg0, %multiple_of3A_75, %dma_wait3A_79] : memref<2x160000x128xf32, #tpu.memory_space<hbm>> -> memref<1x128x128xf32, #tpu.memory_space<hbm>>
    %dma_wait3A_81 = tpu.memref_squeeze %dma_wait3A_80 : memref<1x128x128xf32, #tpu.memory_space<hbm>> -> memref<128x128xf32, #tpu.memory_space<hbm>>
    tpu.wait_dma2 semaphore(%arg12 : memref<!tpu.dma_semaphore, #tpu.memory_space<semaphore_mem>>) src(%dma_wait3A_81 : memref<128x128xf32, #tpu.memory_space<hbm>>) dst(%arg9 : memref<128x128xf32, #tpu.memory_space<vmem>>)
    %dma_start3A_82 = arith.constant 0 : i32
    %dma_start3A_83 = arith.constant 0 : i32
    %dma_start3A_84 = tpu.memref_slice %arg11[%dma_start3A_82, %dma_start3A_83] : memref<10000x128xf32, #tpu.memory_space<vmem_shared>> -> memref<10000x128xf32, #tpu.memory_space<vmem_shared>>
    tpu.enqueue_indirect_dma source(%arg9 : memref<128x128xf32, #tpu.memory_space<vmem>>) target(%dma_start3A_84 : memref<10000x128xf32, #tpu.memory_space<vmem_shared>>) offsets(%arg6 : memref<128xi32, #tpu.memory_space<vmem>>) semaphore(%arg14 : memref<!tpu.dma_semaphore, #tpu.memory_space<semaphore_mem>>) {add = true}
    %add3A_85 = arith.constant 9856 : i32
    %add3A_86 = arith.addi %multiple_of3A, %add3A_85 : i32
    %multiple_of3A_87 = tpu.assume_multiple %add3A_86, 8 : i32
    %dma_wait3A_88 = arith.constant 0 : i32
    %dma_wait3A_89 = tpu.memref_slice %arg3[%arg0, %multiple_of3A_87, %dma_wait3A_88] : memref<2x160000x128xf32, #tpu.memory_space<hbm>> -> memref<1x128x128xf32, #tpu.memory_space<hbm>>
    %dma_wait3A_90 = tpu.memref_squeeze %dma_wait3A_89 : memref<1x128x128xf32, #tpu.memory_space<hbm>> -> memref<128x128xf32, #tpu.memory_space<hbm>>
    %dma_wait3A_91 = arith.constant 0 : i32
    %dma_wait3A_92 = tpu.memref_slice %arg3[%arg0, %multiple_of3A_87, %dma_wait3A_91] : memref<2x160000x128xf32, #tpu.memory_space<hbm>> -> memref<1x128x128xf32, #tpu.memory_space<hbm>>
    %dma_wait3A_93 = tpu.memref_squeeze %dma_wait3A_92 : memref<1x128x128xf32, #tpu.memory_space<hbm>> -> memref<128x128xf32, #tpu.memory_space<hbm>>
    tpu.wait_dma2 semaphore(%arg13 : memref<!tpu.dma_semaphore, #tpu.memory_space<semaphore_mem>>) src(%dma_wait3A_93 : memref<128x128xf32, #tpu.memory_space<hbm>>) dst(%arg10 : memref<128x128xf32, #tpu.memory_space<vmem>>)
    %dma_start3A_94 = arith.constant 0 : i32
    %dma_start3A_95 = arith.constant 0 : i32
    %dma_start3A_96 = tpu.memref_slice %arg11[%dma_start3A_94, %dma_start3A_95] : memref<10000x128xf32, #tpu.memory_space<vmem_shared>> -> memref<10000x128xf32, #tpu.memory_space<vmem_shared>>
    tpu.enqueue_indirect_dma source(%arg10 : memref<128x128xf32, #tpu.memory_space<vmem>>) target(%dma_start3A_96 : memref<10000x128xf32, #tpu.memory_space<vmem_shared>>) offsets(%arg7 : memref<128xi32, #tpu.memory_space<vmem>>) semaphore(%arg15 : memref<!tpu.dma_semaphore, #tpu.memory_space<semaphore_mem>>) {add = true}
    %dma_wait3A_97 = arith.constant 0 : i32
    %dma_wait3A_98 = arith.constant 0 : i32
    %dma_wait3A_99 = tpu.memref_slice %arg11[%dma_wait3A_97, %dma_wait3A_98] : memref<10000x128xf32, #tpu.memory_space<vmem_shared>> -> memref<10000x128xf32, #tpu.memory_space<vmem_shared>>
    tpu.wait_indirect_dma semaphore(%arg14 : memref<!tpu.dma_semaphore, #tpu.memory_space<semaphore_mem>>) src(%arg9 : memref<128x128xf32, #tpu.memory_space<vmem>>) dst(%dma_wait3A_99 : memref<10000x128xf32, #tpu.memory_space<vmem_shared>>)
    %dma_wait3A_100 = arith.constant 0 : i32
    %dma_wait3A_101 = arith.constant 0 : i32
    %dma_wait3A_102 = tpu.memref_slice %arg11[%dma_wait3A_100, %dma_wait3A_101] : memref<10000x128xf32, #tpu.memory_space<vmem_shared>> -> memref<10000x128xf32, #tpu.memory_space<vmem_shared>>
    tpu.wait_indirect_dma semaphore(%arg15 : memref<!tpu.dma_semaphore, #tpu.memory_space<semaphore_mem>>) src(%arg10 : memref<128x128xf32, #tpu.memory_space<vmem>>) dst(%dma_wait3A_102 : memref<10000x128xf32, #tpu.memory_space<vmem_shared>>)
    %add3A_103 = arith.constant 9984 : i32
    %add3A_104 = arith.addi %multiple_of3A, %add3A_103 : i32
    %multiple_of3A_105 = tpu.assume_multiple %add3A_104, 8 : i32
    "tpu.region"() ({
      %run_scoped3A = tpu.sem_alloc : memref<!tpu.dma_semaphore, #tpu.memory_space<semaphore_mem>>
      %dma_start3A_112 = tpu.memref_slice %arg2[%multiple_of3A_105] : memref<160000xi32, #tpu.memory_space<hbm>> -> memref<16xi32, #tpu.memory_space<hbm>>
      %dma_start3A_113 = tpu.memref_slice %arg2[%multiple_of3A_105] : memref<160000xi32, #tpu.memory_space<hbm>> -> memref<16xi32, #tpu.memory_space<hbm>>
      tpu.enqueue_dma source(%dma_start3A_113 : memref<16xi32, #tpu.memory_space<hbm>>) target(%arg8 : memref<16xi32, #tpu.memory_space<vmem>>) target_semaphore(%run_scoped3A : memref<!tpu.dma_semaphore, #tpu.memory_space<semaphore_mem>>)
      %dma_wait3A_114 = tpu.memref_slice %arg2[%multiple_of3A_105] : memref<160000xi32, #tpu.memory_space<hbm>> -> memref<16xi32, #tpu.memory_space<hbm>>
      %dma_wait3A_115 = tpu.memref_slice %arg2[%multiple_of3A_105] : memref<160000xi32, #tpu.memory_space<hbm>> -> memref<16xi32, #tpu.memory_space<hbm>>
      tpu.wait_dma2 semaphore(%run_scoped3A : memref<!tpu.dma_semaphore, #tpu.memory_space<semaphore_mem>>) src(%dma_wait3A_115 : memref<16xi32, #tpu.memory_space<hbm>>) dst(%arg8 : memref<16xi32, #tpu.memory_space<vmem>>)
      tpu.yield
    }) : () -> ()
    "tpu.region"() ({
      %run_scoped3A = tpu.sem_alloc : memref<!tpu.dma_semaphore, #tpu.memory_space<semaphore_mem>>
      %dma_start3A_112 = arith.constant 0 : i32
      %dma_start3A_113 = arith.constant 0 : i32
      %dma_start3A_114 = tpu.memref_slice %arg9[%dma_start3A_112, %dma_start3A_113] : memref<128x128xf32, #tpu.memory_space<vmem>> -> memref<16x128xf32, #tpu.memory_space<vmem>>
      %dma_start3A_115 = arith.constant 0 : i32
      %dma_start3A_116 = tpu.memref_slice %arg3[%arg0, %multiple_of3A_105, %dma_start3A_115] : memref<2x160000x128xf32, #tpu.memory_space<hbm>> -> memref<1x16x128xf32, #tpu.memory_space<hbm>>
      %dma_start3A_117 = tpu.memref_squeeze %dma_start3A_116 : memref<1x16x128xf32, #tpu.memory_space<hbm>> -> memref<16x128xf32, #tpu.memory_space<hbm>>
      %dma_start3A_118 = arith.constant 0 : i32
      %dma_start3A_119 = arith.constant 0 : i32
      %dma_start3A_120 = tpu.memref_slice %arg9[%dma_start3A_118, %dma_start3A_119] : memref<128x128xf32, #tpu.memory_space<vmem>> -> memref<16x128xf32, #tpu.memory_space<vmem>>
      %dma_start3A_121 = arith.constant 0 : i32
      %dma_start3A_122 = tpu.memref_slice %arg3[%arg0, %multiple_of3A_105, %dma_start3A_121] : memref<2x160000x128xf32, #tpu.memory_space<hbm>> -> memref<1x16x128xf32, #tpu.memory_space<hbm>>
      %dma_start3A_123 = tpu.memref_squeeze %dma_start3A_122 : memref<1x16x128xf32, #tpu.memory_space<hbm>> -> memref<16x128xf32, #tpu.memory_space<hbm>>
      tpu.enqueue_dma source(%dma_start3A_123 : memref<16x128xf32, #tpu.memory_space<hbm>>) target(%dma_start3A_120 : memref<16x128xf32, #tpu.memory_space<vmem>>) target_semaphore(%run_scoped3A : memref<!tpu.dma_semaphore, #tpu.memory_space<semaphore_mem>>)
      %dma_wait3A_124 = arith.constant 0 : i32
      %dma_wait3A_125 = arith.constant 0 : i32
      %dma_wait3A_126 = tpu.memref_slice %arg9[%dma_wait3A_124, %dma_wait3A_125] : memref<128x128xf32, #tpu.memory_space<vmem>> -> memref<16x128xf32, #tpu.memory_space<vmem>>
      %dma_wait3A_127 = arith.constant 0 : i32
      %dma_wait3A_128 = tpu.memref_slice %arg3[%arg0, %multiple_of3A_105, %dma_wait3A_127] : memref<2x160000x128xf32, #tpu.memory_space<hbm>> -> memref<1x16x128xf32, #tpu.memory_space<hbm>>
      %dma_wait3A_129 = tpu.memref_squeeze %dma_wait3A_128 : memref<1x16x128xf32, #tpu.memory_space<hbm>> -> memref<16x128xf32, #tpu.memory_space<hbm>>
      %dma_wait3A_130 = arith.constant 0 : i32
      %dma_wait3A_131 = arith.constant 0 : i32
      %dma_wait3A_132 = tpu.memref_slice %arg9[%dma_wait3A_130, %dma_wait3A_131] : memref<128x128xf32, #tpu.memory_space<vmem>> -> memref<16x128xf32, #tpu.memory_space<vmem>>
      %dma_wait3A_133 = arith.constant 0 : i32
      %dma_wait3A_134 = tpu.memref_slice %arg3[%arg0, %multiple_of3A_105, %dma_wait3A_133] : memref<2x160000x128xf32, #tpu.memory_space<hbm>> -> memref<1x16x128xf32, #tpu.memory_space<hbm>>
      %dma_wait3A_135 = tpu.memref_squeeze %dma_wait3A_134 : memref<1x16x128xf32, #tpu.memory_space<hbm>> -> memref<16x128xf32, #tpu.memory_space<hbm>>
      tpu.wait_dma2 semaphore(%run_scoped3A : memref<!tpu.dma_semaphore, #tpu.memory_space<semaphore_mem>>) src(%dma_wait3A_135 : memref<16x128xf32, #tpu.memory_space<hbm>>) dst(%dma_wait3A_132 : memref<16x128xf32, #tpu.memory_space<vmem>>)
      tpu.yield
    }) : () -> ()
    "tpu.region"() ({
      %run_scoped3A = tpu.sem_alloc : memref<!tpu.dma_semaphore, #tpu.memory_space<semaphore_mem>>
      %dma_start3A_112 = arith.constant 0 : i32
      %dma_start3A_113 = arith.constant 0 : i32
      %dma_start3A_114 = tpu.memref_slice %arg9[%dma_start3A_112, %dma_start3A_113] : memref<128x128xf32, #tpu.memory_space<vmem>> -> memref<16x128xf32, #tpu.memory_space<vmem>>
      %dma_start3A_115 = arith.constant 0 : i32
      %dma_start3A_116 = arith.constant 0 : i32
      %dma_start3A_117 = tpu.memref_slice %arg11[%dma_start3A_115, %dma_start3A_116] : memref<10000x128xf32, #tpu.memory_space<vmem_shared>> -> memref<10000x128xf32, #tpu.memory_space<vmem_shared>>
      tpu.enqueue_indirect_dma source(%dma_start3A_114 : memref<16x128xf32, #tpu.memory_space<vmem>>) target(%dma_start3A_117 : memref<10000x128xf32, #tpu.memory_space<vmem_shared>>) offsets(%arg8 : memref<16xi32, #tpu.memory_space<vmem>>) semaphore(%run_scoped3A : memref<!tpu.dma_semaphore, #tpu.memory_space<semaphore_mem>>) {add = true}
      %dma_wait3A_118 = arith.constant 0 : i32
      %dma_wait3A_119 = arith.constant 0 : i32
      %dma_wait3A_120 = tpu.memref_slice %arg9[%dma_wait3A_118, %dma_wait3A_119] : memref<128x128xf32, #tpu.memory_space<vmem>> -> memref<16x128xf32, #tpu.memory_space<vmem>>
      %dma_wait3A_121 = arith.constant 0 : i32
      %dma_wait3A_122 = arith.constant 0 : i32
      %dma_wait3A_123 = tpu.memref_slice %arg11[%dma_wait3A_121, %dma_wait3A_122] : memref<10000x128xf32, #tpu.memory_space<vmem_shared>> -> memref<10000x128xf32, #tpu.memory_space<vmem_shared>>
      tpu.wait_indirect_dma semaphore(%run_scoped3A : memref<!tpu.dma_semaphore, #tpu.memory_space<semaphore_mem>>) src(%dma_wait3A_120 : memref<16x128xf32, #tpu.memory_space<vmem>>) dst(%dma_wait3A_123 : memref<10000x128xf32, #tpu.memory_space<vmem_shared>>)
      tpu.yield
    }) : () -> ()
    %barrier3A_106 = arith.constant 0 : index
    tpu.barrier barrier_id(%barrier3A_106)
    "tpu.region"() ({
      %run_scoped3A = tpu.sem_alloc : memref<!tpu.dma_semaphore, #tpu.memory_space<semaphore_mem>>
      %dma_start3A_112 = arith.constant 0 : i32
      %dma_start3A_113 = tpu.memref_slice %arg5[%arg0, %mul3A_0, %dma_start3A_112] : memref<2x10000x128xf32, #tpu.memory_space<hbm>> -> memref<1x624x128xf32, #tpu.memory_space<hbm>>
      %dma_start3A_114 = tpu.memref_squeeze %dma_start3A_113 : memref<1x624x128xf32, #tpu.memory_space<hbm>> -> memref<624x128xf32, #tpu.memory_space<hbm>>
      %dma_start3A_115 = arith.constant 0 : i32
      %dma_start3A_116 = tpu.memref_slice %arg11[%mul3A_0, %dma_start3A_115] : memref<10000x128xf32, #tpu.memory_space<vmem_shared>> -> memref<624x128xf32, #tpu.memory_space<vmem_shared>>
      tpu.enqueue_dma source(%dma_start3A_116 : memref<624x128xf32, #tpu.memory_space<vmem_shared>>) target(%dma_start3A_114 : memref<624x128xf32, #tpu.memory_space<hbm>>) target_semaphore(%run_scoped3A : memref<!tpu.dma_semaphore, #tpu.memory_space<semaphore_mem>>)
      %dma_wait3A_117 = arith.constant 0 : i32
      %dma_wait3A_118 = tpu.memref_slice %arg5[%arg0, %mul3A_0, %dma_wait3A_117] : memref<2x10000x128xf32, #tpu.memory_space<hbm>> -> memref<1x624x128xf32, #tpu.memory_space<hbm>>
      %dma_wait3A_119 = tpu.memref_squeeze %dma_wait3A_118 : memref<1x624x128xf32, #tpu.memory_space<hbm>> -> memref<624x128xf32, #tpu.memory_space<hbm>>
      %dma_wait3A_120 = arith.constant 0 : i32
      %dma_wait3A_121 = tpu.memref_slice %arg11[%mul3A_0, %dma_wait3A_120] : memref<10000x128xf32, #tpu.memory_space<vmem_shared>> -> memref<624x128xf32, #tpu.memory_space<vmem_shared>>
      tpu.wait_dma2 semaphore(%run_scoped3A : memref<!tpu.dma_semaphore, #tpu.memory_space<semaphore_mem>>) src(%dma_wait3A_121 : memref<624x128xf32, #tpu.memory_space<vmem_shared>>) dst(%dma_wait3A_119 : memref<624x128xf32, #tpu.memory_space<hbm>>)
      tpu.yield
    }) : () -> ()
    %eq3A_107 = arith.constant 15 : i32
    %eq3A_108 = arith.cmpi eq, %arg1, %eq3A_107 : i32
    %convert_element_type3A_109 = arith.extui %eq3A_108 : i1 to i32
    %cond3A_110 = arith.constant 0 : i32
    %cond3A_111 = arith.cmpi ne, %convert_element_type3A_109, %cond3A_110 : i32
    scf.if %cond3A_111 {
      "tpu.region"() ({
        %run_scoped3A = tpu.sem_alloc : memref<!tpu.dma_semaphore, #tpu.memory_space<semaphore_mem>>
        %dma_start3A_112 = arith.constant 9984 : i32
        %dma_start3A_113 = arith.constant 0 : i32
        %dma_start3A_114 = tpu.memref_slice %arg5[%arg0, %dma_start3A_112, %dma_start3A_113] : memref<2x10000x128xf32, #tpu.memory_space<hbm>> -> memref<1x16x128xf32, #tpu.memory_space<hbm>>
        %dma_start3A_115 = tpu.memref_squeeze %dma_start3A_114 : memref<1x16x128xf32, #tpu.memory_space<hbm>> -> memref<16x128xf32, #tpu.memory_space<hbm>>
        %dma_start3A_116 = arith.constant 9984 : i32
        %dma_start3A_117 = arith.constant 0 : i32
        %dma_start3A_118 = tpu.memref_slice %arg11[%dma_start3A_116, %dma_start3A_117] : memref<10000x128xf32, #tpu.memory_space<vmem_shared>> -> memref<16x128xf32, #tpu.memory_space<vmem_shared>>
        tpu.enqueue_dma source(%dma_start3A_118 : memref<16x128xf32, #tpu.memory_space<vmem_shared>>) target(%dma_start3A_115 : memref<16x128xf32, #tpu.memory_space<hbm>>) target_semaphore(%run_scoped3A : memref<!tpu.dma_semaphore, #tpu.memory_space<semaphore_mem>>)
        %dma_wait3A_119 = arith.constant 9984 : i32
        %dma_wait3A_120 = arith.constant 0 : i32
        %dma_wait3A_121 = tpu.memref_slice %arg5[%arg0, %dma_wait3A_119, %dma_wait3A_120] : memref<2x10000x128xf32, #tpu.memory_space<hbm>> -> memref<1x16x128xf32, #tpu.memory_space<hbm>>
        %dma_wait3A_122 = tpu.memref_squeeze %dma_wait3A_121 : memref<1x16x128xf32, #tpu.memory_space<hbm>> -> memref<16x128xf32, #tpu.memory_space<hbm>>
        %dma_wait3A_123 = arith.constant 9984 : i32
        %dma_wait3A_124 = arith.constant 0 : i32
        %dma_wait3A_125 = tpu.memref_slice %arg11[%dma_wait3A_123, %dma_wait3A_124] : memref<10000x128xf32, #tpu.memory_space<vmem_shared>> -> memref<16x128xf32, #tpu.memory_space<vmem_shared>>
        tpu.wait_dma2 semaphore(%run_scoped3A : memref<!tpu.dma_semaphore, #tpu.memory_space<semaphore_mem>>) src(%dma_wait3A_125 : memref<16x128xf32, #tpu.memory_space<vmem_shared>>) dst(%dma_wait3A_122 : memref<16x128xf32, #tpu.memory_space<hbm>>)
        tpu.yield
      }) : () -> ()
    } else {
    }
    return
  }
}

#map = affine_map<(d0, d1) -> (0)>
#map1 = affine_map<(d0, d1) -> (0, 0, 0)>
#map2 = affine_map<(d0, d1) -> (0, 0)>
module attributes {stable_mosaic.version = 14 : i64} {
  func.func @_sc_scatter(%arg0: i32, %arg1: i32, %arg2: memref<160000xi32, #tpu.memory_space<hbm>>, %arg3: memref<2x160000x128xf32, #tpu.memory_space<hbm>>, %arg4: memref<624x128xf32, #tpu.memory_space<hbm>>, %arg5: memref<2x10000x128xf32, #tpu.memory_space<hbm>>, %arg6: memref<128xi32, #tpu.memory_space<vmem>>, %arg7: memref<128xi32, #tpu.memory_space<vmem>>, %arg8: memref<16xi32, #tpu.memory_space<vmem>>, %arg9: memref<128x128xf32, #tpu.memory_space<vmem>>, %arg10: memref<128x128xf32, #tpu.memory_space<vmem>>, %arg11: memref<10000x128xf32, #tpu.memory_space<vmem_shared>>, %arg12: memref<!tpu.dma_semaphore, #tpu.memory_space<semaphore_mem>>, %arg13: memref<!tpu.dma_semaphore, #tpu.memory_space<semaphore_mem>>, %arg14: memref<!tpu.dma_semaphore, #tpu.memory_space<semaphore_mem>>, %arg15: memref<!tpu.dma_semaphore, #tpu.memory_space<semaphore_mem>>) attributes {dimension_semantics = [#tpu.dimension_semantics<core_parallel>, #tpu.dimension_semantics<subcore_parallel>], iteration_bounds = array<i64: 2, 16>, scalar_prefetch = 0 : i64, scratch_operands = 10 : i64, tpu.core_type = #tpu.core_type<sc_vector_subcore>, window_params = [{transform_indices = #map}, {transform_indices = #map1}, {transform_indices = #map2}, {transform_indices = #map1}]} {
    %mul3A = arith.constant 624 : i32
    %mul3A_0 = arith.muli %arg1, %mul3A : i32
    "tpu.region"() ({
      %run_scoped3A = tpu.sem_alloc : memref<!tpu.dma_semaphore, #tpu.memory_space<semaphore_mem>>
      %dma_start3A_112 = arith.constant 0 : i32
      %dma_start3A_113 = tpu.memref_slice %arg11[%mul3A_0, %dma_start3A_112] : memref<10000x128xf32, #tpu.memory_space<vmem_shared>> -> memref<624x128xf32, #tpu.memory_space<vmem_shared>>
      tpu.enqueue_dma source(%arg4 : memref<624x128xf32, #tpu.memory_space<hbm>>) target(%dma_start3A_113 : memref<624x128xf32, #tpu.memory_space<vmem_shared>>) target_semaphore(%run_scoped3A : memref<!tpu.dma_semaphore, #tpu.memory_space<semaphore_mem>>)
      %dma_wait3A_114 = arith.constant 0 : i32
      %dma_wait3A_115 = tpu.memref_slice %arg11[%mul3A_0, %dma_wait3A_114] : memref<10000x128xf32, #tpu.memory_space<vmem_shared>> -> memref<624x128xf32, #tpu.memory_space<vmem_shared>>
      tpu.wait_dma2 semaphore(%run_scoped3A : memref<!tpu.dma_semaphore, #tpu.memory_space<semaphore_mem>>) src(%arg4 : memref<624x128xf32, #tpu.memory_space<hbm>>) dst(%dma_wait3A_115 : memref<624x128xf32, #tpu.memory_space<vmem_shared>>)
      tpu.yield
    }) : () -> ()
    %eq3A = arith.constant 15 : i32
    %eq3A_1 = arith.cmpi eq, %arg1, %eq3A : i32
    %convert_element_type3A = arith.extui %eq3A_1 : i1 to i32
    %cond3A = arith.constant 0 : i32
    %cond3A_2 = arith.cmpi ne, %convert_element_type3A, %cond3A : i32
    scf.if %cond3A_2 {
      "tpu.region"() ({
        %run_scoped3A = tpu.sem_alloc : memref<!tpu.dma_semaphore, #tpu.memory_space<semaphore_mem>>
        %dma_start3A_112 = arith.constant 9984 : i32
        %dma_start3A_113 = arith.constant 0 : i32
        %dma_start3A_114 = tpu.memref_slice %arg11[%dma_start3A_112, %dma_start3A_113] : memref<10000x128xf32, #tpu.memory_space<vmem_shared>> -> memref<16x128xf32, #tpu.memory_space<vmem_shared>>
        %dma_start3A_115 = arith.constant 0 : i32
        %dma_start3A_116 = arith.constant 0 : i32
        %dma_start3A_117 = tpu.memref_slice %arg4[%dma_start3A_115, %dma_start3A_116] : memref<624x128xf32, #tpu.memory_space<hbm>> -> memref<16x128xf32, #tpu.memory_space<hbm>>
        tpu.enqueue_dma source(%dma_start3A_117 : memref<16x128xf32, #tpu.memory_space<hbm>>) target(%dma_start3A_114 : memref<16x128xf32, #tpu.memory_space<vmem_shared>>) target_semaphore(%run_scoped3A : memref<!tpu.dma_semaphore, #tpu.memory_space<semaphore_mem>>)
        %dma_wait3A_118 = arith.constant 9984 : i32
        %dma_wait3A_119 = arith.constant 0 : i32
        %dma_wait3A_120 = tpu.memref_slice %arg11[%dma_wait3A_118, %dma_wait3A_119] : memref<10000x128xf32, #tpu.memory_space<vmem_shared>> -> memref<16x128xf32, #tpu.memory_space<vmem_shared>>
        %dma_wait3A_121 = arith.constant 0 : i32
        %dma_wait3A_122 = arith.constant 0 : i32
        %dma_wait3A_123 = tpu.memref_slice %arg4[%dma_wait3A_121, %dma_wait3A_122] : memref<624x128xf32, #tpu.memory_space<hbm>> -> memref<16x128xf32, #tpu.memory_space<hbm>>
        tpu.wait_dma2 semaphore(%run_scoped3A : memref<!tpu.dma_semaphore, #tpu.memory_space<semaphore_mem>>) src(%dma_wait3A_123 : memref<16x128xf32, #tpu.memory_space<hbm>>) dst(%dma_wait3A_120 : memref<16x128xf32, #tpu.memory_space<vmem_shared>>)
        tpu.yield
      }) : () -> ()
    } else {
    }
    %barrier3A = arith.constant 0 : index
    tpu.barrier barrier_id(%barrier3A)
    %mul3A_3 = arith.constant 10000 : i32
    %mul3A_4 = arith.muli %arg1, %mul3A_3 : i32
    %multiple_of3A = tpu.assume_multiple %mul3A_4, 8 : i32
    %add3A = arith.constant 0 : i32
    %add3A_5 = arith.addi %multiple_of3A, %add3A : i32
    %multiple_of3A_6 = tpu.assume_multiple %add3A_5, 8 : i32
    "tpu.region"() ({
      %run_scoped3A = tpu.sem_alloc : memref<!tpu.dma_semaphore, #tpu.memory_space<semaphore_mem>>
      %dma_start3A_112 = tpu.memref_slice %arg2[%multiple_of3A_6] : memref<160000xi32, #tpu.memory_space<hbm>> -> memref<128xi32, #tpu.memory_space<hbm>>
      %dma_start3A_113 = tpu.memref_slice %arg2[%multiple_of3A_6] : memref<160000xi32, #tpu.memory_space<hbm>> -> memref<128xi32, #tpu.memory_space<hbm>>
      tpu.enqueue_dma source(%dma_start3A_113 : memref<128xi32, #tpu.memory_space<hbm>>) target(%arg6 : memref<128xi32, #tpu.memory_space<vmem>>) target_semaphore(%run_scoped3A : memref<!tpu.dma_semaphore, #tpu.memory_space<semaphore_mem>>)
      %dma_wait3A_114 = tpu.memref_slice %arg2[%multiple_of3A_6] : memref<160000xi32, #tpu.memory_space<hbm>> -> memref<128xi32, #tpu.memory_space<hbm>>
      %dma_wait3A_115 = tpu.memref_slice %arg2[%multiple_of3A_6] : memref<160000xi32, #tpu.memory_space<hbm>> -> memref<128xi32, #tpu.memory_space<hbm>>
      tpu.wait_dma2 semaphore(%run_scoped3A : memref<!tpu.dma_semaphore, #tpu.memory_space<semaphore_mem>>) src(%dma_wait3A_115 : memref<128xi32, #tpu.memory_space<hbm>>) dst(%arg6 : memref<128xi32, #tpu.memory_space<vmem>>)
      tpu.yield
    }) : () -> ()
    %dma_start3A = arith.constant 0 : i32
    %dma_start3A_7 = tpu.memref_slice %arg3[%arg0, %multiple_of3A_6, %dma_start3A] : memref<2x160000x128xf32, #tpu.memory_space<hbm>> -> memref<1x128x128xf32, #tpu.memory_space<hbm>>
    %dma_start3A_8 = tpu.memref_squeeze %dma_start3A_7 : memref<1x128x128xf32, #tpu.memory_space<hbm>> -> memref<128x128xf32, #tpu.memory_space<hbm>>
    %dma_start3A_9 = arith.constant 0 : i32
    %dma_start3A_10 = tpu.memref_slice %arg3[%arg0, %multiple_of3A_6, %dma_start3A_9] : memref<2x160000x128xf32, #tpu.memory_space<hbm>> -> memref<1x128x128xf32, #tpu.memory_space<hbm>>
    %dma_start3A_11 = tpu.memref_squeeze %dma_start3A_10 : memref<1x128x128xf32, #tpu.memory_space<hbm>> -> memref<128x128xf32, #tpu.memory_space<hbm>>
    tpu.enqueue_dma source(%dma_start3A_11 : memref<128x128xf32, #tpu.memory_space<hbm>>) target(%arg9 : memref<128x128xf32, #tpu.memory_space<vmem>>) target_semaphore(%arg12 : memref<!tpu.dma_semaphore, #tpu.memory_space<semaphore_mem>>)
    %add3A_12 = arith.constant 128 : i32
    %add3A_13 = arith.addi %multiple_of3A, %add3A_12 : i32
    %multiple_of3A_14 = tpu.assume_multiple %add3A_13, 8 : i32
    "tpu.region"() ({
      %run_scoped3A = tpu.sem_alloc : memref<!tpu.dma_semaphore, #tpu.memory_space<semaphore_mem>>
      %dma_start3A_112 = tpu.memref_slice %arg2[%multiple_of3A_14] : memref<160000xi32, #tpu.memory_space<hbm>> -> memref<128xi32, #tpu.memory_space<hbm>>
      %dma_start3A_113 = tpu.memref_slice %arg2[%multiple_of3A_14] : memref<160000xi32, #tpu.memory_space<hbm>> -> memref<128xi32, #tpu.memory_space<hbm>>
      tpu.enqueue_dma source(%dma_start3A_113 : memref<128xi32, #tpu.memory_space<hbm>>) target(%arg7 : memref<128xi32, #tpu.memory_space<vmem>>) target_semaphore(%run_scoped3A : memref<!tpu.dma_semaphore, #tpu.memory_space<semaphore_mem>>)
      %dma_wait3A_114 = tpu.memref_slice %arg2[%multiple_of3A_14] : memref<160000xi32, #tpu.memory_space<hbm>> -> memref<128xi32, #tpu.memory_space<hbm>>
      %dma_wait3A_115 = tpu.memref_slice %arg2[%multiple_of3A_14] : memref<160000xi32, #tpu.memory_space<hbm>> -> memref<128xi32, #tpu.memory_space<hbm>>
      tpu.wait_dma2 semaphore(%run_scoped3A : memref<!tpu.dma_semaphore, #tpu.memory_space<semaphore_mem>>) src(%dma_wait3A_115 : memref<128xi32, #tpu.memory_space<hbm>>) dst(%arg7 : memref<128xi32, #tpu.memory_space<vmem>>)
      tpu.yield
    }) : () -> ()
    %dma_start3A_15 = arith.constant 0 : i32
    %dma_start3A_16 = tpu.memref_slice %arg3[%arg0, %multiple_of3A_14, %dma_start3A_15] : memref<2x160000x128xf32, #tpu.memory_space<hbm>> -> memref<1x128x128xf32, #tpu.memory_space<hbm>>
    %dma_start3A_17 = tpu.memref_squeeze %dma_start3A_16 : memref<1x128x128xf32, #tpu.memory_space<hbm>> -> memref<128x128xf32, #tpu.memory_space<hbm>>
    %dma_start3A_18 = arith.constant 0 : i32
    %dma_start3A_19 = tpu.memref_slice %arg3[%arg0, %multiple_of3A_14, %dma_start3A_18] : memref<2x160000x128xf32, #tpu.memory_space<hbm>> -> memref<1x128x128xf32, #tpu.memory_space<hbm>>
    %dma_start3A_20 = tpu.memref_squeeze %dma_start3A_19 : memref<1x128x128xf32, #tpu.memory_space<hbm>> -> memref<128x128xf32, #tpu.memory_space<hbm>>
    tpu.enqueue_dma source(%dma_start3A_20 : memref<128x128xf32, #tpu.memory_space<hbm>>) target(%arg10 : memref<128x128xf32, #tpu.memory_space<vmem>>) target_semaphore(%arg13 : memref<!tpu.dma_semaphore, #tpu.memory_space<semaphore_mem>>)
    %scan3A = arith.constant 0 : i32
    %scan3A_21 = arith.constant 0 : i32
    %scan3A_22 = arith.constant 37 : i32
    %scan3A_23 = arith.addi %scan3A_21, %scan3A_22 : i32
    %scan3A_24 = arith.constant 1 : i32
    scf.for %scan3A_112 = %scan3A_21 to %scan3A_23 step %scan3A_24  : i32 {
      %mul3A_113 = arith.constant 2 : i32
      %mul3A_114 = arith.muli %mul3A_113, %scan3A_112 : i32
      %mul3A_115 = arith.constant 128 : i32
      %mul3A_116 = arith.muli %mul3A_114, %mul3A_115 : i32
      %add3A_117 = arith.addi %multiple_of3A, %mul3A_116 : i32
      %multiple_of3A_118 = tpu.assume_multiple %add3A_117, 8 : i32
      %dma_wait3A_119 = arith.constant 0 : i32
      %dma_wait3A_120 = tpu.memref_slice %arg3[%arg0, %multiple_of3A_118, %dma_wait3A_119] : memref<2x160000x128xf32, #tpu.memory_space<hbm>> -> memref<1x128x128xf32, #tpu.memory_space<hbm>>
      %dma_wait3A_121 = tpu.memref_squeeze %dma_wait3A_120 : memref<1x128x128xf32, #tpu.memory_space<hbm>> -> memref<128x128xf32, #tpu.memory_space<hbm>>
      %dma_wait3A_122 = arith.constant 0 : i32
      %dma_wait3A_123 = tpu.memref_slice %arg3[%arg0, %multiple_of3A_118, %dma_wait3A_122] : memref<2x160000x128xf32, #tpu.memory_space<hbm>> -> memref<1x128x128xf32, #tpu.memory_space<hbm>>
      %dma_wait3A_124 = tpu.memref_squeeze %dma_wait3A_123 : memref<1x128x128xf32, #tpu.memory_space<hbm>> -> memref<128x128xf32, #tpu.memory_space<hbm>>
      tpu.wait_dma2 semaphore(%arg12 : memref<!tpu.dma_semaphore, #tpu.memory_space<semaphore_mem>>) src(%dma_wait3A_124 : memref<128x128xf32, #tpu.memory_space<hbm>>) dst(%arg9 : memref<128x128xf32, #tpu.memory_space<vmem>>)
      %dma_start3A_125 = arith.constant 0 : i32
      %dma_start3A_126 = arith.constant 0 : i32
      %dma_start3A_127 = tpu.memref_slice %arg11[%dma_start3A_125, %dma_start3A_126] : memref<10000x128xf32, #tpu.memory_space<vmem_shared>> -> memref<10000x128xf32, #tpu.memory_space<vmem_shared>>
      tpu.enqueue_indirect_dma source(%arg9 : memref<128x128xf32, #tpu.memory_space<vmem>>) target(%dma_start3A_127 : memref<10000x128xf32, #tpu.memory_space<vmem_shared>>) offsets(%arg6 : memref<128xi32, #tpu.memory_space<vmem>>) semaphore(%arg14 : memref<!tpu.dma_semaphore, #tpu.memory_space<semaphore_mem>>) {add = true}
      %add3A_128 = arith.constant 2 : i32
      %add3A_129 = arith.addi %mul3A_114, %add3A_128 : i32
      %mul3A_130 = arith.constant 128 : i32
      %mul3A_131 = arith.muli %add3A_129, %mul3A_130 : i32
      %add3A_132 = arith.addi %multiple_of3A, %mul3A_131 : i32
      %multiple_of3A_133 = tpu.assume_multiple %add3A_132, 8 : i32
      %dma_wait3A_134 = arith.constant 0 : i32
      %dma_wait3A_135 = arith.constant 0 : i32
      %dma_wait3A_136 = tpu.memref_slice %arg11[%dma_wait3A_134, %dma_wait3A_135] : memref<10000x128xf32, #tpu.memory_space<vmem_shared>> -> memref<10000x128xf32, #tpu.memory_space<vmem_shared>>
      tpu.wait_indirect_dma semaphore(%arg14 : memref<!tpu.dma_semaphore, #tpu.memory_space<semaphore_mem>>) src(%arg9 : memref<128x128xf32, #tpu.memory_space<vmem>>) dst(%dma_wait3A_136 : memref<10000x128xf32, #tpu.memory_space<vmem_shared>>)
      "tpu.region"() ({
        %run_scoped3A = tpu.sem_alloc : memref<!tpu.dma_semaphore, #tpu.memory_space<semaphore_mem>>
        %dma_start3A_173 = tpu.memref_slice %arg2[%multiple_of3A_133] : memref<160000xi32, #tpu.memory_space<hbm>> -> memref<128xi32, #tpu.memory_space<hbm>>
        %dma_start3A_174 = tpu.memref_slice %arg2[%multiple_of3A_133] : memref<160000xi32, #tpu.memory_space<hbm>> -> memref<128xi32, #tpu.memory_space<hbm>>
        tpu.enqueue_dma source(%dma_start3A_174 : memref<128xi32, #tpu.memory_space<hbm>>) target(%arg6 : memref<128xi32, #tpu.memory_space<vmem>>) target_semaphore(%run_scoped3A : memref<!tpu.dma_semaphore, #tpu.memory_space<semaphore_mem>>)
        %dma_wait3A_175 = tpu.memref_slice %arg2[%multiple_of3A_133] : memref<160000xi32, #tpu.memory_space<hbm>> -> memref<128xi32, #tpu.memory_space<hbm>>
        %dma_wait3A_176 = tpu.memref_slice %arg2[%multiple_of3A_133] : memref<160000xi32, #tpu.memory_space<hbm>> -> memref<128xi32, #tpu.memory_space<hbm>>
        tpu.wait_dma2 semaphore(%run_scoped3A : memref<!tpu.dma_semaphore, #tpu.memory_space<semaphore_mem>>) src(%dma_wait3A_176 : memref<128xi32, #tpu.memory_space<hbm>>) dst(%arg6 : memref<128xi32, #tpu.memory_space<vmem>>)
        tpu.yield
      }) : () -> ()
      %dma_start3A_137 = arith.constant 0 : i32
      %dma_start3A_138 = tpu.memref_slice %arg3[%arg0, %multiple_of3A_133, %dma_start3A_137] : memref<2x160000x128xf32, #tpu.memory_space<hbm>> -> memref<1x128x128xf32, #tpu.memory_space<hbm>>
      %dma_start3A_139 = tpu.memref_squeeze %dma_start3A_138 : memref<1x128x128xf32, #tpu.memory_space<hbm>> -> memref<128x128xf32, #tpu.memory_space<hbm>>
      %dma_start3A_140 = arith.constant 0 : i32
      %dma_start3A_141 = tpu.memref_slice %arg3[%arg0, %multiple_of3A_133, %dma_start3A_140] : memref<2x160000x128xf32, #tpu.memory_space<hbm>> -> memref<1x128x128xf32, #tpu.memory_space<hbm>>
      %dma_start3A_142 = tpu.memref_squeeze %dma_start3A_141 : memref<1x128x128xf32, #tpu.memory_space<hbm>> -> memref<128x128xf32, #tpu.memory_space<hbm>>
      tpu.enqueue_dma source(%dma_start3A_142 : memref<128x128xf32, #tpu.memory_space<hbm>>) target(%arg9 : memref<128x128xf32, #tpu.memory_space<vmem>>) target_semaphore(%arg12 : memref<!tpu.dma_semaphore, #tpu.memory_space<semaphore_mem>>)
      %add3A_143 = arith.constant 1 : i32
      %add3A_144 = arith.addi %mul3A_114, %add3A_143 : i32
      %mul3A_145 = arith.constant 128 : i32
      %mul3A_146 = arith.muli %add3A_144, %mul3A_145 : i32
      %add3A_147 = arith.addi %multiple_of3A, %mul3A_146 : i32
      %multiple_of3A_148 = tpu.assume_multiple %add3A_147, 8 : i32
      %dma_wait3A_149 = arith.constant 0 : i32
      %dma_wait3A_150 = tpu.memref_slice %arg3[%arg0, %multiple_of3A_148, %dma_wait3A_149] : memref<2x160000x128xf32, #tpu.memory_space<hbm>> -> memref<1x128x128xf32, #tpu.memory_space<hbm>>
      %dma_wait3A_151 = tpu.memref_squeeze %dma_wait3A_150 : memref<1x128x128xf32, #tpu.memory_space<hbm>> -> memref<128x128xf32, #tpu.memory_space<hbm>>
      %dma_wait3A_152 = arith.constant 0 : i32
      %dma_wait3A_153 = tpu.memref_slice %arg3[%arg0, %multiple_of3A_148, %dma_wait3A_152] : memref<2x160000x128xf32, #tpu.memory_space<hbm>> -> memref<1x128x128xf32, #tpu.memory_space<hbm>>
      %dma_wait3A_154 = tpu.memref_squeeze %dma_wait3A_153 : memref<1x128x128xf32, #tpu.memory_space<hbm>> -> memref<128x128xf32, #tpu.memory_space<hbm>>
      tpu.wait_dma2 semaphore(%arg13 : memref<!tpu.dma_semaphore, #tpu.memory_space<semaphore_mem>>) src(%dma_wait3A_154 : memref<128x128xf32, #tpu.memory_space<hbm>>) dst(%arg10 : memref<128x128xf32, #tpu.memory_space<vmem>>)
      %dma_start3A_155 = arith.constant 0 : i32
      %dma_start3A_156 = arith.constant 0 : i32
      %dma_start3A_157 = tpu.memref_slice %arg11[%dma_start3A_155, %dma_start3A_156] : memref<10000x128xf32, #tpu.memory_space<vmem_shared>> -> memref<10000x128xf32, #tpu.memory_space<vmem_shared>>
      tpu.enqueue_indirect_dma source(%arg10 : memref<128x128xf32, #tpu.memory_space<vmem>>) target(%dma_start3A_157 : memref<10000x128xf32, #tpu.memory_space<vmem_shared>>) offsets(%arg7 : memref<128xi32, #tpu.memory_space<vmem>>) semaphore(%arg15 : memref<!tpu.dma_semaphore, #tpu.memory_space<semaphore_mem>>) {add = true}
      %add3A_158 = arith.constant 3 : i32
      %add3A_159 = arith.addi %mul3A_114, %add3A_158 : i32
      %mul3A_160 = arith.constant 128 : i32
      %mul3A_161 = arith.muli %add3A_159, %mul3A_160 : i32
      %add3A_162 = arith.addi %multiple_of3A, %mul3A_161 : i32
      %multiple_of3A_163 = tpu.assume_multiple %add3A_162, 8 : i32
      %dma_wait3A_164 = arith.constant 0 : i32
      %dma_wait3A_165 = arith.constant 0 : i32
      %dma_wait3A_166 = tpu.memref_slice %arg11[%dma_wait3A_164, %dma_wait3A_165] : memref<10000x128xf32, #tpu.memory_space<vmem_shared>> -> memref<10000x128xf32, #tpu.memory_space<vmem_shared>>
      tpu.wait_indirect_dma semaphore(%arg15 : memref<!tpu.dma_semaphore, #tpu.memory_space<semaphore_mem>>) src(%arg10 : memref<128x128xf32, #tpu.memory_space<vmem>>) dst(%dma_wait3A_166 : memref<10000x128xf32, #tpu.memory_space<vmem_shared>>)
      "tpu.region"() ({
        %run_scoped3A = tpu.sem_alloc : memref<!tpu.dma_semaphore, #tpu.memory_space<semaphore_mem>>
        %dma_start3A_173 = tpu.memref_slice %arg2[%multiple_of3A_163] : memref<160000xi32, #tpu.memory_space<hbm>> -> memref<128xi32, #tpu.memory_space<hbm>>
        %dma_start3A_174 = tpu.memref_slice %arg2[%multiple_of3A_163] : memref<160000xi32, #tpu.memory_space<hbm>> -> memref<128xi32, #tpu.memory_space<hbm>>
        tpu.enqueue_dma source(%dma_start3A_174 : memref<128xi32, #tpu.memory_space<hbm>>) target(%arg7 : memref<128xi32, #tpu.memory_space<vmem>>) target_semaphore(%run_scoped3A : memref<!tpu.dma_semaphore, #tpu.memory_space<semaphore_mem>>)
        %dma_wait3A_175 = tpu.memref_slice %arg2[%multiple_of3A_163] : memref<160000xi32, #tpu.memory_space<hbm>> -> memref<128xi32, #tpu.memory_space<hbm>>
        %dma_wait3A_176 = tpu.memref_slice %arg2[%multiple_of3A_163] : memref<160000xi32, #tpu.memory_space<hbm>> -> memref<128xi32, #tpu.memory_space<hbm>>
        tpu.wait_dma2 semaphore(%run_scoped3A : memref<!tpu.dma_semaphore, #tpu.memory_space<semaphore_mem>>) src(%dma_wait3A_176 : memref<128xi32, #tpu.memory_space<hbm>>) dst(%arg7 : memref<128xi32, #tpu.memory_space<vmem>>)
        tpu.yield
      }) : () -> ()
      %dma_start3A_167 = arith.constant 0 : i32
      %dma_start3A_168 = tpu.memref_slice %arg3[%arg0, %multiple_of3A_163, %dma_start3A_167] : memref<2x160000x128xf32, #tpu.memory_space<hbm>> -> memref<1x128x128xf32, #tpu.memory_space<hbm>>
      %dma_start3A_169 = tpu.memref_squeeze %dma_start3A_168 : memref<1x128x128xf32, #tpu.memory_space<hbm>> -> memref<128x128xf32, #tpu.memory_space<hbm>>
      %dma_start3A_170 = arith.constant 0 : i32
      %dma_start3A_171 = tpu.memref_slice %arg3[%arg0, %multiple_of3A_163, %dma_start3A_170] : memref<2x160000x128xf32, #tpu.memory_space<hbm>> -> memref<1x128x128xf32, #tpu.memory_space<hbm>>
      %dma_start3A_172 = tpu.memref_squeeze %dma_start3A_171 : memref<1x128x128xf32, #tpu.memory_space<hbm>> -> memref<128x128xf32, #tpu.memory_space<hbm>>
      tpu.enqueue_dma source(%dma_start3A_172 : memref<128x128xf32, #tpu.memory_space<hbm>>) target(%arg10 : memref<128x128xf32, #tpu.memory_space<vmem>>) target_semaphore(%arg13 : memref<!tpu.dma_semaphore, #tpu.memory_space<semaphore_mem>>)
    }
    %scan3A_25 = arith.constant 37 : i32
    %add3A_26 = arith.constant 9472 : i32
    %add3A_27 = arith.addi %multiple_of3A, %add3A_26 : i32
    %multiple_of3A_28 = tpu.assume_multiple %add3A_27, 8 : i32
    %dma_wait3A = arith.constant 0 : i32
    %dma_wait3A_29 = tpu.memref_slice %arg3[%arg0, %multiple_of3A_28, %dma_wait3A] : memref<2x160000x128xf32, #tpu.memory_space<hbm>> -> memref<1x128x128xf32, #tpu.memory_space<hbm>>
    %dma_wait3A_30 = tpu.memref_squeeze %dma_wait3A_29 : memref<1x128x128xf32, #tpu.memory_space<hbm>> -> memref<128x128xf32, #tpu.memory_space<hbm>>
    %dma_wait3A_31 = arith.constant 0 : i32
    %dma_wait3A_32 = tpu.memref_slice %arg3[%arg0, %multiple_of3A_28, %dma_wait3A_31] : memref<2x160000x128xf32, #tpu.memory_space<hbm>> -> memref<1x128x128xf32, #tpu.memory_space<hbm>>
    %dma_wait3A_33 = tpu.memref_squeeze %dma_wait3A_32 : memref<1x128x128xf32, #tpu.memory_space<hbm>> -> memref<128x128xf32, #tpu.memory_space<hbm>>
    tpu.wait_dma2 semaphore(%arg12 : memref<!tpu.dma_semaphore, #tpu.memory_space<semaphore_mem>>) src(%dma_wait3A_33 : memref<128x128xf32, #tpu.memory_space<hbm>>) dst(%arg9 : memref<128x128xf32, #tpu.memory_space<vmem>>)
    %dma_start3A_34 = arith.constant 0 : i32
    %dma_start3A_35 = arith.constant 0 : i32
    %dma_start3A_36 = tpu.memref_slice %arg11[%dma_start3A_34, %dma_start3A_35] : memref<10000x128xf32, #tpu.memory_space<vmem_shared>> -> memref<10000x128xf32, #tpu.memory_space<vmem_shared>>
    tpu.enqueue_indirect_dma source(%arg9 : memref<128x128xf32, #tpu.memory_space<vmem>>) target(%dma_start3A_36 : memref<10000x128xf32, #tpu.memory_space<vmem_shared>>) offsets(%arg6 : memref<128xi32, #tpu.memory_space<vmem>>) semaphore(%arg14 : memref<!tpu.dma_semaphore, #tpu.memory_space<semaphore_mem>>) {add = true}
    %add3A_37 = arith.constant 9728 : i32
    %add3A_38 = arith.addi %multiple_of3A, %add3A_37 : i32
    %multiple_of3A_39 = tpu.assume_multiple %add3A_38, 8 : i32
    %dma_wait3A_40 = arith.constant 0 : i32
    %dma_wait3A_41 = arith.constant 0 : i32
    %dma_wait3A_42 = tpu.memref_slice %arg11[%dma_wait3A_40, %dma_wait3A_41] : memref<10000x128xf32, #tpu.memory_space<vmem_shared>> -> memref<10000x128xf32, #tpu.memory_space<vmem_shared>>
    tpu.wait_indirect_dma semaphore(%arg14 : memref<!tpu.dma_semaphore, #tpu.memory_space<semaphore_mem>>) src(%arg9 : memref<128x128xf32, #tpu.memory_space<vmem>>) dst(%dma_wait3A_42 : memref<10000x128xf32, #tpu.memory_space<vmem_shared>>)
    "tpu.region"() ({
      %run_scoped3A = tpu.sem_alloc : memref<!tpu.dma_semaphore, #tpu.memory_space<semaphore_mem>>
      %dma_start3A_112 = tpu.memref_slice %arg2[%multiple_of3A_39] : memref<160000xi32, #tpu.memory_space<hbm>> -> memref<128xi32, #tpu.memory_space<hbm>>
      %dma_start3A_113 = tpu.memref_slice %arg2[%multiple_of3A_39] : memref<160000xi32, #tpu.memory_space<hbm>> -> memref<128xi32, #tpu.memory_space<hbm>>
      tpu.enqueue_dma source(%dma_start3A_113 : memref<128xi32, #tpu.memory_space<hbm>>) target(%arg6 : memref<128xi32, #tpu.memory_space<vmem>>) target_semaphore(%run_scoped3A : memref<!tpu.dma_semaphore, #tpu.memory_space<semaphore_mem>>)
      %dma_wait3A_114 = tpu.memref_slice %arg2[%multiple_of3A_39] : memref<160000xi32, #tpu.memory_space<hbm>> -> memref<128xi32, #tpu.memory_space<hbm>>
      %dma_wait3A_115 = tpu.memref_slice %arg2[%multiple_of3A_39] : memref<160000xi32, #tpu.memory_space<hbm>> -> memref<128xi32, #tpu.memory_space<hbm>>
      tpu.wait_dma2 semaphore(%run_scoped3A : memref<!tpu.dma_semaphore, #tpu.memory_space<semaphore_mem>>) src(%dma_wait3A_115 : memref<128xi32, #tpu.memory_space<hbm>>) dst(%arg6 : memref<128xi32, #tpu.memory_space<vmem>>)
      tpu.yield
    }) : () -> ()
    %dma_start3A_43 = arith.constant 0 : i32
    %dma_start3A_44 = tpu.memref_slice %arg3[%arg0, %multiple_of3A_39, %dma_start3A_43] : memref<2x160000x128xf32, #tpu.memory_space<hbm>> -> memref<1x128x128xf32, #tpu.memory_space<hbm>>
    %dma_start3A_45 = tpu.memref_squeeze %dma_start3A_44 : memref<1x128x128xf32, #tpu.memory_space<hbm>> -> memref<128x128xf32, #tpu.memory_space<hbm>>
    %dma_start3A_46 = arith.constant 0 : i32
    %dma_start3A_47 = tpu.memref_slice %arg3[%arg0, %multiple_of3A_39, %dma_start3A_46] : memref<2x160000x128xf32, #tpu.memory_space<hbm>> -> memref<1x128x128xf32, #tpu.memory_space<hbm>>
    %dma_start3A_48 = tpu.memref_squeeze %dma_start3A_47 : memref<1x128x128xf32, #tpu.memory_space<hbm>> -> memref<128x128xf32, #tpu.memory_space<hbm>>
    tpu.enqueue_dma source(%dma_start3A_48 : memref<128x128xf32, #tpu.memory_space<hbm>>) target(%arg9 : memref<128x128xf32, #tpu.memory_space<vmem>>) target_semaphore(%arg12 : memref<!tpu.dma_semaphore, #tpu.memory_space<semaphore_mem>>)
    %add3A_49 = arith.constant 9600 : i32
    %add3A_50 = arith.addi %multiple_of3A, %add3A_49 : i32
    %multiple_of3A_51 = tpu.assume_multiple %add3A_50, 8 : i32
    %dma_wait3A_52 = arith.constant 0 : i32
    %dma_wait3A_53 = tpu.memref_slice %arg3[%arg0, %multiple_of3A_51, %dma_wait3A_52] : memref<2x160000x128xf32, #tpu.memory_space<hbm>> -> memref<1x128x128xf32, #tpu.memory_space<hbm>>
    %dma_wait3A_54 = tpu.memref_squeeze %dma_wait3A_53 : memref<1x128x128xf32, #tpu.memory_space<hbm>> -> memref<128x128xf32, #tpu.memory_space<hbm>>
    %dma_wait3A_55 = arith.constant 0 : i32
    %dma_wait3A_56 = tpu.memref_slice %arg3[%arg0, %multiple_of3A_51, %dma_wait3A_55] : memref<2x160000x128xf32, #tpu.memory_space<hbm>> -> memref<1x128x128xf32, #tpu.memory_space<hbm>>
    %dma_wait3A_57 = tpu.memref_squeeze %dma_wait3A_56 : memref<1x128x128xf32, #tpu.memory_space<hbm>> -> memref<128x128xf32, #tpu.memory_space<hbm>>
    tpu.wait_dma2 semaphore(%arg13 : memref<!tpu.dma_semaphore, #tpu.memory_space<semaphore_mem>>) src(%dma_wait3A_57 : memref<128x128xf32, #tpu.memory_space<hbm>>) dst(%arg10 : memref<128x128xf32, #tpu.memory_space<vmem>>)
    %dma_start3A_58 = arith.constant 0 : i32
    %dma_start3A_59 = arith.constant 0 : i32
    %dma_start3A_60 = tpu.memref_slice %arg11[%dma_start3A_58, %dma_start3A_59] : memref<10000x128xf32, #tpu.memory_space<vmem_shared>> -> memref<10000x128xf32, #tpu.memory_space<vmem_shared>>
    tpu.enqueue_indirect_dma source(%arg10 : memref<128x128xf32, #tpu.memory_space<vmem>>) target(%dma_start3A_60 : memref<10000x128xf32, #tpu.memory_space<vmem_shared>>) offsets(%arg7 : memref<128xi32, #tpu.memory_space<vmem>>) semaphore(%arg15 : memref<!tpu.dma_semaphore, #tpu.memory_space<semaphore_mem>>) {add = true}
    %add3A_61 = arith.constant 9856 : i32
    %add3A_62 = arith.addi %multiple_of3A, %add3A_61 : i32
    %multiple_of3A_63 = tpu.assume_multiple %add3A_62, 8 : i32
    %dma_wait3A_64 = arith.constant 0 : i32
    %dma_wait3A_65 = arith.constant 0 : i32
    %dma_wait3A_66 = tpu.memref_slice %arg11[%dma_wait3A_64, %dma_wait3A_65] : memref<10000x128xf32, #tpu.memory_space<vmem_shared>> -> memref<10000x128xf32, #tpu.memory_space<vmem_shared>>
    tpu.wait_indirect_dma semaphore(%arg15 : memref<!tpu.dma_semaphore, #tpu.memory_space<semaphore_mem>>) src(%arg10 : memref<128x128xf32, #tpu.memory_space<vmem>>) dst(%dma_wait3A_66 : memref<10000x128xf32, #tpu.memory_space<vmem_shared>>)
    "tpu.region"() ({
      %run_scoped3A = tpu.sem_alloc : memref<!tpu.dma_semaphore, #tpu.memory_space<semaphore_mem>>
      %dma_start3A_112 = tpu.memref_slice %arg2[%multiple_of3A_63] : memref<160000xi32, #tpu.memory_space<hbm>> -> memref<128xi32, #tpu.memory_space<hbm>>
      %dma_start3A_113 = tpu.memref_slice %arg2[%multiple_of3A_63] : memref<160000xi32, #tpu.memory_space<hbm>> -> memref<128xi32, #tpu.memory_space<hbm>>
      tpu.enqueue_dma source(%dma_start3A_113 : memref<128xi32, #tpu.memory_space<hbm>>) target(%arg7 : memref<128xi32, #tpu.memory_space<vmem>>) target_semaphore(%run_scoped3A : memref<!tpu.dma_semaphore, #tpu.memory_space<semaphore_mem>>)
      %dma_wait3A_114 = tpu.memref_slice %arg2[%multiple_of3A_63] : memref<160000xi32, #tpu.memory_space<hbm>> -> memref<128xi32, #tpu.memory_space<hbm>>
      %dma_wait3A_115 = tpu.memref_slice %arg2[%multiple_of3A_63] : memref<160000xi32, #tpu.memory_space<hbm>> -> memref<128xi32, #tpu.memory_space<hbm>>
      tpu.wait_dma2 semaphore(%run_scoped3A : memref<!tpu.dma_semaphore, #tpu.memory_space<semaphore_mem>>) src(%dma_wait3A_115 : memref<128xi32, #tpu.memory_space<hbm>>) dst(%arg7 : memref<128xi32, #tpu.memory_space<vmem>>)
      tpu.yield
    }) : () -> ()
    %dma_start3A_67 = arith.constant 0 : i32
    %dma_start3A_68 = tpu.memref_slice %arg3[%arg0, %multiple_of3A_63, %dma_start3A_67] : memref<2x160000x128xf32, #tpu.memory_space<hbm>> -> memref<1x128x128xf32, #tpu.memory_space<hbm>>
    %dma_start3A_69 = tpu.memref_squeeze %dma_start3A_68 : memref<1x128x128xf32, #tpu.memory_space<hbm>> -> memref<128x128xf32, #tpu.memory_space<hbm>>
    %dma_start3A_70 = arith.constant 0 : i32
    %dma_start3A_71 = tpu.memref_slice %arg3[%arg0, %multiple_of3A_63, %dma_start3A_70] : memref<2x160000x128xf32, #tpu.memory_space<hbm>> -> memref<1x128x128xf32, #tpu.memory_space<hbm>>
    %dma_start3A_72 = tpu.memref_squeeze %dma_start3A_71 : memref<1x128x128xf32, #tpu.memory_space<hbm>> -> memref<128x128xf32, #tpu.memory_space<hbm>>
    tpu.enqueue_dma source(%dma_start3A_72 : memref<128x128xf32, #tpu.memory_space<hbm>>) target(%arg10 : memref<128x128xf32, #tpu.memory_space<vmem>>) target_semaphore(%arg13 : memref<!tpu.dma_semaphore, #tpu.memory_space<semaphore_mem>>)
    %add3A_73 = arith.constant 9728 : i32
    %add3A_74 = arith.addi %multiple_of3A, %add3A_73 : i32
    %multiple_of3A_75 = tpu.assume_multiple %add3A_74, 8 : i32
    %dma_wait3A_76 = arith.constant 0 : i32
    %dma_wait3A_77 = tpu.memref_slice %arg3[%arg0, %multiple_of3A_75, %dma_wait3A_76] : memref<2x160000x128xf32, #tpu.memory_space<hbm>> -> memref<1x128x128xf32, #tpu.memory_space<hbm>>
    %dma_wait3A_78 = tpu.memref_squeeze %dma_wait3A_77 : memref<1x128x128xf32, #tpu.memory_space<hbm>> -> memref<128x128xf32, #tpu.memory_space<hbm>>
    %dma_wait3A_79 = arith.constant 0 : i32
    %dma_wait3A_80 = tpu.memref_slice %arg3[%arg0, %multiple_of3A_75, %dma_wait3A_79] : memref<2x160000x128xf32, #tpu.memory_space<hbm>> -> memref<1x128x128xf32, #tpu.memory_space<hbm>>
    %dma_wait3A_81 = tpu.memref_squeeze %dma_wait3A_80 : memref<1x128x128xf32, #tpu.memory_space<hbm>> -> memref<128x128xf32, #tpu.memory_space<hbm>>
    tpu.wait_dma2 semaphore(%arg12 : memref<!tpu.dma_semaphore, #tpu.memory_space<semaphore_mem>>) src(%dma_wait3A_81 : memref<128x128xf32, #tpu.memory_space<hbm>>) dst(%arg9 : memref<128x128xf32, #tpu.memory_space<vmem>>)
    %dma_start3A_82 = arith.constant 0 : i32
    %dma_start3A_83 = arith.constant 0 : i32
    %dma_start3A_84 = tpu.memref_slice %arg11[%dma_start3A_82, %dma_start3A_83] : memref<10000x128xf32, #tpu.memory_space<vmem_shared>> -> memref<10000x128xf32, #tpu.memory_space<vmem_shared>>
    tpu.enqueue_indirect_dma source(%arg9 : memref<128x128xf32, #tpu.memory_space<vmem>>) target(%dma_start3A_84 : memref<10000x128xf32, #tpu.memory_space<vmem_shared>>) offsets(%arg6 : memref<128xi32, #tpu.memory_space<vmem>>) semaphore(%arg14 : memref<!tpu.dma_semaphore, #tpu.memory_space<semaphore_mem>>) {add = true}
    %add3A_85 = arith.constant 9856 : i32
    %add3A_86 = arith.addi %multiple_of3A, %add3A_85 : i32
    %multiple_of3A_87 = tpu.assume_multiple %add3A_86, 8 : i32
    %dma_wait3A_88 = arith.constant 0 : i32
    %dma_wait3A_89 = tpu.memref_slice %arg3[%arg0, %multiple_of3A_87, %dma_wait3A_88] : memref<2x160000x128xf32, #tpu.memory_space<hbm>> -> memref<1x128x128xf32, #tpu.memory_space<hbm>>
    %dma_wait3A_90 = tpu.memref_squeeze %dma_wait3A_89 : memref<1x128x128xf32, #tpu.memory_space<hbm>> -> memref<128x128xf32, #tpu.memory_space<hbm>>
    %dma_wait3A_91 = arith.constant 0 : i32
    %dma_wait3A_92 = tpu.memref_slice %arg3[%arg0, %multiple_of3A_87, %dma_wait3A_91] : memref<2x160000x128xf32, #tpu.memory_space<hbm>> -> memref<1x128x128xf32, #tpu.memory_space<hbm>>
    %dma_wait3A_93 = tpu.memref_squeeze %dma_wait3A_92 : memref<1x128x128xf32, #tpu.memory_space<hbm>> -> memref<128x128xf32, #tpu.memory_space<hbm>>
    tpu.wait_dma2 semaphore(%arg13 : memref<!tpu.dma_semaphore, #tpu.memory_space<semaphore_mem>>) src(%dma_wait3A_93 : memref<128x128xf32, #tpu.memory_space<hbm>>) dst(%arg10 : memref<128x128xf32, #tpu.memory_space<vmem>>)
    %dma_start3A_94 = arith.constant 0 : i32
    %dma_start3A_95 = arith.constant 0 : i32
    %dma_start3A_96 = tpu.memref_slice %arg11[%dma_start3A_94, %dma_start3A_95] : memref<10000x128xf32, #tpu.memory_space<vmem_shared>> -> memref<10000x128xf32, #tpu.memory_space<vmem_shared>>
    tpu.enqueue_indirect_dma source(%arg10 : memref<128x128xf32, #tpu.memory_space<vmem>>) target(%dma_start3A_96 : memref<10000x128xf32, #tpu.memory_space<vmem_shared>>) offsets(%arg7 : memref<128xi32, #tpu.memory_space<vmem>>) semaphore(%arg15 : memref<!tpu.dma_semaphore, #tpu.memory_space<semaphore_mem>>) {add = true}
    %dma_wait3A_97 = arith.constant 0 : i32
    %dma_wait3A_98 = arith.constant 0 : i32
    %dma_wait3A_99 = tpu.memref_slice %arg11[%dma_wait3A_97, %dma_wait3A_98] : memref<10000x128xf32, #tpu.memory_space<vmem_shared>> -> memref<10000x128xf32, #tpu.memory_space<vmem_shared>>
    tpu.wait_indirect_dma semaphore(%arg14 : memref<!tpu.dma_semaphore, #tpu.memory_space<semaphore_mem>>) src(%arg9 : memref<128x128xf32, #tpu.memory_space<vmem>>) dst(%dma_wait3A_99 : memref<10000x128xf32, #tpu.memory_space<vmem_shared>>)
    %dma_wait3A_100 = arith.constant 0 : i32
    %dma_wait3A_101 = arith.constant 0 : i32
    %dma_wait3A_102 = tpu.memref_slice %arg11[%dma_wait3A_100, %dma_wait3A_101] : memref<10000x128xf32, #tpu.memory_space<vmem_shared>> -> memref<10000x128xf32, #tpu.memory_space<vmem_shared>>
    tpu.wait_indirect_dma semaphore(%arg15 : memref<!tpu.dma_semaphore, #tpu.memory_space<semaphore_mem>>) src(%arg10 : memref<128x128xf32, #tpu.memory_space<vmem>>) dst(%dma_wait3A_102 : memref<10000x128xf32, #tpu.memory_space<vmem_shared>>)
    %add3A_103 = arith.constant 9984 : i32
    %add3A_104 = arith.addi %multiple_of3A, %add3A_103 : i32
    %multiple_of3A_105 = tpu.assume_multiple %add3A_104, 8 : i32
    "tpu.region"() ({
      %run_scoped3A = tpu.sem_alloc : memref<!tpu.dma_semaphore, #tpu.memory_space<semaphore_mem>>
      %dma_start3A_112 = tpu.memref_slice %arg2[%multiple_of3A_105] : memref<160000xi32, #tpu.memory_space<hbm>> -> memref<16xi32, #tpu.memory_space<hbm>>
      %dma_start3A_113 = tpu.memref_slice %arg2[%multiple_of3A_105] : memref<160000xi32, #tpu.memory_space<hbm>> -> memref<16xi32, #tpu.memory_space<hbm>>
      tpu.enqueue_dma source(%dma_start3A_113 : memref<16xi32, #tpu.memory_space<hbm>>) target(%arg8 : memref<16xi32, #tpu.memory_space<vmem>>) target_semaphore(%run_scoped3A : memref<!tpu.dma_semaphore, #tpu.memory_space<semaphore_mem>>)
      %dma_wait3A_114 = tpu.memref_slice %arg2[%multiple_of3A_105] : memref<160000xi32, #tpu.memory_space<hbm>> -> memref<16xi32, #tpu.memory_space<hbm>>
      %dma_wait3A_115 = tpu.memref_slice %arg2[%multiple_of3A_105] : memref<160000xi32, #tpu.memory_space<hbm>> -> memref<16xi32, #tpu.memory_space<hbm>>
      tpu.wait_dma2 semaphore(%run_scoped3A : memref<!tpu.dma_semaphore, #tpu.memory_space<semaphore_mem>>) src(%dma_wait3A_115 : memref<16xi32, #tpu.memory_space<hbm>>) dst(%arg8 : memref<16xi32, #tpu.memory_space<vmem>>)
      tpu.yield
    }) : () -> ()
    "tpu.region"() ({
      %run_scoped3A = tpu.sem_alloc : memref<!tpu.dma_semaphore, #tpu.memory_space<semaphore_mem>>
      %dma_start3A_112 = arith.constant 0 : i32
      %dma_start3A_113 = arith.constant 0 : i32
      %dma_start3A_114 = tpu.memref_slice %arg9[%dma_start3A_112, %dma_start3A_113] : memref<128x128xf32, #tpu.memory_space<vmem>> -> memref<16x128xf32, #tpu.memory_space<vmem>>
      %dma_start3A_115 = arith.constant 0 : i32
      %dma_start3A_116 = tpu.memref_slice %arg3[%arg0, %multiple_of3A_105, %dma_start3A_115] : memref<2x160000x128xf32, #tpu.memory_space<hbm>> -> memref<1x16x128xf32, #tpu.memory_space<hbm>>
      %dma_start3A_117 = tpu.memref_squeeze %dma_start3A_116 : memref<1x16x128xf32, #tpu.memory_space<hbm>> -> memref<16x128xf32, #tpu.memory_space<hbm>>
      %dma_start3A_118 = arith.constant 0 : i32
      %dma_start3A_119 = arith.constant 0 : i32
      %dma_start3A_120 = tpu.memref_slice %arg9[%dma_start3A_118, %dma_start3A_119] : memref<128x128xf32, #tpu.memory_space<vmem>> -> memref<16x128xf32, #tpu.memory_space<vmem>>
      %dma_start3A_121 = arith.constant 0 : i32
      %dma_start3A_122 = tpu.memref_slice %arg3[%arg0, %multiple_of3A_105, %dma_start3A_121] : memref<2x160000x128xf32, #tpu.memory_space<hbm>> -> memref<1x16x128xf32, #tpu.memory_space<hbm>>
      %dma_start3A_123 = tpu.memref_squeeze %dma_start3A_122 : memref<1x16x128xf32, #tpu.memory_space<hbm>> -> memref<16x128xf32, #tpu.memory_space<hbm>>
      tpu.enqueue_dma source(%dma_start3A_123 : memref<16x128xf32, #tpu.memory_space<hbm>>) target(%dma_start3A_120 : memref<16x128xf32, #tpu.memory_space<vmem>>) target_semaphore(%run_scoped3A : memref<!tpu.dma_semaphore, #tpu.memory_space<semaphore_mem>>)
      %dma_wait3A_124 = arith.constant 0 : i32
      %dma_wait3A_125 = arith.constant 0 : i32
      %dma_wait3A_126 = tpu.memref_slice %arg9[%dma_wait3A_124, %dma_wait3A_125] : memref<128x128xf32, #tpu.memory_space<vmem>> -> memref<16x128xf32, #tpu.memory_space<vmem>>
      %dma_wait3A_127 = arith.constant 0 : i32
      %dma_wait3A_128 = tpu.memref_slice %arg3[%arg0, %multiple_of3A_105, %dma_wait3A_127] : memref<2x160000x128xf32, #tpu.memory_space<hbm>> -> memref<1x16x128xf32, #tpu.memory_space<hbm>>
      %dma_wait3A_129 = tpu.memref_squeeze %dma_wait3A_128 : memref<1x16x128xf32, #tpu.memory_space<hbm>> -> memref<16x128xf32, #tpu.memory_space<hbm>>
      %dma_wait3A_130 = arith.constant 0 : i32
      %dma_wait3A_131 = arith.constant 0 : i32
      %dma_wait3A_132 = tpu.memref_slice %arg9[%dma_wait3A_130, %dma_wait3A_131] : memref<128x128xf32, #tpu.memory_space<vmem>> -> memref<16x128xf32, #tpu.memory_space<vmem>>
      %dma_wait3A_133 = arith.constant 0 : i32
      %dma_wait3A_134 = tpu.memref_slice %arg3[%arg0, %multiple_of3A_105, %dma_wait3A_133] : memref<2x160000x128xf32, #tpu.memory_space<hbm>> -> memref<1x16x128xf32, #tpu.memory_space<hbm>>
      %dma_wait3A_135 = tpu.memref_squeeze %dma_wait3A_134 : memref<1x16x128xf32, #tpu.memory_space<hbm>> -> memref<16x128xf32, #tpu.memory_space<hbm>>
      tpu.wait_dma2 semaphore(%run_scoped3A : memref<!tpu.dma_semaphore, #tpu.memory_space<semaphore_mem>>) src(%dma_wait3A_135 : memref<16x128xf32, #tpu.memory_space<hbm>>) dst(%dma_wait3A_132 : memref<16x128xf32, #tpu.memory_space<vmem>>)
      tpu.yield
    }) : () -> ()
    "tpu.region"() ({
      %run_scoped3A = tpu.sem_alloc : memref<!tpu.dma_semaphore, #tpu.memory_space<semaphore_mem>>
      %dma_start3A_112 = arith.constant 0 : i32
      %dma_start3A_113 = arith.constant 0 : i32
      %dma_start3A_114 = tpu.memref_slice %arg9[%dma_start3A_112, %dma_start3A_113] : memref<128x128xf32, #tpu.memory_space<vmem>> -> memref<16x128xf32, #tpu.memory_space<vmem>>
      %dma_start3A_115 = arith.constant 0 : i32
      %dma_start3A_116 = arith.constant 0 : i32
      %dma_start3A_117 = tpu.memref_slice %arg11[%dma_start3A_115, %dma_start3A_116] : memref<10000x128xf32, #tpu.memory_space<vmem_shared>> -> memref<10000x128xf32, #tpu.memory_space<vmem_shared>>
      tpu.enqueue_indirect_dma source(%dma_start3A_114 : memref<16x128xf32, #tpu.memory_space<vmem>>) target(%dma_start3A_117 : memref<10000x128xf32, #tpu.memory_space<vmem_shared>>) offsets(%arg8 : memref<16xi32, #tpu.memory_space<vmem>>) semaphore(%run_scoped3A : memref<!tpu.dma_semaphore, #tpu.memory_space<semaphore_mem>>) {add = true}
      %dma_wait3A_118 = arith.constant 0 : i32
      %dma_wait3A_119 = arith.constant 0 : i32
      %dma_wait3A_120 = tpu.memref_slice %arg9[%dma_wait3A_118, %dma_wait3A_119] : memref<128x128xf32, #tpu.memory_space<vmem>> -> memref<16x128xf32, #tpu.memory_space<vmem>>
      %dma_wait3A_121 = arith.constant 0 : i32
      %dma_wait3A_122 = arith.constant 0 : i32
      %dma_wait3A_123 = tpu.memref_slice %arg11[%dma_wait3A_121, %dma_wait3A_122] : memref<10000x128xf32, #tpu.memory_space<vmem_shared>> -> memref<10000x128xf32, #tpu.memory_space<vmem_shared>>
      tpu.wait_indirect_dma semaphore(%run_scoped3A : memref<!tpu.dma_semaphore, #tpu.memory_space<semaphore_mem>>) src(%dma_wait3A_120 : memref<16x128xf32, #tpu.memory_space<vmem>>) dst(%dma_wait3A_123 : memref<10000x128xf32, #tpu.memory_space<vmem_shared>>)
      tpu.yield
    }) : () -> ()
    %barrier3A_106 = arith.constant 0 : index
    tpu.barrier barrier_id(%barrier3A_106)
    "tpu.region"() ({
      %run_scoped3A = tpu.sem_alloc : memref<!tpu.dma_semaphore, #tpu.memory_space<semaphore_mem>>
      %dma_start3A_112 = arith.constant 0 : i32
      %dma_start3A_113 = tpu.memref_slice %arg5[%arg0, %mul3A_0, %dma_start3A_112] : memref<2x10000x128xf32, #tpu.memory_space<hbm>> -> memref<1x624x128xf32, #tpu.memory_space<hbm>>
      %dma_start3A_114 = tpu.memref_squeeze %dma_start3A_113 : memref<1x624x128xf32, #tpu.memory_space<hbm>> -> memref<624x128xf32, #tpu.memory_space<hbm>>
      %dma_start3A_115 = arith.constant 0 : i32
      %dma_start3A_116 = tpu.memref_slice %arg11[%mul3A_0, %dma_start3A_115] : memref<10000x128xf32, #tpu.memory_space<vmem_shared>> -> memref<624x128xf32, #tpu.memory_space<vmem_shared>>
      tpu.enqueue_dma source(%dma_start3A_116 : memref<624x128xf32, #tpu.memory_space<vmem_shared>>) target(%dma_start3A_114 : memref<624x128xf32, #tpu.memory_space<hbm>>) target_semaphore(%run_scoped3A : memref<!tpu.dma_semaphore, #tpu.memory_space<semaphore_mem>>)
      %dma_wait3A_117 = arith.constant 0 : i32
      %dma_wait3A_118 = tpu.memref_slice %arg5[%arg0, %mul3A_0, %dma_wait3A_117] : memref<2x10000x128xf32, #tpu.memory_space<hbm>> -> memref<1x624x128xf32, #tpu.memory_space<hbm>>
      %dma_wait3A_119 = tpu.memref_squeeze %dma_wait3A_118 : memref<1x624x128xf32, #tpu.memory_space<hbm>> -> memref<624x128xf32, #tpu.memory_space<hbm>>
      %dma_wait3A_120 = arith.constant 0 : i32
      %dma_wait3A_121 = tpu.memref_slice %arg11[%mul3A_0, %dma_wait3A_120] : memref<10000x128xf32, #tpu.memory_space<vmem_shared>> -> memref<624x128xf32, #tpu.memory_space<vmem_shared>>
      tpu.wait_dma2 semaphore(%run_scoped3A : memref<!tpu.dma_semaphore, #tpu.memory_space<semaphore_mem>>) src(%dma_wait3A_121 : memref<624x128xf32, #tpu.memory_space<vmem_shared>>) dst(%dma_wait3A_119 : memref<624x128xf32, #tpu.memory_space<hbm>>)
      tpu.yield
    }) : () -> ()
    %eq3A_107 = arith.constant 15 : i32
    %eq3A_108 = arith.cmpi eq, %arg1, %eq3A_107 : i32
    %convert_element_type3A_109 = arith.extui %eq3A_108 : i1 to i32
    %cond3A_110 = arith.constant 0 : i32
    %cond3A_111 = arith.cmpi ne, %convert_element_type3A_109, %cond3A_110 : i32
    scf.if %cond3A_111 {
      "tpu.region"() ({
        %run_scoped3A = tpu.sem_alloc : memref<!tpu.dma_semaphore, #tpu.memory_space<semaphore_mem>>
        %dma_start3A_112 = arith.constant 9984 : i32
        %dma_start3A_113 = arith.constant 0 : i32
        %dma_start3A_114 = tpu.memref_slice %arg5[%arg0, %dma_start3A_112, %dma_start3A_113] : memref<2x10000x128xf32, #tpu.memory_space<hbm>> -> memref<1x16x128xf32, #tpu.memory_space<hbm>>
        %dma_start3A_115 = tpu.memref_squeeze %dma_start3A_114 : memref<1x16x128xf32, #tpu.memory_space<hbm>> -> memref<16x128xf32, #tpu.memory_space<hbm>>
        %dma_start3A_116 = arith.constant 9984 : i32
        %dma_start3A_117 = arith.constant 0 : i32
        %dma_start3A_118 = tpu.memref_slice %arg11[%dma_start3A_116, %dma_start3A_117] : memref<10000x128xf32, #tpu.memory_space<vmem_shared>> -> memref<16x128xf32, #tpu.memory_space<vmem_shared>>
        tpu.enqueue_dma source(%dma_start3A_118 : memref<16x128xf32, #tpu.memory_space<vmem_shared>>) target(%dma_start3A_115 : memref<16x128xf32, #tpu.memory_space<hbm>>) target_semaphore(%run_scoped3A : memref<!tpu.dma_semaphore, #tpu.memory_space<semaphore_mem>>)
        %dma_wait3A_119 = arith.constant 9984 : i32
        %dma_wait3A_120 = arith.constant 0 : i32
        %dma_wait3A_121 = tpu.memref_slice %arg5[%arg0, %dma_wait3A_119, %dma_wait3A_120] : memref<2x10000x128xf32, #tpu.memory_space<hbm>> -> memref<1x16x128xf32, #tpu.memory_space<hbm>>
        %dma_wait3A_122 = tpu.memref_squeeze %dma_wait3A_121 : memref<1x16x128xf32, #tpu.memory_space<hbm>> -> memref<16x128xf32, #tpu.memory_space<hbm>>
        %dma_wait3A_123 = arith.constant 9984 : i32
        %dma_wait3A_124 = arith.constant 0 : i32
        %dma_wait3A_125 = tpu.memref_slice %arg11[%dma_wait3A_123, %dma_wait3A_124] : memref<10000x128xf32, #tpu.memory_space<vmem_shared>> -> memref<16x128xf32, #tpu.memory_space<vmem_shared>>
        tpu.wait_dma2 semaphore(%run_scoped3A : memref<!tpu.dma_semaphore, #tpu.memory_space<semaphore_mem>>) src(%dma_wait3A_125 : memref<16x128xf32, #tpu.memory_space<vmem_shared>>) dst(%dma_wait3A_122 : memref<16x128xf32, #tpu.memory_space<hbm>>)
        tpu.yield
      }) : () -> ()
    } else {
    }
    return
  }
}

module attributes {stable_mosaic.version = 14 : i64} {
  func.func @_prep_body(%arg0: i32, %arg1: memref<400x128xf32, #tpu.memory_space<vmem>>, %arg2: memref<400x8xf32, #tpu.memory_space<vmem>>, %arg3: memref<128x128xf32, #tpu.memory_space<vmem>>, %arg4: memref<1x128xf32, #tpu.memory_space<vmem>>, %arg5: memref<128x128xf32, #tpu.memory_space<vmem>>, %arg6: memref<128x128xf32, #tpu.memory_space<vmem>>, %arg7: memref<128x128xf32, #tpu.memory_space<vmem>>, %arg8: memref<8x64xf32, #tpu.memory_space<vmem>>, %arg9: memref<1x64xf32, #tpu.memory_space<vmem>>, %arg10: memref<64x128xf32, #tpu.memory_space<vmem>>, %arg11: memref<1x128xf32, #tpu.memory_space<vmem>>, %arg12: memref<128x64xf32, #tpu.memory_space<vmem>>, %arg13: memref<1x64xf32, #tpu.memory_space<vmem>>, %arg14: memref<64x128xf32, #tpu.memory_space<vmem>>, %arg15: memref<1x128xf32, #tpu.memory_space<vmem>>, %arg16: memref<400x128xf32, #tpu.memory_space<vmem>>, %arg17: memref<400x128xf32, #tpu.memory_space<vmem>>, %arg18: memref<400x128xf32, #tpu.memory_space<vmem>>, %arg19: memref<400x128xf32, #tpu.memory_space<vmem>>) attributes {dimension_semantics = [#tpu.dimension_semantics<arbitrary>], iteration_bounds = array<i64: 25>, scalar_prefetch = 0 : i64, scratch_operands = 0 : i64, tpu.core_type = #tpu.core_type<tc>, window_params = [{transform_indices = @transform_0, window_bounds = array<i64: 400, 128>}, {transform_indices = @transform_1, window_bounds = array<i64: 400, 8>}, {pipeline_mode = #tpu.pipeline_mode<synchronous>, transform_indices = @transform_2, window_bounds = array<i64: 128, 128>}, {pipeline_mode = #tpu.pipeline_mode<synchronous>, transform_indices = @transform_3, window_bounds = array<i64: 1, 128>}, {pipeline_mode = #tpu.pipeline_mode<synchronous>, transform_indices = @transform_4, window_bounds = array<i64: 128, 128>}, {pipeline_mode = #tpu.pipeline_mode<synchronous>, transform_indices = @transform_5, window_bounds = array<i64: 128, 128>}, {pipeline_mode = #tpu.pipeline_mode<synchronous>, transform_indices = @transform_6, window_bounds = array<i64: 128, 128>}, {pipeline_mode = #tpu.pipeline_mode<synchronous>, transform_indices = @transform_7, window_bounds = array<i64: 8, 64>}, {pipeline_mode = #tpu.pipeline_mode<synchronous>, transform_indices = @transform_8, window_bounds = array<i64: 1, 64>}, {pipeline_mode = #tpu.pipeline_mode<synchronous>, transform_indices = @transform_9, window_bounds = array<i64: 64, 128>}, {pipeline_mode = #tpu.pipeline_mode<synchronous>, transform_indices = @transform_10, window_bounds = array<i64: 1, 128>}, {pipeline_mode = #tpu.pipeline_mode<synchronous>, transform_indices = @transform_11, window_bounds = array<i64: 128, 64>}, {pipeline_mode = #tpu.pipeline_mode<synchronous>, transform_indices = @transform_12, window_bounds = array<i64: 1, 64>}, {pipeline_mode = #tpu.pipeline_mode<synchronous>, transform_indices = @transform_13, window_bounds = array<i64: 64, 128>}, {pipeline_mode = #tpu.pipeline_mode<synchronous>, transform_indices = @transform_14, window_bounds = array<i64: 1, 128>}, {transform_indices = @transform_15, window_bounds = array<i64: 400, 128>}, {transform_indices = @transform_16, window_bounds = array<i64: 400, 128>}, {transform_indices = @transform_17, window_bounds = array<i64: 400, 128>}, {transform_indices = @transform_18, window_bounds = array<i64: 400, 128>}]} {
    %get3A = arith.constant 0 : index
    %get3A_0 = arith.constant 0 : index
    %get3A_1 = vector.load %arg1[%get3A, %get3A_0] : memref<400x128xf32, #tpu.memory_space<vmem>>, vector<400x128xf32>
    %get3A_2 = arith.constant 0 : index
    %get3A_3 = arith.constant 0 : index
    %get3A_4 = vector.load %arg3[%get3A_2, %get3A_3] : memref<128x128xf32, #tpu.memory_space<vmem>>, vector<128x128xf32>
    %dot_general3A = arith.constant dense<0.000000e+00> : vector<400x128xf32>
    %dot_general3A_5 = tpu.matmul %get3A_1, %get3A_4, %dot_general3A {dimension_numbers = #tpu.dot_dimension_numbers<[1], [0], [0], [1], [0, 0, 1, 1], [], []>, transpose_lhs_hint = false} : vector<400x128xf32>, vector<128x128xf32>, vector<400x128xf32> -> vector<400x128xf32>
    %get3A_6 = arith.constant 0 : index
    %get3A_7 = arith.constant 0 : index
    %get3A_8 = vector.load %arg4[%get3A_6, %get3A_7] : memref<1x128xf32, #tpu.memory_space<vmem>>, vector<1x128xf32>
    %add3A = vector.broadcast %get3A_8 : vector<1x128xf32> to vector<400x128xf32>
    %add3A_9 = arith.addf %dot_general3A_5, %add3A : vector<400x128xf32>
    %max3A = arith.constant 0.000000e+00 : f32
    %max3A_10 = vector.broadcast %max3A : f32 to vector<400x128xf32>
    %max3A_11 = arith.maximumf %add3A_9, %max3A_10 : vector<400x128xf32>
    %get3A_12 = arith.constant 0 : index
    %get3A_13 = arith.constant 0 : index
    %get3A_14 = vector.load %arg5[%get3A_12, %get3A_13] : memref<128x128xf32, #tpu.memory_space<vmem>>, vector<128x128xf32>
    %dot_general3A_15 = arith.constant dense<0.000000e+00> : vector<400x128xf32>
    %dot_general3A_16 = tpu.matmul %max3A_11, %get3A_14, %dot_general3A_15 {dimension_numbers = #tpu.dot_dimension_numbers<[1], [0], [0], [1], [0, 0, 1, 1], [], []>, transpose_lhs_hint = false} : vector<400x128xf32>, vector<128x128xf32>, vector<400x128xf32> -> vector<400x128xf32>
    %get3A_17 = arith.constant 0 : index
    %get3A_18 = arith.constant 0 : index
    %get3A_19 = vector.load %arg7[%get3A_17, %get3A_18] : memref<128x128xf32, #tpu.memory_space<vmem>>, vector<128x128xf32>
    %dot_general3A_20 = arith.constant dense<0.000000e+00> : vector<400x128xf32>
    %dot_general3A_21 = tpu.matmul %max3A_11, %get3A_19, %dot_general3A_20 {dimension_numbers = #tpu.dot_dimension_numbers<[1], [0], [0], [1], [0, 0, 1, 1], [], []>, transpose_lhs_hint = false} : vector<400x128xf32>, vector<128x128xf32>, vector<400x128xf32> -> vector<400x128xf32>
    %get3A_22 = arith.constant 0 : index
    %get3A_23 = arith.constant 0 : index
    %get3A_24 = vector.load %arg12[%get3A_22, %get3A_23] : memref<128x64xf32, #tpu.memory_space<vmem>>, vector<128x64xf32>
    %dot_general3A_25 = arith.constant dense<0.000000e+00> : vector<400x64xf32>
    %dot_general3A_26 = tpu.matmul %dot_general3A_21, %get3A_24, %dot_general3A_25 {dimension_numbers = #tpu.dot_dimension_numbers<[1], [0], [0], [1], [0, 0, 1, 1], [], []>, transpose_lhs_hint = false} : vector<400x128xf32>, vector<128x64xf32>, vector<400x64xf32> -> vector<400x64xf32>
    %get3A_27 = arith.constant 0 : index
    %get3A_28 = arith.constant 0 : index
    %get3A_29 = vector.load %arg6[%get3A_27, %get3A_28] : memref<128x128xf32, #tpu.memory_space<vmem>>, vector<128x128xf32>
    %dot_general3A_30 = arith.constant dense<0.000000e+00> : vector<400x128xf32>
    %dot_general3A_31 = tpu.matmul %max3A_11, %get3A_29, %dot_general3A_30 {dimension_numbers = #tpu.dot_dimension_numbers<[1], [0], [0], [1], [0, 0, 1, 1], [], []>, transpose_lhs_hint = false} : vector<400x128xf32>, vector<128x128xf32>, vector<400x128xf32> -> vector<400x128xf32>
    %get3A_32 = arith.constant 0 : index
    %get3A_33 = arith.constant 0 : index
    %get3A_34 = vector.load %arg12[%get3A_32, %get3A_33] : memref<128x64xf32, #tpu.memory_space<vmem>>, vector<128x64xf32>
    %dot_general3A_35 = arith.constant dense<0.000000e+00> : vector<400x64xf32>
    %dot_general3A_36 = tpu.matmul %dot_general3A_31, %get3A_34, %dot_general3A_35 {dimension_numbers = #tpu.dot_dimension_numbers<[1], [0], [0], [1], [0, 0, 1, 1], [], []>, transpose_lhs_hint = false} : vector<400x128xf32>, vector<128x64xf32>, vector<400x64xf32> -> vector<400x64xf32>
    %get3A_37 = arith.constant 0 : index
    %get3A_38 = arith.constant 0 : index
    %get3A_39 = vector.load %arg2[%get3A_37, %get3A_38] : memref<400x8xf32, #tpu.memory_space<vmem>>, vector<400x8xf32>
    %get3A_40 = arith.constant 0 : index
    %get3A_41 = arith.constant 0 : index
    %get3A_42 = vector.load %arg8[%get3A_40, %get3A_41] : memref<8x64xf32, #tpu.memory_space<vmem>>, vector<8x64xf32>
    %dot_general3A_43 = arith.constant dense<0.000000e+00> : vector<400x64xf32>
    %dot_general3A_44 = tpu.matmul %get3A_39, %get3A_42, %dot_general3A_43 {dimension_numbers = #tpu.dot_dimension_numbers<[1], [0], [0], [1], [0, 0, 1, 1], [], []>, transpose_lhs_hint = false} : vector<400x8xf32>, vector<8x64xf32>, vector<400x64xf32> -> vector<400x64xf32>
    %get3A_45 = arith.constant 0 : index
    %get3A_46 = arith.constant 0 : index
    %get3A_47 = vector.load %arg9[%get3A_45, %get3A_46] : memref<1x64xf32, #tpu.memory_space<vmem>>, vector<1x64xf32>
    %max3A_48 = arith.constant 0.000000e+00 : f32
    %max3A_49 = vector.broadcast %max3A_48 : f32 to vector<1x64xf32>
    %max3A_50 = arith.maximumf %get3A_47, %max3A_49 : vector<1x64xf32>
    %get3A_51 = arith.constant 0 : index
    %get3A_52 = arith.constant 0 : index
    %get3A_53 = vector.load %arg10[%get3A_51, %get3A_52] : memref<64x128xf32, #tpu.memory_space<vmem>>, vector<64x128xf32>
    %dot_general3A_54 = arith.constant dense<0.000000e+00> : vector<1x128xf32>
    %dot_general3A_55 = tpu.matmul %max3A_50, %get3A_53, %dot_general3A_54 {dimension_numbers = #tpu.dot_dimension_numbers<[1], [0], [0], [1], [0, 0, 1, 1], [], []>, transpose_lhs_hint = false} : vector<1x64xf32>, vector<64x128xf32>, vector<1x128xf32> -> vector<1x128xf32>
    %get3A_56 = arith.constant 0 : index
    %get3A_57 = arith.constant 0 : index
    %get3A_58 = vector.load %arg11[%get3A_56, %get3A_57] : memref<1x128xf32, #tpu.memory_space<vmem>>, vector<1x128xf32>
    %add3A_59 = arith.addf %dot_general3A_55, %get3A_58 : vector<1x128xf32>
    %max3A_60 = arith.constant 0.000000e+00 : f32
    %max3A_61 = vector.broadcast %max3A_60 : f32 to vector<1x128xf32>
    %max3A_62 = arith.maximumf %add3A_59, %max3A_61 : vector<1x128xf32>
    %get3A_63 = arith.constant 0 : index
    %get3A_64 = arith.constant 0 : index
    %get3A_65 = vector.load %arg12[%get3A_63, %get3A_64] : memref<128x64xf32, #tpu.memory_space<vmem>>, vector<128x64xf32>
    %dot_general3A_66 = arith.constant dense<0.000000e+00> : vector<1x64xf32>
    %dot_general3A_67 = tpu.matmul %max3A_62, %get3A_65, %dot_general3A_66 {dimension_numbers = #tpu.dot_dimension_numbers<[1], [0], [0], [1], [0, 0, 1, 1], [], []>, transpose_lhs_hint = false} : vector<1x128xf32>, vector<128x64xf32>, vector<1x64xf32> -> vector<1x64xf32>
    %add3A_68 = vector.broadcast %dot_general3A_67 : vector<1x64xf32> to vector<400x64xf32>
    %add3A_69 = arith.addf %add3A_68, %dot_general3A_26 : vector<400x64xf32>
    %sub3A = arith.subf %add3A_69, %dot_general3A_36 : vector<400x64xf32>
    %get3A_70 = arith.constant 0 : index
    %get3A_71 = arith.constant 0 : index
    %get3A_72 = vector.load %arg13[%get3A_70, %get3A_71] : memref<1x64xf32, #tpu.memory_space<vmem>>, vector<1x64xf32>
    %add3A_73 = vector.broadcast %get3A_72 : vector<1x64xf32> to vector<400x64xf32>
    %add3A_74 = arith.addf %sub3A, %add3A_73 : vector<400x64xf32>
    %max3A_75 = arith.constant 0.000000e+00 : f32
    %max3A_76 = vector.broadcast %max3A_75 : f32 to vector<400x64xf32>
    %max3A_77 = arith.maximumf %add3A_74, %max3A_76 : vector<400x64xf32>
    %get3A_78 = arith.constant 0 : index
    %get3A_79 = arith.constant 0 : index
    %get3A_80 = vector.load %arg14[%get3A_78, %get3A_79] : memref<64x128xf32, #tpu.memory_space<vmem>>, vector<64x128xf32>
    %dot_general3A_81 = arith.constant dense<0.000000e+00> : vector<400x128xf32>
    %dot_general3A_82 = tpu.matmul %max3A_77, %get3A_80, %dot_general3A_81 {dimension_numbers = #tpu.dot_dimension_numbers<[1], [0], [0], [1], [0, 0, 1, 1], [], []>, transpose_lhs_hint = false} : vector<400x64xf32>, vector<64x128xf32>, vector<400x128xf32> -> vector<400x128xf32>
    %get3A_83 = arith.constant 0 : index
    %get3A_84 = arith.constant 0 : index
    %get3A_85 = vector.load %arg15[%get3A_83, %get3A_84] : memref<1x128xf32, #tpu.memory_space<vmem>>, vector<1x128xf32>
    %add3A_86 = vector.broadcast %get3A_85 : vector<1x128xf32> to vector<400x128xf32>
    %add3A_87 = arith.addf %dot_general3A_82, %add3A_86 : vector<400x128xf32>
    %max3A_88 = arith.constant 0.000000e+00 : f32
    %max3A_89 = vector.broadcast %max3A_88 : f32 to vector<400x128xf32>
    %max3A_90 = arith.maximumf %add3A_87, %max3A_89 : vector<400x128xf32>
    %exp3A = math.exp %max3A_90 : vector<400x128xf32>
    %swap3A = arith.constant 0 : index
    %swap3A_91 = arith.constant 0 : index
    %swap3A_92 = vector.load %arg18[%swap3A, %swap3A_91] : memref<400x128xf32, #tpu.memory_space<vmem>>, vector<400x128xf32>
    tpu.vector_store %arg18[%swap3A, %swap3A_91], %exp3A {strides = array<i32>} : memref<400x128xf32, #tpu.memory_space<vmem>>, vector<400x128xf32>,
    %add3A_93 = vector.broadcast %max3A_62 : vector<1x128xf32> to vector<400x128xf32>
    %add3A_94 = arith.addf %dot_general3A_16, %add3A_93 : vector<400x128xf32>
    %mul3A = arith.mulf %exp3A, %add3A_94 : vector<400x128xf32>
    %swap3A_95 = arith.constant 0 : index
    %swap3A_96 = arith.constant 0 : index
    %swap3A_97 = vector.load %arg19[%swap3A_95, %swap3A_96] : memref<400x128xf32, #tpu.memory_space<vmem>>, vector<400x128xf32>
    tpu.vector_store %arg19[%swap3A_95, %swap3A_96], %mul3A {strides = array<i32>} : memref<400x128xf32, #tpu.memory_space<vmem>>, vector<400x128xf32>,
    %concatenate3A = tpu.concatenate %dot_general3A_44, %dot_general3A_26 in 1 : vector<400x64xf32>, vector<400x64xf32> -> vector<400x128xf32>
    %swap3A_98 = arith.constant 0 : index
    %swap3A_99 = arith.constant 0 : index
    %swap3A_100 = vector.load %arg16[%swap3A_98, %swap3A_99] : memref<400x128xf32, #tpu.memory_space<vmem>>, vector<400x128xf32>
    tpu.vector_store %arg16[%swap3A_98, %swap3A_99], %concatenate3A {strides = array<i32>} : memref<400x128xf32, #tpu.memory_space<vmem>>, vector<400x128xf32>,
    %convert_element_type3A = arith.truncf %dot_general3A_16 : vector<400x128xf32> to vector<400x128xbf16>
    %bitcast_convert_type3A = tpu.bitcast %convert_element_type3A : vector<400x128xbf16> -> vector<400x128xi16>
    %convert_element_type3A_101 = arith.extui %bitcast_convert_type3A : vector<400x128xi16> to vector<400x128xi32>
    %slice3A = vector.extract_strided_slice %convert_element_type3A_101 {offsets = [0, 0], sizes = [400, 64], strides = [1, 1]} : vector<400x128xi32> to vector<400x64xi32>
    %slice3A_102 = vector.extract_strided_slice %convert_element_type3A_101 {offsets = [0, 64], sizes = [400, 64], strides = [1, 1]} : vector<400x128xi32> to vector<400x64xi32>
    %shift_left3A = arith.constant 16 : i32
    %shift_left3A_103 = vector.broadcast %shift_left3A : i32 to vector<400x64xi32>
    %shift_left3A_104 = arith.shli %slice3A_102, %shift_left3A_103 : vector<400x64xi32>
    %or3A = arith.ori %slice3A, %shift_left3A_104 : vector<400x64xi32>
    %bitcast_convert_type3A_105 = tpu.bitcast %or3A : vector<400x64xi32> -> vector<400x64xf32>
    %convert_element_type3A_106 = arith.truncf %dot_general3A_44 : vector<400x64xf32> to vector<400x64xbf16>
    %bitcast_convert_type3A_107 = tpu.bitcast %convert_element_type3A_106 : vector<400x64xbf16> -> vector<400x64xi16>
    %convert_element_type3A_108 = arith.extui %bitcast_convert_type3A_107 : vector<400x64xi16> to vector<400x64xi32>
    %slice3A_109 = vector.extract_strided_slice %convert_element_type3A_108 {offsets = [0, 0], sizes = [400, 32], strides = [1, 1]} : vector<400x64xi32> to vector<400x32xi32>
    %slice3A_110 = vector.extract_strided_slice %convert_element_type3A_108 {offsets = [0, 32], sizes = [400, 32], strides = [1, 1]} : vector<400x64xi32> to vector<400x32xi32>
    %shift_left3A_111 = arith.constant 16 : i32
    %shift_left3A_112 = vector.broadcast %shift_left3A_111 : i32 to vector<400x32xi32>
    %shift_left3A_113 = arith.shli %slice3A_110, %shift_left3A_112 : vector<400x32xi32>
    %or3A_114 = arith.ori %slice3A_109, %shift_left3A_113 : vector<400x32xi32>
    %bitcast_convert_type3A_115 = tpu.bitcast %or3A_114 : vector<400x32xi32> -> vector<400x32xf32>
    %convert_element_type3A_116 = arith.truncf %dot_general3A_36 : vector<400x64xf32> to vector<400x64xbf16>
    %bitcast_convert_type3A_117 = tpu.bitcast %convert_element_type3A_116 : vector<400x64xbf16> -> vector<400x64xi16>
    %convert_element_type3A_118 = arith.extui %bitcast_convert_type3A_117 : vector<400x64xi16> to vector<400x64xi32>
    %slice3A_119 = vector.extract_strided_slice %convert_element_type3A_118 {offsets = [0, 0], sizes = [400, 32], strides = [1, 1]} : vector<400x64xi32> to vector<400x32xi32>
    %slice3A_120 = vector.extract_strided_slice %convert_element_type3A_118 {offsets = [0, 32], sizes = [400, 32], strides = [1, 1]} : vector<400x64xi32> to vector<400x32xi32>
    %shift_left3A_121 = arith.constant 16 : i32
    %shift_left3A_122 = vector.broadcast %shift_left3A_121 : i32 to vector<400x32xi32>
    %shift_left3A_123 = arith.shli %slice3A_120, %shift_left3A_122 : vector<400x32xi32>
    %or3A_124 = arith.ori %slice3A_119, %shift_left3A_123 : vector<400x32xi32>
    %bitcast_convert_type3A_125 = tpu.bitcast %or3A_124 : vector<400x32xi32> -> vector<400x32xf32>
    %concatenate3A_126 = tpu.concatenate %bitcast_convert_type3A_105, %bitcast_convert_type3A_115, %bitcast_convert_type3A_125 in 1 : vector<400x64xf32>, vector<400x32xf32>, vector<400x32xf32> -> vector<400x128xf32>
    %swap3A_127 = arith.constant 0 : index
    %swap3A_128 = arith.constant 0 : index
    %swap3A_129 = vector.load %arg17[%swap3A_127, %swap3A_128] : memref<400x128xf32, #tpu.memory_space<vmem>>, vector<400x128xf32>
    tpu.vector_store %arg17[%swap3A_127, %swap3A_128], %concatenate3A_126 {strides = array<i32>} : memref<400x128xf32, #tpu.memory_space<vmem>>, vector<400x128xf32>,
    return
  }
  func.func @transform_0(%arg0: i32) -> (i32, i32) {
    %c0_i32 = arith.constant 0 : i32
    %c0_i32_0 = arith.constant 0 : i32
    return %arg0, %c0_i32 : i32, i32
  }
  func.func @transform_1(%arg0: i32) -> (i32, i32) {
    %c0_i32 = arith.constant 0 : i32
    %c0_i32_0 = arith.constant 0 : i32
    return %arg0, %c0_i32 : i32, i32
  }
  func.func @transform_2(%arg0: i32) -> (i32, i32) {
    %c0_i32 = arith.constant 0 : i32
    %c0_i32_0 = arith.constant 0 : i32
    %c0_i32_1 = arith.constant 0 : i32
    return %c0_i32, %c0_i32_0 : i32, i32
  }
  func.func @transform_3(%arg0: i32) -> (i32, i32) {
    %c0_i32 = arith.constant 0 : i32
    %c0_i32_0 = arith.constant 0 : i32
    %c0_i32_1 = arith.constant 0 : i32
    return %c0_i32, %c0_i32_0 : i32, i32
  }
  func.func @transform_4(%arg0: i32) -> (i32, i32) {
    %c0_i32 = arith.constant 0 : i32
    %c0_i32_0 = arith.constant 0 : i32
    %c0_i32_1 = arith.constant 0 : i32
    return %c0_i32, %c0_i32_0 : i32, i32
  }
  func.func @transform_5(%arg0: i32) -> (i32, i32) {
    %c0_i32 = arith.constant 0 : i32
    %c0_i32_0 = arith.constant 0 : i32
    %c0_i32_1 = arith.constant 0 : i32
    return %c0_i32, %c0_i32_0 : i32, i32
  }
  func.func @transform_6(%arg0: i32) -> (i32, i32) {
    %c0_i32 = arith.constant 0 : i32
    %c0_i32_0 = arith.constant 0 : i32
    %c0_i32_1 = arith.constant 0 : i32
    return %c0_i32, %c0_i32_0 : i32, i32
  }
  func.func @transform_7(%arg0: i32) -> (i32, i32) {
    %c0_i32 = arith.constant 0 : i32
    %c0_i32_0 = arith.constant 0 : i32
    %c0_i32_1 = arith.constant 0 : i32
    return %c0_i32, %c0_i32_0 : i32, i32
  }
  func.func @transform_8(%arg0: i32) -> (i32, i32) {
    %c0_i32 = arith.constant 0 : i32
    %c0_i32_0 = arith.constant 0 : i32
    %c0_i32_1 = arith.constant 0 : i32
    return %c0_i32, %c0_i32_0 : i32, i32
  }
  func.func @transform_9(%arg0: i32) -> (i32, i32) {
    %c0_i32 = arith.constant 0 : i32
    %c0_i32_0 = arith.constant 0 : i32
    %c0_i32_1 = arith.constant 0 : i32
    return %c0_i32, %c0_i32_0 : i32, i32
  }
  func.func @transform_10(%arg0: i32) -> (i32, i32) {
    %c0_i32 = arith.constant 0 : i32
    %c0_i32_0 = arith.constant 0 : i32
    %c0_i32_1 = arith.constant 0 : i32
    return %c0_i32, %c0_i32_0 : i32, i32
  }
  func.func @transform_11(%arg0: i32) -> (i32, i32) {
    %c0_i32 = arith.constant 0 : i32
    %c0_i32_0 = arith.constant 0 : i32
    %c0_i32_1 = arith.constant 0 : i32
    return %c0_i32, %c0_i32_0 : i32, i32
  }
  func.func @transform_12(%arg0: i32) -> (i32, i32) {
    %c0_i32 = arith.constant 0 : i32
    %c0_i32_0 = arith.constant 0 : i32
    %c0_i32_1 = arith.constant 0 : i32
    return %c0_i32, %c0_i32_0 : i32, i32
  }
  func.func @transform_13(%arg0: i32) -> (i32, i32) {
    %c0_i32 = arith.constant 0 : i32
    %c0_i32_0 = arith.constant 0 : i32
    %c0_i32_1 = arith.constant 0 : i32
    return %c0_i32, %c0_i32_0 : i32, i32
  }
  func.func @transform_14(%arg0: i32) -> (i32, i32) {
    %c0_i32 = arith.constant 0 : i32
    %c0_i32_0 = arith.constant 0 : i32
    %c0_i32_1 = arith.constant 0 : i32
    return %c0_i32, %c0_i32_0 : i32, i32
  }
  func.func @transform_15(%arg0: i32) -> (i32, i32) {
    %c0_i32 = arith.constant 0 : i32
    %c0_i32_0 = arith.constant 0 : i32
    return %arg0, %c0_i32 : i32, i32
  }
  func.func @transform_16(%arg0: i32) -> (i32, i32) {
    %c0_i32 = arith.constant 0 : i32
    %c0_i32_0 = arith.constant 0 : i32
    return %arg0, %c0_i32 : i32, i32
  }
  func.func @transform_17(%arg0: i32) -> (i32, i32) {
    %c0_i32 = arith.constant 0 : i32
    %c0_i32_0 = arith.constant 0 : i32
    return %arg0, %c0_i32 : i32, i32
  }
  func.func @transform_18(%arg0: i32) -> (i32, i32) {
    %c0_i32 = arith.constant 0 : i32
    %c0_i32_0 = arith.constant 0 : i32
    return %arg0, %c0_i32 : i32, i32
  }
}

module attributes {stable_mosaic.version = 14 : i64} {
  func.func @_emlp_body(%arg0: i32, %arg1: memref<1600x128xf32, #tpu.memory_space<vmem>>, %arg2: memref<1600x128xf32, #tpu.memory_space<vmem>>, %arg3: memref<1x64xf32, #tpu.memory_space<vmem>>, %arg4: memref<64x128xf32, #tpu.memory_space<vmem>>, %arg5: memref<1x128xf32, #tpu.memory_space<vmem>>, %arg6: memref<128x64xf32, #tpu.memory_space<vmem>>, %arg7: memref<1x64xf32, #tpu.memory_space<vmem>>, %arg8: memref<64x128xf32, #tpu.memory_space<vmem>>, %arg9: memref<1x128xf32, #tpu.memory_space<vmem>>, %arg10: memref<2x1600x128xf32, #tpu.memory_space<vmem>>) attributes {dimension_semantics = [#tpu.dimension_semantics<arbitrary>], iteration_bounds = array<i64: 100>, scalar_prefetch = 0 : i64, scratch_operands = 0 : i64, tpu.core_type = #tpu.core_type<tc>, window_params = [{transform_indices = @transform_0, window_bounds = array<i64: 1600, 128>}, {transform_indices = @transform_1, window_bounds = array<i64: 1600, 128>}, {pipeline_mode = #tpu.pipeline_mode<synchronous>, transform_indices = @transform_2, window_bounds = array<i64: 1, 64>}, {pipeline_mode = #tpu.pipeline_mode<synchronous>, transform_indices = @transform_3, window_bounds = array<i64: 64, 128>}, {pipeline_mode = #tpu.pipeline_mode<synchronous>, transform_indices = @transform_4, window_bounds = array<i64: 1, 128>}, {pipeline_mode = #tpu.pipeline_mode<synchronous>, transform_indices = @transform_5, window_bounds = array<i64: 128, 64>}, {pipeline_mode = #tpu.pipeline_mode<synchronous>, transform_indices = @transform_6, window_bounds = array<i64: 1, 64>}, {pipeline_mode = #tpu.pipeline_mode<synchronous>, transform_indices = @transform_7, window_bounds = array<i64: 64, 128>}, {pipeline_mode = #tpu.pipeline_mode<synchronous>, transform_indices = @transform_8, window_bounds = array<i64: 1, 128>}, {transform_indices = @transform_9, window_bounds = array<i64: 2, 1600, 128>}]} {
    %get3A = arith.constant 0 : index
    %get3A_0 = arith.constant 0 : index
    %get3A_1 = vector.load %arg1[%get3A, %get3A_0] : memref<1600x128xf32, #tpu.memory_space<vmem>>, vector<1600x128xf32>
    %get3A_2 = arith.constant 0 : index
    %get3A_3 = arith.constant 0 : index
    %get3A_4 = vector.load %arg2[%get3A_2, %get3A_3] : memref<1600x128xf32, #tpu.memory_space<vmem>>, vector<1600x128xf32>
    %slice3A = vector.extract_strided_slice %get3A_1 {offsets = [0, 0], sizes = [1600, 64], strides = [1, 1]} : vector<1600x128xf32> to vector<1600x64xf32>
    %slice3A_5 = vector.extract_strided_slice %get3A_1 {offsets = [0, 64], sizes = [1600, 64], strides = [1, 1]} : vector<1600x128xf32> to vector<1600x64xf32>
    %slice3A_6 = vector.extract_strided_slice %get3A_4 {offsets = [0, 0], sizes = [1600, 64], strides = [1, 1]} : vector<1600x128xf32> to vector<1600x64xf32>
    %bitcast_convert_type3A = tpu.bitcast %slice3A_6 : vector<1600x64xf32> -> vector<1600x64xi32>
    %shift_left3A = arith.constant 16 : i32
    %shift_left3A_7 = vector.broadcast %shift_left3A : i32 to vector<1600x64xi32>
    %shift_left3A_8 = arith.shli %bitcast_convert_type3A, %shift_left3A_7 : vector<1600x64xi32>
    %bitcast_convert_type3A_9 = tpu.bitcast %shift_left3A_8 : vector<1600x64xi32> -> vector<1600x64xf32>
    %and3A = arith.constant -65536 : i32
    %and3A_10 = vector.broadcast %and3A : i32 to vector<1600x64xi32>
    %and3A_11 = arith.andi %bitcast_convert_type3A, %and3A_10 : vector<1600x64xi32>
    %bitcast_convert_type3A_12 = tpu.bitcast %and3A_11 : vector<1600x64xi32> -> vector<1600x64xf32>
    %concatenate3A = tpu.concatenate %bitcast_convert_type3A_9, %bitcast_convert_type3A_12 in 1 : vector<1600x64xf32>, vector<1600x64xf32> -> vector<1600x128xf32>
    %slice3A_13 = vector.extract_strided_slice %get3A_4 {offsets = [0, 64], sizes = [1600, 32], strides = [1, 1]} : vector<1600x128xf32> to vector<1600x32xf32>
    %bitcast_convert_type3A_14 = tpu.bitcast %slice3A_13 : vector<1600x32xf32> -> vector<1600x32xi32>
    %shift_left3A_15 = arith.constant 16 : i32
    %shift_left3A_16 = vector.broadcast %shift_left3A_15 : i32 to vector<1600x32xi32>
    %shift_left3A_17 = arith.shli %bitcast_convert_type3A_14, %shift_left3A_16 : vector<1600x32xi32>
    %bitcast_convert_type3A_18 = tpu.bitcast %shift_left3A_17 : vector<1600x32xi32> -> vector<1600x32xf32>
    %and3A_19 = arith.constant -65536 : i32
    %and3A_20 = vector.broadcast %and3A_19 : i32 to vector<1600x32xi32>
    %and3A_21 = arith.andi %bitcast_convert_type3A_14, %and3A_20 : vector<1600x32xi32>
    %bitcast_convert_type3A_22 = tpu.bitcast %and3A_21 : vector<1600x32xi32> -> vector<1600x32xf32>
    %concatenate3A_23 = tpu.concatenate %bitcast_convert_type3A_18, %bitcast_convert_type3A_22 in 1 : vector<1600x32xf32>, vector<1600x32xf32> -> vector<1600x64xf32>
    %slice3A_24 = vector.extract_strided_slice %get3A_4 {offsets = [0, 96], sizes = [1600, 32], strides = [1, 1]} : vector<1600x128xf32> to vector<1600x32xf32>
    %bitcast_convert_type3A_25 = tpu.bitcast %slice3A_24 : vector<1600x32xf32> -> vector<1600x32xi32>
    %shift_left3A_26 = arith.constant 16 : i32
    %shift_left3A_27 = vector.broadcast %shift_left3A_26 : i32 to vector<1600x32xi32>
    %shift_left3A_28 = arith.shli %bitcast_convert_type3A_25, %shift_left3A_27 : vector<1600x32xi32>
    %bitcast_convert_type3A_29 = tpu.bitcast %shift_left3A_28 : vector<1600x32xi32> -> vector<1600x32xf32>
    %and3A_30 = arith.constant -65536 : i32
    %and3A_31 = vector.broadcast %and3A_30 : i32 to vector<1600x32xi32>
    %and3A_32 = arith.andi %bitcast_convert_type3A_25, %and3A_31 : vector<1600x32xi32>
    %bitcast_convert_type3A_33 = tpu.bitcast %and3A_32 : vector<1600x32xi32> -> vector<1600x32xf32>
    %concatenate3A_34 = tpu.concatenate %bitcast_convert_type3A_29, %bitcast_convert_type3A_33 in 1 : vector<1600x32xf32>, vector<1600x32xf32> -> vector<1600x64xf32>
    %sub3A = arith.subf %slice3A, %concatenate3A_23 : vector<1600x64xf32>
    %get3A_35 = arith.constant 0 : index
    %get3A_36 = arith.constant 0 : index
    %get3A_37 = vector.load %arg3[%get3A_35, %get3A_36] : memref<1x64xf32, #tpu.memory_space<vmem>>, vector<1x64xf32>
    %add3A = vector.broadcast %get3A_37 : vector<1x64xf32> to vector<1600x64xf32>
    %add3A_38 = arith.addf %sub3A, %add3A : vector<1600x64xf32>
    %max3A = arith.constant 0.000000e+00 : f32
    %max3A_39 = vector.broadcast %max3A : f32 to vector<1600x64xf32>
    %max3A_40 = arith.maximumf %add3A_38, %max3A_39 : vector<1600x64xf32>
    %get3A_41 = arith.constant 0 : index
    %get3A_42 = arith.constant 0 : index
    %get3A_43 = vector.load %arg4[%get3A_41, %get3A_42] : memref<64x128xf32, #tpu.memory_space<vmem>>, vector<64x128xf32>
    %dot_general3A = arith.constant dense<0.000000e+00> : vector<1600x128xf32>
    %dot_general3A_44 = tpu.matmul %max3A_40, %get3A_43, %dot_general3A {dimension_numbers = #tpu.dot_dimension_numbers<[1], [0], [0], [1], [0, 0, 1, 1], [], []>, transpose_lhs_hint = false} : vector<1600x64xf32>, vector<64x128xf32>, vector<1600x128xf32> -> vector<1600x128xf32>
    %get3A_45 = arith.constant 0 : index
    %get3A_46 = arith.constant 0 : index
    %get3A_47 = vector.load %arg5[%get3A_45, %get3A_46] : memref<1x128xf32, #tpu.memory_space<vmem>>, vector<1x128xf32>
    %add3A_48 = vector.broadcast %get3A_47 : vector<1x128xf32> to vector<1600x128xf32>
    %add3A_49 = arith.addf %dot_general3A_44, %add3A_48 : vector<1600x128xf32>
    %max3A_50 = arith.constant 0.000000e+00 : f32
    %max3A_51 = vector.broadcast %max3A_50 : f32 to vector<1600x128xf32>
    %max3A_52 = arith.maximumf %add3A_49, %max3A_51 : vector<1600x128xf32>
    %get3A_53 = arith.constant 0 : index
    %get3A_54 = arith.constant 0 : index
    %get3A_55 = vector.load %arg6[%get3A_53, %get3A_54] : memref<128x64xf32, #tpu.memory_space<vmem>>, vector<128x64xf32>
    %dot_general3A_56 = arith.constant dense<0.000000e+00> : vector<1600x64xf32>
    %dot_general3A_57 = tpu.matmul %max3A_52, %get3A_55, %dot_general3A_56 {dimension_numbers = #tpu.dot_dimension_numbers<[1], [0], [0], [1], [0, 0, 1, 1], [], []>, transpose_lhs_hint = false} : vector<1600x128xf32>, vector<128x64xf32>, vector<1600x64xf32> -> vector<1600x64xf32>
    %sub3A_58 = arith.subf %slice3A_5, %concatenate3A_34 : vector<1600x64xf32>
    %add3A_59 = arith.addf %dot_general3A_57, %sub3A_58 : vector<1600x64xf32>
    %get3A_60 = arith.constant 0 : index
    %get3A_61 = arith.constant 0 : index
    %get3A_62 = vector.load %arg7[%get3A_60, %get3A_61] : memref<1x64xf32, #tpu.memory_space<vmem>>, vector<1x64xf32>
    %add3A_63 = vector.broadcast %get3A_62 : vector<1x64xf32> to vector<1600x64xf32>
    %add3A_64 = arith.addf %add3A_59, %add3A_63 : vector<1600x64xf32>
    %max3A_65 = arith.constant 0.000000e+00 : f32
    %max3A_66 = vector.broadcast %max3A_65 : f32 to vector<1600x64xf32>
    %max3A_67 = arith.maximumf %add3A_64, %max3A_66 : vector<1600x64xf32>
    %get3A_68 = arith.constant 0 : index
    %get3A_69 = arith.constant 0 : index
    %get3A_70 = vector.load %arg8[%get3A_68, %get3A_69] : memref<64x128xf32, #tpu.memory_space<vmem>>, vector<64x128xf32>
    %dot_general3A_71 = arith.constant dense<0.000000e+00> : vector<1600x128xf32>
    %dot_general3A_72 = tpu.matmul %max3A_67, %get3A_70, %dot_general3A_71 {dimension_numbers = #tpu.dot_dimension_numbers<[1], [0], [0], [1], [0, 0, 1, 1], [], []>, transpose_lhs_hint = false} : vector<1600x64xf32>, vector<64x128xf32>, vector<1600x128xf32> -> vector<1600x128xf32>
    %get3A_73 = arith.constant 0 : index
    %get3A_74 = arith.constant 0 : index
    %get3A_75 = vector.load %arg9[%get3A_73, %get3A_74] : memref<1x128xf32, #tpu.memory_space<vmem>>, vector<1x128xf32>
    %add3A_76 = vector.broadcast %get3A_75 : vector<1x128xf32> to vector<1600x128xf32>
    %add3A_77 = arith.addf %dot_general3A_72, %add3A_76 : vector<1600x128xf32>
    %max3A_78 = arith.constant 0.000000e+00 : f32
    %max3A_79 = vector.broadcast %max3A_78 : f32 to vector<1600x128xf32>
    %max3A_80 = arith.maximumf %add3A_77, %max3A_79 : vector<1600x128xf32>
    %exp3A = math.exp %max3A_80 : vector<1600x128xf32>
    %add3A_81 = arith.addf %concatenate3A, %max3A_52 : vector<1600x128xf32>
    %mul3A = arith.mulf %exp3A, %add3A_81 : vector<1600x128xf32>
    %slice3A_82 = vector.extract_strided_slice %exp3A {offsets = [0, 0], sizes = [1600, 64], strides = [1, 1]} : vector<1600x128xf32> to vector<1600x64xf32>
    %slice3A_83 = vector.extract_strided_slice %mul3A {offsets = [0, 0], sizes = [1600, 64], strides = [1, 1]} : vector<1600x128xf32> to vector<1600x64xf32>
    %concatenate3A_84 = tpu.concatenate %slice3A_82, %slice3A_83 in 1 : vector<1600x64xf32>, vector<1600x64xf32> -> vector<1600x128xf32>
    %swap3A = arith.constant 0 : index
    %swap3A_85 = arith.constant 0 : index
    %swap3A_86 = arith.constant 0 : index
    %swap3A_87 = vector.load %arg10[%swap3A, %swap3A_85, %swap3A_86] : memref<2x1600x128xf32, #tpu.memory_space<vmem>>, vector<1x1600x128xf32>
    %swap3A_88 = vector.shape_cast %swap3A_87 : vector<1x1600x128xf32> to vector<1600x128xf32>
    %swap3A_89 = vector.shape_cast %concatenate3A_84 : vector<1600x128xf32> to vector<1x1600x128xf32>
    tpu.vector_store %arg10[%swap3A, %swap3A_85, %swap3A_86], %swap3A_89 {strides = array<i32>} : memref<2x1600x128xf32, #tpu.memory_space<vmem>>, vector<1x1600x128xf32>,
    %slice3A_90 = vector.extract_strided_slice %exp3A {offsets = [0, 64], sizes = [1600, 64], strides = [1, 1]} : vector<1600x128xf32> to vector<1600x64xf32>
    %slice3A_91 = vector.extract_strided_slice %mul3A {offsets = [0, 64], sizes = [1600, 64], strides = [1, 1]} : vector<1600x128xf32> to vector<1600x64xf32>
    %concatenate3A_92 = tpu.concatenate %slice3A_90, %slice3A_91 in 1 : vector<1600x64xf32>, vector<1600x64xf32> -> vector<1600x128xf32>
    %swap3A_93 = arith.constant 1 : index
    %swap3A_94 = arith.constant 0 : index
    %swap3A_95 = arith.constant 0 : index
    %swap3A_96 = vector.load %arg10[%swap3A_93, %swap3A_94, %swap3A_95] : memref<2x1600x128xf32, #tpu.memory_space<vmem>>, vector<1x1600x128xf32>
    %swap3A_97 = vector.shape_cast %swap3A_96 : vector<1x1600x128xf32> to vector<1600x128xf32>
    %swap3A_98 = vector.shape_cast %concatenate3A_92 : vector<1600x128xf32> to vector<1x1600x128xf32>
    tpu.vector_store %arg10[%swap3A_93, %swap3A_94, %swap3A_95], %swap3A_98 {strides = array<i32>} : memref<2x1600x128xf32, #tpu.memory_space<vmem>>, vector<1x1600x128xf32>,
    return
  }
  func.func @transform_0(%arg0: i32) -> (i32, i32) {
    %c0_i32 = arith.constant 0 : i32
    %c0_i32_0 = arith.constant 0 : i32
    return %arg0, %c0_i32 : i32, i32
  }
  func.func @transform_1(%arg0: i32) -> (i32, i32) {
    %c0_i32 = arith.constant 0 : i32
    %c0_i32_0 = arith.constant 0 : i32
    return %arg0, %c0_i32 : i32, i32
  }
  func.func @transform_2(%arg0: i32) -> (i32, i32) {
    %c0_i32 = arith.constant 0 : i32
    %c0_i32_0 = arith.constant 0 : i32
    %c0_i32_1 = arith.constant 0 : i32
    return %c0_i32, %c0_i32_0 : i32, i32
  }
  func.func @transform_3(%arg0: i32) -> (i32, i32) {
    %c0_i32 = arith.constant 0 : i32
    %c0_i32_0 = arith.constant 0 : i32
    %c0_i32_1 = arith.constant 0 : i32
    return %c0_i32, %c0_i32_0 : i32, i32
  }
  func.func @transform_4(%arg0: i32) -> (i32, i32) {
    %c0_i32 = arith.constant 0 : i32
    %c0_i32_0 = arith.constant 0 : i32
    %c0_i32_1 = arith.constant 0 : i32
    return %c0_i32, %c0_i32_0 : i32, i32
  }
  func.func @transform_5(%arg0: i32) -> (i32, i32) {
    %c0_i32 = arith.constant 0 : i32
    %c0_i32_0 = arith.constant 0 : i32
    %c0_i32_1 = arith.constant 0 : i32
    return %c0_i32, %c0_i32_0 : i32, i32
  }
  func.func @transform_6(%arg0: i32) -> (i32, i32) {
    %c0_i32 = arith.constant 0 : i32
    %c0_i32_0 = arith.constant 0 : i32
    %c0_i32_1 = arith.constant 0 : i32
    return %c0_i32, %c0_i32_0 : i32, i32
  }
  func.func @transform_7(%arg0: i32) -> (i32, i32) {
    %c0_i32 = arith.constant 0 : i32
    %c0_i32_0 = arith.constant 0 : i32
    %c0_i32_1 = arith.constant 0 : i32
    return %c0_i32, %c0_i32_0 : i32, i32
  }
  func.func @transform_8(%arg0: i32) -> (i32, i32) {
    %c0_i32 = arith.constant 0 : i32
    %c0_i32_0 = arith.constant 0 : i32
    %c0_i32_1 = arith.constant 0 : i32
    return %c0_i32, %c0_i32_0 : i32, i32
  }
  func.func @transform_9(%arg0: i32) -> (i32, i32, i32) {
    %c0_i32 = arith.constant 0 : i32
    %c0_i32_0 = arith.constant 0 : i32
    %c0_i32_1 = arith.constant 0 : i32
    return %c0_i32, %arg0, %c0_i32_0 : i32, i32, i32
  }
}

module attributes {stable_mosaic.version = 14 : i64} {
  func.func @_final_body(%arg0: i32, %arg1: memref<2x400x128xf32, #tpu.memory_space<vmem>>, %arg2: memref<2x400x128xf32, #tpu.memory_space<vmem>>, %arg3: memref<400x128xf32, #tpu.memory_space<vmem>>, %arg4: memref<400x128xf32, #tpu.memory_space<vmem>>, %arg5: memref<128x128xf32, #tpu.memory_space<vmem>>, %arg6: memref<1x128xf32, #tpu.memory_space<vmem>>, %arg7: memref<400x128xf32, #tpu.memory_space<vmem>>) attributes {dimension_semantics = [#tpu.dimension_semantics<arbitrary>], iteration_bounds = array<i64: 25>, scalar_prefetch = 0 : i64, scratch_operands = 0 : i64, tpu.core_type = #tpu.core_type<tc>, window_params = [{transform_indices = @transform_0, window_bounds = array<i64: 2, 400, 128>}, {transform_indices = @transform_1, window_bounds = array<i64: 2, 400, 128>}, {transform_indices = @transform_2, window_bounds = array<i64: 400, 128>}, {transform_indices = @transform_3, window_bounds = array<i64: 400, 128>}, {pipeline_mode = #tpu.pipeline_mode<synchronous>, transform_indices = @transform_4, window_bounds = array<i64: 128, 128>}, {pipeline_mode = #tpu.pipeline_mode<synchronous>, transform_indices = @transform_5, window_bounds = array<i64: 1, 128>}, {transform_indices = @transform_6, window_bounds = array<i64: 400, 128>}]} {
    %get3A = arith.constant 0 : index
    %get3A_0 = arith.constant 0 : index
    %get3A_1 = arith.constant 0 : index
    %get3A_2 = vector.load %arg1[%get3A, %get3A_0, %get3A_1] : memref<2x400x128xf32, #tpu.memory_space<vmem>>, vector<2x400x128xf32>
    %get3A_3 = arith.constant 0 : index
    %get3A_4 = arith.constant 0 : index
    %get3A_5 = arith.constant 0 : index
    %get3A_6 = vector.load %arg2[%get3A_3, %get3A_4, %get3A_5] : memref<2x400x128xf32, #tpu.memory_space<vmem>>, vector<2x400x128xf32>
    %add3A = arith.addf %get3A_2, %get3A_6 : vector<2x400x128xf32>
    %slice3A = vector.extract_strided_slice %add3A {offsets = [0, 0, 0], sizes = [1, 400, 64], strides = [1, 1, 1]} : vector<2x400x128xf32> to vector<1x400x64xf32>
    %squeeze3A = vector.shape_cast %slice3A : vector<1x400x64xf32> to vector<400x64xf32>
    %slice3A_7 = vector.extract_strided_slice %add3A {offsets = [1, 0, 0], sizes = [1, 400, 64], strides = [1, 1, 1]} : vector<2x400x128xf32> to vector<1x400x64xf32>
    %squeeze3A_8 = vector.shape_cast %slice3A_7 : vector<1x400x64xf32> to vector<400x64xf32>
    %concatenate3A = tpu.concatenate %squeeze3A, %squeeze3A_8 in 1 : vector<400x64xf32>, vector<400x64xf32> -> vector<400x128xf32>
    %slice3A_9 = vector.extract_strided_slice %add3A {offsets = [0, 0, 64], sizes = [1, 400, 64], strides = [1, 1, 1]} : vector<2x400x128xf32> to vector<1x400x64xf32>
    %squeeze3A_10 = vector.shape_cast %slice3A_9 : vector<1x400x64xf32> to vector<400x64xf32>
    %slice3A_11 = vector.extract_strided_slice %add3A {offsets = [1, 0, 64], sizes = [1, 400, 64], strides = [1, 1, 1]} : vector<2x400x128xf32> to vector<1x400x64xf32>
    %squeeze3A_12 = vector.shape_cast %slice3A_11 : vector<1x400x64xf32> to vector<400x64xf32>
    %concatenate3A_13 = tpu.concatenate %squeeze3A_10, %squeeze3A_12 in 1 : vector<400x64xf32>, vector<400x64xf32> -> vector<400x128xf32>
    %get3A_14 = arith.constant 0 : index
    %get3A_15 = arith.constant 0 : index
    %get3A_16 = vector.load %arg3[%get3A_14, %get3A_15] : memref<400x128xf32, #tpu.memory_space<vmem>>, vector<400x128xf32>
    %add3A_17 = arith.addf %concatenate3A, %get3A_16 : vector<400x128xf32>
    %add3A_18 = arith.constant 1.000000e-16 : f32
    %add3A_19 = vector.broadcast %add3A_18 : f32 to vector<400x128xf32>
    %add3A_20 = arith.addf %add3A_17, %add3A_19 : vector<400x128xf32>
    %get3A_21 = arith.constant 0 : index
    %get3A_22 = arith.constant 0 : index
    %get3A_23 = vector.load %arg4[%get3A_21, %get3A_22] : memref<400x128xf32, #tpu.memory_space<vmem>>, vector<400x128xf32>
    %add3A_24 = arith.addf %concatenate3A_13, %get3A_23 : vector<400x128xf32>
    %div3A = arith.divf %add3A_24, %add3A_20 : vector<400x128xf32>
    %get3A_25 = arith.constant 0 : index
    %get3A_26 = arith.constant 0 : index
    %get3A_27 = vector.load %arg5[%get3A_25, %get3A_26] : memref<128x128xf32, #tpu.memory_space<vmem>>, vector<128x128xf32>
    %dot_general3A = arith.constant dense<0.000000e+00> : vector<400x128xf32>
    %dot_general3A_28 = tpu.matmul %div3A, %get3A_27, %dot_general3A {dimension_numbers = #tpu.dot_dimension_numbers<[1], [0], [0], [1], [0, 0, 1, 1], [], []>, transpose_lhs_hint = false} : vector<400x128xf32>, vector<128x128xf32>, vector<400x128xf32> -> vector<400x128xf32>
    %get3A_29 = arith.constant 0 : index
    %get3A_30 = arith.constant 0 : index
    %get3A_31 = vector.load %arg6[%get3A_29, %get3A_30] : memref<1x128xf32, #tpu.memory_space<vmem>>, vector<1x128xf32>
    %add3A_32 = vector.broadcast %get3A_31 : vector<1x128xf32> to vector<400x128xf32>
    %add3A_33 = arith.addf %dot_general3A_28, %add3A_32 : vector<400x128xf32>
    %max3A = arith.constant 0.000000e+00 : f32
    %max3A_34 = vector.broadcast %max3A : f32 to vector<400x128xf32>
    %max3A_35 = arith.maximumf %add3A_33, %max3A_34 : vector<400x128xf32>
    %swap3A = arith.constant 0 : index
    %swap3A_36 = arith.constant 0 : index
    %swap3A_37 = vector.load %arg7[%swap3A, %swap3A_36] : memref<400x128xf32, #tpu.memory_space<vmem>>, vector<400x128xf32>
    tpu.vector_store %arg7[%swap3A, %swap3A_36], %max3A_35 {strides = array<i32>} : memref<400x128xf32, #tpu.memory_space<vmem>>, vector<400x128xf32>,
    return
  }
  func.func @transform_0(%arg0: i32) -> (i32, i32, i32) {
    %c0_i32 = arith.constant 0 : i32
    %c0_i32_0 = arith.constant 0 : i32
    %c0_i32_1 = arith.constant 0 : i32
    return %c0_i32, %arg0, %c0_i32_0 : i32, i32, i32
  }
  func.func @transform_1(%arg0: i32) -> (i32, i32, i32) {
    %c0_i32 = arith.constant 0 : i32
    %c0_i32_0 = arith.constant 0 : i32
    %c0_i32_1 = arith.constant 0 : i32
    return %c0_i32, %arg0, %c0_i32_0 : i32, i32, i32
  }
  func.func @transform_2(%arg0: i32) -> (i32, i32) {
    %c0_i32 = arith.constant 0 : i32
    %c0_i32_0 = arith.constant 0 : i32
    return %arg0, %c0_i32 : i32, i32
  }
  func.func @transform_3(%arg0: i32) -> (i32, i32) {
    %c0_i32 = arith.constant 0 : i32
    %c0_i32_0 = arith.constant 0 : i32
    return %arg0, %c0_i32 : i32, i32
  }
  func.func @transform_4(%arg0: i32) -> (i32, i32) {
    %c0_i32 = arith.constant 0 : i32
    %c0_i32_0 = arith.constant 0 : i32
    %c0_i32_1 = arith.constant 0 : i32
    return %c0_i32, %c0_i32_0 : i32, i32
  }
  func.func @transform_5(%arg0: i32) -> (i32, i32) {
    %c0_i32 = arith.constant 0 : i32
    %c0_i32_0 = arith.constant 0 : i32
    %c0_i32_1 = arith.constant 0 : i32
    return %c0_i32, %c0_i32_0 : i32, i32
  }
  func.func @transform_6(%arg0: i32) -> (i32, i32) {
    %c0_i32 = arith.constant 0 : i32
    %c0_i32_0 = arith.constant 0 : i32
    return %arg0, %c0_i32 : i32, i32
  }
}

</mosaic_0001>

<sc_bundles>
// kernel: kernel.10.cloned.1.call-start
scs
__scs_entry_jumppad:
0x0: {  	(pc) =	sbr.rel $0x88, $3  }
0x1: {  	(tag) =	ssettag $0x0;
	lr =	simm.s32 $0x1  }
0x2: {  	[smem:$0x3F8F] =	sst lr;
	_ =	strace $0xD0000000  }
0x3: {  	_ = 	snop  }
0x4: {  	_ = 	snop  }
0x5: {  	_ = 	snop  }
0x6: {  	_ = 	snop  }
0x7: {  	_ = 	snop  }
__scs_overlays_trampoline_lowered:
0x8: {  	[smem:$0x3F9E] =	sst s0  }
0x9: {  	[smem:$0x3F9F] =	sst s1  }
0xa: {  	[smem:$0x3FA0] =	sst s2  }
0xb: {  	[smem:$0x3FA1] =	sst s3  }
0xc: {  	[smem:$0x3FA2] =	sst s4  }
0xd: {  	[smem:$0x3FA3] =	sst s5  }
0xe: {  	[smem:$0x3FA4] =	sst s6  }
0xf: {  	[smem:$0x3FA5] =	sst s7  }
0x10: {  	[smem:$0x3FA6] =	sst s8  }
0x11: {  	[smem:$0x3FA7] =	sst s9;
	s0 =	simm.s32 @!p0 $0x0  }
0x12: {  	s1 =	sld [smem:$0x3F8D];
	s0 =	simm.s32 @p0 $0x1  }
0x13: {  	[smem:$0x3FA8] =	sst s0;
	s0 =	simm.s32 @!p1 $0x0  }
0x14: {  	s2 =	sld [smem:$0x3F8C];
	s0 =	simm.s32 @p1 $0x1  }
0x15: {  	[smem:$0x3FA9] =	sst s0;
	s0 =	simm.s32 @!p2 $0x0  }
0x16: {  	s3 =	sld [smem:$0x3FDB];
	s0 =	simm.s32 @p2 $0x1  }
0x17: {  	s4 =	simm.s32 $0x1BF5;
	[smem:$0x3FAB] =	sst s0  }
0x18: {  	s0 =	sld [smem:$0x3F8E];
	_ =	swait.ge [sflag:s4], $0x0  }
0x19: {  	s7 =	sld [smem:$0x3F8F]  }
0x1a: {  	s8 =	sadd.s32 $0xFFFFE003, lr  }
0x1b: {  	s9 =	sadd.s32 $0xFFFFFEF7, lr;
	s5 =	simm.s32 $0xFFFFFFFF;
	p2 =	slt.u32 s8, $0xFFFFF086  }
0x1c: {  	p1 =	slt.u32 s9, $0xF7A;
	s5 =	simm.s32 @!p2 $0x0  }
0x1d: {  	s5 =	simm.s32 @p1 $0x1;
	p0 =	seq.s32 s7, s2  }
0x1e: {  	s7 =	smul.u32 @!p0 $0xF7A, s2;
	p2 =	seq.s32 @!p0 s5, $0x0  }
0x1f: {  	s9 =	smul.u32 $0xF7A, s1;
	s8 =	simm.s32 @!p0 $0x1BF5;
	p2 =	por !p2, p0  }
0x20: {  	[sflag:s8] =	ssyncset.s32 @!p0 $0xFFFFF086;
	s6 =	sadd.s32 @!p0 s3, s7;
	s7 =	simm.s32 @!p0 $0x108  }
0x21: {  	s3 =	sadd.s32 s3, s9;
	s6 =	sadd.s32 @!p0 $0x88, s6;
	s7 =	simm.s32 @p2 $0x1082  }
0x22: {  	[simem:s7], [sflag:s8] =	dma.local @!p0 [hbm:s6], $0xF7A  }
0x23: {  	s9 =	sor.u32 $0xD0000000, s2;
	s6 =	simm.s32 $0x108;
	_ =	swait.ge @!p0 [sflag:s8], $0x0  }
0x24: {  	s3 =	sadd.s32 $0x88, s3;
	s6 =	simm.s32 @!p1 $0x1082;
	[sflag:s4] =	ssyncset.s32 $0xFFFFF086  }
0x25: {  	[simem:s6], [sflag:s4] =	dma.local [hbm:s3], $0xF7A  }
0x26: {  	[smem:$0x3F8F] =	sst s1;
	(tag) =	ssettag s2;
	_ =	strace s9  }
0x27: {  	s1 =	sld [smem:$0x3F9F]  }
0x28: {  	s2 =	sld [smem:$0x3FA0]  }
0x29: {  	s4 =	sld [smem:$0x3FA2]  }
0x2a: {  	p0 =	seq.s32 s5, $0x0;
	s5 =	sld [smem:$0x3FA3]  }
0x2b: {  	s6 =	sld [smem:$0x3FA4]  }
0x2c: {  	s7 =	sld [smem:$0x3FA5]  }
0x2d: {  	s3 =	simm.s32 $0x108;
	s8 =	sld [smem:$0x3FA6]  }
0x2e: {  	s3 =	simm.s32 @!p0 $0x1082;
	s9 =	sld [smem:$0x3FA7]  }
0x2f: {  	lr =	sadd.s32 s0, s3;
	s0 =	sld [smem:$0x3F9E]  }
0x30: {  	s3 =	sld [smem:$0x3FA1]  }
0x31: {  	[smem:$0x3FAA] =	sst s10  }
0x32: {  	s10 =	sld [smem:$0x3FA8];
	_ =	sdelay $0x3  }
0x33: {  	p0 =	seq.s32 s10, $0x1;
	s10 =	sld [smem:$0x3FAA];
	_ =	sdelay $0x3  }
0x34: {  	[smem:$0x3FAA] =	sst s10  }
0x35: {  	s10 =	sld [smem:$0x3FA9];
	_ =	sdelay $0x3  }
0x36: {  	p1 =	seq.s32 s10, $0x1;
	s10 =	sld [smem:$0x3FAA];
	_ =	sdelay $0x3  }
0x37: {  	[smem:$0x3FAA] =	sst s10  }
0x38: {  	s10 =	sld [smem:$0x3FAB]  }
0x39: {  	_ = 	snop;
	(pc) =	sbr.ind lr, $3  }
0x3a: {  	_ = 	snop  }
0x3b: {  	_ = 	snop  }
0x3c: {  	p2 =	seq.s32 s10, $0x1;
	s10 =	sld [smem:$0x3FAA]  }
0x3d: {  	_ =	shalt  }
0x3e: {  	_ =	shalt  }
0x3f: {  	_ =	shalt  }
0x40: {  	_ =	shalt  }
0x41: {  	_ =	shalt  }
0x42: {  	_ =	shalt  }
0x43: {  	_ =	shalt  }
0x44: {  	_ =	shalt  }
0x45: {  	_ =	shalt  }
0x46: {  	_ =	shalt  }
0x47: {  	_ =	shalt  }
0x48: {  	_ =	shalt  }
0x49: {  	_ =	shalt  }
0x4a: {  	_ =	shalt  }
0x4b: {  	_ =	shalt  }
0x4c: {  	_ =	shalt  }
0x4d: {  	_ =	shalt  }
0x4e: {  	_ =	shalt  }
0x4f: {  	_ =	shalt  }
0x50: {  	_ =	shalt  }
0x51: {  	_ =	shalt  }
0x52: {  	_ =	shalt  }
0x53: {  	_ =	shalt  }
0x54: {  	_ =	shalt  }
0x55: {  	_ =	shalt  }
0x56: {  	_ =	shalt  }
0x57: {  	_ =	shalt  }
0x58: {  	_ =	shalt  }
0x59: {  	_ =	shalt  }
0x5a: {  	_ =	shalt  }
0x5b: {  	_ =	shalt  }
0x5c: {  	_ =	shalt  }
0x5d: {  	_ =	shalt  }
0x5e: {  	_ =	shalt  }
0x5f: {  	_ =	shalt  }
0x60: {  	_ =	shalt  }
0x61: {  	_ =	shalt  }
0x62: {  	_ =	shalt  }
0x63: {  	_ =	shalt  }
0x64: {  	_ =	shalt  }
0x65: {  	_ =	shalt  }
0x66: {  	_ =	shalt  }
0x67: {  	_ =	shalt  }
0x68: {  	_ =	shalt  }
0x69: {  	_ =	shalt  }
0x6a: {  	_ =	shalt  }
0x6b: {  	_ =	shalt  }
0x6c: {  	_ =	shalt  }
0x6d: {  	_ =	shalt  }
0x6e: {  	_ =	shalt  }
0x6f: {  	_ =	shalt  }
0x70: {  	_ =	shalt  }
0x71: {  	_ =	shalt  }
0x72: {  	_ =	shalt  }
0x73: {  	_ =	shalt  }
0x74: {  	_ =	shalt  }
0x75: {  	_ =	shalt  }
0x76: {  	_ =	shalt  }
0x77: {  	_ =	shalt  }
0x78: {  	_ =	shalt  }
0x79: {  	_ =	shalt  }
0x7a: {  	_ =	shalt  }
0x7b: {  	_ =	shalt  }
0x7c: {  	_ =	shalt  }
0x7d: {  	_ =	shalt  }
0x7e: {  	_ =	shalt  }
0x7f: {  	_ =	shalt  }
0x80: {  	_ =	shalt  }
0x81: {  	_ =	shalt  }
0x82: {  	_ =	shalt  }
0x83: {  	_ =	shalt  }
0x84: {  	_ =	shalt  }
0x85: {  	_ =	shalt  }
0x86: {  	_ =	shalt  }
0x87: {  	_ =	shalt  }
.Lfunc_end0:
.L_simem_size_0:
called_computation_lowered:
.L_overlay_start_0:
0x88: {  	s2 =	sld [smem:$0x3FD9]  }
0x89: {  	s3 =	sld [smem:$0x3FFE];
	_ =	sdelay $0x1  }
0x8a: {  	s1 =	srdreg.scid  }
0x8b: {  	s0 =	sand.u32 $0x1, s1  }
0x8c: {  	s17 =	sshll.u32 s0, $0xA;
	s2 =	sadd.s32 s3, s2  }
0x8d: {  	s2 =	sadd.s32 s2, s17  }
0x8e: {  	[smem:$0x3FB6] =	sst s2  }
0x8f: {  	_ = 	snop  }
0x90: {  	s18 =	sld [smem:$0x3FD0];
	(tm) =	ssettm $0x1  }
0x91: {  	s19 =	sld [smem:$0x3FFB];
	_ =	sdelay $0x3  }
0x92: {  	_ =	strace s19  }
0x93: {  	s2 =	sld [smem:$0x3FFC];
	_ =	sdelay $0x3  }
0x94: {  	_ =	strace s2  }
0x95: {  	s2 =	sld [smem:$0x3FFD];
	_ =	sdelay $0x3  }
0x96: {  	_ =	strace s2  }
0x97: {  	_ =	strace $0x8FFFFFFF  }
0x98: {  	s20 =	sld [smem:$0x3FDB];
	_ =	sdelay $0x1  }
0x99: {  	s4 =	simm.s32 $_scs_section_size  }
0x9a: {  	s5 =	simm.s32 $_size__tile_overlayer_lowered;
	s6 =	simm.s32 $_tile_overlayer_lowered  }
0x9b: {  	s7 =	simm.s32 $0x1BFF;
	s21 =	sshll.u32 s6, $0x1;
	s4 =	sadd.s32 s4, s20  }
0x9c: {  	s22 =	simm.s32 $0x0;
	s5 =	sshll.u32 s5, $0x1;
	s6 =	sadd.s32 s21, s4  }
0x9d: {  	[timem:s22], [sflag:s7] =	dma.local [hbm:s6], s5  }
0x9e: {  	_ =	swait.ge [sflag:s7], s5  }
0x9f: {  	s5 =	ssub.s32 $0x0, s5;
	[sflag:s7] =	ssyncset.done $0x0  }
0xa0: {  	[sflag:s7] =	ssyncadd.s32 s5;
	_ =	sdelay $0x1  }
0xa1: {  	s23 =	simm.s32 $0x1B8B  }
0xa2: {  	_ =	swait.ge [sflag:s23], $0x1  }
0xa3: {  	[sflag:s23] =	ssyncset.done $0x0  }
0xa4: {  	[sflag:s23] =	ssyncadd.s32 $0xFFFFFFFF  }
0xa5: {  	s5 =	sld [smem:$0x0]  }
0xa6: {  	s6 =	sand.u32 $0xFFFFFFFE, s1  }
0xa7: {  	p0 =	sne.s32 s1, s6  }
0xa8: {  	s6 =	sshll.u32 @p0 s6, $0xE  }
0xa9: {  	s6 =	sadd.s32 @p0 $0x11B8D, s6;
	s7 =	sshll.u32 @p0 s5, $0x11  }
0xaa: {  	s6 =	sor.u32 @p0 s7, s6  }
0xab: {  	[sflag:s6] =	ssyncadd.remote.s32 @p0 $0x1;
	_ =	sdelay $0x1  }
0xac: {  	s6 =	simm.s32 @p0 $0x1B8D  }
0xad: {  	_ =	swait.eq @p0 [sflag:s6], $0x1  }
0xae: {  	[sflag:s6] =	ssyncadd.s32 @p0 $0xFFFFFFFF  }
0xaf: {  	s7 =	sshll.u32 @!p0 s1, $0xE  }
0xb0: {  	s7 =	sor.u32 @!p0 $0x4000, s7;
	s6 =	simm.s32 @!p0 $0x1B8D  }
0xb1: {  	s5 =	sshll.u32 @!p0 s5, $0x11;
	s7 =	sadd.s32 @!p0 $0x11B8D, s7;
	_ =	swait.eq @!p0 [sflag:s6], $0x1  }
0xb2: {  	s5 =	sor.u32 @!p0 s5, s7;
	[sflag:s6] =	ssyncadd.s32 @!p0 $0xFFFFFFFF  }
0xb3: {  	s25 =	simm.s32 $0x1B8E;
	s24 =	sld [smem:$0x3FFE];
	[sflag:s5] =	ssyncadd.remote.s32 @!p0 $0x1  }
0xb4: {  	s26 =	simm.s32 $execute0_lowered;
	[smem:$0x3FD2] =	sst s25  }
0xb5: {  	s6 =	sshll.u32 s26, $0x1;
	_ =	strace $0x80000049;
	[dreg:$0x1] =	wrdreg $0xFFFFFFFF  }
0xb6: {  	s28 =	simm.s32 $_size_execute0_lowered;
	s4 =	sadd.s32 s4, s6;
	[dreg:$0x0] =	wrdreg $0x0  }
0xb7: {  	s6 =	sshll.u32 s28, $0x1;
	[dreg:$0x2] =	wrdreg s4  }
0xb8: {  	[dreg:$0x3] =	wrdreg s6  }
0xb9: {  	[dreg:$0x4] =	wrdreg $0xC0  }
0xba: {  	_ =	task [dreg:s22], $0x5FFFF  }
0xbb: {  	[dreg:$0x1] =	wrdreg $0xFFFFFFFF  }
0xbc: {  	[dreg:$0x0] =	wrdreg $0x60  }
0xbd: {  	[dreg:$0x2] =	wrdreg s24  }
0xbe: {  	[dreg:$0x3] =	wrdreg s18  }
0xbf: {  	[dreg:$0x4] =	wrdreg $0x9  }
0xc0: {  	_ =	task.clear_ibuf [dreg:s22], $0x5FFFF;
	_ =	strace $0x90000049  }
0xc1: {  	s29 =	simm.s32 $0x9;
	_ =	strace $0x8000004B  }
0xc2: {  	_ =	swait.ge [sflag:s29], $0x1  }
0xc3: {  	[sflag:s29] =	ssyncadd.s32 $0xFFFFFFFF  }
0xc4: {  	_ =	strace $0x9000004B  }
0xc5: {  	_ =	sfence  }
0xc6: {  	s30 =	sld [smem:$0x0];
	_ =	sdelay $0x2  }
0xc7: {  	s31 =	sshll.u32 s1, $0xD;
	s1 =	sshrl.u32 s1, $0x2  }
0xc8: {  	s4 =	sand.u32 $0x4000, s31;
	s1 =	sadd.s32 s1, s30  }
0xc9: {  	s0 =	sor.u32 s4, s0;
	s1 =	sshll.u32 s1, $0x11  }
0xca: {  	s0 =	sor.u32 s1, s0  }
0xcb: {  	s0 =	sadd.s32 $0x8F2B, s0  }
0xcc: {  	[sflag:s0] =	ssyncadd.remote.s32 $0x1  }
0xcd: {  	_ =	sfence.sel $0xFFFF  }
0xce: {  	[dreg:$0x0] =	wrdreg $0xFFFFFFFF;
	(pc) =	sbr.abs _section_cstart, $3  }
0xcf: {  	[dreg:$0x1] =	wrdreg $0xFFFFFFFF  }
0xd0: {  	_ =	task.clear_ibuf [dreg:s22], $0x2FFFF;
	_ =	strace $0x9FFFFFFF  }
0xd1: {  	(tm) =	ssettm $0x7FFFFFFF  }
tec
execute0_lowered:
.L_overlay_start_1:
0x0: {  	(tag) =	ssettag $0x1  }
0x1: {  	s0 =	rddreg [dreg:$0x0]  }
0x2: {  	s1 =	rddreg [dreg:$0x1];
	s3 =	simm.s32 $0x0;
	s2 =	srdreg.scid  }
0x3: {  	s17 =	stileid.u32;
	s29 =	simm.s32 $0x5;
	s30 =	simm.s32 $0x80  }
0x4: {  	s31 =	simm.s32 $0x200;
	[smem:$0x7FF] =	sst s3;
	s4 =	sadd.s32 $0x564A00, s0  }
0x5: {  	s2 =	sand.u32 $0x1, s2;
	s5 =	sadd.s32 $0x569A00, s0;
	s18 =	smul.u32 $0x138800, s17  }
0x6: {  	s6 =	sshll.u32 s17, $0x1;
	s10 =	sadd.s32 $0x56EA00, s0;
	s23 =	smul.u32 $0x2710, s17  }
0x7: {  	s25 =	smul.u32 $0x27100, s17;
	_ =	strace $0x8000004A;
	s7 =	sor.u32 s2, s6  }
0x8: {  	s6 =	sadd.s32 $0xD400, s0;
	s8 =	ssub.s32 $0x2, s2;
	s13 =	smul.u32 $0x9C400, s2  }
0x9: {  	s0 =	sadd.s32 $0x7DFA00, s0;
	s9 =	smul.u32 $0x1388, s7;
	s11 =	sshrl.u32 s8, $0x1  }
0xa: {  	s7 =	smul.u32 $0x9C400, s7;
	s17 =	sadd.s32 s25, s10;
	s8 =	ssub.s32 s8, s11  }
0xb: {  	s21 =	sadd.s32 s13, s18;
	s13 =	simm.s32 $0x4;
	s15 =	sshrl.u32 s9, $0x3  }
0xc: {  	s7 =	sshrl.u32 s7, $0x3;
	s22 =	sadd.s32 $0x1300, s9;
	s9 =	sadd.s32 $0x1380, s9  }
0xd: {  	s12 =	sadd.s32 s4, s15;
	s16 =	sadd.s32 s5, s15;
	s11 =	sadd.s32 $0x10, s15  }
0xe: {  	s19 =	sadd.s32 $0x12000, s7;
	s24 =	sshrl.u32 s22, $0x3;
	[dreg:$0x6] =	wrdreg s12  }
0xf: {  	s7 =	sadd.s32 $0x12800, s7;
	[dreg:$0x7] =	wrdreg s16;
	s14 =	sadd.s32 s4, s11  }
0x10: {  	s18 =	sshll.u32 s22, $0x4;
	s11 =	sadd.s32 s5, s11;
	[dreg:$0x8] =	wrdreg s14  }
0x11: {  	s20 =	sadd.s32 s10, s19;
	s16 =	smul.u32 $0x1388, s2;
	[dreg:$0x9] =	wrdreg s11  }
0x12: {  	s26 =	sadd.s32 s10, s7;
	s2 =	smul.u32 $0x13880, s2;
	[dreg:$0xa] =	wrdreg s20  }
0x13: {  	s7 =	sadd.s32 s0, s7;
	s22 =	sadd.s32 s4, s24;
	[dreg:$0xc] =	wrdreg s26  }
0x14: {  	s12 =	simm.s32 $0x2;
	s11 =	sadd.s32 s0, s19;
	[dreg:$0xd] =	wrdreg s7  }
0x15: {  	s20 =	sadd.s32 s10, s18;
	[dreg:$0x12] =	wrdreg s22;
	s14 =	simm.s32 $0x8  }
0x16: {  	[dreg:$0xb] =	wrdreg s11;
	s11 =	sshrl.u32 s21, $0x3;
	s19 =	sadd.s32 s16, s23  }
0x17: {  	s7 =	sadd.s32 s2, s17;
	[dreg:$0xe] =	wrdreg s20;
	s21 =	sshll.u32 s9, $0x4  }
0x18: {  	s23 =	sadd.s32 s5, s24;
	s24 =	sshrl.u32 s9, $0x3;
	s9 =	simm.s32 $0xC200  }
0x19: {  	s15 =	sadd.s32 s11, s0;
	s11 =	sadd.s32 s11, s10;
	[dreg:$0x13] =	wrdreg s23  }
0x1a: {  	s7 =	sadd.s32 $0x800, s7;
	s10 =	sadd.s32 s10, s21;
	[dreg:$0x3] =	wrdreg s15  }
0x1b: {  	s26 =	sadd.s32 $0x180, s19;
	s23 =	smax.u32 s8, $0x1;
	[dreg:$0x4] =	wrdreg s11  }
0x1c: {  	s28 =	sadd.s32 $0x100, s19;
	s8 =	simm.s32 $0x8200;
	[dreg:$0x5] =	wrdreg s7  }
0x1d: {  	s11 =	sadd.s32 s0, s18;
	[dreg:$0x10] =	wrdreg s10;
	s7 =	sadd.s32 s0, s21  }
0x1e: {  	s0 =	sadd.s32 s25, s0;
	s25 =	sadd.s32 s4, s24;
	[dreg:$0xf] =	wrdreg s11  }
0x1f: {  	s10 =	simm.s32 $0x1;
	s15 =	simm.s32 $0x0;
	[dreg:$0x11] =	wrdreg s7  }
0x20: {  	s0 =	sadd.s32 s2, s0;
	[dreg:$0x14] =	wrdreg s25;
	s7 =	sadd.s32 s5, s24  }
0x21: {  	s2 =	sshrl.u32 s26, $0x3;
	s11 =	simm.s32 $0x3;
	[dreg:$0x15] =	wrdreg s7  }
0x22: {  	s24 =	sadd.s32 s2, s5;
	s25 =	sadd.s32 s2, s4;
	s26 =	sadd.s32 $0x800, s0  }
0x23: {  	s0 =	simm.s32 $0x4200;
	s2 =	simm.s32 $0x100;
	s7 =	simm.s32 $0x180  }
.LBB2_1:
0x24: {  	s16 =	rddreg [dreg:$0x6]  }
0x25: {  	[tilespmem:s3], [sflag:$0x5] =	stream.linear.gather [hbm4b:s16+s3], $0x80, $0x38;
	[tilespmem:$0x10200] =	vst v63  }
0x26: {  	_ =	swait.ge [sflag:s29], $0x80  }
0x27: {  	[sflag:s29] =	ssyncset.done $0x0  }
0x28: {  	s19 =	rddreg [dreg:$0x7];
	[sflag:s29] =	ssyncadd.s32 $0xFFFFFF80  }
0x29: {  	[tilespmem:s30], [sflag:$0x5] =	stream.linear.gather [hbm4b:s19+s3], $0x80, $0x38;
	[tilespmem:$0x10200] =	vst v63  }
0x2a: {  	_ =	swait.ge [sflag:s29], $0x80  }
0x2b: {  	[sflag:s29] =	ssyncset.done $0x0  }
0x2c: {  	[sflag:s29] =	ssyncadd.s32 $0xFFFFFF80  }
0x2d: {  	[tilespmem:s31], [sflag:$0x1] =	stream.indirect.gather [hbm4b:s1+s30], $0x80, s30, s30, $0xb8;
	[tilespmem:$0x10200] =	vst v63  }
0x2e: {  	_ = 	snop  }
0x2f: {  	[tilespmem:s0], [sflag:$0x1] =	stream.indirect.gather [hbm4b:s6+s30], $0x80, s3, s30, $0xb8;
	[tilespmem:$0x10200] =	vst v63  }
0x30: {  	s20 =	rddreg [dreg:$0x8]  }
0x31: {  	[tilespmem:s2], [sflag:$0x5] =	stream.linear.gather [hbm4b:s20+s3], $0x80, $0x38;
	[tilespmem:$0x10200] =	vst v63  }
0x32: {  	_ =	swait.ge [sflag:s29], $0x80  }
0x33: {  	[sflag:s29] =	ssyncset.done $0x0  }
0x34: {  	s21 =	rddreg [dreg:$0x9];
	[sflag:s29] =	ssyncadd.s32 $0xFFFFFF80  }
0x35: {  	[tilespmem:s7], [sflag:$0x5] =	stream.linear.gather [hbm4b:s21+s3], $0x80, $0x38;
	[tilespmem:$0x10200] =	vst v63  }
0x36: {  	_ =	swait.ge [sflag:s29], $0x80  }
0x37: {  	[sflag:s29] =	ssyncset.done $0x0  }
0x38: {  	[sflag:s29] =	ssyncadd.s32 $0xFFFFFF80  }
0x39: {  	[tilespmem:s8], [sflag:$0x2] =	stream.indirect.gather [hbm4b:s1+s30], $0x80, s7, s30, $0xb8;
	[tilespmem:$0x10200] =	vst v63  }
0x3a: {  	_ = 	snop  }
0x3b: {  	[tilespmem:s9], [sflag:$0x2] =	stream.indirect.gather [hbm4b:s6+s30], $0x80, s2, s30, $0xb8;
	[tilespmem:$0x10200] =	vst v63  }
0x3c: {  	_ =	swait.ge [sflag:s10], $0x4000  }
0x3d: {  	[sflag:s10] =	ssyncset.done $0x0  }
0x3e: {  	[sflag:s10] =	ssyncadd.s32 $0xFFFFC000  }
0x3f: {  	_ =	swait.ge [sflag:s10], $0x4000  }
0x40: {  	s22 =	rddreg [dreg:$0x4];
	[sflag:s10] =	ssyncset.done $0x0  }
0x41: {  	s17 =	rddreg [dreg:$0x3];
	[sflag:s10] =	ssyncadd.s32 $0xFFFFC000;
	s16 =	sadd.s32 $0x0, s22  }
0x42: {  	[hbm4b:s16+s3] =	stream.linear.scatter [tilespmem:s31], [sflag:$0x3], $0x4000, $0x38;
	[tilespmem:$0x10200] =	vst v63  }
0x43: {  	s18 =	sadd.s32 $0x0, s17  }
0x44: {  	[hbm4b:s18+s3] =	stream.linear.scatter [tilespmem:s0], [sflag:$0x3], $0x4000, $0x38;
	[tilespmem:$0x10200] =	vst v63  }
0x45: {  	_ =	swait.ge [sflag:s11], $0x4000  }
0x46: {  	[sflag:s11] =	ssyncset.done $0x0  }
0x47: {  	[sflag:s11] =	ssyncadd.s32 $0xFFFFC000  }
0x48: {  	_ =	swait.ge [sflag:s11], $0x4000  }
0x49: {  	s19 =	sshrl.u32 s28, $0x3;
	[sflag:s11] =	ssyncset.done $0x0  }
0x4a: {  	s20 =	sadd.s32 s4, s19;
	[sflag:s11] =	ssyncadd.s32 $0xFFFFC000  }
0x4b: {  	[tilespmem:s3], [sflag:$0x5] =	stream.linear.gather [hbm4b:s20+s3], $0x80, $0x38;
	[tilespmem:$0x10200] =	vst v63  }
0x4c: {  	_ =	swait.ge [sflag:s29], $0x80  }
0x4d: {  	[sflag:s29] =	ssyncset.done $0x0  }
0x4e: {  	s16 =	sadd.s32 s5, s19;
	[sflag:s29] =	ssyncadd.s32 $0xFFFFFF80  }
0x4f: {  	[tilespmem:s30], [sflag:$0x5] =	stream.linear.gather [hbm4b:s16+s3], $0x80, $0x38;
	[tilespmem:$0x10200] =	vst v63  }
0x50: {  	_ =	swait.ge [sflag:s29], $0x80  }
0x51: {  	[sflag:s29] =	ssyncset.done $0x0  }
0x52: {  	[sflag:s29] =	ssyncadd.s32 $0xFFFFFF80  }
0x53: {  	[tilespmem:s31], [sflag:$0x1] =	stream.indirect.gather [hbm4b:s1+s30], $0x80, s30, s30, $0xb8;
	[tilespmem:$0x10200] =	vst v63  }
0x54: {  	_ = 	snop  }
0x55: {  	[tilespmem:s0], [sflag:$0x1] =	stream.indirect.gather [hbm4b:s6+s30], $0x80, s3, s30, $0xb8;
	[tilespmem:$0x10200] =	vst v63  }
0x56: {  	_ =	swait.ge [sflag:s12], $0x4000  }
0x57: {  	[sflag:s12] =	ssyncset.done $0x0  }
0x58: {  	[sflag:s12] =	ssyncadd.s32 $0xFFFFC000  }
0x59: {  	_ =	swait.ge [sflag:s12], $0x4000  }
0x5a: {  	s21 =	rddreg [dreg:$0x5];
	[sflag:s12] =	ssyncset.done $0x0  }
0x5b: {  	[sflag:s12] =	ssyncadd.s32 $0xFFFFC000;
	s16 =	sadd.s32 $0x0, s21  }
0x5c: {  	[hbm4b:s16+s3] =	stream.linear.scatter [tilespmem:s8], [sflag:$0x4], $0x4000, $0x38;
	[tilespmem:$0x10200] =	vst v63  }
0x5d: {  	s22 =	sadd.s32 $0x0, s26  }
0x5e: {  	[hbm4b:s22+s3] =	stream.linear.scatter [tilespmem:s9], [sflag:$0x4], $0x4000, $0x38;
	[tilespmem:$0x10200] =	vst v63  }
0x5f: {  	_ =	swait.ge [sflag:s13], $0x4000  }
0x60: {  	[sflag:s13] =	ssyncset.done $0x0  }
0x61: {  	[sflag:s13] =	ssyncadd.s32 $0xFFFFC000  }
0x62: {  	_ =	swait.ge [sflag:s13], $0x4000  }
0x63: {  	[sflag:s13] =	ssyncset.done $0x0  }
0x64: {  	[sflag:s13] =	ssyncadd.s32 $0xFFFFC000  }
0x65: {  	[tilespmem:s2], [sflag:$0x5] =	stream.linear.gather [hbm4b:s25+s3], $0x80, $0x38;
	[tilespmem:$0x10200] =	vst v63  }
0x66: {  	_ =	swait.ge [sflag:s29], $0x80  }
0x67: {  	[sflag:s29] =	ssyncset.done $0x0  }
0x68: {  	[sflag:s29] =	ssyncadd.s32 $0xFFFFFF80  }
0x69: {  	[tilespmem:s7], [sflag:$0x5] =	stream.linear.gather [hbm4b:s24+s3], $0x80, $0x38;
	[tilespmem:$0x10200] =	vst v63  }
0x6a: {  	_ =	swait.ge [sflag:s29], $0x80  }
0x6b: {  	s17 =	sadd.s32 $0x20, s24;
	s19 =	sadd.s32 $0x100, s28;
	[sflag:s29] =	ssyncset.done $0x0  }
0x6c: {  	s18 =	sadd.s32 $0x20, s25;
	s16 =	simm.s32 $0x1000;
	[sflag:s29] =	ssyncadd.s32 $0xFFFFFF80  }
0x6d: {  	[tilespmem:s8], [sflag:$0x2] =	stream.indirect.gather [hbm4b:s1+s30], $0x80, s7, s30, $0xb8;
	[tilespmem:$0x10200] =	vst v63  }
.LBB2_2:
0x6e: {  	[tilespmem:s9], [sflag:$0x2] =	stream.indirect.gather [hbm4b:s6+s30], $0x80, s2, s30, $0xb8;
	[tilespmem:$0x10200] =	vst v63  }
0x6f: {  	_ =	swait.ge [sflag:s10], $0x4000  }
0x70: {  	[sflag:s10] =	ssyncset.done $0x0  }
0x71: {  	[sflag:s10] =	ssyncadd.s32 $0xFFFFC000  }
0x72: {  	_ =	swait.ge [sflag:s10], $0x4000  }
0x73: {  	s20 =	smov.u32 s16;
	s21 =	rddreg [dreg:$0x4];
	[sflag:s10] =	ssyncset.done $0x0  }
0x74: {  	s22 =	rddreg [dreg:$0x3];
	[sflag:s10] =	ssyncadd.s32 $0xFFFFC000;
	s21 =	sadd.s32 s20, s21  }
0x75: {  	[hbm4b:s21+s3] =	stream.linear.scatter [tilespmem:s31], [sflag:$0x3], $0x4000, $0x38;
	[tilespmem:$0x10200] =	vst v63  }
0x76: {  	s22 =	sadd.s32 s20, s22  }
0x77: {  	[hbm4b:s22+s3] =	stream.linear.scatter [tilespmem:s0], [sflag:$0x3], $0x4000, $0x38;
	[tilespmem:$0x10200] =	vst v63  }
0x78: {  	_ =	swait.ge [sflag:s11], $0x4000  }
0x79: {  	[sflag:s11] =	ssyncset.done $0x0  }
0x7a: {  	[sflag:s11] =	ssyncadd.s32 $0xFFFFC000  }
0x7b: {  	_ =	swait.ge [sflag:s11], $0x4000  }
0x7c: {  	s21 =	sshrl.u32 s19, $0x3;
	[sflag:s11] =	ssyncset.done $0x0  }
0x7d: {  	s22 =	sadd.s32 s4, s21;
	[sflag:s11] =	ssyncadd.s32 $0xFFFFC000  }
0x7e: {  	[tilespmem:s3], [sflag:$0x5] =	stream.linear.gather [hbm4b:s22+s3], $0x80, $0x38;
	[tilespmem:$0x10200] =	vst v63  }
0x7f: {  	_ =	swait.ge [sflag:s29], $0x80  }
0x80: {  	[sflag:s29] =	ssyncset.done $0x0  }
0x81: {  	s21 =	sadd.s32 s5, s21;
	[sflag:s29] =	ssyncadd.s32 $0xFFFFFF80  }
0x82: {  	[tilespmem:s30], [sflag:$0x5] =	stream.linear.gather [hbm4b:s21+s3], $0x80, $0x38;
	[tilespmem:$0x10200] =	vst v63  }
0x83: {  	_ =	swait.ge [sflag:s29], $0x80  }
0x84: {  	[sflag:s29] =	ssyncset.done $0x0  }
0x85: {  	[sflag:s29] =	ssyncadd.s32 $0xFFFFFF80  }
0x86: {  	[tilespmem:s31], [sflag:$0x1] =	stream.indirect.gather [hbm4b:s1+s30], $0x80, s30, s30, $0xb8;
	[tilespmem:$0x10200] =	vst v63  }
0x87: {  	_ = 	snop  }
0x88: {  	[tilespmem:s0], [sflag:$0x1] =	stream.indirect.gather [hbm4b:s6+s30], $0x80, s3, s30, $0xb8;
	[tilespmem:$0x10200] =	vst v63  }
0x89: {  	_ =	swait.ge [sflag:s12], $0x4000  }
0x8a: {  	[sflag:s12] =	ssyncset.done $0x0  }
0x8b: {  	[sflag:s12] =	ssyncadd.s32 $0xFFFFC000  }
0x8c: {  	_ =	swait.ge [sflag:s12], $0x4000  }
0x8d: {  	s22 =	rddreg [dreg:$0x5];
	[sflag:s12] =	ssyncset.done $0x0  }
0x8e: {  	[sflag:s12] =	ssyncadd.s32 $0xFFFFC000;
	s21 =	sadd.s32 s20, s22  }
0x8f: {  	[hbm4b:s21+s3] =	stream.linear.scatter [tilespmem:s8], [sflag:$0x4], $0x4000, $0x38;
	[tilespmem:$0x10200] =	vst v63  }
0x90: {  	s20 =	sadd.s32 s20, s26  }
0x91: {  	[hbm4b:s20+s3] =	stream.linear.scatter [tilespmem:s9], [sflag:$0x4], $0x4000, $0x38;
	[tilespmem:$0x10200] =	vst v63  }
0x92: {  	_ =	swait.ge [sflag:s13], $0x4000  }
0x93: {  	[sflag:s13] =	ssyncset.done $0x0  }
0x94: {  	[sflag:s13] =	ssyncadd.s32 $0xFFFFC000  }
0x95: {  	_ =	swait.ge [sflag:s13], $0x4000  }
0x96: {  	[sflag:s13] =	ssyncset.done $0x0  }
0x97: {  	[sflag:s13] =	ssyncadd.s32 $0xFFFFC000  }
0x98: {  	[tilespmem:s2], [sflag:$0x5] =	stream.linear.gather [hbm4b:s18+s3], $0x80, $0x38;
	[tilespmem:$0x10200] =	vst v63  }
0x99: {  	_ =	swait.ge [sflag:s29], $0x80  }
0x9a: {  	[sflag:s29] =	ssyncset.done $0x0  }
0x9b: {  	p0 =	sne.s32 s16, $0x11000;
	[sflag:s29] =	ssyncadd.s32 $0xFFFFFF80  }
0x9c: {  	[tilespmem:s7], [sflag:$0x5] =	stream.linear.gather [hbm4b:s17+s3], $0x80, $0x38;
	[tilespmem:$0x10200] =	vst v63  }
.Ltmp0:
0x9d: {  	_ = 	snop;
	(pc) =	sbr.rel @p0 .LBB2_2-.Ltmp0, $4  }
0x9e: {  	_ =	swait.ge [sflag:s29], $0x80  }
0x9f: {  	s16 =	sadd.s32 $0x1000, s16;
	s19 =	sadd.s32 $0x100, s19;
	[sflag:s29] =	ssyncset.done $0x0  }
0xa0: {  	s18 =	sadd.s32 $0x20, s18;
	s17 =	sadd.s32 $0x20, s17;
	[sflag:s29] =	ssyncadd.s32 $0xFFFFFF80  }
0xa1: {  	[tilespmem:s8], [sflag:$0x2] =	stream.indirect.gather [hbm4b:s1+s30], $0x80, s7, s30, $0xb8;
	[tilespmem:$0x10200] =	vst v63  }
0xa2: {  	[tilespmem:s9], [sflag:$0x2] =	stream.indirect.gather [hbm4b:s6+s30], $0x80, s2, s30, $0xb8;
	[tilespmem:$0x10200] =	vst v63  }
0xa3: {  	_ =	swait.ge [sflag:s10], $0x4000  }
0xa4: {  	[sflag:s10] =	ssyncset.done $0x0  }
0xa5: {  	[sflag:s10] =	ssyncadd.s32 $0xFFFFC000  }
0xa6: {  	_ =	swait.ge [sflag:s10], $0x4000  }
0xa7: {  	[sflag:s10] =	ssyncset.done $0x0  }
0xa8: {  	s16 =	rddreg [dreg:$0xa];
	[sflag:s10] =	ssyncadd.s32 $0xFFFFC000  }
0xa9: {  	[hbm4b:s16+s3] =	stream.linear.scatter [tilespmem:s31], [sflag:$0x3], $0x4000, $0x38;
	[tilespmem:$0x10200] =	vst v63  }
0xaa: {  	s18 =	rddreg [dreg:$0xb]  }
0xab: {  	[hbm4b:s18+s3] =	stream.linear.scatter [tilespmem:s0], [sflag:$0x3], $0x4000, $0x38;
	[tilespmem:$0x10200] =	vst v63  }
0xac: {  	_ =	swait.ge [sflag:s11], $0x4000  }
0xad: {  	[sflag:s11] =	ssyncset.done $0x0  }
0xae: {  	[sflag:s11] =	ssyncadd.s32 $0xFFFFC000  }
0xaf: {  	_ =	swait.ge [sflag:s11], $0x4000  }
0xb0: {  	[sflag:s11] =	ssyncset.done $0x0  }
0xb1: {  	s19 =	rddreg [dreg:$0x12];
	[sflag:s11] =	ssyncadd.s32 $0xFFFFC000  }
0xb2: {  	[tilespmem:s3], [sflag:$0x5] =	stream.linear.gather [hbm4b:s19+s3], $0x80, $0x38;
	[tilespmem:$0x10200] =	vst v63  }
0xb3: {  	_ =	swait.ge [sflag:s29], $0x80  }
0xb4: {  	[sflag:s29] =	ssyncset.done $0x0  }
0xb5: {  	s20 =	rddreg [dreg:$0x13];
	[sflag:s29] =	ssyncadd.s32 $0xFFFFFF80  }
0xb6: {  	[tilespmem:s30], [sflag:$0x5] =	stream.linear.gather [hbm4b:s20+s3], $0x80, $0x38;
	[tilespmem:$0x10200] =	vst v63  }
0xb7: {  	_ =	swait.ge [sflag:s29], $0x80  }
0xb8: {  	[sflag:s29] =	ssyncset.done $0x0  }
0xb9: {  	[sflag:s29] =	ssyncadd.s32 $0xFFFFFF80  }
0xba: {  	[tilespmem:s31], [sflag:$0x1] =	stream.indirect.gather [hbm4b:s1+s30], $0x80, s30, s30, $0xb8;
	[tilespmem:$0x10200] =	vst v63  }
0xbb: {  	_ = 	snop  }
0xbc: {  	[tilespmem:s0], [sflag:$0x1] =	stream.indirect.gather [hbm4b:s6+s30], $0x80, s3, s30, $0xb8;
	[tilespmem:$0x10200] =	vst v63  }
0xbd: {  	_ =	swait.ge [sflag:s12], $0x4000  }
0xbe: {  	[sflag:s12] =	ssyncset.done $0x0  }
0xbf: {  	[sflag:s12] =	ssyncadd.s32 $0xFFFFC000  }
0xc0: {  	_ =	swait.ge [sflag:s12], $0x4000  }
0xc1: {  	[sflag:s12] =	ssyncset.done $0x0  }
0xc2: {  	s21 =	rddreg [dreg:$0xc];
	[sflag:s12] =	ssyncadd.s32 $0xFFFFC000  }
0xc3: {  	[hbm4b:s21+s3] =	stream.linear.scatter [tilespmem:s8], [sflag:$0x4], $0x4000, $0x38;
	[tilespmem:$0x10200] =	vst v63  }
0xc4: {  	s22 =	rddreg [dreg:$0xd]  }
0xc5: {  	[hbm4b:s22+s3] =	stream.linear.scatter [tilespmem:s9], [sflag:$0x4], $0x4000, $0x38;
	[tilespmem:$0x10200] =	vst v63  }
0xc6: {  	_ =	swait.ge [sflag:s10], $0x4000  }
0xc7: {  	[sflag:s10] =	ssyncset.done $0x0  }
0xc8: {  	[sflag:s10] =	ssyncadd.s32 $0xFFFFC000  }
0xc9: {  	_ =	swait.ge [sflag:s10], $0x4000  }
0xca: {  	[sflag:s10] =	ssyncset.done $0x0  }
0xcb: {  	s17 =	rddreg [dreg:$0xe];
	[sflag:s10] =	ssyncadd.s32 $0xFFFFC000  }
0xcc: {  	[hbm4b:s17+s3] =	stream.linear.scatter [tilespmem:s31], [sflag:$0x3], $0x4000, $0x38;
	[tilespmem:$0x10200] =	vst v63  }
0xcd: {  	s18 =	rddreg [dreg:$0xf]  }
0xce: {  	[hbm4b:s18+s3] =	stream.linear.scatter [tilespmem:s0], [sflag:$0x3], $0x4000, $0x38;
	[tilespmem:$0x10200] =	vst v63  }
0xcf: {  	_ =	swait.ge [sflag:s13], $0x4000  }
0xd0: {  	[sflag:s13] =	ssyncset.done $0x0  }
0xd1: {  	[sflag:s13] =	ssyncadd.s32 $0xFFFFC000  }
0xd2: {  	_ =	swait.ge [sflag:s13], $0x4000  }
0xd3: {  	[sflag:s13] =	ssyncset.done $0x0  }
0xd4: {  	[sflag:s13] =	ssyncadd.s32 $0xFFFFC000  }
0xd5: {  	_ =	swait.ge [sflag:s11], $0x4000  }
0xd6: {  	[sflag:s11] =	ssyncset.done $0x0  }
0xd7: {  	[sflag:s11] =	ssyncadd.s32 $0xFFFFC000  }
0xd8: {  	_ =	swait.ge [sflag:s11], $0x4000  }
0xd9: {  	[sflag:s11] =	ssyncset.done $0x0  }
0xda: {  	s19 =	rddreg [dreg:$0x14];
	[sflag:s11] =	ssyncadd.s32 $0xFFFFC000  }
0xdb: {  	[tilespmem:s2], [sflag:$0x5] =	stream.linear.gather [hbm4b:s19+s3], $0x8, $0x38;
	[tilespmem:$0x10200] =	vst v63  }
0xdc: {  	_ =	swait.ge [sflag:s29], $0x8  }
0xdd: {  	[sflag:s29] =	ssyncset.done $0x0  }
0xde: {  	s20 =	rddreg [dreg:$0x15];
	[sflag:s29] =	ssyncadd.s32 $0xFFFFFFF8  }
0xdf: {  	[tilespmem:s7], [sflag:$0x5] =	stream.linear.gather [hbm4b:s20+s3], $0x8, $0x38;
	[tilespmem:$0x10200] =	vst v63  }
0xe0: {  	_ =	swait.ge [sflag:s29], $0x8  }
0xe1: {  	[sflag:s29] =	ssyncset.done $0x0  }
0xe2: {  	[sflag:s29] =	ssyncadd.s32 $0xFFFFFFF8  }
0xe3: {  	[tilespmem:s8], [sflag:$0x2] =	stream.indirect.gather [hbm4b:s1+s14], $0x80, s7, s14, $0xb8;
	[tilespmem:$0x10200] =	vst v63  }
0xe4: {  	_ = 	snop  }
0xe5: {  	[tilespmem:s9], [sflag:$0x2] =	stream.indirect.gather [hbm4b:s6+s14], $0x80, s2, s14, $0xb8;
	[tilespmem:$0x10200] =	vst v63  }
0xe6: {  	_ =	swait.ge [sflag:s12], $0x400  }
0xe7: {  	[sflag:s12] =	ssyncset.done $0x0  }
0xe8: {  	[sflag:s12] =	ssyncadd.s32 $0xFFFFFC00  }
0xe9: {  	_ =	swait.ge [sflag:s12], $0x400  }
0xea: {  	[sflag:s12] =	ssyncset.done $0x0  }
0xeb: {  	s21 =	rddreg [dreg:$0x10];
	[sflag:s12] =	ssyncadd.s32 $0xFFFFFC00  }
0xec: {  	[hbm4b:s21+s3] =	stream.linear.scatter [tilespmem:s8], [sflag:$0x5], $0x400, $0x38;
	[tilespmem:$0x10200] =	vst v63  }
0xed: {  	s15 =	sadd.s32 $0x1, s15;
	_ =	swait.ge [sflag:s29], $0x400  }
0xee: {  	p0 =	sne.s32 s15, s23;
	[sflag:s29] =	ssyncset.done $0x0  }
.Ltmp1:
0xef: {  	s22 =	rddreg [dreg:$0x11];
	[sflag:s29] =	ssyncadd.s32 $0xFFFFFC00;
	(pc) =	sbr.rel @p0 .LBB2_1-.Ltmp1, $4  }
0xf0: {  	[hbm4b:s22+s3] =	stream.linear.scatter [tilespmem:s9], [sflag:$0x5], $0x400, $0x38;
	[tilespmem:$0x10200] =	vst v63  }
0xf1: {  	_ =	swait.ge [sflag:s29], $0x400  }
0xf2: {  	[sflag:s29] =	ssyncset.done $0x0  }
0xf3: {  	[sflag:s29] =	ssyncadd.s32 $0xFFFFFC00  }
0xf4: {  	_ =	sfence.sel $0x180000  }
0xf5: {  	[bflag:$0x0] =	sbarrier.arrive $0xFFFF  }
0xf6: {  	_ =	strace $0x9000004A  }
0xf7: {  	s0 =	stileid.u32;
	[bflag:$0x2] =	sbarrier.arrive $0xFFFF  }
0xf8: {  	p0 =	sne.s32 s0, $0x0;
	s0 =	rddreg [dreg:$0x2]  }
0xf9: {  	s0 =	sadd.s32 @!p0 $0x100000, s0  }
0xfa: {  	[sflag:s0] =	ssyncadd.tile.s32 @!p0 $0x1;
	_ =	shalt  }
.Lfunc_end2:
_tile_overlayer_lowered:
.L_overlay_start_2:
0xfb: {  	(tag) =	ssettag $0x2  }
0xfc: {  	s0 =	rddreg [dreg:$0x0];
	s2 =	stileid.u32  }
0xfd: {  	s1 =	rddreg [dreg:$0x1];
	p0 =	sne.s32 s2, $0x0  }
0xfe: {  	s3 =	rddreg [dreg:$0x2];
	[bflag:$0x3] =	sbarrier.arrive $0xFFFF;
	s2 =	simm.s32 @!p0 $0x1C05  }
0xff: {  	[timem:s3], [sflag:s2] =	dma.local @!p0 [hbm:s0], s1  }
0x100: {  	s0 =	simm.s32 @!p0 $0x5  }
0x101: {  	_ =	swait.ge @!p0 [sflag:s0], s1  }
0x102: {  	s1 =	ssub.s32 @!p0 $0x0, s1;
	[sflag:s0] =	ssyncset.done @!p0 $0x0  }
0x103: {  	[sflag:s0] =	ssyncadd.s32 @!p0 s1  }
0x104: {  	[bflag:$0x3] =	sbarrier.arrive $0xFFFF  }
0x105: {  	_ =	shalt  }

// kernel: kernel.13.cloned.1.call-start
scs
__scs_entry_jumppad:
0x0: {  	(pc) =	sbr.rel $0x88, $3  }
0x1: {  	(tag) =	ssettag $0x0;
	lr =	simm.s32 $0x1  }
0x2: {  	[smem:$0x3F8F] =	sst lr;
	_ =	strace $0xD0000000  }
0x3: {  	_ = 	snop  }
0x4: {  	_ = 	snop  }
0x5: {  	_ = 	snop  }
0x6: {  	_ = 	snop  }
0x7: {  	_ = 	snop  }
__scs_overlays_trampoline_lowered:
0x8: {  	[smem:$0x3F9E] =	sst s0  }
0x9: {  	[smem:$0x3F9F] =	sst s1  }
0xa: {  	[smem:$0x3FA0] =	sst s2  }
0xb: {  	[smem:$0x3FA1] =	sst s3  }
0xc: {  	[smem:$0x3FA2] =	sst s4  }
0xd: {  	[smem:$0x3FA3] =	sst s5  }
0xe: {  	[smem:$0x3FA4] =	sst s6  }
0xf: {  	[smem:$0x3FA5] =	sst s7  }
0x10: {  	[smem:$0x3FA6] =	sst s8  }
0x11: {  	[smem:$0x3FA7] =	sst s9;
	s0 =	simm.s32 @!p0 $0x0  }
0x12: {  	s1 =	sld [smem:$0x3F8D];
	s0 =	simm.s32 @p0 $0x1  }
0x13: {  	[smem:$0x3FA8] =	sst s0;
	s0 =	simm.s32 @!p1 $0x0  }
0x14: {  	s2 =	sld [smem:$0x3F8C];
	s0 =	simm.s32 @p1 $0x1  }
0x15: {  	[smem:$0x3FA9] =	sst s0;
	s0 =	simm.s32 @!p2 $0x0  }
0x16: {  	s3 =	sld [smem:$0x3FDB];
	s0 =	simm.s32 @p2 $0x1  }
0x17: {  	s4 =	simm.s32 $0x1BF5;
	[smem:$0x3FAB] =	sst s0  }
0x18: {  	s0 =	sld [smem:$0x3F8E];
	_ =	swait.ge [sflag:s4], $0x0  }
0x19: {  	s7 =	sld [smem:$0x3F8F]  }
0x1a: {  	s8 =	sadd.s32 $0xFFFFE003, lr  }
0x1b: {  	s9 =	sadd.s32 $0xFFFFFEF7, lr;
	s5 =	simm.s32 $0xFFFFFFFF;
	p2 =	slt.u32 s8, $0xFFFFF086  }
0x1c: {  	p1 =	slt.u32 s9, $0xF7A;
	s5 =	simm.s32 @!p2 $0x0  }
0x1d: {  	s5 =	simm.s32 @p1 $0x1;
	p0 =	seq.s32 s7, s2  }
0x1e: {  	s7 =	smul.u32 @!p0 $0xF7A, s2;
	p2 =	seq.s32 @!p0 s5, $0x0  }
0x1f: {  	s9 =	smul.u32 $0xF7A, s1;
	s8 =	simm.s32 @!p0 $0x1BF5;
	p2 =	por !p2, p0  }
0x20: {  	[sflag:s8] =	ssyncset.s32 @!p0 $0xFFFFF086;
	s6 =	sadd.s32 @!p0 s3, s7;
	s7 =	simm.s32 @!p0 $0x108  }
0x21: {  	s3 =	sadd.s32 s3, s9;
	s6 =	sadd.s32 @!p0 $0x88, s6;
	s7 =	simm.s32 @p2 $0x1082  }
0x22: {  	[simem:s7], [sflag:s8] =	dma.local @!p0 [hbm:s6], $0xF7A  }
0x23: {  	s9 =	sor.u32 $0xD0000000, s2;
	s6 =	simm.s32 $0x108;
	_ =	swait.ge @!p0 [sflag:s8], $0x0  }
0x24: {  	s3 =	sadd.s32 $0x88, s3;
	s6 =	simm.s32 @!p1 $0x1082;
	[sflag:s4] =	ssyncset.s32 $0xFFFFF086  }
0x25: {  	[simem:s6], [sflag:s4] =	dma.local [hbm:s3], $0xF7A  }
0x26: {  	[smem:$0x3F8F] =	sst s1;
	(tag) =	ssettag s2;
	_ =	strace s9  }
0x27: {  	s1 =	sld [smem:$0x3F9F]  }
0x28: {  	s2 =	sld [smem:$0x3FA0]  }
0x29: {  	s4 =	sld [smem:$0x3FA2]  }
0x2a: {  	p0 =	seq.s32 s5, $0x0;
	s5 =	sld [smem:$0x3FA3]  }
0x2b: {  	s6 =	sld [smem:$0x3FA4]  }
0x2c: {  	s7 =	sld [smem:$0x3FA5]  }
0x2d: {  	s3 =	simm.s32 $0x108;
	s8 =	sld [smem:$0x3FA6]  }
0x2e: {  	s3 =	simm.s32 @!p0 $0x1082;
	s9 =	sld [smem:$0x3FA7]  }
0x2f: {  	lr =	sadd.s32 s0, s3;
	s0 =	sld [smem:$0x3F9E]  }
0x30: {  	s3 =	sld [smem:$0x3FA1]  }
0x31: {  	[smem:$0x3FAA] =	sst s10  }
0x32: {  	s10 =	sld [smem:$0x3FA8];
	_ =	sdelay $0x3  }
0x33: {  	p0 =	seq.s32 s10, $0x1;
	s10 =	sld [smem:$0x3FAA];
	_ =	sdelay $0x3  }
0x34: {  	[smem:$0x3FAA] =	sst s10  }
0x35: {  	s10 =	sld [smem:$0x3FA9];
	_ =	sdelay $0x3  }
0x36: {  	p1 =	seq.s32 s10, $0x1;
	s10 =	sld [smem:$0x3FAA];
	_ =	sdelay $0x3  }
0x37: {  	[smem:$0x3FAA] =	sst s10  }
0x38: {  	s10 =	sld [smem:$0x3FAB]  }
0x39: {  	_ = 	snop;
	(pc) =	sbr.ind lr, $3  }
0x3a: {  	_ = 	snop  }
0x3b: {  	_ = 	snop  }
0x3c: {  	p2 =	seq.s32 s10, $0x1;
	s10 =	sld [smem:$0x3FAA]  }
0x3d: {  	_ =	shalt  }
0x3e: {  	_ =	shalt  }
0x3f: {  	_ =	shalt  }
0x40: {  	_ =	shalt  }
0x41: {  	_ =	shalt  }
0x42: {  	_ =	shalt  }
0x43: {  	_ =	shalt  }
0x44: {  	_ =	shalt  }
0x45: {  	_ =	shalt  }
0x46: {  	_ =	shalt  }
0x47: {  	_ =	shalt  }
0x48: {  	_ =	shalt  }
0x49: {  	_ =	shalt  }
0x4a: {  	_ =	shalt  }
0x4b: {  	_ =	shalt  }
0x4c: {  	_ =	shalt  }
0x4d: {  	_ =	shalt  }
0x4e: {  	_ =	shalt  }
0x4f: {  	_ =	shalt  }
0x50: {  	_ =	shalt  }
0x51: {  	_ =	shalt  }
0x52: {  	_ =	shalt  }
0x53: {  	_ =	shalt  }
0x54: {  	_ =	shalt  }
0x55: {  	_ =	shalt  }
0x56: {  	_ =	shalt  }
0x57: {  	_ =	shalt  }
0x58: {  	_ =	shalt  }
0x59: {  	_ =	shalt  }
0x5a: {  	_ =	shalt  }
0x5b: {  	_ =	shalt  }
0x5c: {  	_ =	shalt  }
0x5d: {  	_ =	shalt  }
0x5e: {  	_ =	shalt  }
0x5f: {  	_ =	shalt  }
0x60: {  	_ =	shalt  }
0x61: {  	_ =	shalt  }
0x62: {  	_ =	shalt  }
0x63: {  	_ =	shalt  }
0x64: {  	_ =	shalt  }
0x65: {  	_ =	shalt  }
0x66: {  	_ =	shalt  }
0x67: {  	_ =	shalt  }
0x68: {  	_ =	shalt  }
0x69: {  	_ =	shalt  }
0x6a: {  	_ =	shalt  }
0x6b: {  	_ =	shalt  }
0x6c: {  	_ =	shalt  }
0x6d: {  	_ =	shalt  }
0x6e: {  	_ =	shalt  }
0x6f: {  	_ =	shalt  }
0x70: {  	_ =	shalt  }
0x71: {  	_ =	shalt  }
0x72: {  	_ =	shalt  }
0x73: {  	_ =	shalt  }
0x74: {  	_ =	shalt  }
0x75: {  	_ =	shalt  }
0x76: {  	_ =	shalt  }
0x77: {  	_ =	shalt  }
0x78: {  	_ =	shalt  }
0x79: {  	_ =	shalt  }
0x7a: {  	_ =	shalt  }
0x7b: {  	_ =	shalt  }
0x7c: {  	_ =	shalt  }
0x7d: {  	_ =	shalt  }
0x7e: {  	_ =	shalt  }
0x7f: {  	_ =	shalt  }
0x80: {  	_ =	shalt  }
0x81: {  	_ =	shalt  }
0x82: {  	_ =	shalt  }
0x83: {  	_ =	shalt  }
0x84: {  	_ =	shalt  }
0x85: {  	_ =	shalt  }
0x86: {  	_ =	shalt  }
0x87: {  	_ =	shalt  }
.Lfunc_end0:
.L_simem_size_0:
called_computation.1_lowered:
.L_overlay_start_0:
0x88: {  	s2 =	sld [smem:$0x3FD9]  }
0x89: {  	s3 =	sld [smem:$0x3FFE];
	_ =	sdelay $0x1  }
0x8a: {  	s1 =	srdreg.scid  }
0x8b: {  	s0 =	sand.u32 $0x1, s1  }
0x8c: {  	s17 =	sshll.u32 s0, $0xA;
	s2 =	sadd.s32 s3, s2  }
0x8d: {  	s2 =	sadd.s32 s2, s17  }
0x8e: {  	[smem:$0x3FB6] =	sst s2  }
0x8f: {  	_ = 	snop  }
0x90: {  	(tm) =	ssettm $0x1  }
0x91: {  	s18 =	sld [smem:$0x3FFB];
	_ =	sdelay $0x3  }
0x92: {  	_ =	strace s18  }
0x93: {  	s2 =	sld [smem:$0x3FFC];
	_ =	sdelay $0x3  }
0x94: {  	_ =	strace s2  }
0x95: {  	s2 =	sld [smem:$0x3FFD];
	_ =	sdelay $0x3  }
0x96: {  	_ =	strace s2  }
0x97: {  	_ =	strace $0x8FFFFFFF  }
0x98: {  	s19 =	sld [smem:$0x3FDB];
	_ =	sdelay $0x1  }
0x99: {  	s20 =	simm.s32 $_scs_section_size  }
0x9a: {  	s4 =	simm.s32 $_size__tile_overlayer_lowered;
	s5 =	simm.s32 $_tile_overlayer_lowered  }
0x9b: {  	s6 =	simm.s32 $0x1BFF;
	s21 =	sshll.u32 s5, $0x1;
	s3 =	sadd.s32 s20, s19  }
0x9c: {  	s22 =	simm.s32 $0x0;
	s4 =	sshll.u32 s4, $0x1;
	s5 =	sadd.s32 s21, s3  }
0x9d: {  	[timem:s22], [sflag:s6] =	dma.local [hbm:s5], s4  }
0x9e: {  	_ =	swait.ge [sflag:s6], s4  }
0x9f: {  	s4 =	ssub.s32 $0x0, s4;
	[sflag:s6] =	ssyncset.done $0x0  }
0xa0: {  	[sflag:s6] =	ssyncadd.s32 s4;
	_ =	sdelay $0x1  }
0xa1: {  	s23 =	simm.s32 $0x1B8B  }
0xa2: {  	_ =	swait.ge [sflag:s23], $0x1  }
0xa3: {  	[sflag:s23] =	ssyncset.done $0x0  }
0xa4: {  	[sflag:s23] =	ssyncadd.s32 $0xFFFFFFFF  }
0xa5: {  	s4 =	sld [smem:$0x0]  }
0xa6: {  	s5 =	sand.u32 $0xFFFFFFFE, s1  }
0xa7: {  	p0 =	sne.s32 s1, s5  }
0xa8: {  	s5 =	sshll.u32 @p0 s5, $0xE  }
0xa9: {  	s5 =	sadd.s32 @p0 $0x11B8D, s5;
	s6 =	sshll.u32 @p0 s4, $0x11  }
0xaa: {  	s5 =	sor.u32 @p0 s6, s5  }
0xab: {  	[sflag:s5] =	ssyncadd.remote.s32 @p0 $0x1;
	_ =	sdelay $0x1  }
0xac: {  	s5 =	simm.s32 @p0 $0x1B8D  }
0xad: {  	_ =	swait.eq @p0 [sflag:s5], $0x1  }
0xae: {  	[sflag:s5] =	ssyncadd.s32 @p0 $0xFFFFFFFF  }
0xaf: {  	s6 =	sshll.u32 @!p0 s1, $0xE  }
0xb0: {  	s6 =	sor.u32 @!p0 $0x4000, s6;
	s5 =	simm.s32 @!p0 $0x1B8D  }
0xb1: {  	s4 =	sshll.u32 @!p0 s4, $0x11;
	s6 =	sadd.s32 @!p0 $0x11B8D, s6;
	_ =	swait.eq @!p0 [sflag:s5], $0x1  }
0xb2: {  	s4 =	sor.u32 @!p0 s4, s6;
	[sflag:s5] =	ssyncadd.s32 @!p0 $0xFFFFFFFF  }
0xb3: {  	s25 =	simm.s32 $0x1B8E;
	s24 =	sld [smem:$0x3FFE];
	[sflag:s4] =	ssyncadd.remote.s32 @!p0 $0x1  }
0xb4: {  	s26 =	simm.s32 $execute0_lowered;
	[smem:$0x3FD2] =	sst s25  }
0xb5: {  	s5 =	sshll.u32 s26, $0x1;
	_ =	strace $0x8000004F;
	[dreg:$0x1] =	wrdreg $0xFFFFFFFF  }
0xb6: {  	s28 =	simm.s32 $_size_execute0_lowered;
	s3 =	sadd.s32 s3, s5;
	[dreg:$0x0] =	wrdreg $0x0  }
0xb7: {  	s5 =	sshll.u32 s28, $0x1;
	[dreg:$0x2] =	wrdreg s3  }
0xb8: {  	[dreg:$0x3] =	wrdreg s5  }
0xb9: {  	[dreg:$0x4] =	wrdreg $0xC0  }
0xba: {  	_ =	task [dreg:s22], $0x5FFFF  }
0xbb: {  	[dreg:$0x1] =	wrdreg $0xFFFFFFFF  }
0xbc: {  	[dreg:$0x0] =	wrdreg $0x60  }
0xbd: {  	[dreg:$0x2] =	wrdreg s24  }
0xbe: {  	[dreg:$0x3] =	wrdreg $0x81800  }
0xbf: {  	[dreg:$0x4] =	wrdreg $0x9  }
0xc0: {  	_ =	task.clear_ibuf [dreg:s22], $0x5FFFF;
	_ =	strace $0x9000004F  }
0xc1: {  	s29 =	simm.s32 $0x9;
	_ =	strace $0x80000051  }
0xc2: {  	_ =	swait.ge [sflag:s29], $0x1  }
0xc3: {  	[sflag:s29] =	ssyncadd.s32 $0xFFFFFFFF  }
0xc4: {  	_ =	strace $0x90000051  }
0xc5: {  	_ =	sfence  }
0xc6: {  	s30 =	sld [smem:$0x0];
	_ =	sdelay $0x2  }
0xc7: {  	s31 =	sshll.u32 s1, $0xD;
	s1 =	sshrl.u32 s1, $0x2  }
0xc8: {  	s4 =	sand.u32 $0x4000, s31;
	s1 =	sadd.s32 s1, s30  }
0xc9: {  	s0 =	sor.u32 s4, s0;
	s1 =	sshll.u32 s1, $0x11  }
0xca: {  	s0 =	sor.u32 s1, s0  }
0xcb: {  	s0 =	sadd.s32 $0x8F2B, s0  }
0xcc: {  	[sflag:s0] =	ssyncadd.remote.s32 $0x1  }
0xcd: {  	_ =	sfence.sel $0xFFFF  }
0xce: {  	[dreg:$0x0] =	wrdreg $0xFFFFFFFF;
	(pc) =	sbr.abs _section_cstart, $3  }
0xcf: {  	[dreg:$0x1] =	wrdreg $0xFFFFFFFF  }
0xd0: {  	_ =	task.clear_ibuf [dreg:s22], $0x2FFFF;
	_ =	strace $0x9FFFFFFF  }
0xd1: {  	(tm) =	ssettm $0x7FFFFFFF  }
tec
execute0_lowered:
.L_overlay_start_1:
0x0: {  	(tag) =	ssettag $0x1  }
0x1: {  	s3 =	rddreg [dreg:$0x0]  }
0x2: {  	s1 =	rddreg [dreg:$0x1];
	s2 =	simm.s32 $0x0  }
0x3: {  	s5 =	srdreg.scid;
	s15 =	stileid.u32;
	s28 =	simm.s32 $0x80  }
0x4: {  	s29 =	simm.s32 $0x4180;
	s30 =	simm.s32 $0x1;
	[smem:$0x7FF] =	sst s2  }
0x5: {  	s31 =	simm.s32 $0x3;
	s0 =	sadd.s32 $0x569A00, s3;
	s4 =	sadd.s32 $0xF32A00, s3  }
0x6: {  	s6 =	sand.u32 $0x1, s5;
	s5 =	sadd.s32 $0x8400, s3;
	s8 =	smul.u32 $0x4E000, s15  }
0x7: {  	s3 =	sadd.s32 $0xD0C00, s3;
	s20 =	smul.u32 $0x138800, s15;
	s21 =	sshll.u32 s15, $0x6  }
0x8: {  	s11 =	smul.u32 $0x2710, s15;
	s12 =	sadd.s32 $0x138000, s1;
	p0 =	sne.s32 s15, $0xF  }
0x9: {  	_ =	strace $0x80000050;
	s7 =	ssub.s32 $0x2, s6;
	s10 =	smul.u32 $0x1388000, s6  }
0xa: {  	[dreg:$0x4] =	wrdreg s12;
	s6 =	smul.u32 $0x138800, s6;
	s9 =	sshrl.u32 s7, $0x1  }
0xb: {  	s19 =	sshrl.u32 s8, $0x2;
	s22 =	sshrl.u32 s11, $0x3;
	s14 =	sadd.s32 $0x80, s11  }
0xc: {  	s26 =	sadd.s32 $0x2600, s11;
	s9 =	ssub.s32 s7, s9;
	s7 =	sadd.s32 s19, s1  }
0xd: {  	s8 =	sadd.s32 s20, s10;
	s12 =	sadd.s32 s0, s22;
	s24 =	sshll.u32 s14, $0x7  }
0xe: {  	s25 =	sshrl.u32 s14, $0x3;
	s16 =	sshll.u32 s26, $0x7;
	s17 =	sshrl.u32 s26, $0x3  }
0xf: {  	s19 =	sadd.s32 $0x2680, s11;
	s11 =	sadd.s32 $0x2700, s11;
	[dreg:$0x3] =	wrdreg s7  }
0x10: {  	s7 =	sor.u32 $0x1C05, s21;
	s13 =	sshrl.u32 s8, $0x3;
	[dreg:$0x5] =	wrdreg s12  }
0x11: {  	s12 =	sadd.s32 s10, s24;
	s20 =	sshrl.u32 s19, $0x3;
	s22 =	sshll.u32 s11, $0x7  }
0x12: {  	s11 =	sshrl.u32 s11, $0x3;
	s26 =	sadd.s32 $0xC000, s8;
	s23 =	sadd.s32 s4, s13  }
0x13: {  	s13 =	sadd.s32 s0, s25;
	s12 =	sshrl.u32 s12, $0x3;
	[dreg:$0x6] =	wrdreg s23  }
0x14: {  	s25 =	smul.u32 $0x4E2, s15;
	[dreg:$0x7] =	wrdreg s13;
	s12 =	sadd.s32 s4, s12  }
0x15: {  	s13 =	sadd.s32 s10, s16;
	s23 =	smul.u32 $0x13800, s15;
	[dreg:$0x8] =	wrdreg s12  }
0x16: {  	s12 =	sadd.s32 s0, s17;
	s18 =	sshrl.u32 s13, $0x3;
	s13 =	sshll.u32 s19, $0x7  }
0x17: {  	s17 =	sadd.s32 s0, s11;
	[dreg:$0x9] =	wrdreg s12;
	s12 =	sadd.s32 s4, s18  }
0x18: {  	s21 =	sadd.s32 s10, s13;
	s10 =	sadd.s32 s10, s22;
	s24 =	sadd.s32 s23, s6  }
0x19: {  	s6 =	sshrl.u32 s6, $0x3;
	[dreg:$0xa] =	wrdreg s12;
	s12 =	sadd.s32 s0, s20  }
0x1a: {  	s10 =	sshrl.u32 s10, $0x3;
	s6 =	sadd.s32 s3, s6;
	s0 =	sadd.s32 s25, s0  }
0x1b: {  	s25 =	simm.s32 $0x5;
	[dreg:$0xb] =	wrdreg s12;
	s12 =	sshrl.u32 s21, $0x3  }
0x1c: {  	s18 =	sadd.s32 s4, s10;
	s10 =	sshrl.u32 s24, $0x3;
	s20 =	sadd.s32 $0x27000, s6  }
0x1d: {  	s21 =	smax.u32 s9, $0x1;
	s23 =	sadd.s32 $0x30, s0;
	s24 =	sadd.s32 $0x8000, s8  }
0x1e: {  	s0 =	simm.s32 $0x2;
	s6 =	simm.s32 $0x100;
	s8 =	simm.s32 $0x0  }
0x1f: {  	s16 =	sadd.s32 s4, s12;
	s19 =	sadd.s32 s3, s10;
	s3 =	sshrl.u32 s26, $0x3  }
0x20: {  	s26 =	simm.s32 $0x180;
	s22 =	sadd.s32 s3, s4;
	s3 =	simm.s32 $0x4  }
.LBB2_1:
0x21: {  	s9 =	rddreg [dreg:$0x3]  }
0x22: {  	s9 =	sshrl.u32 s9, $0x3  }
0x23: {  	[spmem:s9], [sflag:s7] =	dma.local [hbm:s5], $0x2700  }
0x24: {  	_ =	swait.ge [sflag:s25], $0x2700  }
0x25: {  	[sflag:s25] =	ssyncset.done $0x0;
	s10 =	rddreg [dreg:$0x4]  }
0x26: {  	s11 =	simm.s32 @!p0 $0x5;
	[sflag:s25] =	ssyncadd.s32 $0xFFFFD900;
	s10 =	sshrl.u32 @!p0 s10, $0x3  }
0x27: {  	[spmem:s10], [sflag:s7] =	dma.local @!p0 [hbm:s5], $0x100  }
0x28: {  	_ =	swait.ge @!p0 [sflag:s11], $0x100  }
0x29: {  	[sflag:s11] =	ssyncset.done @!p0 $0x0  }
0x2a: {  	[sflag:s11] =	ssyncadd.s32 @!p0 $0xFFFFFF00  }
0x2b: {  	[bflag:$0x0] =	sbarrier.arrive $0xFFFF  }
0x2c: {  	s14 =	rddreg [dreg:$0x5]  }
0x2d: {  	[tilespmem:s2], [sflag:$0x5] =	stream.linear.gather [hbm4b:s14+s2], $0x80, $0x38;
	[tilespmem:$0x1BA00] =	vst v63  }
0x2e: {  	_ =	swait.ge [sflag:s25], $0x80  }
0x2f: {  	[sflag:s25] =	ssyncset.done $0x0  }
0x30: {  	s15 =	rddreg [dreg:$0x6];
	[sflag:s25] =	ssyncadd.s32 $0xFFFFFF80  }
0x31: {  	[tilespmem:s26], [sflag:$0x1] =	stream.linear.gather [hbm4b:s15+s2], $0x4000, $0x38;
	[tilespmem:$0x1BA00] =	vst v63  }
0x32: {  	s12 =	rddreg [dreg:$0x7]  }
0x33: {  	[tilespmem:s28], [sflag:$0x5] =	stream.linear.gather [hbm4b:s12+s2], $0x80, $0x38;
	[tilespmem:$0x1BA00] =	vst v63  }
0x34: {  	_ =	swait.ge [sflag:s25], $0x80  }
0x35: {  	[sflag:s25] =	ssyncset.done $0x0  }
0x36: {  	s13 =	rddreg [dreg:$0x8];
	[sflag:s25] =	ssyncadd.s32 $0xFFFFFF80  }
0x37: {  	[tilespmem:s29], [sflag:$0x2] =	stream.linear.gather [hbm4b:s13+s2], $0x4000, $0x38;
	[tilespmem:$0x1BA00] =	vst v63  }
0x38: {  	_ =	swait.ge [sflag:s30], $0x4000  }
0x39: {  	[sflag:s30] =	ssyncset.done $0x0  }
0x3a: {  	[sflag:s30] =	ssyncadd.s32 $0xFFFFC000  }
0x3b: {  	[spmem:s1] =	stream.indirect.scatter.add.f32 [tilespmem:s26], [sflag:$0x3], $0x80, s2, s28, $0xb8;
	[tilespmem:$0x1BA00] =	vst v63  }
0x3c: {  	_ =	swait.ge [sflag:s31], $0x4000  }
0x3d: {  	[sflag:s31] =	ssyncset.done $0x0  }
0x3e: {  	s14 =	sadd.s32 $0xFFFFFFF0, s23;
	[sflag:s31] =	ssyncadd.s32 $0xFFFFC000  }
0x3f: {  	[tilespmem:s2], [sflag:$0x5] =	stream.linear.gather [hbm4b:s14+s2], $0x80, $0x38;
	[tilespmem:$0x1BA00] =	vst v63  }
0x40: {  	_ =	swait.ge [sflag:s25], $0x80  }
0x41: {  	s15 =	sshrl.u32 s24, $0x3;
	[sflag:s25] =	ssyncset.done $0x0  }
0x42: {  	s11 =	sadd.s32 s4, s15;
	[sflag:s25] =	ssyncadd.s32 $0xFFFFFF80  }
0x43: {  	[tilespmem:s26], [sflag:$0x1] =	stream.linear.gather [hbm4b:s11+s2], $0x4000, $0x38;
	[tilespmem:$0x1BA00] =	vst v63  }
0x44: {  	_ =	swait.ge [sflag:s0], $0x4000  }
0x45: {  	[sflag:s0] =	ssyncset.done $0x0  }
0x46: {  	[sflag:s0] =	ssyncadd.s32 $0xFFFFC000  }
0x47: {  	[spmem:s1] =	stream.indirect.scatter.add.f32 [tilespmem:s29], [sflag:$0x4], $0x80, s28, s28, $0xb8;
	[tilespmem:$0x1BA00] =	vst v63  }
0x48: {  	_ =	swait.ge [sflag:s3], $0x4000  }
0x49: {  	[sflag:s3] =	ssyncset.done $0x0  }
0x4a: {  	[sflag:s3] =	ssyncadd.s32 $0xFFFFC000  }
0x4b: {  	[tilespmem:s28], [sflag:$0x5] =	stream.linear.gather [hbm4b:s23+s2], $0x80, $0x38;
	[tilespmem:$0x1BA00] =	vst v63  }
0x4c: {  	_ =	swait.ge [sflag:s25], $0x80  }
0x4d: {  	s12 =	sadd.s32 $0x8000, s24;
	s13 =	sadd.s32 $0x20, s23;
	[sflag:s25] =	ssyncset.done $0x0  }
0x4e: {  	s14 =	sadd.s32 $0x0, s22;
	s11 =	simm.s32 $0x1000;
	[sflag:s25] =	ssyncadd.s32 $0xFFFFFF80  }
.LBB2_2:
0x4f: {  	[tilespmem:s29], [sflag:$0x2] =	stream.linear.gather [hbm4b:s14+s2], $0x4000, $0x38;
	[tilespmem:$0x1BA00] =	vst v63  }
0x50: {  	s14 =	smov.u32 s11  }
0x51: {  	p1 =	sne.s32 s11, $0x24000;
	s11 =	sadd.s32 $0x1000, s11;
	_ =	swait.ge [sflag:s30], $0x4000  }
0x52: {  	[sflag:s30] =	ssyncset.done $0x0  }
0x53: {  	[sflag:s30] =	ssyncadd.s32 $0xFFFFC000  }
0x54: {  	[spmem:s1] =	stream.indirect.scatter.add.f32 [tilespmem:s26], [sflag:$0x3], $0x80, s2, s28, $0xb8;
	[tilespmem:$0x1BA00] =	vst v63  }
0x55: {  	_ =	swait.ge [sflag:s31], $0x4000  }
0x56: {  	[sflag:s31] =	ssyncset.done $0x0  }
0x57: {  	s15 =	sadd.s32 $0xFFFFFFF0, s13;
	[sflag:s31] =	ssyncadd.s32 $0xFFFFC000  }
0x58: {  	[tilespmem:s2], [sflag:$0x5] =	stream.linear.gather [hbm4b:s15+s2], $0x80, $0x38;
	[tilespmem:$0x1BA00] =	vst v63  }
0x59: {  	_ =	swait.ge [sflag:s25], $0x80  }
0x5a: {  	s15 =	sshrl.u32 s12, $0x3;
	[sflag:s25] =	ssyncset.done $0x0  }
0x5b: {  	s15 =	sadd.s32 s4, s15;
	[sflag:s25] =	ssyncadd.s32 $0xFFFFFF80  }
0x5c: {  	[tilespmem:s26], [sflag:$0x1] =	stream.linear.gather [hbm4b:s15+s2], $0x4000, $0x38;
	[tilespmem:$0x1BA00] =	vst v63  }
0x5d: {  	_ =	swait.ge [sflag:s0], $0x4000  }
0x5e: {  	[sflag:s0] =	ssyncset.done $0x0  }
0x5f: {  	[sflag:s0] =	ssyncadd.s32 $0xFFFFC000  }
0x60: {  	[spmem:s1] =	stream.indirect.scatter.add.f32 [tilespmem:s29], [sflag:$0x4], $0x80, s28, s28, $0xb8;
	[tilespmem:$0x1BA00] =	vst v63  }
0x61: {  	_ =	swait.ge [sflag:s3], $0x4000  }
0x62: {  	[sflag:s3] =	ssyncset.done $0x0  }
.Ltmp0:
0x63: {  	[sflag:s3] =	ssyncadd.s32 $0xFFFFC000;
	(pc) =	sbr.rel @p1 .LBB2_2-.Ltmp0, $4  }
0x64: {  	[tilespmem:s28], [sflag:$0x5] =	stream.linear.gather [hbm4b:s13+s2], $0x80, $0x38;
	[tilespmem:$0x1BA00] =	vst v63  }
0x65: {  	_ =	swait.ge [sflag:s25], $0x80  }
0x66: {  	s12 =	sadd.s32 $0x8000, s12;
	[sflag:s25] =	ssyncset.done $0x0  }
0x67: {  	s14 =	sadd.s32 s14, s22;
	s13 =	sadd.s32 $0x20, s13;
	[sflag:s25] =	ssyncadd.s32 $0xFFFFFF80  }
0x68: {  	[tilespmem:s29], [sflag:$0x2] =	stream.linear.gather [hbm4b:s14+s2], $0x4000, $0x38;
	[tilespmem:$0x1BA00] =	vst v63  }
0x69: {  	_ =	swait.ge [sflag:s30], $0x4000  }
0x6a: {  	[sflag:s30] =	ssyncset.done $0x0  }
0x6b: {  	[sflag:s30] =	ssyncadd.s32 $0xFFFFC000  }
0x6c: {  	[spmem:s1] =	stream.indirect.scatter.add.f32 [tilespmem:s26], [sflag:$0x3], $0x80, s2, s28, $0xb8;
	[tilespmem:$0x1BA00] =	vst v63  }
0x6d: {  	_ =	swait.ge [sflag:s31], $0x4000  }
0x6e: {  	[sflag:s31] =	ssyncset.done $0x0  }
0x6f: {  	s11 =	rddreg [dreg:$0x9];
	[sflag:s31] =	ssyncadd.s32 $0xFFFFC000  }
0x70: {  	[tilespmem:s2], [sflag:$0x5] =	stream.linear.gather [hbm4b:s11+s2], $0x80, $0x38;
	[tilespmem:$0x1BA00] =	vst v63  }
0x71: {  	_ =	swait.ge [sflag:s25], $0x80  }
0x72: {  	[sflag:s25] =	ssyncset.done $0x0  }
0x73: {  	s13 =	rddreg [dreg:$0xa];
	[sflag:s25] =	ssyncadd.s32 $0xFFFFFF80  }
0x74: {  	[tilespmem:s26], [sflag:$0x1] =	stream.linear.gather [hbm4b:s13+s2], $0x4000, $0x38;
	[tilespmem:$0x1BA00] =	vst v63  }
0x75: {  	_ =	swait.ge [sflag:s0], $0x4000  }
0x76: {  	[sflag:s0] =	ssyncset.done $0x0  }
0x77: {  	[sflag:s0] =	ssyncadd.s32 $0xFFFFC000  }
0x78: {  	[spmem:s1] =	stream.indirect.scatter.add.f32 [tilespmem:s29], [sflag:$0x4], $0x80, s28, s28, $0xb8;
	[tilespmem:$0x1BA00] =	vst v63  }
0x79: {  	_ =	swait.ge [sflag:s3], $0x4000  }
0x7a: {  	[sflag:s3] =	ssyncset.done $0x0  }
0x7b: {  	s14 =	rddreg [dreg:$0xb];
	[sflag:s3] =	ssyncadd.s32 $0xFFFFC000  }
0x7c: {  	[tilespmem:s28], [sflag:$0x5] =	stream.linear.gather [hbm4b:s14+s2], $0x80, $0x38;
	[tilespmem:$0x1BA00] =	vst v63  }
0x7d: {  	_ =	swait.ge [sflag:s25], $0x80  }
0x7e: {  	[sflag:s25] =	ssyncset.done $0x0  }
0x7f: {  	[sflag:s25] =	ssyncadd.s32 $0xFFFFFF80  }
0x80: {  	[tilespmem:s29], [sflag:$0x2] =	stream.linear.gather [hbm4b:s16+s2], $0x4000, $0x38;
	[tilespmem:$0x1BA00] =	vst v63  }
0x81: {  	_ =	swait.ge [sflag:s30], $0x4000  }
0x82: {  	[sflag:s30] =	ssyncset.done $0x0  }
0x83: {  	[sflag:s30] =	ssyncadd.s32 $0xFFFFC000  }
0x84: {  	[spmem:s1] =	stream.indirect.scatter.add.f32 [tilespmem:s26], [sflag:$0x3], $0x80, s2, s28, $0xb8;
	[tilespmem:$0x1BA00] =	vst v63  }
0x85: {  	_ =	swait.ge [sflag:s0], $0x4000  }
0x86: {  	[sflag:s0] =	ssyncset.done $0x0  }
0x87: {  	[sflag:s0] =	ssyncadd.s32 $0xFFFFC000  }
0x88: {  	[spmem:s1] =	stream.indirect.scatter.add.f32 [tilespmem:s29], [sflag:$0x4], $0x80, s28, s28, $0xb8;
	[tilespmem:$0x1BA00] =	vst v63  }
0x89: {  	_ =	swait.ge [sflag:s31], $0x4000  }
0x8a: {  	[sflag:s31] =	ssyncset.done $0x0  }
0x8b: {  	[sflag:s31] =	ssyncadd.s32 $0xFFFFC000  }
0x8c: {  	_ =	swait.ge [sflag:s3], $0x4000  }
0x8d: {  	[sflag:s3] =	ssyncset.done $0x0  }
0x8e: {  	[sflag:s3] =	ssyncadd.s32 $0xFFFFC000  }
0x8f: {  	[tilespmem:s6], [sflag:$0x5] =	stream.linear.gather [hbm4b:s17+s2], $0x10, $0x38;
	[tilespmem:$0x1BA00] =	vst v63  }
0x90: {  	_ =	swait.ge [sflag:s25], $0x10  }
0x91: {  	[sflag:s25] =	ssyncset.done $0x0  }
0x92: {  	[sflag:s25] =	ssyncadd.s32 $0xFFFFFFF0  }
0x93: {  	[tilespmem:s26], [sflag:$0x5] =	stream.linear.gather [hbm4b:s18+s2], $0x800, $0x38;
	[tilespmem:$0x1BA00] =	vst v63  }
0x94: {  	_ =	swait.ge [sflag:s25], $0x800  }
0x95: {  	[sflag:s25] =	ssyncset.done $0x0  }
0x96: {  	s15 =	simm.s32 $0x10;
	[sflag:s25] =	ssyncadd.s32 $0xFFFFF800  }
0x97: {  	[spmem:s1] =	stream.indirect.scatter.add.f32 [tilespmem:s26], [sflag:$0x5], $0x80, s6, s15, $0xb8;
	[tilespmem:$0x1BA00] =	vst v63  }
0x98: {  	_ =	swait.ge [sflag:s25], $0x800  }
0x99: {  	[sflag:s25] =	ssyncset.done $0x0  }
0x9a: {  	[sflag:s25] =	ssyncadd.s32 $0xFFFFF800  }
0x9b: {  	[bflag:$0x0] =	sbarrier.arrive $0xFFFF  }
0x9c: {  	[hbm:s19], [sflag:s7] =	dma.local [spmem:s9], $0x2700  }
0x9d: {  	s8 =	sadd.s32 $0x1, s8;
	_ =	swait.ge [sflag:s25], $0x2700  }
0x9e: {  	p1 =	sne.s32 s8, s21;
	[sflag:s25] =	ssyncset.done $0x0  }
.Ltmp1:
0x9f: {  	s9 =	simm.s32 @!p0 $0x5;
	[sflag:s25] =	ssyncadd.s32 $0xFFFFD900;
	(pc) =	sbr.rel @p1 .LBB2_1-.Ltmp1, $4  }
0xa0: {  	[hbm:s20], [sflag:s7] =	dma.local @!p0 [spmem:s10], $0x100  }
0xa1: {  	_ =	swait.ge @!p0 [sflag:s9], $0x100  }
0xa2: {  	[sflag:s9] =	ssyncset.done @!p0 $0x0  }
0xa3: {  	[sflag:s9] =	ssyncadd.s32 @!p0 $0xFFFFFF00  }
0xa4: {  	_ =	sfence.sel $0x180000  }
0xa5: {  	[bflag:$0x0] =	sbarrier.arrive $0xFFFF  }
0xa6: {  	_ =	strace $0x90000050  }
0xa7: {  	s0 =	stileid.u32;
	[bflag:$0x2] =	sbarrier.arrive $0xFFFF  }
0xa8: {  	p0 =	sne.s32 s0, $0x0;
	s0 =	rddreg [dreg:$0x2]  }
0xa9: {  	s0 =	sadd.s32 @!p0 $0x100000, s0  }
0xaa: {  	[sflag:s0] =	ssyncadd.tile.s32 @!p0 $0x1;
	_ =	shalt  }
.Lfunc_end2:
_tile_overlayer_lowered:
.L_overlay_start_2:
0xab: {  	(tag) =	ssettag $0x2  }
0xac: {  	s0 =	rddreg [dreg:$0x0];
	s2 =	stileid.u32  }
0xad: {  	s1 =	rddreg [dreg:$0x1];
	p0 =	sne.s32 s2, $0x0  }
0xae: {  	s3 =	rddreg [dreg:$0x2];
	[bflag:$0x3] =	sbarrier.arrive $0xFFFF;
	s2 =	simm.s32 @!p0 $0x1C05  }
0xaf: {  	[timem:s3], [sflag:s2] =	dma.local @!p0 [hbm:s0], s1  }
0xb0: {  	s0 =	simm.s32 @!p0 $0x5  }
0xb1: {  	_ =	swait.ge @!p0 [sflag:s0], s1  }
0xb2: {  	s1 =	ssub.s32 @!p0 $0x0, s1;
	[sflag:s0] =	ssyncset.done @!p0 $0x0  }
0xb3: {  	[sflag:s0] =	ssyncadd.s32 @!p0 s1  }
0xb4: {  	[bflag:$0x3] =	sbarrier.arrive $0xFFFF  }
0xb5: {  	_ =	shalt  }

// kernel: kernel.16.cloned.1.call-start
scs
__scs_entry_jumppad:
0x0: {  	(pc) =	sbr.rel $0x88, $3  }
0x1: {  	(tag) =	ssettag $0x0;
	lr =	simm.s32 $0x1  }
0x2: {  	[smem:$0x3F8F] =	sst lr;
	_ =	strace $0xD0000000  }
0x3: {  	_ = 	snop  }
0x4: {  	_ = 	snop  }
0x5: {  	_ = 	snop  }
0x6: {  	_ = 	snop  }
0x7: {  	_ = 	snop  }
__scs_overlays_trampoline_lowered:
0x8: {  	[smem:$0x3F9E] =	sst s0  }
0x9: {  	[smem:$0x3F9F] =	sst s1  }
0xa: {  	[smem:$0x3FA0] =	sst s2  }
0xb: {  	[smem:$0x3FA1] =	sst s3  }
0xc: {  	[smem:$0x3FA2] =	sst s4  }
0xd: {  	[smem:$0x3FA3] =	sst s5  }
0xe: {  	[smem:$0x3FA4] =	sst s6  }
0xf: {  	[smem:$0x3FA5] =	sst s7  }
0x10: {  	[smem:$0x3FA6] =	sst s8  }
0x11: {  	[smem:$0x3FA7] =	sst s9;
	s0 =	simm.s32 @!p0 $0x0  }
0x12: {  	s1 =	sld [smem:$0x3F8D];
	s0 =	simm.s32 @p0 $0x1  }
0x13: {  	[smem:$0x3FA8] =	sst s0;
	s0 =	simm.s32 @!p1 $0x0  }
0x14: {  	s2 =	sld [smem:$0x3F8C];
	s0 =	simm.s32 @p1 $0x1  }
0x15: {  	[smem:$0x3FA9] =	sst s0;
	s0 =	simm.s32 @!p2 $0x0  }
0x16: {  	s3 =	sld [smem:$0x3FDB];
	s0 =	simm.s32 @p2 $0x1  }
0x17: {  	s4 =	simm.s32 $0x1BF5;
	[smem:$0x3FAB] =	sst s0  }
0x18: {  	s0 =	sld [smem:$0x3F8E];
	_ =	swait.ge [sflag:s4], $0x0  }
0x19: {  	s7 =	sld [smem:$0x3F8F]  }
0x1a: {  	s8 =	sadd.s32 $0xFFFFE003, lr  }
0x1b: {  	s9 =	sadd.s32 $0xFFFFFEF7, lr;
	s5 =	simm.s32 $0xFFFFFFFF;
	p2 =	slt.u32 s8, $0xFFFFF086  }
0x1c: {  	p1 =	slt.u32 s9, $0xF7A;
	s5 =	simm.s32 @!p2 $0x0  }
0x1d: {  	s5 =	simm.s32 @p1 $0x1;
	p0 =	seq.s32 s7, s2  }
0x1e: {  	s7 =	smul.u32 @!p0 $0xF7A, s2;
	p2 =	seq.s32 @!p0 s5, $0x0  }
0x1f: {  	s9 =	smul.u32 $0xF7A, s1;
	s8 =	simm.s32 @!p0 $0x1BF5;
	p2 =	por !p2, p0  }
0x20: {  	[sflag:s8] =	ssyncset.s32 @!p0 $0xFFFFF086;
	s6 =	sadd.s32 @!p0 s3, s7;
	s7 =	simm.s32 @!p0 $0x108  }
0x21: {  	s3 =	sadd.s32 s3, s9;
	s6 =	sadd.s32 @!p0 $0x88, s6;
	s7 =	simm.s32 @p2 $0x1082  }
0x22: {  	[simem:s7], [sflag:s8] =	dma.local @!p0 [hbm:s6], $0xF7A  }
0x23: {  	s9 =	sor.u32 $0xD0000000, s2;
	s6 =	simm.s32 $0x108;
	_ =	swait.ge @!p0 [sflag:s8], $0x0  }
0x24: {  	s3 =	sadd.s32 $0x88, s3;
	s6 =	simm.s32 @!p1 $0x1082;
	[sflag:s4] =	ssyncset.s32 $0xFFFFF086  }
0x25: {  	[simem:s6], [sflag:s4] =	dma.local [hbm:s3], $0xF7A  }
0x26: {  	[smem:$0x3F8F] =	sst s1;
	(tag) =	ssettag s2;
	_ =	strace s9  }
0x27: {  	s1 =	sld [smem:$0x3F9F]  }
0x28: {  	s2 =	sld [smem:$0x3FA0]  }
0x29: {  	s4 =	sld [smem:$0x3FA2]  }
0x2a: {  	p0 =	seq.s32 s5, $0x0;
	s5 =	sld [smem:$0x3FA3]  }
0x2b: {  	s6 =	sld [smem:$0x3FA4]  }
0x2c: {  	s7 =	sld [smem:$0x3FA5]  }
0x2d: {  	s3 =	simm.s32 $0x108;
	s8 =	sld [smem:$0x3FA6]  }
0x2e: {  	s3 =	simm.s32 @!p0 $0x1082;
	s9 =	sld [smem:$0x3FA7]  }
0x2f: {  	lr =	sadd.s32 s0, s3;
	s0 =	sld [smem:$0x3F9E]  }
0x30: {  	s3 =	sld [smem:$0x3FA1]  }
0x31: {  	[smem:$0x3FAA] =	sst s10  }
0x32: {  	s10 =	sld [smem:$0x3FA8];
	_ =	sdelay $0x3  }
0x33: {  	p0 =	seq.s32 s10, $0x1;
	s10 =	sld [smem:$0x3FAA];
	_ =	sdelay $0x3  }
0x34: {  	[smem:$0x3FAA] =	sst s10  }
0x35: {  	s10 =	sld [smem:$0x3FA9];
	_ =	sdelay $0x3  }
0x36: {  	p1 =	seq.s32 s10, $0x1;
	s10 =	sld [smem:$0x3FAA];
	_ =	sdelay $0x3  }
0x37: {  	[smem:$0x3FAA] =	sst s10  }
0x38: {  	s10 =	sld [smem:$0x3FAB]  }
0x39: {  	_ = 	snop;
	(pc) =	sbr.ind lr, $3  }
0x3a: {  	_ = 	snop  }
0x3b: {  	_ = 	snop  }
0x3c: {  	p2 =	seq.s32 s10, $0x1;
	s10 =	sld [smem:$0x3FAA]  }
0x3d: {  	_ =	shalt  }
0x3e: {  	_ =	shalt  }
0x3f: {  	_ =	shalt  }
0x40: {  	_ =	shalt  }
0x41: {  	_ =	shalt  }
0x42: {  	_ =	shalt  }
0x43: {  	_ =	shalt  }
0x44: {  	_ =	shalt  }
0x45: {  	_ =	shalt  }
0x46: {  	_ =	shalt  }
0x47: {  	_ =	shalt  }
0x48: {  	_ =	shalt  }
0x49: {  	_ =	shalt  }
0x4a: {  	_ =	shalt  }
0x4b: {  	_ =	shalt  }
0x4c: {  	_ =	shalt  }
0x4d: {  	_ =	shalt  }
0x4e: {  	_ =	shalt  }
0x4f: {  	_ =	shalt  }
0x50: {  	_ =	shalt  }
0x51: {  	_ =	shalt  }
0x52: {  	_ =	shalt  }
0x53: {  	_ =	shalt  }
0x54: {  	_ =	shalt  }
0x55: {  	_ =	shalt  }
0x56: {  	_ =	shalt  }
0x57: {  	_ =	shalt  }
0x58: {  	_ =	shalt  }
0x59: {  	_ =	shalt  }
0x5a: {  	_ =	shalt  }
0x5b: {  	_ =	shalt  }
0x5c: {  	_ =	shalt  }
0x5d: {  	_ =	shalt  }
0x5e: {  	_ =	shalt  }
0x5f: {  	_ =	shalt  }
0x60: {  	_ =	shalt  }
0x61: {  	_ =	shalt  }
0x62: {  	_ =	shalt  }
0x63: {  	_ =	shalt  }
0x64: {  	_ =	shalt  }
0x65: {  	_ =	shalt  }
0x66: {  	_ =	shalt  }
0x67: {  	_ =	shalt  }
0x68: {  	_ =	shalt  }
0x69: {  	_ =	shalt  }
0x6a: {  	_ =	shalt  }
0x6b: {  	_ =	shalt  }
0x6c: {  	_ =	shalt  }
0x6d: {  	_ =	shalt  }
0x6e: {  	_ =	shalt  }
0x6f: {  	_ =	shalt  }
0x70: {  	_ =	shalt  }
0x71: {  	_ =	shalt  }
0x72: {  	_ =	shalt  }
0x73: {  	_ =	shalt  }
0x74: {  	_ =	shalt  }
0x75: {  	_ =	shalt  }
0x76: {  	_ =	shalt  }
0x77: {  	_ =	shalt  }
0x78: {  	_ =	shalt  }
0x79: {  	_ =	shalt  }
0x7a: {  	_ =	shalt  }
0x7b: {  	_ =	shalt  }
0x7c: {  	_ =	shalt  }
0x7d: {  	_ =	shalt  }
0x7e: {  	_ =	shalt  }
0x7f: {  	_ =	shalt  }
0x80: {  	_ =	shalt  }
0x81: {  	_ =	shalt  }
0x82: {  	_ =	shalt  }
0x83: {  	_ =	shalt  }
0x84: {  	_ =	shalt  }
0x85: {  	_ =	shalt  }
0x86: {  	_ =	shalt  }
0x87: {  	_ =	shalt  }
.Lfunc_end0:
.L_simem_size_0:
called_computation.2_lowered:
.L_overlay_start_0:
0x88: {  	s2 =	sld [smem:$0x3FD9]  }
0x89: {  	s3 =	sld [smem:$0x3FFE];
	_ =	sdelay $0x1  }
0x8a: {  	s1 =	srdreg.scid  }
0x8b: {  	s0 =	sand.u32 $0x1, s1  }
0x8c: {  	s17 =	sshll.u32 s0, $0xA;
	s2 =	sadd.s32 s3, s2  }
0x8d: {  	s2 =	sadd.s32 s2, s17  }
0x8e: {  	[smem:$0x3FB6] =	sst s2  }
0x8f: {  	_ = 	snop  }
0x90: {  	s2 =	sld [smem:$0x3FD0];
	(tm) =	ssettm $0x1  }
0x91: {  	s18 =	sld [smem:$0x3FFB];
	_ =	sdelay $0x3  }
0x92: {  	_ =	strace s18  }
0x93: {  	s3 =	sld [smem:$0x3FFC];
	_ =	sdelay $0x3  }
0x94: {  	_ =	strace s3  }
0x95: {  	s3 =	sld [smem:$0x3FFD];
	_ =	sdelay $0x3  }
0x96: {  	_ =	strace s3  }
0x97: {  	_ =	strace $0x8FFFFFFF  }
0x98: {  	s19 =	sld [smem:$0x3FDB];
	_ =	sdelay $0x1  }
0x99: {  	s4 =	simm.s32 $_scs_section_size  }
0x9a: {  	s5 =	simm.s32 $_size__tile_overlayer_lowered;
	s6 =	simm.s32 $_tile_overlayer_lowered  }
0x9b: {  	s22 =	simm.s32 $0x1BFF;
	s21 =	sshll.u32 s6, $0x1;
	s3 =	sadd.s32 s4, s19  }
0x9c: {  	s7 =	simm.s32 $0x0;
	s20 =	sshll.u32 s5, $0x1;
	s5 =	sadd.s32 s21, s3  }
0x9d: {  	[timem:s7], [sflag:s22] =	dma.local [hbm:s5], s20  }
0x9e: {  	_ =	swait.ge [sflag:s22], s20  }
0x9f: {  	s4 =	ssub.s32 $0x0, s20;
	[sflag:s22] =	ssyncset.done $0x0  }
0xa0: {  	[sflag:s22] =	ssyncadd.s32 s4;
	_ =	sdelay $0x1  }
0xa1: {  	s23 =	simm.s32 $0x1B8B  }
0xa2: {  	_ =	swait.ge [sflag:s23], $0x1  }
0xa3: {  	[sflag:s23] =	ssyncset.done $0x0  }
0xa4: {  	s25 =	simm.s32 $0x1B8E;
	s24 =	sld [smem:$0x3FFE];
	[sflag:s23] =	ssyncadd.s32 $0xFFFFFFFF  }
0xa5: {  	s26 =	simm.s32 $execute0_lowered;
	[smem:$0x3FD2] =	sst s25  }
0xa6: {  	s5 =	sshll.u32 s26, $0x1;
	_ =	strace $0x80000046;
	[dreg:$0x1] =	wrdreg $0xFFFFFFFF  }
0xa7: {  	s28 =	simm.s32 $_size_execute0_lowered;
	s3 =	sadd.s32 s3, s5;
	[dreg:$0x0] =	wrdreg $0x0  }
0xa8: {  	s5 =	sshll.u32 s28, $0x1;
	[dreg:$0x2] =	wrdreg s3  }
0xa9: {  	[dreg:$0x3] =	wrdreg s5  }
0xaa: {  	[dreg:$0x4] =	wrdreg $0xC0  }
0xab: {  	_ =	task [dreg:s7], $0x5FFFF  }
0xac: {  	[dreg:$0x1] =	wrdreg $0xFFFFFFFF  }
0xad: {  	[dreg:$0x0] =	wrdreg $0x60  }
0xae: {  	[dreg:$0x2] =	wrdreg s24  }
0xaf: {  	[dreg:$0x3] =	wrdreg s2  }
0xb0: {  	[dreg:$0x4] =	wrdreg $0xA  }
0xb1: {  	_ =	task.clear_ibuf [dreg:s7], $0x5FFFF;
	_ =	strace $0x90000046  }
0xb2: {  	s29 =	simm.s32 $0xA;
	_ =	strace $0x80000048  }
0xb3: {  	_ =	swait.ge [sflag:s29], $0x1  }
0xb4: {  	[sflag:s29] =	ssyncadd.s32 $0xFFFFFFFF  }
0xb5: {  	_ =	strace $0x90000048  }
0xb6: {  	_ =	sfence  }
0xb7: {  	s30 =	sld [smem:$0x0];
	_ =	sdelay $0x2  }
0xb8: {  	s31 =	sshll.u32 s1, $0xD;
	s1 =	sshrl.u32 s1, $0x2  }
0xb9: {  	s3 =	sand.u32 $0x4000, s31;
	s1 =	sadd.s32 s1, s30  }
0xba: {  	s0 =	sor.u32 s3, s0;
	s1 =	sshll.u32 s1, $0x11  }
0xbb: {  	s0 =	sor.u32 s1, s0  }
0xbc: {  	s0 =	sadd.s32 $0x8F2B, s0  }
0xbd: {  	[sflag:s0] =	ssyncadd.remote.s32 $0x1  }
0xbe: {  	_ =	sfence.sel $0xFFFF  }
0xbf: {  	[dreg:$0x0] =	wrdreg $0xFFFFFFFF;
	(pc) =	sbr.abs _section_cstart, $3  }
0xc0: {  	[dreg:$0x1] =	wrdreg $0xFFFFFFFF  }
0xc1: {  	_ =	task.clear_ibuf [dreg:s7], $0x2FFFF;
	_ =	strace $0x9FFFFFFF  }
0xc2: {  	(tm) =	ssettm $0x7FFFFFFF  }
0xc3: {  	_ =	shalt  }
tec
execute0_lowered:
.L_overlay_start_1:
0x0: {  	(tag) =	ssettag $0x1  }
0x1: {  	s0 =	rddreg [dreg:$0x0]  }
0x2: {  	s1 =	rddreg [dreg:$0x1];
	s3 =	simm.s32 $0x0;
	s2 =	srdreg.scid  }
0x3: {  	s17 =	stileid.u32;
	s29 =	simm.s32 $0x5;
	s30 =	simm.s32 $0x80  }
0x4: {  	s31 =	simm.s32 $0x200;
	[smem:$0x7FF] =	sst s3;
	s2 =	sand.u32 $0x1, s2  }
0x5: {  	s6 =	sshll.u32 s17, $0x1;
	s4 =	sadd.s32 $0x8400, s0;
	s18 =	smul.u32 $0x138800, s17  }
0x6: {  	s5 =	sadd.s32 $0x3400, s0;
	s10 =	sadd.s32 $0x82A00, s0;
	s23 =	smul.u32 $0x2710, s17  }
0x7: {  	s25 =	smul.u32 $0x27100, s17;
	_ =	strace $0x80000047;
	s7 =	sor.u32 s2, s6  }
0x8: {  	s6 =	sadd.s32 $0xD400, s0;
	s8 =	ssub.s32 $0x2, s2;
	s13 =	smul.u32 $0x9C400, s2  }
0x9: {  	s0 =	sadd.s32 $0x2F3A00, s0;
	s9 =	smul.u32 $0x1388, s7;
	s11 =	sshrl.u32 s8, $0x1  }
0xa: {  	s7 =	smul.u32 $0x9C400, s7;
	s17 =	sadd.s32 s25, s10;
	s8 =	ssub.s32 s8, s11  }
0xb: {  	s21 =	sadd.s32 s13, s18;
	s13 =	simm.s32 $0x4;
	s15 =	sshrl.u32 s9, $0x3  }
0xc: {  	s7 =	sshrl.u32 s7, $0x3;
	s22 =	sadd.s32 $0x1300, s9;
	s9 =	sadd.s32 $0x1380, s9  }
0xd: {  	s12 =	sadd.s32 s4, s15;
	s16 =	sadd.s32 s5, s15;
	s11 =	sadd.s32 $0x10, s15  }
0xe: {  	s19 =	sadd.s32 $0x12000, s7;
	s24 =	sshrl.u32 s22, $0x3;
	[dreg:$0x6] =	wrdreg s12  }
0xf: {  	s7 =	sadd.s32 $0x12800, s7;
	[dreg:$0x7] =	wrdreg s16;
	s14 =	sadd.s32 s4, s11  }
0x10: {  	s18 =	sshll.u32 s22, $0x4;
	s11 =	sadd.s32 s5, s11;
	[dreg:$0x8] =	wrdreg s14  }
0x11: {  	s20 =	sadd.s32 s10, s19;
	s16 =	smul.u32 $0x1388, s2;
	[dreg:$0x9] =	wrdreg s11  }
0x12: {  	s26 =	sadd.s32 s10, s7;
	s2 =	smul.u32 $0x13880, s2;
	[dreg:$0xa] =	wrdreg s20  }
0x13: {  	s7 =	sadd.s32 s0, s7;
	s22 =	sadd.s32 s4, s24;
	[dreg:$0xc] =	wrdreg s26  }
0x14: {  	s12 =	simm.s32 $0x2;
	s11 =	sadd.s32 s0, s19;
	[dreg:$0xd] =	wrdreg s7  }
0x15: {  	s20 =	sadd.s32 s10, s18;
	[dreg:$0x12] =	wrdreg s22;
	s14 =	simm.s32 $0x8  }
0x16: {  	[dreg:$0xb] =	wrdreg s11;
	s11 =	sshrl.u32 s21, $0x3;
	s19 =	sadd.s32 s16, s23  }
0x17: {  	s7 =	sadd.s32 s2, s17;
	[dreg:$0xe] =	wrdreg s20;
	s21 =	sshll.u32 s9, $0x4  }
0x18: {  	s23 =	sadd.s32 s5, s24;
	s24 =	sshrl.u32 s9, $0x3;
	s9 =	simm.s32 $0xC200  }
0x19: {  	s15 =	sadd.s32 s11, s0;
	s11 =	sadd.s32 s11, s10;
	[dreg:$0x13] =	wrdreg s23  }
0x1a: {  	s7 =	sadd.s32 $0x800, s7;
	s10 =	sadd.s32 s10, s21;
	[dreg:$0x3] =	wrdreg s15  }
0x1b: {  	s26 =	sadd.s32 $0x180, s19;
	s23 =	smax.u32 s8, $0x1;
	[dreg:$0x4] =	wrdreg s11  }
0x1c: {  	s28 =	sadd.s32 $0x100, s19;
	s8 =	simm.s32 $0x8200;
	[dreg:$0x5] =	wrdreg s7  }
0x1d: {  	s11 =	sadd.s32 s0, s18;
	[dreg:$0x10] =	wrdreg s10;
	s7 =	sadd.s32 s0, s21  }
0x1e: {  	s0 =	sadd.s32 s25, s0;
	s25 =	sadd.s32 s4, s24;
	[dreg:$0xf] =	wrdreg s11  }
0x1f: {  	s10 =	simm.s32 $0x1;
	s15 =	simm.s32 $0x0;
	[dreg:$0x11] =	wrdreg s7  }
0x20: {  	s0 =	sadd.s32 s2, s0;
	[dreg:$0x14] =	wrdreg s25;
	s7 =	sadd.s32 s5, s24  }
0x21: {  	s2 =	sshrl.u32 s26, $0x3;
	s11 =	simm.s32 $0x3;
	[dreg:$0x15] =	wrdreg s7  }
0x22: {  	s24 =	sadd.s32 s2, s5;
	s25 =	sadd.s32 s2, s4;
	s26 =	sadd.s32 $0x800, s0  }
0x23: {  	s0 =	simm.s32 $0x4200;
	s2 =	simm.s32 $0x100;
	s7 =	simm.s32 $0x180  }
.LBB2_1:
0x24: {  	s16 =	rddreg [dreg:$0x6]  }
0x25: {  	[tilespmem:s3], [sflag:$0x5] =	stream.linear.gather [hbm4b:s16+s3], $0x80, $0x38;
	[tilespmem:$0x10200] =	vst v63  }
0x26: {  	_ =	swait.ge [sflag:s29], $0x80  }
0x27: {  	[sflag:s29] =	ssyncset.done $0x0  }
0x28: {  	s19 =	rddreg [dreg:$0x7];
	[sflag:s29] =	ssyncadd.s32 $0xFFFFFF80  }
0x29: {  	[tilespmem:s30], [sflag:$0x5] =	stream.linear.gather [hbm4b:s19+s3], $0x80, $0x38;
	[tilespmem:$0x10200] =	vst v63  }
0x2a: {  	_ =	swait.ge [sflag:s29], $0x80  }
0x2b: {  	[sflag:s29] =	ssyncset.done $0x0  }
0x2c: {  	[sflag:s29] =	ssyncadd.s32 $0xFFFFFF80  }
0x2d: {  	[tilespmem:s31], [sflag:$0x1] =	stream.indirect.gather [hbm4b:s1+s30], $0x80, s30, s30, $0xb8;
	[tilespmem:$0x10200] =	vst v63  }
0x2e: {  	_ = 	snop  }
0x2f: {  	[tilespmem:s0], [sflag:$0x1] =	stream.indirect.gather [hbm4b:s6+s30], $0x80, s3, s30, $0xb8;
	[tilespmem:$0x10200] =	vst v63  }
0x30: {  	s20 =	rddreg [dreg:$0x8]  }
0x31: {  	[tilespmem:s2], [sflag:$0x5] =	stream.linear.gather [hbm4b:s20+s3], $0x80, $0x38;
	[tilespmem:$0x10200] =	vst v63  }
0x32: {  	_ =	swait.ge [sflag:s29], $0x80  }
0x33: {  	[sflag:s29] =	ssyncset.done $0x0  }
0x34: {  	s21 =	rddreg [dreg:$0x9];
	[sflag:s29] =	ssyncadd.s32 $0xFFFFFF80  }
0x35: {  	[tilespmem:s7], [sflag:$0x5] =	stream.linear.gather [hbm4b:s21+s3], $0x80, $0x38;
	[tilespmem:$0x10200] =	vst v63  }
0x36: {  	_ =	swait.ge [sflag:s29], $0x80  }
0x37: {  	[sflag:s29] =	ssyncset.done $0x0  }
0x38: {  	[sflag:s29] =	ssyncadd.s32 $0xFFFFFF80  }
0x39: {  	[tilespmem:s8], [sflag:$0x2] =	stream.indirect.gather [hbm4b:s1+s30], $0x80, s7, s30, $0xb8;
	[tilespmem:$0x10200] =	vst v63  }
0x3a: {  	_ = 	snop  }
0x3b: {  	[tilespmem:s9], [sflag:$0x2] =	stream.indirect.gather [hbm4b:s6+s30], $0x80, s2, s30, $0xb8;
	[tilespmem:$0x10200] =	vst v63  }
0x3c: {  	_ =	swait.ge [sflag:s10], $0x4000  }
0x3d: {  	[sflag:s10] =	ssyncset.done $0x0  }
0x3e: {  	[sflag:s10] =	ssyncadd.s32 $0xFFFFC000  }
0x3f: {  	_ =	swait.ge [sflag:s10], $0x4000  }
0x40: {  	s22 =	rddreg [dreg:$0x4];
	[sflag:s10] =	ssyncset.done $0x0  }
0x41: {  	s17 =	rddreg [dreg:$0x3];
	[sflag:s10] =	ssyncadd.s32 $0xFFFFC000;
	s16 =	sadd.s32 $0x0, s22  }
0x42: {  	[hbm4b:s16+s3] =	stream.linear.scatter [tilespmem:s31], [sflag:$0x3], $0x4000, $0x38;
	[tilespmem:$0x10200] =	vst v63  }
0x43: {  	s18 =	sadd.s32 $0x0, s17  }
0x44: {  	[hbm4b:s18+s3] =	stream.linear.scatter [tilespmem:s0], [sflag:$0x3], $0x4000, $0x38;
	[tilespmem:$0x10200] =	vst v63  }
0x45: {  	_ =	swait.ge [sflag:s11], $0x4000  }
0x46: {  	[sflag:s11] =	ssyncset.done $0x0  }
0x47: {  	[sflag:s11] =	ssyncadd.s32 $0xFFFFC000  }
0x48: {  	_ =	swait.ge [sflag:s11], $0x4000  }
0x49: {  	s19 =	sshrl.u32 s28, $0x3;
	[sflag:s11] =	ssyncset.done $0x0  }
0x4a: {  	s20 =	sadd.s32 s4, s19;
	[sflag:s11] =	ssyncadd.s32 $0xFFFFC000  }
0x4b: {  	[tilespmem:s3], [sflag:$0x5] =	stream.linear.gather [hbm4b:s20+s3], $0x80, $0x38;
	[tilespmem:$0x10200] =	vst v63  }
0x4c: {  	_ =	swait.ge [sflag:s29], $0x80  }
0x4d: {  	[sflag:s29] =	ssyncset.done $0x0  }
0x4e: {  	s16 =	sadd.s32 s5, s19;
	[sflag:s29] =	ssyncadd.s32 $0xFFFFFF80  }
0x4f: {  	[tilespmem:s30], [sflag:$0x5] =	stream.linear.gather [hbm4b:s16+s3], $0x80, $0x38;
	[tilespmem:$0x10200] =	vst v63  }
0x50: {  	_ =	swait.ge [sflag:s29], $0x80  }
0x51: {  	[sflag:s29] =	ssyncset.done $0x0  }
0x52: {  	[sflag:s29] =	ssyncadd.s32 $0xFFFFFF80  }
0x53: {  	[tilespmem:s31], [sflag:$0x1] =	stream.indirect.gather [hbm4b:s1+s30], $0x80, s30, s30, $0xb8;
	[tilespmem:$0x10200] =	vst v63  }
0x54: {  	_ = 	snop  }
0x55: {  	[tilespmem:s0], [sflag:$0x1] =	stream.indirect.gather [hbm4b:s6+s30], $0x80, s3, s30, $0xb8;
	[tilespmem:$0x10200] =	vst v63  }
0x56: {  	_ =	swait.ge [sflag:s12], $0x4000  }
0x57: {  	[sflag:s12] =	ssyncset.done $0x0  }
0x58: {  	[sflag:s12] =	ssyncadd.s32 $0xFFFFC000  }
0x59: {  	_ =	swait.ge [sflag:s12], $0x4000  }
0x5a: {  	s21 =	rddreg [dreg:$0x5];
	[sflag:s12] =	ssyncset.done $0x0  }
0x5b: {  	[sflag:s12] =	ssyncadd.s32 $0xFFFFC000;
	s16 =	sadd.s32 $0x0, s21  }
0x5c: {  	[hbm4b:s16+s3] =	stream.linear.scatter [tilespmem:s8], [sflag:$0x4], $0x4000, $0x38;
	[tilespmem:$0x10200] =	vst v63  }
0x5d: {  	s22 =	sadd.s32 $0x0, s26  }
0x5e: {  	[hbm4b:s22+s3] =	stream.linear.scatter [tilespmem:s9], [sflag:$0x4], $0x4000, $0x38;
	[tilespmem:$0x10200] =	vst v63  }
0x5f: {  	_ =	swait.ge [sflag:s13], $0x4000  }
0x60: {  	[sflag:s13] =	ssyncset.done $0x0  }
0x61: {  	[sflag:s13] =	ssyncadd.s32 $0xFFFFC000  }
0x62: {  	_ =	swait.ge [sflag:s13], $0x4000  }
0x63: {  	[sflag:s13] =	ssyncset.done $0x0  }
0x64: {  	[sflag:s13] =	ssyncadd.s32 $0xFFFFC000  }
0x65: {  	[tilespmem:s2], [sflag:$0x5] =	stream.linear.gather [hbm4b:s25+s3], $0x80, $0x38;
	[tilespmem:$0x10200] =	vst v63  }
0x66: {  	_ =	swait.ge [sflag:s29], $0x80  }
0x67: {  	[sflag:s29] =	ssyncset.done $0x0  }
0x68: {  	[sflag:s29] =	ssyncadd.s32 $0xFFFFFF80  }
0x69: {  	[tilespmem:s7], [sflag:$0x5] =	stream.linear.gather [hbm4b:s24+s3], $0x80, $0x38;
	[tilespmem:$0x10200] =	vst v63  }
0x6a: {  	_ =	swait.ge [sflag:s29], $0x80  }
0x6b: {  	s17 =	sadd.s32 $0x20, s24;
	s19 =	sadd.s32 $0x100, s28;
	[sflag:s29] =	ssyncset.done $0x0  }
0x6c: {  	s18 =	sadd.s32 $0x20, s25;
	s16 =	simm.s32 $0x1000;
	[sflag:s29] =	ssyncadd.s32 $0xFFFFFF80  }
0x6d: {  	[tilespmem:s8], [sflag:$0x2] =	stream.indirect.gather [hbm4b:s1+s30], $0x80, s7, s30, $0xb8;
	[tilespmem:$0x10200] =	vst v63  }
.LBB2_2:
0x6e: {  	[tilespmem:s9], [sflag:$0x2] =	stream.indirect.gather [hbm4b:s6+s30], $0x80, s2, s30, $0xb8;
	[tilespmem:$0x10200] =	vst v63  }
0x6f: {  	_ =	swait.ge [sflag:s10], $0x4000  }
0x70: {  	[sflag:s10] =	ssyncset.done $0x0  }
0x71: {  	[sflag:s10] =	ssyncadd.s32 $0xFFFFC000  }
0x72: {  	_ =	swait.ge [sflag:s10], $0x4000  }
0x73: {  	s20 =	smov.u32 s16;
	s21 =	rddreg [dreg:$0x4];
	[sflag:s10] =	ssyncset.done $0x0  }
0x74: {  	s22 =	rddreg [dreg:$0x3];
	[sflag:s10] =	ssyncadd.s32 $0xFFFFC000;
	s21 =	sadd.s32 s20, s21  }
0x75: {  	[hbm4b:s21+s3] =	stream.linear.scatter [tilespmem:s31], [sflag:$0x3], $0x4000, $0x38;
	[tilespmem:$0x10200] =	vst v63  }
0x76: {  	s22 =	sadd.s32 s20, s22  }
0x77: {  	[hbm4b:s22+s3] =	stream.linear.scatter [tilespmem:s0], [sflag:$0x3], $0x4000, $0x38;
	[tilespmem:$0x10200] =	vst v63  }
0x78: {  	_ =	swait.ge [sflag:s11], $0x4000  }
0x79: {  	[sflag:s11] =	ssyncset.done $0x0  }
0x7a: {  	[sflag:s11] =	ssyncadd.s32 $0xFFFFC000  }
0x7b: {  	_ =	swait.ge [sflag:s11], $0x4000  }
0x7c: {  	s21 =	sshrl.u32 s19, $0x3;
	[sflag:s11] =	ssyncset.done $0x0  }
0x7d: {  	s22 =	sadd.s32 s4, s21;
	[sflag:s11] =	ssyncadd.s32 $0xFFFFC000  }
0x7e: {  	[tilespmem:s3], [sflag:$0x5] =	stream.linear.gather [hbm4b:s22+s3], $0x80, $0x38;
	[tilespmem:$0x10200] =	vst v63  }
0x7f: {  	_ =	swait.ge [sflag:s29], $0x80  }
0x80: {  	[sflag:s29] =	ssyncset.done $0x0  }
0x81: {  	s21 =	sadd.s32 s5, s21;
	[sflag:s29] =	ssyncadd.s32 $0xFFFFFF80  }
0x82: {  	[tilespmem:s30], [sflag:$0x5] =	stream.linear.gather [hbm4b:s21+s3], $0x80, $0x38;
	[tilespmem:$0x10200] =	vst v63  }
0x83: {  	_ =	swait.ge [sflag:s29], $0x80  }
0x84: {  	[sflag:s29] =	ssyncset.done $0x0  }
0x85: {  	[sflag:s29] =	ssyncadd.s32 $0xFFFFFF80  }
0x86: {  	[tilespmem:s31], [sflag:$0x1] =	stream.indirect.gather [hbm4b:s1+s30], $0x80, s30, s30, $0xb8;
	[tilespmem:$0x10200] =	vst v63  }
0x87: {  	_ = 	snop  }
0x88: {  	[tilespmem:s0], [sflag:$0x1] =	stream.indirect.gather [hbm4b:s6+s30], $0x80, s3, s30, $0xb8;
	[tilespmem:$0x10200] =	vst v63  }
0x89: {  	_ =	swait.ge [sflag:s12], $0x4000  }
0x8a: {  	[sflag:s12] =	ssyncset.done $0x0  }
0x8b: {  	[sflag:s12] =	ssyncadd.s32 $0xFFFFC000  }
0x8c: {  	_ =	swait.ge [sflag:s12], $0x4000  }
0x8d: {  	s22 =	rddreg [dreg:$0x5];
	[sflag:s12] =	ssyncset.done $0x0  }
0x8e: {  	[sflag:s12] =	ssyncadd.s32 $0xFFFFC000;
	s21 =	sadd.s32 s20, s22  }
0x8f: {  	[hbm4b:s21+s3] =	stream.linear.scatter [tilespmem:s8], [sflag:$0x4], $0x4000, $0x38;
	[tilespmem:$0x10200] =	vst v63  }
0x90: {  	s20 =	sadd.s32 s20, s26  }
0x91: {  	[hbm4b:s20+s3] =	stream.linear.scatter [tilespmem:s9], [sflag:$0x4], $0x4000, $0x38;
	[tilespmem:$0x10200] =	vst v63  }
0x92: {  	_ =	swait.ge [sflag:s13], $0x4000  }
0x93: {  	[sflag:s13] =	ssyncset.done $0x0  }
0x94: {  	[sflag:s13] =	ssyncadd.s32 $0xFFFFC000  }
0x95: {  	_ =	swait.ge [sflag:s13], $0x4000  }
0x96: {  	[sflag:s13] =	ssyncset.done $0x0  }
0x97: {  	[sflag:s13] =	ssyncadd.s32 $0xFFFFC000  }
0x98: {  	[tilespmem:s2], [sflag:$0x5] =	stream.linear.gather [hbm4b:s18+s3], $0x80, $0x38;
	[tilespmem:$0x10200] =	vst v63  }
0x99: {  	_ =	swait.ge [sflag:s29], $0x80  }
0x9a: {  	[sflag:s29] =	ssyncset.done $0x0  }
0x9b: {  	p0 =	sne.s32 s16, $0x11000;
	[sflag:s29] =	ssyncadd.s32 $0xFFFFFF80  }
0x9c: {  	[tilespmem:s7], [sflag:$0x5] =	stream.linear.gather [hbm4b:s17+s3], $0x80, $0x38;
	[tilespmem:$0x10200] =	vst v63  }
.Ltmp0:
0x9d: {  	_ = 	snop;
	(pc) =	sbr.rel @p0 .LBB2_2-.Ltmp0, $4  }
0x9e: {  	_ =	swait.ge [sflag:s29], $0x80  }
0x9f: {  	s16 =	sadd.s32 $0x1000, s16;
	s19 =	sadd.s32 $0x100, s19;
	[sflag:s29] =	ssyncset.done $0x0  }
0xa0: {  	s18 =	sadd.s32 $0x20, s18;
	s17 =	sadd.s32 $0x20, s17;
	[sflag:s29] =	ssyncadd.s32 $0xFFFFFF80  }
0xa1: {  	[tilespmem:s8], [sflag:$0x2] =	stream.indirect.gather [hbm4b:s1+s30], $0x80, s7, s30, $0xb8;
	[tilespmem:$0x10200] =	vst v63  }
0xa2: {  	[tilespmem:s9], [sflag:$0x2] =	stream.indirect.gather [hbm4b:s6+s30], $0x80, s2, s30, $0xb8;
	[tilespmem:$0x10200] =	vst v63  }
0xa3: {  	_ =	swait.ge [sflag:s10], $0x4000  }
0xa4: {  	[sflag:s10] =	ssyncset.done $0x0  }
0xa5: {  	[sflag:s10] =	ssyncadd.s32 $0xFFFFC000  }
0xa6: {  	_ =	swait.ge [sflag:s10], $0x4000  }
0xa7: {  	[sflag:s10] =	ssyncset.done $0x0  }
0xa8: {  	s16 =	rddreg [dreg:$0xa];
	[sflag:s10] =	ssyncadd.s32 $0xFFFFC000  }
0xa9: {  	[hbm4b:s16+s3] =	stream.linear.scatter [tilespmem:s31], [sflag:$0x3], $0x4000, $0x38;
	[tilespmem:$0x10200] =	vst v63  }
0xaa: {  	s18 =	rddreg [dreg:$0xb]  }
0xab: {  	[hbm4b:s18+s3] =	stream.linear.scatter [tilespmem:s0], [sflag:$0x3], $0x4000, $0x38;
	[tilespmem:$0x10200] =	vst v63  }
0xac: {  	_ =	swait.ge [sflag:s11], $0x4000  }
0xad: {  	[sflag:s11] =	ssyncset.done $0x0  }
0xae: {  	[sflag:s11] =	ssyncadd.s32 $0xFFFFC000  }
0xaf: {  	_ =	swait.ge [sflag:s11], $0x4000  }
0xb0: {  	[sflag:s11] =	ssyncset.done $0x0  }
0xb1: {  	s19 =	rddreg [dreg:$0x12];
	[sflag:s11] =	ssyncadd.s32 $0xFFFFC000  }
0xb2: {  	[tilespmem:s3], [sflag:$0x5] =	stream.linear.gather [hbm4b:s19+s3], $0x80, $0x38;
	[tilespmem:$0x10200] =	vst v63  }
0xb3: {  	_ =	swait.ge [sflag:s29], $0x80  }
0xb4: {  	[sflag:s29] =	ssyncset.done $0x0  }
0xb5: {  	s20 =	rddreg [dreg:$0x13];
	[sflag:s29] =	ssyncadd.s32 $0xFFFFFF80  }
0xb6: {  	[tilespmem:s30], [sflag:$0x5] =	stream.linear.gather [hbm4b:s20+s3], $0x80, $0x38;
	[tilespmem:$0x10200] =	vst v63  }
0xb7: {  	_ =	swait.ge [sflag:s29], $0x80  }
0xb8: {  	[sflag:s29] =	ssyncset.done $0x0  }
0xb9: {  	[sflag:s29] =	ssyncadd.s32 $0xFFFFFF80  }
0xba: {  	[tilespmem:s31], [sflag:$0x1] =	stream.indirect.gather [hbm4b:s1+s30], $0x80, s30, s30, $0xb8;
	[tilespmem:$0x10200] =	vst v63  }
0xbb: {  	_ = 	snop  }
0xbc: {  	[tilespmem:s0], [sflag:$0x1] =	stream.indirect.gather [hbm4b:s6+s30], $0x80, s3, s30, $0xb8;
	[tilespmem:$0x10200] =	vst v63  }
0xbd: {  	_ =	swait.ge [sflag:s12], $0x4000  }
0xbe: {  	[sflag:s12] =	ssyncset.done $0x0  }
0xbf: {  	[sflag:s12] =	ssyncadd.s32 $0xFFFFC000  }
0xc0: {  	_ =	swait.ge [sflag:s12], $0x4000  }
0xc1: {  	[sflag:s12] =	ssyncset.done $0x0  }
0xc2: {  	s21 =	rddreg [dreg:$0xc];
	[sflag:s12] =	ssyncadd.s32 $0xFFFFC000  }
0xc3: {  	[hbm4b:s21+s3] =	stream.linear.scatter [tilespmem:s8], [sflag:$0x4], $0x4000, $0x38;
	[tilespmem:$0x10200] =	vst v63  }
0xc4: {  	s22 =	rddreg [dreg:$0xd]  }
0xc5: {  	[hbm4b:s22+s3] =	stream.linear.scatter [tilespmem:s9], [sflag:$0x4], $0x4000, $0x38;
	[tilespmem:$0x10200] =	vst v63  }
0xc6: {  	_ =	swait.ge [sflag:s10], $0x4000  }
0xc7: {  	[sflag:s10] =	ssyncset.done $0x0  }
0xc8: {  	[sflag:s10] =	ssyncadd.s32 $0xFFFFC000  }
0xc9: {  	_ =	swait.ge [sflag:s10], $0x4000  }
0xca: {  	[sflag:s10] =	ssyncset.done $0x0  }
0xcb: {  	s17 =	rddreg [dreg:$0xe];
	[sflag:s10] =	ssyncadd.s32 $0xFFFFC000  }
0xcc: {  	[hbm4b:s17+s3] =	stream.linear.scatter [tilespmem:s31], [sflag:$0x3], $0x4000, $0x38;
	[tilespmem:$0x10200] =	vst v63  }
0xcd: {  	s18 =	rddreg [dreg:$0xf]  }
0xce: {  	[hbm4b:s18+s3] =	stream.linear.scatter [tilespmem:s0], [sflag:$0x3], $0x4000, $0x38;
	[tilespmem:$0x10200] =	vst v63  }
0xcf: {  	_ =	swait.ge [sflag:s13], $0x4000  }
0xd0: {  	[sflag:s13] =	ssyncset.done $0x0  }
0xd1: {  	[sflag:s13] =	ssyncadd.s32 $0xFFFFC000  }
0xd2: {  	_ =	swait.ge [sflag:s13], $0x4000  }
0xd3: {  	[sflag:s13] =	ssyncset.done $0x0  }
0xd4: {  	[sflag:s13] =	ssyncadd.s32 $0xFFFFC000  }
0xd5: {  	_ =	swait.ge [sflag:s11], $0x4000  }
0xd6: {  	[sflag:s11] =	ssyncset.done $0x0  }
0xd7: {  	[sflag:s11] =	ssyncadd.s32 $0xFFFFC000  }
0xd8: {  	_ =	swait.ge [sflag:s11], $0x4000  }
0xd9: {  	[sflag:s11] =	ssyncset.done $0x0  }
0xda: {  	s19 =	rddreg [dreg:$0x14];
	[sflag:s11] =	ssyncadd.s32 $0xFFFFC000  }
0xdb: {  	[tilespmem:s2], [sflag:$0x5] =	stream.linear.gather [hbm4b:s19+s3], $0x8, $0x38;
	[tilespmem:$0x10200] =	vst v63  }
0xdc: {  	_ =	swait.ge [sflag:s29], $0x8  }
0xdd: {  	[sflag:s29] =	ssyncset.done $0x0  }
0xde: {  	s20 =	rddreg [dreg:$0x15];
	[sflag:s29] =	ssyncadd.s32 $0xFFFFFFF8  }
0xdf: {  	[tilespmem:s7], [sflag:$0x5] =	stream.linear.gather [hbm4b:s20+s3], $0x8, $0x38;
	[tilespmem:$0x10200] =	vst v63  }
0xe0: {  	_ =	swait.ge [sflag:s29], $0x8  }
0xe1: {  	[sflag:s29] =	ssyncset.done $0x0  }
0xe2: {  	[sflag:s29] =	ssyncadd.s32 $0xFFFFFFF8  }
0xe3: {  	[tilespmem:s8], [sflag:$0x2] =	stream.indirect.gather [hbm4b:s1+s14], $0x80, s7, s14, $0xb8;
	[tilespmem:$0x10200] =	vst v63  }
0xe4: {  	_ = 	snop  }
0xe5: {  	[tilespmem:s9], [sflag:$0x2] =	stream.indirect.gather [hbm4b:s6+s14], $0x80, s2, s14, $0xb8;
	[tilespmem:$0x10200] =	vst v63  }
0xe6: {  	_ =	swait.ge [sflag:s12], $0x400  }
0xe7: {  	[sflag:s12] =	ssyncset.done $0x0  }
0xe8: {  	[sflag:s12] =	ssyncadd.s32 $0xFFFFFC00  }
0xe9: {  	_ =	swait.ge [sflag:s12], $0x400  }
0xea: {  	[sflag:s12] =	ssyncset.done $0x0  }
0xeb: {  	s21 =	rddreg [dreg:$0x10];
	[sflag:s12] =	ssyncadd.s32 $0xFFFFFC00  }
0xec: {  	[hbm4b:s21+s3] =	stream.linear.scatter [tilespmem:s8], [sflag:$0x5], $0x400, $0x38;
	[tilespmem:$0x10200] =	vst v63  }
0xed: {  	s15 =	sadd.s32 $0x1, s15;
	_ =	swait.ge [sflag:s29], $0x400  }
0xee: {  	p0 =	sne.s32 s15, s23;
	[sflag:s29] =	ssyncset.done $0x0  }
.Ltmp1:
0xef: {  	s22 =	rddreg [dreg:$0x11];
	[sflag:s29] =	ssyncadd.s32 $0xFFFFFC00;
	(pc) =	sbr.rel @p0 .LBB2_1-.Ltmp1, $4  }
0xf0: {  	[hbm4b:s22+s3] =	stream.linear.scatter [tilespmem:s9], [sflag:$0x5], $0x400, $0x38;
	[tilespmem:$0x10200] =	vst v63  }
0xf1: {  	_ =	swait.ge [sflag:s29], $0x400  }
0xf2: {  	[sflag:s29] =	ssyncset.done $0x0  }
0xf3: {  	[sflag:s29] =	ssyncadd.s32 $0xFFFFFC00  }
0xf4: {  	_ =	sfence.sel $0x180000  }
0xf5: {  	[bflag:$0x0] =	sbarrier.arrive $0xFFFF  }
0xf6: {  	_ =	strace $0x90000047  }
0xf7: {  	s0 =	stileid.u32;
	[bflag:$0x2] =	sbarrier.arrive $0xFFFF  }
0xf8: {  	p0 =	sne.s32 s0, $0x0;
	s0 =	rddreg [dreg:$0x2]  }
0xf9: {  	s0 =	sadd.s32 @!p0 $0x100000, s0  }
0xfa: {  	[sflag:s0] =	ssyncadd.tile.s32 @!p0 $0x1;
	_ =	shalt  }
.Lfunc_end2:
_tile_overlayer_lowered:
.L_overlay_start_2:
0xfb: {  	(tag) =	ssettag $0x2  }
0xfc: {  	s0 =	rddreg [dreg:$0x0];
	s2 =	stileid.u32  }
0xfd: {  	s1 =	rddreg [dreg:$0x1];
	p0 =	sne.s32 s2, $0x0  }
0xfe: {  	s3 =	rddreg [dreg:$0x2];
	[bflag:$0x3] =	sbarrier.arrive $0xFFFF;
	s2 =	simm.s32 @!p0 $0x1C05  }
0xff: {  	[timem:s3], [sflag:s2] =	dma.local @!p0 [hbm:s0], s1  }
0x100: {  	s0 =	simm.s32 @!p0 $0x5  }
0x101: {  	_ =	swait.ge @!p0 [sflag:s0], s1  }
0x102: {  	s1 =	ssub.s32 @!p0 $0x0, s1;
	[sflag:s0] =	ssyncset.done @!p0 $0x0  }
0x103: {  	[sflag:s0] =	ssyncadd.s32 @!p0 s1  }
0x104: {  	[bflag:$0x3] =	sbarrier.arrive $0xFFFF  }
0x105: {  	_ =	shalt  }

// kernel: kernel.19.cloned.1.call-start
scs
__scs_entry_jumppad:
0x0: {  	(pc) =	sbr.rel $0x88, $3  }
0x1: {  	(tag) =	ssettag $0x0;
	lr =	simm.s32 $0x1  }
0x2: {  	[smem:$0x3F8F] =	sst lr;
	_ =	strace $0xD0000000  }
0x3: {  	_ = 	snop  }
0x4: {  	_ = 	snop  }
0x5: {  	_ = 	snop  }
0x6: {  	_ = 	snop  }
0x7: {  	_ = 	snop  }
__scs_overlays_trampoline_lowered:
0x8: {  	[smem:$0x3F9E] =	sst s0  }
0x9: {  	[smem:$0x3F9F] =	sst s1  }
0xa: {  	[smem:$0x3FA0] =	sst s2  }
0xb: {  	[smem:$0x3FA1] =	sst s3  }
0xc: {  	[smem:$0x3FA2] =	sst s4  }
0xd: {  	[smem:$0x3FA3] =	sst s5  }
0xe: {  	[smem:$0x3FA4] =	sst s6  }
0xf: {  	[smem:$0x3FA5] =	sst s7  }
0x10: {  	[smem:$0x3FA6] =	sst s8  }
0x11: {  	[smem:$0x3FA7] =	sst s9;
	s0 =	simm.s32 @!p0 $0x0  }
0x12: {  	s1 =	sld [smem:$0x3F8D];
	s0 =	simm.s32 @p0 $0x1  }
0x13: {  	[smem:$0x3FA8] =	sst s0;
	s0 =	simm.s32 @!p1 $0x0  }
0x14: {  	s2 =	sld [smem:$0x3F8C];
	s0 =	simm.s32 @p1 $0x1  }
0x15: {  	[smem:$0x3FA9] =	sst s0;
	s0 =	simm.s32 @!p2 $0x0  }
0x16: {  	s3 =	sld [smem:$0x3FDB];
	s0 =	simm.s32 @p2 $0x1  }
0x17: {  	s4 =	simm.s32 $0x1BF5;
	[smem:$0x3FAB] =	sst s0  }
0x18: {  	s0 =	sld [smem:$0x3F8E];
	_ =	swait.ge [sflag:s4], $0x0  }
0x19: {  	s7 =	sld [smem:$0x3F8F]  }
0x1a: {  	s8 =	sadd.s32 $0xFFFFE003, lr  }
0x1b: {  	s9 =	sadd.s32 $0xFFFFFEF7, lr;
	s5 =	simm.s32 $0xFFFFFFFF;
	p2 =	slt.u32 s8, $0xFFFFF086  }
0x1c: {  	p1 =	slt.u32 s9, $0xF7A;
	s5 =	simm.s32 @!p2 $0x0  }
0x1d: {  	s5 =	simm.s32 @p1 $0x1;
	p0 =	seq.s32 s7, s2  }
0x1e: {  	s7 =	smul.u32 @!p0 $0xF7A, s2;
	p2 =	seq.s32 @!p0 s5, $0x0  }
0x1f: {  	s9 =	smul.u32 $0xF7A, s1;
	s8 =	simm.s32 @!p0 $0x1BF5;
	p2 =	por !p2, p0  }
0x20: {  	[sflag:s8] =	ssyncset.s32 @!p0 $0xFFFFF086;
	s6 =	sadd.s32 @!p0 s3, s7;
	s7 =	simm.s32 @!p0 $0x108  }
0x21: {  	s3 =	sadd.s32 s3, s9;
	s6 =	sadd.s32 @!p0 $0x88, s6;
	s7 =	simm.s32 @p2 $0x1082  }
0x22: {  	[simem:s7], [sflag:s8] =	dma.local @!p0 [hbm:s6], $0xF7A  }
0x23: {  	s9 =	sor.u32 $0xD0000000, s2;
	s6 =	simm.s32 $0x108;
	_ =	swait.ge @!p0 [sflag:s8], $0x0  }
0x24: {  	s3 =	sadd.s32 $0x88, s3;
	s6 =	simm.s32 @!p1 $0x1082;
	[sflag:s4] =	ssyncset.s32 $0xFFFFF086  }
0x25: {  	[simem:s6], [sflag:s4] =	dma.local [hbm:s3], $0xF7A  }
0x26: {  	[smem:$0x3F8F] =	sst s1;
	(tag) =	ssettag s2;
	_ =	strace s9  }
0x27: {  	s1 =	sld [smem:$0x3F9F]  }
0x28: {  	s2 =	sld [smem:$0x3FA0]  }
0x29: {  	s4 =	sld [smem:$0x3FA2]  }
0x2a: {  	p0 =	seq.s32 s5, $0x0;
	s5 =	sld [smem:$0x3FA3]  }
0x2b: {  	s6 =	sld [smem:$0x3FA4]  }
0x2c: {  	s7 =	sld [smem:$0x3FA5]  }
0x2d: {  	s3 =	simm.s32 $0x108;
	s8 =	sld [smem:$0x3FA6]  }
0x2e: {  	s3 =	simm.s32 @!p0 $0x1082;
	s9 =	sld [smem:$0x3FA7]  }
0x2f: {  	lr =	sadd.s32 s0, s3;
	s0 =	sld [smem:$0x3F9E]  }
0x30: {  	s3 =	sld [smem:$0x3FA1]  }
0x31: {  	[smem:$0x3FAA] =	sst s10  }
0x32: {  	s10 =	sld [smem:$0x3FA8];
	_ =	sdelay $0x3  }
0x33: {  	p0 =	seq.s32 s10, $0x1;
	s10 =	sld [smem:$0x3FAA];
	_ =	sdelay $0x3  }
0x34: {  	[smem:$0x3FAA] =	sst s10  }
0x35: {  	s10 =	sld [smem:$0x3FA9];
	_ =	sdelay $0x3  }
0x36: {  	p1 =	seq.s32 s10, $0x1;
	s10 =	sld [smem:$0x3FAA];
	_ =	sdelay $0x3  }
0x37: {  	[smem:$0x3FAA] =	sst s10  }
0x38: {  	s10 =	sld [smem:$0x3FAB]  }
0x39: {  	_ = 	snop;
	(pc) =	sbr.ind lr, $3  }
0x3a: {  	_ = 	snop  }
0x3b: {  	_ = 	snop  }
0x3c: {  	p2 =	seq.s32 s10, $0x1;
	s10 =	sld [smem:$0x3FAA]  }
0x3d: {  	_ =	shalt  }
0x3e: {  	_ =	shalt  }
0x3f: {  	_ =	shalt  }
0x40: {  	_ =	shalt  }
0x41: {  	_ =	shalt  }
0x42: {  	_ =	shalt  }
0x43: {  	_ =	shalt  }
0x44: {  	_ =	shalt  }
0x45: {  	_ =	shalt  }
0x46: {  	_ =	shalt  }
0x47: {  	_ =	shalt  }
0x48: {  	_ =	shalt  }
0x49: {  	_ =	shalt  }
0x4a: {  	_ =	shalt  }
0x4b: {  	_ =	shalt  }
0x4c: {  	_ =	shalt  }
0x4d: {  	_ =	shalt  }
0x4e: {  	_ =	shalt  }
0x4f: {  	_ =	shalt  }
0x50: {  	_ =	shalt  }
0x51: {  	_ =	shalt  }
0x52: {  	_ =	shalt  }
0x53: {  	_ =	shalt  }
0x54: {  	_ =	shalt  }
0x55: {  	_ =	shalt  }
0x56: {  	_ =	shalt  }
0x57: {  	_ =	shalt  }
0x58: {  	_ =	shalt  }
0x59: {  	_ =	shalt  }
0x5a: {  	_ =	shalt  }
0x5b: {  	_ =	shalt  }
0x5c: {  	_ =	shalt  }
0x5d: {  	_ =	shalt  }
0x5e: {  	_ =	shalt  }
0x5f: {  	_ =	shalt  }
0x60: {  	_ =	shalt  }
0x61: {  	_ =	shalt  }
0x62: {  	_ =	shalt  }
0x63: {  	_ =	shalt  }
0x64: {  	_ =	shalt  }
0x65: {  	_ =	shalt  }
0x66: {  	_ =	shalt  }
0x67: {  	_ =	shalt  }
0x68: {  	_ =	shalt  }
0x69: {  	_ =	shalt  }
0x6a: {  	_ =	shalt  }
0x6b: {  	_ =	shalt  }
0x6c: {  	_ =	shalt  }
0x6d: {  	_ =	shalt  }
0x6e: {  	_ =	shalt  }
0x6f: {  	_ =	shalt  }
0x70: {  	_ =	shalt  }
0x71: {  	_ =	shalt  }
0x72: {  	_ =	shalt  }
0x73: {  	_ =	shalt  }
0x74: {  	_ =	shalt  }
0x75: {  	_ =	shalt  }
0x76: {  	_ =	shalt  }
0x77: {  	_ =	shalt  }
0x78: {  	_ =	shalt  }
0x79: {  	_ =	shalt  }
0x7a: {  	_ =	shalt  }
0x7b: {  	_ =	shalt  }
0x7c: {  	_ =	shalt  }
0x7d: {  	_ =	shalt  }
0x7e: {  	_ =	shalt  }
0x7f: {  	_ =	shalt  }
0x80: {  	_ =	shalt  }
0x81: {  	_ =	shalt  }
0x82: {  	_ =	shalt  }
0x83: {  	_ =	shalt  }
0x84: {  	_ =	shalt  }
0x85: {  	_ =	shalt  }
0x86: {  	_ =	shalt  }
0x87: {  	_ =	shalt  }
.Lfunc_end0:
.L_simem_size_0:
called_computation.3_lowered:
.L_overlay_start_0:
0x88: {  	s2 =	sld [smem:$0x3FD9]  }
0x89: {  	s3 =	sld [smem:$0x3FFE];
	_ =	sdelay $0x1  }
0x8a: {  	s1 =	srdreg.scid  }
0x8b: {  	s0 =	sand.u32 $0x1, s1  }
0x8c: {  	s17 =	sshll.u32 s0, $0xA;
	s2 =	sadd.s32 s3, s2  }
0x8d: {  	s2 =	sadd.s32 s2, s17  }
0x8e: {  	[smem:$0x3FB6] =	sst s2  }
0x8f: {  	_ = 	snop  }
0x90: {  	(tm) =	ssettm $0x1  }
0x91: {  	s18 =	sld [smem:$0x3FFB];
	_ =	sdelay $0x3  }
0x92: {  	_ =	strace s18  }
0x93: {  	s2 =	sld [smem:$0x3FFC];
	_ =	sdelay $0x3  }
0x94: {  	_ =	strace s2  }
0x95: {  	s2 =	sld [smem:$0x3FFD];
	_ =	sdelay $0x3  }
0x96: {  	_ =	strace s2  }
0x97: {  	_ =	strace $0x8FFFFFFF  }
0x98: {  	s19 =	sld [smem:$0x3FDB];
	_ =	sdelay $0x1  }
0x99: {  	s20 =	simm.s32 $_scs_section_size  }
0x9a: {  	s4 =	simm.s32 $_size__tile_overlayer_lowered;
	s5 =	simm.s32 $_tile_overlayer_lowered  }
0x9b: {  	s6 =	simm.s32 $0x1BFF;
	s21 =	sshll.u32 s5, $0x1;
	s3 =	sadd.s32 s20, s19  }
0x9c: {  	s22 =	simm.s32 $0x0;
	s4 =	sshll.u32 s4, $0x1;
	s5 =	sadd.s32 s21, s3  }
0x9d: {  	[timem:s22], [sflag:s6] =	dma.local [hbm:s5], s4  }
0x9e: {  	_ =	swait.ge [sflag:s6], s4  }
0x9f: {  	s4 =	ssub.s32 $0x0, s4;
	[sflag:s6] =	ssyncset.done $0x0  }
0xa0: {  	[sflag:s6] =	ssyncadd.s32 s4;
	_ =	sdelay $0x1  }
0xa1: {  	s23 =	simm.s32 $0x1B8B  }
0xa2: {  	_ =	swait.ge [sflag:s23], $0x1  }
0xa3: {  	[sflag:s23] =	ssyncset.done $0x0  }
0xa4: {  	[sflag:s23] =	ssyncadd.s32 $0xFFFFFFFF  }
0xa5: {  	s4 =	sld [smem:$0x0]  }
0xa6: {  	s5 =	sand.u32 $0xFFFFFFFE, s1  }
0xa7: {  	p0 =	sne.s32 s1, s5  }
0xa8: {  	s5 =	sshll.u32 @p0 s5, $0xE  }
0xa9: {  	s5 =	sadd.s32 @p0 $0x11B8D, s5;
	s6 =	sshll.u32 @p0 s4, $0x11  }
0xaa: {  	s5 =	sor.u32 @p0 s6, s5  }
0xab: {  	[sflag:s5] =	ssyncadd.remote.s32 @p0 $0x1;
	_ =	sdelay $0x1  }
0xac: {  	s5 =	simm.s32 @p0 $0x1B8D  }
0xad: {  	_ =	swait.eq @p0 [sflag:s5], $0x1  }
0xae: {  	[sflag:s5] =	ssyncadd.s32 @p0 $0xFFFFFFFF  }
0xaf: {  	s6 =	sshll.u32 @!p0 s1, $0xE  }
0xb0: {  	s6 =	sor.u32 @!p0 $0x4000, s6;
	s5 =	simm.s32 @!p0 $0x1B8D  }
0xb1: {  	s4 =	sshll.u32 @!p0 s4, $0x11;
	s6 =	sadd.s32 @!p0 $0x11B8D, s6;
	_ =	swait.eq @!p0 [sflag:s5], $0x1  }
0xb2: {  	s4 =	sor.u32 @!p0 s4, s6;
	[sflag:s5] =	ssyncadd.s32 @!p0 $0xFFFFFFFF  }
0xb3: {  	s25 =	simm.s32 $0x1B8E;
	s24 =	sld [smem:$0x3FFE];
	[sflag:s4] =	ssyncadd.remote.s32 @!p0 $0x1  }
0xb4: {  	s26 =	simm.s32 $execute0_lowered;
	[smem:$0x3FD2] =	sst s25  }
0xb5: {  	s5 =	sshll.u32 s26, $0x1;
	_ =	strace $0x8000004C;
	[dreg:$0x1] =	wrdreg $0xFFFFFFFF  }
0xb6: {  	s28 =	simm.s32 $_size_execute0_lowered;
	s3 =	sadd.s32 s3, s5;
	[dreg:$0x0] =	wrdreg $0x0  }
0xb7: {  	s5 =	sshll.u32 s28, $0x1;
	[dreg:$0x2] =	wrdreg s3  }
0xb8: {  	[dreg:$0x3] =	wrdreg s5  }
0xb9: {  	[dreg:$0x4] =	wrdreg $0xC0  }
0xba: {  	_ =	task [dreg:s22], $0x5FFFF  }
0xbb: {  	[dreg:$0x1] =	wrdreg $0xFFFFFFFF  }
0xbc: {  	[dreg:$0x0] =	wrdreg $0x60  }
0xbd: {  	[dreg:$0x2] =	wrdreg s24  }
0xbe: {  	[dreg:$0x3] =	wrdreg $0x81800  }
0xbf: {  	[dreg:$0x4] =	wrdreg $0xA  }
0xc0: {  	_ =	task.clear_ibuf [dreg:s22], $0x5FFFF;
	_ =	strace $0x9000004C  }
0xc1: {  	s29 =	simm.s32 $0xA;
	_ =	strace $0x8000004E  }
0xc2: {  	_ =	swait.ge [sflag:s29], $0x1  }
0xc3: {  	[sflag:s29] =	ssyncadd.s32 $0xFFFFFFFF  }
0xc4: {  	_ =	strace $0x9000004E  }
0xc5: {  	_ =	sfence  }
0xc6: {  	s30 =	sld [smem:$0x0];
	_ =	sdelay $0x2  }
0xc7: {  	s31 =	sshll.u32 s1, $0xD;
	s1 =	sshrl.u32 s1, $0x2  }
0xc8: {  	s4 =	sand.u32 $0x4000, s31;
	s1 =	sadd.s32 s1, s30  }
0xc9: {  	s0 =	sor.u32 s4, s0;
	s1 =	sshll.u32 s1, $0x11  }
0xca: {  	s0 =	sor.u32 s1, s0  }
0xcb: {  	s0 =	sadd.s32 $0x8F2B, s0  }
0xcc: {  	[sflag:s0] =	ssyncadd.remote.s32 $0x1  }
0xcd: {  	_ =	sfence.sel $0xFFFF  }
0xce: {  	[dreg:$0x0] =	wrdreg $0xFFFFFFFF;
	(pc) =	sbr.abs _section_cstart, $3  }
0xcf: {  	[dreg:$0x1] =	wrdreg $0xFFFFFFFF  }
0xd0: {  	_ =	task.clear_ibuf [dreg:s22], $0x2FFFF;
	_ =	strace $0x9FFFFFFF  }
0xd1: {  	(tm) =	ssettm $0x7FFFFFFF  }
tec
execute0_lowered:
.L_overlay_start_1:
0x0: {  	(tag) =	ssettag $0x1  }
0x1: {  	s3 =	rddreg [dreg:$0x0]  }
0x2: {  	s1 =	rddreg [dreg:$0x1];
	s2 =	simm.s32 $0x0  }
0x3: {  	s5 =	srdreg.scid;
	s15 =	stileid.u32;
	s28 =	simm.s32 $0x80  }
0x4: {  	s29 =	simm.s32 $0x4180;
	s30 =	simm.s32 $0x1;
	s31 =	simm.s32 $0x3  }
0x5: {  	[smem:$0x7FF] =	sst s2;
	s0 =	sadd.s32 $0x3400, s3;
	s4 =	sadd.s32 $0xA50A00, s3  }
0x6: {  	s6 =	sand.u32 $0x1, s5;
	s5 =	sadd.s32 $0x8400, s3;
	s8 =	smul.u32 $0x4E000, s15  }
0x7: {  	s3 =	sadd.s32 $0x82A00, s3;
	s20 =	smul.u32 $0x138800, s15;
	s21 =	sshll.u32 s15, $0x6  }
0x8: {  	s11 =	smul.u32 $0x2710, s15;
	s12 =	sadd.s32 $0x138000, s1;
	p0 =	sne.s32 s15, $0xF  }
0x9: {  	_ =	strace $0x8000004D;
	s7 =	ssub.s32 $0x2, s6;
	s10 =	smul.u32 $0x1388000, s6  }
0xa: {  	[dreg:$0x4] =	wrdreg s12;
	s6 =	smul.u32 $0x138800, s6;
	s9 =	sshrl.u32 s7, $0x1  }
0xb: {  	s19 =	sshrl.u32 s8, $0x2;
	s22 =	sshrl.u32 s11, $0x3;
	s14 =	sadd.s32 $0x80, s11  }
0xc: {  	s26 =	sadd.s32 $0x2600, s11;
	s9 =	ssub.s32 s7, s9;
	s7 =	sadd.s32 s19, s1  }
0xd: {  	s8 =	sadd.s32 s20, s10;
	s12 =	sadd.s32 s0, s22;
	s24 =	sshll.u32 s14, $0x7  }
0xe: {  	s25 =	sshrl.u32 s14, $0x3;
	s16 =	sshll.u32 s26, $0x7;
	s17 =	sshrl.u32 s26, $0x3  }
0xf: {  	s19 =	sadd.s32 $0x2680, s11;
	s11 =	sadd.s32 $0x2700, s11;
	[dreg:$0x3] =	wrdreg s7  }
0x10: {  	s7 =	sor.u32 $0x1C05, s21;
	s13 =	sshrl.u32 s8, $0x3;
	[dreg:$0x5] =	wrdreg s12  }
0x11: {  	s12 =	sadd.s32 s10, s24;
	s20 =	sshrl.u32 s19, $0x3;
	s22 =	sshll.u32 s11, $0x7  }
0x12: {  	s11 =	sshrl.u32 s11, $0x3;
	s26 =	sadd.s32 $0xC000, s8;
	s23 =	sadd.s32 s4, s13  }
0x13: {  	s13 =	sadd.s32 s0, s25;
	s12 =	sshrl.u32 s12, $0x3;
	[dreg:$0x6] =	wrdreg s23  }
0x14: {  	s25 =	smul.u32 $0x4E2, s15;
	[dreg:$0x7] =	wrdreg s13;
	s12 =	sadd.s32 s4, s12  }
0x15: {  	s13 =	sadd.s32 s10, s16;
	s23 =	smul.u32 $0x13800, s15;
	[dreg:$0x8] =	wrdreg s12  }
0x16: {  	s12 =	sadd.s32 s0, s17;
	s18 =	sshrl.u32 s13, $0x3;
	s13 =	sshll.u32 s19, $0x7  }
0x17: {  	s17 =	sadd.s32 s0, s11;
	[dreg:$0x9] =	wrdreg s12;
	s12 =	sadd.s32 s4, s18  }
0x18: {  	s21 =	sadd.s32 s10, s13;
	s10 =	sadd.s32 s10, s22;
	s24 =	sadd.s32 s23, s6  }
0x19: {  	s6 =	sshrl.u32 s6, $0x3;
	[dreg:$0xa] =	wrdreg s12;
	s12 =	sadd.s32 s0, s20  }
0x1a: {  	s10 =	sshrl.u32 s10, $0x3;
	s6 =	sadd.s32 s3, s6;
	s0 =	sadd.s32 s25, s0  }
0x1b: {  	s25 =	simm.s32 $0x5;
	[dreg:$0xb] =	wrdreg s12;
	s12 =	sshrl.u32 s21, $0x3  }
0x1c: {  	s18 =	sadd.s32 s4, s10;
	s10 =	sshrl.u32 s24, $0x3;
	s20 =	sadd.s32 $0x27000, s6  }
0x1d: {  	s21 =	smax.u32 s9, $0x1;
	s23 =	sadd.s32 $0x30, s0;
	s24 =	sadd.s32 $0x8000, s8  }
0x1e: {  	s0 =	simm.s32 $0x2;
	s6 =	simm.s32 $0x100;
	s8 =	simm.s32 $0x0  }
0x1f: {  	s16 =	sadd.s32 s4, s12;
	s19 =	sadd.s32 s3, s10;
	s3 =	sshrl.u32 s26, $0x3  }
0x20: {  	s26 =	simm.s32 $0x180;
	s22 =	sadd.s32 s3, s4;
	s3 =	simm.s32 $0x4  }
.LBB2_1:
0x21: {  	s9 =	rddreg [dreg:$0x3]  }
0x22: {  	s9 =	sshrl.u32 s9, $0x3  }
0x23: {  	[spmem:s9], [sflag:s7] =	dma.local [hbm:s5], $0x2700  }
0x24: {  	_ =	swait.ge [sflag:s25], $0x2700  }
0x25: {  	[sflag:s25] =	ssyncset.done $0x0;
	s10 =	rddreg [dreg:$0x4]  }
0x26: {  	s11 =	simm.s32 @!p0 $0x5;
	[sflag:s25] =	ssyncadd.s32 $0xFFFFD900;
	s10 =	sshrl.u32 @!p0 s10, $0x3  }
0x27: {  	[spmem:s10], [sflag:s7] =	dma.local @!p0 [hbm:s5], $0x100  }
0x28: {  	_ =	swait.ge @!p0 [sflag:s11], $0x100  }
0x29: {  	[sflag:s11] =	ssyncset.done @!p0 $0x0  }
0x2a: {  	[sflag:s11] =	ssyncadd.s32 @!p0 $0xFFFFFF00  }
0x2b: {  	[bflag:$0x0] =	sbarrier.arrive $0xFFFF  }
0x2c: {  	s14 =	rddreg [dreg:$0x5]  }
0x2d: {  	[tilespmem:s2], [sflag:$0x5] =	stream.linear.gather [hbm4b:s14+s2], $0x80, $0x38;
	[tilespmem:$0x1BA00] =	vst v63  }
0x2e: {  	_ =	swait.ge [sflag:s25], $0x80  }
0x2f: {  	[sflag:s25] =	ssyncset.done $0x0  }
0x30: {  	s15 =	rddreg [dreg:$0x6];
	[sflag:s25] =	ssyncadd.s32 $0xFFFFFF80  }
0x31: {  	[tilespmem:s26], [sflag:$0x1] =	stream.linear.gather [hbm4b:s15+s2], $0x4000, $0x38;
	[tilespmem:$0x1BA00] =	vst v63  }
0x32: {  	s12 =	rddreg [dreg:$0x7]  }
0x33: {  	[tilespmem:s28], [sflag:$0x5] =	stream.linear.gather [hbm4b:s12+s2], $0x80, $0x38;
	[tilespmem:$0x1BA00] =	vst v63  }
0x34: {  	_ =	swait.ge [sflag:s25], $0x80  }
0x35: {  	[sflag:s25] =	ssyncset.done $0x0  }
0x36: {  	s13 =	rddreg [dreg:$0x8];
	[sflag:s25] =	ssyncadd.s32 $0xFFFFFF80  }
0x37: {  	[tilespmem:s29], [sflag:$0x2] =	stream.linear.gather [hbm4b:s13+s2], $0x4000, $0x38;
	[tilespmem:$0x1BA00] =	vst v63  }
0x38: {  	_ =	swait.ge [sflag:s30], $0x4000  }
0x39: {  	[sflag:s30] =	ssyncset.done $0x0  }
0x3a: {  	[sflag:s30] =	ssyncadd.s32 $0xFFFFC000  }
0x3b: {  	[spmem:s1] =	stream.indirect.scatter.add.f32 [tilespmem:s26], [sflag:$0x3], $0x80, s2, s28, $0xb8;
	[tilespmem:$0x1BA00] =	vst v63  }
0x3c: {  	_ =	swait.ge [sflag:s31], $0x4000  }
0x3d: {  	[sflag:s31] =	ssyncset.done $0x0  }
0x3e: {  	s14 =	sadd.s32 $0xFFFFFFF0, s23;
	[sflag:s31] =	ssyncadd.s32 $0xFFFFC000  }
0x3f: {  	[tilespmem:s2], [sflag:$0x5] =	stream.linear.gather [hbm4b:s14+s2], $0x80, $0x38;
	[tilespmem:$0x1BA00] =	vst v63  }
0x40: {  	_ =	swait.ge [sflag:s25], $0x80  }
0x41: {  	s15 =	sshrl.u32 s24, $0x3;
	[sflag:s25] =	ssyncset.done $0x0  }
0x42: {  	s11 =	sadd.s32 s4, s15;
	[sflag:s25] =	ssyncadd.s32 $0xFFFFFF80  }
0x43: {  	[tilespmem:s26], [sflag:$0x1] =	stream.linear.gather [hbm4b:s11+s2], $0x4000, $0x38;
	[tilespmem:$0x1BA00] =	vst v63  }
0x44: {  	_ =	swait.ge [sflag:s0], $0x4000  }
0x45: {  	[sflag:s0] =	ssyncset.done $0x0  }
0x46: {  	[sflag:s0] =	ssyncadd.s32 $0xFFFFC000  }
0x47: {  	[spmem:s1] =	stream.indirect.scatter.add.f32 [tilespmem:s29], [sflag:$0x4], $0x80, s28, s28, $0xb8;
	[tilespmem:$0x1BA00] =	vst v63  }
0x48: {  	_ =	swait.ge [sflag:s3], $0x4000  }
0x49: {  	[sflag:s3] =	ssyncset.done $0x0  }
0x4a: {  	[sflag:s3] =	ssyncadd.s32 $0xFFFFC000  }
0x4b: {  	[tilespmem:s28], [sflag:$0x5] =	stream.linear.gather [hbm4b:s23+s2], $0x80, $0x38;
	[tilespmem:$0x1BA00] =	vst v63  }
0x4c: {  	_ =	swait.ge [sflag:s25], $0x80  }
0x4d: {  	s12 =	sadd.s32 $0x8000, s24;
	s13 =	sadd.s32 $0x20, s23;
	[sflag:s25] =	ssyncset.done $0x0  }
0x4e: {  	s14 =	sadd.s32 $0x0, s22;
	s11 =	simm.s32 $0x1000;
	[sflag:s25] =	ssyncadd.s32 $0xFFFFFF80  }
.LBB2_2:
0x4f: {  	[tilespmem:s29], [sflag:$0x2] =	stream.linear.gather [hbm4b:s14+s2], $0x4000, $0x38;
	[tilespmem:$0x1BA00] =	vst v63  }
0x50: {  	s14 =	smov.u32 s11  }
0x51: {  	p1 =	sne.s32 s11, $0x24000;
	s11 =	sadd.s32 $0x1000, s11;
	_ =	swait.ge [sflag:s30], $0x4000  }
0x52: {  	[sflag:s30] =	ssyncset.done $0x0  }
0x53: {  	[sflag:s30] =	ssyncadd.s32 $0xFFFFC000  }
0x54: {  	[spmem:s1] =	stream.indirect.scatter.add.f32 [tilespmem:s26], [sflag:$0x3], $0x80, s2, s28, $0xb8;
	[tilespmem:$0x1BA00] =	vst v63  }
0x55: {  	_ =	swait.ge [sflag:s31], $0x4000  }
0x56: {  	[sflag:s31] =	ssyncset.done $0x0  }
0x57: {  	s15 =	sadd.s32 $0xFFFFFFF0, s13;
	[sflag:s31] =	ssyncadd.s32 $0xFFFFC000  }
0x58: {  	[tilespmem:s2], [sflag:$0x5] =	stream.linear.gather [hbm4b:s15+s2], $0x80, $0x38;
	[tilespmem:$0x1BA00] =	vst v63  }
0x59: {  	_ =	swait.ge [sflag:s25], $0x80  }
0x5a: {  	s15 =	sshrl.u32 s12, $0x3;
	[sflag:s25] =	ssyncset.done $0x0  }
0x5b: {  	s15 =	sadd.s32 s4, s15;
	[sflag:s25] =	ssyncadd.s32 $0xFFFFFF80  }
0x5c: {  	[tilespmem:s26], [sflag:$0x1] =	stream.linear.gather [hbm4b:s15+s2], $0x4000, $0x38;
	[tilespmem:$0x1BA00] =	vst v63  }
0x5d: {  	_ =	swait.ge [sflag:s0], $0x4000  }
0x5e: {  	[sflag:s0] =	ssyncset.done $0x0  }
0x5f: {  	[sflag:s0] =	ssyncadd.s32 $0xFFFFC000  }
0x60: {  	[spmem:s1] =	stream.indirect.scatter.add.f32 [tilespmem:s29], [sflag:$0x4], $0x80, s28, s28, $0xb8;
	[tilespmem:$0x1BA00] =	vst v63  }
0x61: {  	_ =	swait.ge [sflag:s3], $0x4000  }
0x62: {  	[sflag:s3] =	ssyncset.done $0x0  }
.Ltmp0:
0x63: {  	[sflag:s3] =	ssyncadd.s32 $0xFFFFC000;
	(pc) =	sbr.rel @p1 .LBB2_2-.Ltmp0, $4  }
0x64: {  	[tilespmem:s28], [sflag:$0x5] =	stream.linear.gather [hbm4b:s13+s2], $0x80, $0x38;
	[tilespmem:$0x1BA00] =	vst v63  }
0x65: {  	_ =	swait.ge [sflag:s25], $0x80  }
0x66: {  	s12 =	sadd.s32 $0x8000, s12;
	[sflag:s25] =	ssyncset.done $0x0  }
0x67: {  	s14 =	sadd.s32 s14, s22;
	s13 =	sadd.s32 $0x20, s13;
	[sflag:s25] =	ssyncadd.s32 $0xFFFFFF80  }
0x68: {  	[tilespmem:s29], [sflag:$0x2] =	stream.linear.gather [hbm4b:s14+s2], $0x4000, $0x38;
	[tilespmem:$0x1BA00] =	vst v63  }
0x69: {  	_ =	swait.ge [sflag:s30], $0x4000  }
0x6a: {  	[sflag:s30] =	ssyncset.done $0x0  }
0x6b: {  	[sflag:s30] =	ssyncadd.s32 $0xFFFFC000  }
0x6c: {  	[spmem:s1] =	stream.indirect.scatter.add.f32 [tilespmem:s26], [sflag:$0x3], $0x80, s2, s28, $0xb8;
	[tilespmem:$0x1BA00] =	vst v63  }
0x6d: {  	_ =	swait.ge [sflag:s31], $0x4000  }
0x6e: {  	[sflag:s31] =	ssyncset.done $0x0  }
0x6f: {  	s11 =	rddreg [dreg:$0x9];
	[sflag:s31] =	ssyncadd.s32 $0xFFFFC000  }
0x70: {  	[tilespmem:s2], [sflag:$0x5] =	stream.linear.gather [hbm4b:s11+s2], $0x80, $0x38;
	[tilespmem:$0x1BA00] =	vst v63  }
0x71: {  	_ =	swait.ge [sflag:s25], $0x80  }
0x72: {  	[sflag:s25] =	ssyncset.done $0x0  }
0x73: {  	s13 =	rddreg [dreg:$0xa];
	[sflag:s25] =	ssyncadd.s32 $0xFFFFFF80  }
0x74: {  	[tilespmem:s26], [sflag:$0x1] =	stream.linear.gather [hbm4b:s13+s2], $0x4000, $0x38;
	[tilespmem:$0x1BA00] =	vst v63  }
0x75: {  	_ =	swait.ge [sflag:s0], $0x4000  }
0x76: {  	[sflag:s0] =	ssyncset.done $0x0  }
0x77: {  	[sflag:s0] =	ssyncadd.s32 $0xFFFFC000  }
0x78: {  	[spmem:s1] =	stream.indirect.scatter.add.f32 [tilespmem:s29], [sflag:$0x4], $0x80, s28, s28, $0xb8;
	[tilespmem:$0x1BA00] =	vst v63  }
0x79: {  	_ =	swait.ge [sflag:s3], $0x4000  }
0x7a: {  	[sflag:s3] =	ssyncset.done $0x0  }
0x7b: {  	s14 =	rddreg [dreg:$0xb];
	[sflag:s3] =	ssyncadd.s32 $0xFFFFC000  }
0x7c: {  	[tilespmem:s28], [sflag:$0x5] =	stream.linear.gather [hbm4b:s14+s2], $0x80, $0x38;
	[tilespmem:$0x1BA00] =	vst v63  }
0x7d: {  	_ =	swait.ge [sflag:s25], $0x80  }
0x7e: {  	[sflag:s25] =	ssyncset.done $0x0  }
0x7f: {  	[sflag:s25] =	ssyncadd.s32 $0xFFFFFF80  }
0x80: {  	[tilespmem:s29], [sflag:$0x2] =	stream.linear.gather [hbm4b:s16+s2], $0x4000, $0x38;
	[tilespmem:$0x1BA00] =	vst v63  }
0x81: {  	_ =	swait.ge [sflag:s30], $0x4000  }
0x82: {  	[sflag:s30] =	ssyncset.done $0x0  }
0x83: {  	[sflag:s30] =	ssyncadd.s32 $0xFFFFC000  }
0x84: {  	[spmem:s1] =	stream.indirect.scatter.add.f32 [tilespmem:s26], [sflag:$0x3], $0x80, s2, s28, $0xb8;
	[tilespmem:$0x1BA00] =	vst v63  }
0x85: {  	_ =	swait.ge [sflag:s0], $0x4000  }
0x86: {  	[sflag:s0] =	ssyncset.done $0x0  }
0x87: {  	[sflag:s0] =	ssyncadd.s32 $0xFFFFC000  }
0x88: {  	[spmem:s1] =	stream.indirect.scatter.add.f32 [tilespmem:s29], [sflag:$0x4], $0x80, s28, s28, $0xb8;
	[tilespmem:$0x1BA00] =	vst v63  }
0x89: {  	_ =	swait.ge [sflag:s31], $0x4000  }
0x8a: {  	[sflag:s31] =	ssyncset.done $0x0  }
0x8b: {  	[sflag:s31] =	ssyncadd.s32 $0xFFFFC000  }
0x8c: {  	_ =	swait.ge [sflag:s3], $0x4000  }
0x8d: {  	[sflag:s3] =	ssyncset.done $0x0  }
0x8e: {  	[sflag:s3] =	ssyncadd.s32 $0xFFFFC000  }
0x8f: {  	[tilespmem:s6], [sflag:$0x5] =	stream.linear.gather [hbm4b:s17+s2], $0x10, $0x38;
	[tilespmem:$0x1BA00] =	vst v63  }
0x90: {  	_ =	swait.ge [sflag:s25], $0x10  }
0x91: {  	[sflag:s25] =	ssyncset.done $0x0  }
0x92: {  	[sflag:s25] =	ssyncadd.s32 $0xFFFFFFF0  }
0x93: {  	[tilespmem:s26], [sflag:$0x5] =	stream.linear.gather [hbm4b:s18+s2], $0x800, $0x38;
	[tilespmem:$0x1BA00] =	vst v63  }
0x94: {  	_ =	swait.ge [sflag:s25], $0x800  }
0x95: {  	[sflag:s25] =	ssyncset.done $0x0  }
0x96: {  	s15 =	simm.s32 $0x10;
	[sflag:s25] =	ssyncadd.s32 $0xFFFFF800  }
0x97: {  	[spmem:s1] =	stream.indirect.scatter.add.f32 [tilespmem:s26], [sflag:$0x5], $0x80, s6, s15, $0xb8;
	[tilespmem:$0x1BA00] =	vst v63  }
0x98: {  	_ =	swait.ge [sflag:s25], $0x800  }
0x99: {  	[sflag:s25] =	ssyncset.done $0x0  }
0x9a: {  	[sflag:s25] =	ssyncadd.s32 $0xFFFFF800  }
0x9b: {  	[bflag:$0x0] =	sbarrier.arrive $0xFFFF  }
0x9c: {  	[hbm:s19], [sflag:s7] =	dma.local [spmem:s9], $0x2700  }
0x9d: {  	s8 =	sadd.s32 $0x1, s8;
	_ =	swait.ge [sflag:s25], $0x2700  }
0x9e: {  	p1 =	sne.s32 s8, s21;
	[sflag:s25] =	ssyncset.done $0x0  }
.Ltmp1:
0x9f: {  	s9 =	simm.s32 @!p0 $0x5;
	[sflag:s25] =	ssyncadd.s32 $0xFFFFD900;
	(pc) =	sbr.rel @p1 .LBB2_1-.Ltmp1, $4  }
0xa0: {  	[hbm:s20], [sflag:s7] =	dma.local @!p0 [spmem:s10], $0x100  }
0xa1: {  	_ =	swait.ge @!p0 [sflag:s9], $0x100  }
0xa2: {  	[sflag:s9] =	ssyncset.done @!p0 $0x0  }
0xa3: {  	[sflag:s9] =	ssyncadd.s32 @!p0 $0xFFFFFF00  }
0xa4: {  	_ =	sfence.sel $0x180000  }
0xa5: {  	[bflag:$0x0] =	sbarrier.arrive $0xFFFF  }
0xa6: {  	_ =	strace $0x9000004D  }
0xa7: {  	s0 =	stileid.u32;
	[bflag:$0x2] =	sbarrier.arrive $0xFFFF  }
0xa8: {  	p0 =	sne.s32 s0, $0x0;
	s0 =	rddreg [dreg:$0x2]  }
0xa9: {  	s0 =	sadd.s32 @!p0 $0x100000, s0  }
0xaa: {  	[sflag:s0] =	ssyncadd.tile.s32 @!p0 $0x1;
	_ =	shalt  }
.Lfunc_end2:
_tile_overlayer_lowered:
.L_overlay_start_2:
0xab: {  	(tag) =	ssettag $0x2  }
0xac: {  	s0 =	rddreg [dreg:$0x0];
	s2 =	stileid.u32  }
0xad: {  	s1 =	rddreg [dreg:$0x1];
	p0 =	sne.s32 s2, $0x0  }
0xae: {  	s3 =	rddreg [dreg:$0x2];
	[bflag:$0x3] =	sbarrier.arrive $0xFFFF;
	s2 =	simm.s32 @!p0 $0x1C05  }
0xaf: {  	[timem:s3], [sflag:s2] =	dma.local @!p0 [hbm:s0], s1  }
0xb0: {  	s0 =	simm.s32 @!p0 $0x5  }
0xb1: {  	_ =	swait.ge @!p0 [sflag:s0], s1  }
0xb2: {  	s1 =	ssub.s32 @!p0 $0x0, s1;
	[sflag:s0] =	ssyncset.done @!p0 $0x0  }
0xb3: {  	[sflag:s0] =	ssyncadd.s32 @!p0 s1  }
0xb4: {  	[bflag:$0x3] =	sbarrier.arrive $0xFFFF  }
0xb5: {  	_ =	shalt  }

</sc_bundles>
